<compile_context>
chip_gen: v7x
topology: tpu7x:2x2x1
jax: 0.10.2.dev20260603
libtpu: 0.0.44.dev20260713+nightly
codegen_flags: <defaults>
</compile_context>

<pallas_src>
import functools

import jax
import jax.numpy as jnp
from jax import lax
from jax.experimental import pallas as pl
from jax.experimental.pallas import tpu as pltpu
from jax.experimental.pallas import tpu_sc as plsc

N_NODES = 50000
N_EDGES = 800000
N_SYN = 1600000
HID = 64
NC = 2
NS = 16
NW = NC * NS

NEG_INF = float("-inf")



def _mm_body(x_ref, w_ref, o_ref):
    o_ref[...] = jnp.dot(x_ref[...], w_ref[...],
                         preferred_element_type=jnp.float32)


def _matmul(x, w, rows_pad):
    blk = 512
    grid = rows_pad // blk
    k = x.shape[1]
    h = w.shape[1]
    return pl.pallas_call(
        _mm_body,
        grid=(grid,),
        in_specs=[
            pl.BlockSpec((blk, k), lambda i: (i, 0)),
            pl.BlockSpec((k, h), lambda i: (0, 0)),
        ],
        out_specs=pl.BlockSpec((blk, h), lambda i: (i, 0)),
        out_shape=jax.ShapeDtypeStruct((rows_pad, h), jnp.float32),
    )(x, w)




def _mlp_body(nr_ref, ln_ref, rn_ref, w1_ref, b1_ref, w2_ref, b2_ref, o_ref):
    fnv = jnp.concatenate([nr_ref[...], ln_ref[...], rn_ref[...]], axis=1)
    h = jnp.maximum(jnp.dot(fnv, w1_ref[...],
                            preferred_element_type=jnp.float32)
                    + b1_ref[...][None, :], 0.0)
    o_ref[...] = jnp.dot(h, w2_ref[...],
                         preferred_element_type=jnp.float32) + b2_ref[...][None, :]


def _mlp(node_rep, left_node, right_node, W1, b1, W2, b2):
    n = node_rep.shape[0]
    hid = node_rep.shape[1]
    ncls = W2.shape[1]
    blk = 1024
    grid = (n + blk - 1) // blk
    return pl.pallas_call(
        _mlp_body,
        grid=(grid,),
        in_specs=[
            pl.BlockSpec((blk, hid), lambda i: (i, 0)),
            pl.BlockSpec((blk, hid), lambda i: (i, 0)),
            pl.BlockSpec((blk, hid), lambda i: (i, 0)),
            pl.BlockSpec((3 * hid, hid), lambda i: (0, 0)),
            pl.BlockSpec((hid,), lambda i: (0,)),
            pl.BlockSpec((hid, ncls), lambda i: (0, 0)),
            pl.BlockSpec((ncls,), lambda i: (0,)),
        ],
        out_specs=pl.BlockSpec((blk, ncls), lambda i: (i, 0)),
        out_shape=jax.ShapeDtypeStruct((n, ncls), jnp.float32),
    )(node_rep, left_node, right_node, W1, b1, W2, b2)



RPW = 1563
ROWS_PAD = NW * RPW
SC_IB = 2000
SC_G = 64


def _scatter_max_body(vals_hbm, idx_hbm, out_hbm, acc, idxv, cpos, cdst,
                      cidx, rowsv, sem):
    wid = lax.axis_index("s") * NC + lax.axis_index("c")
    base_row = wid * RPW
    lane = lax.iota(jnp.int32, 16)
    minf = jnp.full((16,), NEG_INF, jnp.float32)

    def init_i(i, _):
        acc[pl.ds(i * 16, 16)] = minf
        return 0

    lax.fori_loop(0, RPW * HID // 16, init_i, 0)

    nblk = idx_hbm.shape[0] // SC_IB

    def block(b, _):
        pltpu.sync_copy(idx_hbm.at[pl.ds(pl.multiple_of(b * SC_IB, 8), SC_IB)],
                        idxv)

        def filt(j, cnt):
            v = idxv[pl.ds(j * 16, 16)]
            m = (v >= base_row) & (v < base_row + RPW)
            c = jnp.sum(m.astype(jnp.int32))
            pos = b * SC_IB + j * 16 + lane
            plsc.store_compressed(cpos.at[pl.ds(cnt, 16)], pos >> 1, mask=m)
            plsc.store_compressed(cdst.at[pl.ds(cnt, 16)],
                                  ((v - base_row) << 1) | (pos & 1), mask=m)
            return cnt + c

        cnt = lax.fori_loop(0, SC_IB // 16, filt, 0)

        k0 = cnt & ~15
        w0 = cpos[pl.ds(k0, 16)]
        cpos[pl.ds(k0, 16)] = jnp.where(lane < (cnt - k0), w0, 0)
        for w in range(1, 6):
            cpos[pl.ds(k0 + w * 16, 16)] = jnp.zeros((16,), jnp.int32)

        nch = (cnt + SC_G - 1) // SC_G

        def chunk(kk, _):
            for q in range(SC_G // 16):
                cidx[pl.ds(q * 16, 16)] = cpos[pl.ds(kk * SC_G + q * 16, 16)]
            pltpu.async_copy(vals_hbm.at[cidx], rowsv, sem).wait()
            lo = kk * SC_G
            hi = jnp.minimum(cnt, lo + SC_G)

            def merge(i, _):
                e = cdst[pl.ds(i, 16)][0]
                d = e >> 1
                half = e & 1
                r = i - lo
                for c4 in range(4):
                    a = acc[pl.ds(d * HID + c4 * 16, 16)]
                    x = rowsv[r, pl.ds(half * HID + c4 * 16, 16)]
                    acc[pl.ds(d * HID + c4 * 16, 16)] = jnp.maximum(a, x)
                return 0

            lax.fori_loop(lo, hi, merge, 0)
            return 0

        lax.fori_loop(0, nch, chunk, 0)
        return 0

    lax.fori_loop(0, nblk, block, 0)

    def fin(i, _):
        a = acc[pl.ds(i * 16, 16)]
        acc[pl.ds(i * 16, 16)] = jnp.where(a == NEG_INF, 0.0, a)
        return 0

    lax.fori_loop(0, RPW * HID // 16, fin, 0)
    pltpu.sync_copy(acc,
                    out_hbm.at[pl.ds(pl.multiple_of(base_row * HID, 8),
                                     RPW * HID)])


def _scatter_max(vals_pairs, idx):
    run = pl.kernel(
        _scatter_max_body,
        out_type=jax.ShapeDtypeStruct((ROWS_PAD * HID,), jnp.float32),
        mesh=plsc.VectorSubcoreMesh(core_axis_name="c", subcore_axis_name="s"),
        scratch_types=[
            pltpu.VMEM((RPW * HID,), jnp.float32),
            pltpu.VMEM((SC_IB,), jnp.int32),
            pltpu.VMEM((SC_IB + 96,), jnp.int32),
            pltpu.VMEM((SC_IB + 96,), jnp.int32),
            pltpu.VMEM((SC_G,), jnp.int32),
            pltpu.VMEM((SC_G, 2 * HID), jnp.float32),
            pltpu.SemaphoreType.DMA,
        ],
        compiler_params=pltpu.CompilerParams(needs_layout_passes=False),
    )
    return run(vals_pairs, idx)



EPW = N_EDGES // NW
SSB = 500
NCHK = EPW // SSB
SVB = 512
IDX_PAD = 1024


def _sorted_segmax_body(vals_hbm, sidx_hbm, out_hbm, stage, valsv, idxw,
                        probe, sem):
    wid = lax.axis_index("s") * NC + lax.axis_index("c")
    base_id = wid * EPW
    lane = lax.iota(jnp.int32, 16)
    minf = jnp.full((16,), NEG_INF, jnp.float32)

    def reinit(i, _):
        stage[pl.ds(i * 16, 16)] = minf
        return 0

    lax.fori_loop(0, SSB * HID // 16, reinit, 0)

    def lower_bound(target):
        def cond(st):
            return st[0] < st[1]

        def body(st):
            lo, hi = st
            mid = (lo + hi) // 2
            m8 = pl.multiple_of(mid & ~7, 8)
            pltpu.sync_copy(sidx_hbm.at[pl.ds(m8, 16)], probe)
            vv = probe[...]
            val = jnp.max(jnp.where(lane == (mid - m8), vv,
                                    jnp.int32(-2147483647)))
            pred = val >= target
            return (jnp.where(pred, lo, mid + 1), jnp.where(pred, mid, hi))

        lo, _ = lax.while_loop(cond, body, (jnp.int32(0), jnp.int32(N_SYN)))
        return lo

    p_lo = lower_bound(base_id)
    p_hi = lower_bound(base_id + EPW)
    p0_0 = p_lo & ~7
    nblocks = (p_hi - p0_0 + SVB - 1) // SVB

    def flush_chunk(c):
        def fin(i, _):
            a = stage[pl.ds(i * 16, 16)]
            stage[pl.ds(i * 16, 16)] = jnp.where(a == NEG_INF, 0.0, a)
            return 0

        lax.fori_loop(0, SSB * HID // 16, fin, 0)
        pltpu.sync_copy(
            stage,
            out_hbm.at[pl.ds(pl.multiple_of((base_id + c * SSB) * HID, 8),
                             SSB * HID)])
        lax.fori_loop(0, SSB * HID // 16, reinit, 0)

    def vblock(nb, c):
        p0 = p0_0 + nb * SVB
        pltpu.sync_copy(vals_hbm.at[pl.ds(pl.multiple_of(p0 * HID, 8),
                                          SVB * HID)], valsv)
        pltpu.sync_copy(sidx_hbm.at[pl.ds(pl.multiple_of(p0, 8), SVB)], idxw.at[pl.ds(0, SVB)])
        r0 = jnp.maximum(0, p_lo - p0)
        rend = jnp.minimum(SVB, p_hi - p0)

        def merge(i, c):
            eid = idxw[pl.ds(i, 16)][0]

            def fcond(cc):
                return eid >= base_id + (cc + 1) * SSB

            def fbody(cc):
                flush_chunk(cc)
                return cc + 1

            c = lax.while_loop(fcond, fbody, c)
            loc = eid - (base_id + c * SSB)
            for c4 in range(4):
                a = stage[pl.ds(loc * HID + c4 * 16, 16)]
                x = valsv[pl.ds(i * HID + c4 * 16, 16)]
                stage[pl.ds(loc * HID + c4 * 16, 16)] = jnp.maximum(a, x)
            return c

        return lax.fori_loop(r0, rend, merge, c)

    c_end = lax.fori_loop(0, nblocks, vblock, jnp.int32(0))

    def tail(c, _):
        flush_chunk(c)
        return 0

    lax.fori_loop(c_end, NCHK, tail, 0)


def _sorted_segmax(vals_flat, sidx_padded):
    run = pl.kernel(
        _sorted_segmax_body,
        out_type=jax.ShapeDtypeStruct((N_EDGES * HID,), jnp.float32),
        mesh=plsc.VectorSubcoreMesh(core_axis_name="c", subcore_axis_name="s"),
        scratch_types=[
            pltpu.VMEM((SSB * HID,), jnp.float32),
            pltpu.VMEM((SVB * HID,), jnp.float32),
            pltpu.VMEM((SVB + 16,), jnp.int32),
            pltpu.VMEM((16,), jnp.int32),
            pltpu.SemaphoreType.DMA,
        ],
        compiler_params=pltpu.CompilerParams(needs_layout_passes=False),
    )
    return run(vals_flat, sidx_padded)




@jax.jit
def _run(edge_index, edge_attr, synapse, synapse_index,
         W_conn, W_syn, W1, b1, W2, b2):
    src = edge_index[0]
    dst = edge_index[1]

    edge_msg = _matmul(edge_attr, W_conn, 800256)
    syn_msg = _matmul(synapse, W_syn, N_SYN + SVB)

    sidx_pad = jnp.concatenate(
        [synapse_index.astype(jnp.int32),
         jnp.full((IDX_PAD,), 2 ** 30, jnp.int32)])
    x_point_flat = _sorted_segmax(syn_msg.reshape(-1), sidx_pad)

    node_rep = _scatter_max(edge_msg.reshape(-1, 2 * HID), dst)
    xp_pairs = x_point_flat.reshape(N_EDGES // 2, 2 * HID)
    left_node = _scatter_max(xp_pairs, src)
    right_node = _scatter_max(xp_pairs, dst)

    nr = node_rep.reshape(ROWS_PAD, HID)
    ln = left_node.reshape(ROWS_PAD, HID)
    rn = right_node.reshape(ROWS_PAD, HID)

    pred = _mlp(nr, ln, rn, W1, b1, W2, b2)
    return pred[:N_NODES]


def kernel(edge_index, edge_attr, synapse, synapse_index, device, scatter_size,
           W_conn, W_syn, W1, b1, W2, b2):
    return _run(edge_index, edge_attr, synapse, synapse_index,
                W_conn, W_syn, W1, b1, W2, b2)

# --- scband reference (transcript-rebuilt; emitter-appended) ---
"""Pipeline reference for scband-base-learner-59923383714419 (READ-ONLY COPY).

The authoritative reference and input builder live on the scoring server;
editing this copy changes nothing except your own understanding.
"""

import jax, jax.numpy as jnp
import numpy as np

N_NODES = 50000
N_EDGES = 800000
N_SYN = 1600000
D_EDGE = 16
D_SYN = 16
HIDDEN = 64
N_CLASSES = 16


def setup_inputs(seed: int = 0) -> dict:
    key = jax.random.key(seed)
    ks = jax.random.split(key, 10)
    edge_index = jax.random.randint(ks[0], (2, N_EDGES), 0, N_NODES)
    edge_attr = jax.random.normal(ks[1], (N_EDGES, D_EDGE), dtype=jnp.float32)
    synapse = jax.random.normal(ks[2], (N_SYN, D_SYN), dtype=jnp.float32)
    synapse_index = jnp.sort(jax.random.randint(ks[3], (N_SYN,), 0, N_EDGES))
    # learned parameters (connectome encoder, synapse encoder, class MLP)
    W_conn = jax.random.normal(ks[4], (D_EDGE, HIDDEN), dtype=jnp.float32) * 0.1
    W_syn = jax.random.normal(ks[5], (D_SYN, HIDDEN), dtype=jnp.float32) * 0.1
    W1 = jax.random.normal(ks[6], (3 * HIDDEN, HIDDEN), dtype=jnp.float32) * 0.05
    b1 = jnp.zeros((HIDDEN,), dtype=jnp.float32)
    W2 = jax.random.normal(ks[7], (HIDDEN, N_CLASSES), dtype=jnp.float32) * 0.05
    b2 = jnp.zeros((N_CLASSES,), dtype=jnp.float32)
    return {
        "edge_index": edge_index,
        "edge_attr": edge_attr,
        "synapse": synapse,
        "synapse_index": synapse_index,
        "device": 0,
        "scatter_size": N_NODES,
        "W_conn": W_conn,
        "W_syn": W_syn,
        "W1": W1,
        "b1": b1,
        "W2": W2,
        "b2": b2,
    }


def _seg_max(data, ids, num_segments):
    out = jax.ops.segment_max(data, ids, num_segments=num_segments)
    # empty segments yield -inf; replace with 0 (matches torch_scatter fill behavior-ish)
    return jnp.where(jnp.isfinite(out), out, 0.0)


def reference(edge_index, edge_attr, synapse, synapse_index, device, scatter_size, W_conn, W_syn, W1, b1, W2, b2):
    # connectome encoder: per-edge linear + scatter-max onto destination nodes -> node_rep [N, H]
    edge_msg = edge_attr @ W_conn
    node_rep = _seg_max(edge_msg, edge_index[1], N_NODES)
    # synapse encoder: per-synapse linear + scatter-max onto edges -> x_point [E, H]
    syn_msg = synapse @ W_syn
    x_point = _seg_max(syn_msg, synapse_index, edge_index.shape[1])
    # scatter x_point to left/right endpoint nodes (reduce='max')
    left_node = _seg_max(x_point, edge_index[0], N_NODES)
    right_node = _seg_max(x_point, edge_index[1], N_NODES)
    final_node_vector = jnp.concatenate([node_rep, left_node, right_node], axis=1)
    # class MLP
    h = jax.nn.relu(final_node_vector @ W1 + b1)
    pred = h @ W2 + b2
    pred = pred + 0.0 * jnp.asarray(scatter_size, dtype=pred.dtype)
    return pred


if False:  # reference __main__ guard neutralized (emitter)
    out = reference(**setup_inputs())
    print(out.shape)

if __name__ == "__main__":
    import jax
    _d = setup_inputs()
    print(jax.jit(kernel)(*tuple(_d.values())))

</pallas_src>

<mosaic_0001>
#map = affine_map<(d0, d1) -> (0)>
module attributes {stable_mosaic.version = 14 : i64} {
  func.func @_sorted_segmax_body(%arg0: i32, %arg1: i32, %arg2: memref<102432768xf32, #tpu.memory_space<hbm>>, %arg3: memref<1601024xi32, #tpu.memory_space<hbm>>, %arg4: memref<51200000xf32, #tpu.memory_space<hbm>>, %arg5: memref<32000xf32, #tpu.memory_space<vmem>>, %arg6: memref<32768xf32, #tpu.memory_space<vmem>>, %arg7: memref<528xi32, #tpu.memory_space<vmem>>, %arg8: memref<16xi32, #tpu.memory_space<vmem>>, %arg9: memref<!tpu.dma_semaphore, #tpu.memory_space<semaphore_mem>>) attributes {dimension_semantics = [#tpu.dimension_semantics<core_parallel>, #tpu.dimension_semantics<subcore_parallel>], iteration_bounds = array<i64: 2, 16>, scalar_prefetch = 0 : i64, scratch_operands = 5 : i64, tpu.core_type = #tpu.core_type<sc_vector_subcore>, window_params = [{transform_indices = #map}, {transform_indices = #map}, {transform_indices = #map}]} {
    %mul3A = arith.constant 2 : i32
    %mul3A_0 = arith.muli %arg1, %mul3A : i32
    %add3A = arith.addi %mul3A_0, %arg0 : i32
    %mul3A_1 = arith.constant 25000 : i32
    %mul3A_2 = arith.muli %add3A, %mul3A_1 : i32
    %iota3A = tpu.iota {dimensions = array<i32: 0>} : vector<16xi32>
    %broadcast_in_dim3A = arith.constant 0xFF800000 : f32
    %broadcast_in_dim3A_3 = vector.broadcast %broadcast_in_dim3A : f32 to vector<16xf32>
    %scan3A = arith.constant 0 : i32
    %scan3A_4 = arith.constant 0 : i32
    %scan3A_5 = arith.constant 2000 : i32
    %scan3A_6 = arith.addi %scan3A_4, %scan3A_5 : i32
    %scan3A_7 = arith.constant 1 : i32
    %scan3A_8 = scf.for %scan3A_64 = %scan3A_4 to %scan3A_6 step %scan3A_7 iter_args(%scan3A_65 = %scan3A) -> (i32)  : i32 {
      %mul3A_66 = arith.constant 16 : i32
      %mul3A_67 = arith.muli %scan3A_64, %mul3A_66 : i32
      %swap3A = arith.index_cast %mul3A_67 : i32 to index
      %swap3A_68 = tpu.vector_load %arg5[%swap3A] {strides = array<i32>} : memref<32000xf32, #tpu.memory_space<vmem>>, vector<16xf32>,
      tpu.vector_store %arg5[%swap3A], %broadcast_in_dim3A_3 {strides = array<i32>} : memref<32000xf32, #tpu.memory_space<vmem>>, vector<16xf32>,
      %scan3A_69 = arith.constant 0 : i32
      scf.yield %scan3A_69 : i32
    }
    %scan3A_9 = arith.constant 2000 : i32
    %while3A = arith.constant 0 : i32
    %while3A_10 = arith.constant 1600000 : i32
    %while3A_11:2 = scf.while (%while3A_64 = %while3A, %while3A_65 = %while3A_10) : (i32, i32) -> (i32, i32) {
      %lt3A = arith.cmpi slt, %while3A_64, %while3A_65 : i32
      scf.condition(%lt3A) %while3A_64, %while3A_65 : i32, i32
    } do {
    ^bb0(%while3A_64: i32, %while3A_65: i32):
      %add3A_66 = arith.addi %while3A_64, %while3A_65 : i32
      %jit3A_67 = arith.constant 2 : i32
      %div3A_68 = arith.divsi %add3A_66, %jit3A_67 : i32
      %sign3A_69 = arith.constant 0 : i32
      %sign3A_70 = arith.cmpi sgt, %add3A_66, %sign3A_69 : i32
      %sign3A_71 = arith.extui %sign3A_70 : i1 to i32
      %sign3A_72 = arith.constant 0 : i32
      %sign3A_73 = arith.cmpi slt, %add3A_66, %sign3A_72 : i32
      %sign3A_74 = arith.extui %sign3A_73 : i1 to i32
      %sign3A_75 = arith.subi %sign3A_71, %sign3A_74 : i32
      %sign3A_76 = arith.constant 0 : i32
      %sign3A_77 = arith.cmpi sgt, %jit3A_67, %sign3A_76 : i32
      %sign3A_78 = arith.extui %sign3A_77 : i1 to i32
      %sign3A_79 = arith.constant 0 : i32
      %sign3A_80 = arith.cmpi slt, %jit3A_67, %sign3A_79 : i32
      %sign3A_81 = arith.extui %sign3A_80 : i1 to i32
      %sign3A_82 = arith.subi %sign3A_78, %sign3A_81 : i32
      %ne3A_83 = arith.cmpi ne, %sign3A_75, %sign3A_82 : i32
      %rem3A_84 = arith.remsi %add3A_66, %jit3A_67 : i32
      %ne3A_85 = arith.constant 0 : i32
      %ne3A_86 = arith.cmpi ne, %rem3A_84, %ne3A_85 : i32
      %and3A_87 = arith.andi %ne3A_83, %ne3A_86 : i1
      %sub3A_88 = arith.constant 1 : i32
      %sub3A_89 = arith.subi %div3A_68, %sub3A_88 : i32
      %select_n3A_90 = arith.select %and3A_87, %sub3A_89, %div3A_68 : i32
      %and3A_91 = arith.constant -8 : i32
      %and3A_92 = arith.andi %select_n3A_90, %and3A_91 : i32
      %multiple_of3A = tpu.assume_multiple %and3A_92, 8 : i32
      "tpu.region"() ({
        %run_scoped3A = tpu.sem_alloc : memref<!tpu.dma_semaphore, #tpu.memory_space<semaphore_mem>>
        %dma_start3A = tpu.memref_slice %arg3[%multiple_of3A] : memref<1601024xi32, #tpu.memory_space<hbm>> -> memref<16xi32, #tpu.memory_space<hbm>>
        %dma_start3A_110 = tpu.memref_slice %arg3[%multiple_of3A] : memref<1601024xi32, #tpu.memory_space<hbm>> -> memref<16xi32, #tpu.memory_space<hbm>>
        tpu.enqueue_dma source(%dma_start3A_110 : memref<16xi32, #tpu.memory_space<hbm>>) target(%arg8 : memref<16xi32, #tpu.memory_space<vmem>>) target_semaphore(%run_scoped3A : memref<!tpu.dma_semaphore, #tpu.memory_space<semaphore_mem>>)
        %dma_wait3A = tpu.memref_slice %arg3[%multiple_of3A] : memref<1601024xi32, #tpu.memory_space<hbm>> -> memref<16xi32, #tpu.memory_space<hbm>>
        %dma_wait3A_111 = tpu.memref_slice %arg3[%multiple_of3A] : memref<1601024xi32, #tpu.memory_space<hbm>> -> memref<16xi32, #tpu.memory_space<hbm>>
        tpu.wait_dma2 semaphore(%run_scoped3A : memref<!tpu.dma_semaphore, #tpu.memory_space<semaphore_mem>>) src(%dma_wait3A_111 : memref<16xi32, #tpu.memory_space<hbm>>) dst(%arg8 : memref<16xi32, #tpu.memory_space<vmem>>)
        tpu.yield
      }) : () -> ()
      %get3A = arith.constant 0 : index
      %get3A_93 = tpu.vector_load %arg8[%get3A] {strides = array<i32>} : memref<16xi32, #tpu.memory_space<vmem>>, vector<16xi32>,
      %sub3A_94 = arith.subi %select_n3A_90, %multiple_of3A : i32
      %eq3A = vector.broadcast %sub3A_94 : i32 to vector<16xi32>
      %eq3A_95 = arith.cmpi eq, %iota3A, %eq3A : vector<16xi32>
      %jit3A_96 = arith.constant -2147483647 : i32
      %broadcast_in_dim3A_97 = vector.broadcast %jit3A_96 : i32 to vector<16xi32>
      %select_n3A_98 = arith.select %eq3A_95, %get3A_93, %broadcast_in_dim3A_97 : vector<16xi1>, vector<16xi32>
      %reduce_max3A = arith.constant true
      %reduce_max3A_99 = vector.broadcast %reduce_max3A : i1 to vector<16xi1>
      %reduce_max3A_100 = arith.constant -2147483648 : i32
      %reduce_max3A_101 = vector.broadcast %reduce_max3A_100 : i32 to vector<16xi32>
      %reduce_max3A_102 = arith.xori %select_n3A_98, %reduce_max3A_101 : vector<16xi32>
      %reduce_max3A_103 = tpu.scan <max>, %reduce_max3A_102 masked %reduce_max3A_99 : vector<16xi32>, vector<16xi1> -> vector<16xi32>
      %reduce_max3A_104 = arith.xori %reduce_max3A_103, %reduce_max3A_101 : vector<16xi32>
      %reduce_max3A_105 = vector.extract %reduce_max3A_104[15] : i32 from vector<16xi32>
      %ge3A = arith.cmpi sge, %reduce_max3A_105, %mul3A_2 : i32
      %add3A_106 = arith.constant 1 : i32
      %add3A_107 = arith.addi %select_n3A_90, %add3A_106 : i32
      %select_n3A_108 = arith.select %ge3A, %while3A_64, %add3A_107 : i32
      %select_n3A_109 = arith.select %ge3A, %select_n3A_90, %while3A_65 : i32
      scf.yield %select_n3A_108, %select_n3A_109 : i32, i32
    }
    %add3A_12 = arith.constant 25000 : i32
    %add3A_13 = arith.addi %mul3A_2, %add3A_12 : i32
    %while3A_14 = arith.constant 0 : i32
    %while3A_15 = arith.constant 1600000 : i32
    %while3A_16:2 = scf.while (%while3A_64 = %while3A_14, %while3A_65 = %while3A_15) : (i32, i32) -> (i32, i32) {
      %lt3A = arith.cmpi slt, %while3A_64, %while3A_65 : i32
      scf.condition(%lt3A) %while3A_64, %while3A_65 : i32, i32
    } do {
    ^bb0(%while3A_64: i32, %while3A_65: i32):
      %add3A_66 = arith.addi %while3A_64, %while3A_65 : i32
      %jit3A_67 = arith.constant 2 : i32
      %div3A_68 = arith.divsi %add3A_66, %jit3A_67 : i32
      %sign3A_69 = arith.constant 0 : i32
      %sign3A_70 = arith.cmpi sgt, %add3A_66, %sign3A_69 : i32
      %sign3A_71 = arith.extui %sign3A_70 : i1 to i32
      %sign3A_72 = arith.constant 0 : i32
      %sign3A_73 = arith.cmpi slt, %add3A_66, %sign3A_72 : i32
      %sign3A_74 = arith.extui %sign3A_73 : i1 to i32
      %sign3A_75 = arith.subi %sign3A_71, %sign3A_74 : i32
      %sign3A_76 = arith.constant 0 : i32
      %sign3A_77 = arith.cmpi sgt, %jit3A_67, %sign3A_76 : i32
      %sign3A_78 = arith.extui %sign3A_77 : i1 to i32
      %sign3A_79 = arith.constant 0 : i32
      %sign3A_80 = arith.cmpi slt, %jit3A_67, %sign3A_79 : i32
      %sign3A_81 = arith.extui %sign3A_80 : i1 to i32
      %sign3A_82 = arith.subi %sign3A_78, %sign3A_81 : i32
      %ne3A_83 = arith.cmpi ne, %sign3A_75, %sign3A_82 : i32
      %rem3A_84 = arith.remsi %add3A_66, %jit3A_67 : i32
      %ne3A_85 = arith.constant 0 : i32
      %ne3A_86 = arith.cmpi ne, %rem3A_84, %ne3A_85 : i32
      %and3A_87 = arith.andi %ne3A_83, %ne3A_86 : i1
      %sub3A_88 = arith.constant 1 : i32
      %sub3A_89 = arith.subi %div3A_68, %sub3A_88 : i32
      %select_n3A_90 = arith.select %and3A_87, %sub3A_89, %div3A_68 : i32
      %and3A_91 = arith.constant -8 : i32
      %and3A_92 = arith.andi %select_n3A_90, %and3A_91 : i32
      %multiple_of3A = tpu.assume_multiple %and3A_92, 8 : i32
      "tpu.region"() ({
        %run_scoped3A = tpu.sem_alloc : memref<!tpu.dma_semaphore, #tpu.memory_space<semaphore_mem>>
        %dma_start3A = tpu.memref_slice %arg3[%multiple_of3A] : memref<1601024xi32, #tpu.memory_space<hbm>> -> memref<16xi32, #tpu.memory_space<hbm>>
        %dma_start3A_110 = tpu.memref_slice %arg3[%multiple_of3A] : memref<1601024xi32, #tpu.memory_space<hbm>> -> memref<16xi32, #tpu.memory_space<hbm>>
        tpu.enqueue_dma source(%dma_start3A_110 : memref<16xi32, #tpu.memory_space<hbm>>) target(%arg8 : memref<16xi32, #tpu.memory_space<vmem>>) target_semaphore(%run_scoped3A : memref<!tpu.dma_semaphore, #tpu.memory_space<semaphore_mem>>)
        %dma_wait3A = tpu.memref_slice %arg3[%multiple_of3A] : memref<1601024xi32, #tpu.memory_space<hbm>> -> memref<16xi32, #tpu.memory_space<hbm>>
        %dma_wait3A_111 = tpu.memref_slice %arg3[%multiple_of3A] : memref<1601024xi32, #tpu.memory_space<hbm>> -> memref<16xi32, #tpu.memory_space<hbm>>
        tpu.wait_dma2 semaphore(%run_scoped3A : memref<!tpu.dma_semaphore, #tpu.memory_space<semaphore_mem>>) src(%dma_wait3A_111 : memref<16xi32, #tpu.memory_space<hbm>>) dst(%arg8 : memref<16xi32, #tpu.memory_space<vmem>>)
        tpu.yield
      }) : () -> ()
      %get3A = arith.constant 0 : index
      %get3A_93 = tpu.vector_load %arg8[%get3A] {strides = array<i32>} : memref<16xi32, #tpu.memory_space<vmem>>, vector<16xi32>,
      %sub3A_94 = arith.subi %select_n3A_90, %multiple_of3A : i32
      %eq3A = vector.broadcast %sub3A_94 : i32 to vector<16xi32>
      %eq3A_95 = arith.cmpi eq, %iota3A, %eq3A : vector<16xi32>
      %jit3A_96 = arith.constant -2147483647 : i32
      %broadcast_in_dim3A_97 = vector.broadcast %jit3A_96 : i32 to vector<16xi32>
      %select_n3A_98 = arith.select %eq3A_95, %get3A_93, %broadcast_in_dim3A_97 : vector<16xi1>, vector<16xi32>
      %reduce_max3A = arith.constant true
      %reduce_max3A_99 = vector.broadcast %reduce_max3A : i1 to vector<16xi1>
      %reduce_max3A_100 = arith.constant -2147483648 : i32
      %reduce_max3A_101 = vector.broadcast %reduce_max3A_100 : i32 to vector<16xi32>
      %reduce_max3A_102 = arith.xori %select_n3A_98, %reduce_max3A_101 : vector<16xi32>
      %reduce_max3A_103 = tpu.scan <max>, %reduce_max3A_102 masked %reduce_max3A_99 : vector<16xi32>, vector<16xi1> -> vector<16xi32>
      %reduce_max3A_104 = arith.xori %reduce_max3A_103, %reduce_max3A_101 : vector<16xi32>
      %reduce_max3A_105 = vector.extract %reduce_max3A_104[15] : i32 from vector<16xi32>
      %ge3A = arith.cmpi sge, %reduce_max3A_105, %add3A_13 : i32
      %add3A_106 = arith.constant 1 : i32
      %add3A_107 = arith.addi %select_n3A_90, %add3A_106 : i32
      %select_n3A_108 = arith.select %ge3A, %while3A_64, %add3A_107 : i32
      %select_n3A_109 = arith.select %ge3A, %select_n3A_90, %while3A_65 : i32
      scf.yield %select_n3A_108, %select_n3A_109 : i32, i32
    }
    %and3A = arith.constant -8 : i32
    %and3A_17 = arith.andi %while3A_11#0, %and3A : i32
    %sub3A = arith.subi %while3A_16#0, %and3A_17 : i32
    %add3A_18 = arith.constant 512 : i32
    %add3A_19 = arith.addi %sub3A, %add3A_18 : i32
    %sub3A_20 = arith.constant 1 : i32
    %sub3A_21 = arith.subi %add3A_19, %sub3A_20 : i32
    %jit3A = arith.constant 512 : i32
    %div3A = arith.divsi %sub3A_21, %jit3A : i32
    %sign3A = arith.constant 0 : i32
    %sign3A_22 = arith.cmpi sgt, %sub3A_21, %sign3A : i32
    %sign3A_23 = arith.extui %sign3A_22 : i1 to i32
    %sign3A_24 = arith.constant 0 : i32
    %sign3A_25 = arith.cmpi slt, %sub3A_21, %sign3A_24 : i32
    %sign3A_26 = arith.extui %sign3A_25 : i1 to i32
    %sign3A_27 = arith.subi %sign3A_23, %sign3A_26 : i32
    %sign3A_28 = arith.constant 0 : i32
    %sign3A_29 = arith.cmpi sgt, %jit3A, %sign3A_28 : i32
    %sign3A_30 = arith.extui %sign3A_29 : i1 to i32
    %sign3A_31 = arith.constant 0 : i32
    %sign3A_32 = arith.cmpi slt, %jit3A, %sign3A_31 : i32
    %sign3A_33 = arith.extui %sign3A_32 : i1 to i32
    %sign3A_34 = arith.subi %sign3A_30, %sign3A_33 : i32
    %ne3A = arith.cmpi ne, %sign3A_27, %sign3A_34 : i32
    %rem3A = arith.remsi %sub3A_21, %jit3A : i32
    %ne3A_35 = arith.constant 0 : i32
    %ne3A_36 = arith.cmpi ne, %rem3A, %ne3A_35 : i32
    %and3A_37 = arith.andi %ne3A, %ne3A_36 : i1
    %sub3A_38 = arith.constant 1 : i32
    %sub3A_39 = arith.subi %div3A, %sub3A_38 : i32
    %select_n3A = arith.select %and3A_37, %sub3A_39, %div3A : i32
    %while3A_40 = arith.constant 0 : i32
    %while3A_41 = arith.constant 0 : i32
    %while3A_42 = arith.subi %select_n3A, %while3A_40 : i32
    %while3A_43 = arith.addi %while3A_40, %while3A_42 : i32
    %while3A_44 = arith.constant 1 : i32
    %while3A_45 = arith.divsi %while3A_42, %while3A_44 : i32
    %while3A_46 = arith.muli %while3A_45, %while3A_44 : i32
    %while3A_47 = arith.addi %while3A_40, %while3A_46 : i32
    %while3A_48 = arith.constant 1 : i32
    %while3A_49 = scf.for %while3A_64 = %while3A_40 to %while3A_47 step %while3A_48 iter_args(%while3A_65 = %while3A_41) -> (i32)  : i32 {
      %mul3A_66 = arith.constant 512 : i32
      %mul3A_67 = arith.muli %while3A_64, %mul3A_66 : i32
      %add3A_68 = arith.addi %and3A_17, %mul3A_67 : i32
      %mul3A_69 = arith.constant 64 : i32
      %mul3A_70 = arith.muli %add3A_68, %mul3A_69 : i32
      %multiple_of3A = tpu.assume_multiple %mul3A_70, 8 : i32
      "tpu.region"() ({
        %run_scoped3A = tpu.sem_alloc : memref<!tpu.dma_semaphore, #tpu.memory_space<semaphore_mem>>
        %dma_start3A = tpu.memref_slice %arg2[%multiple_of3A] : memref<102432768xf32, #tpu.memory_space<hbm>> -> memref<32768xf32, #tpu.memory_space<hbm>>
        %dma_start3A_86 = tpu.memref_slice %arg2[%multiple_of3A] : memref<102432768xf32, #tpu.memory_space<hbm>> -> memref<32768xf32, #tpu.memory_space<hbm>>
        tpu.enqueue_dma source(%dma_start3A_86 : memref<32768xf32, #tpu.memory_space<hbm>>) target(%arg6 : memref<32768xf32, #tpu.memory_space<vmem>>) target_semaphore(%run_scoped3A : memref<!tpu.dma_semaphore, #tpu.memory_space<semaphore_mem>>)
        %dma_wait3A = tpu.memref_slice %arg2[%multiple_of3A] : memref<102432768xf32, #tpu.memory_space<hbm>> -> memref<32768xf32, #tpu.memory_space<hbm>>
        %dma_wait3A_87 = tpu.memref_slice %arg2[%multiple_of3A] : memref<102432768xf32, #tpu.memory_space<hbm>> -> memref<32768xf32, #tpu.memory_space<hbm>>
        tpu.wait_dma2 semaphore(%run_scoped3A : memref<!tpu.dma_semaphore, #tpu.memory_space<semaphore_mem>>) src(%dma_wait3A_87 : memref<32768xf32, #tpu.memory_space<hbm>>) dst(%arg6 : memref<32768xf32, #tpu.memory_space<vmem>>)
        tpu.yield
      }) : () -> ()
      %multiple_of3A_71 = tpu.assume_multiple %add3A_68, 8 : i32
      "tpu.region"() ({
        %run_scoped3A = tpu.sem_alloc : memref<!tpu.dma_semaphore, #tpu.memory_space<semaphore_mem>>
        %dma_start3A = arith.constant 0 : i32
        %dma_start3A_86 = tpu.memref_slice %arg7[%dma_start3A] : memref<528xi32, #tpu.memory_space<vmem>> -> memref<512xi32, #tpu.memory_space<vmem>>
        %dma_start3A_87 = tpu.memref_slice %arg3[%multiple_of3A_71] : memref<1601024xi32, #tpu.memory_space<hbm>> -> memref<512xi32, #tpu.memory_space<hbm>>
        %dma_start3A_88 = arith.constant 0 : i32
        %dma_start3A_89 = tpu.memref_slice %arg7[%dma_start3A_88] : memref<528xi32, #tpu.memory_space<vmem>> -> memref<512xi32, #tpu.memory_space<vmem>>
        %dma_start3A_90 = tpu.memref_slice %arg3[%multiple_of3A_71] : memref<1601024xi32, #tpu.memory_space<hbm>> -> memref<512xi32, #tpu.memory_space<hbm>>
        tpu.enqueue_dma source(%dma_start3A_90 : memref<512xi32, #tpu.memory_space<hbm>>) target(%dma_start3A_89 : memref<512xi32, #tpu.memory_space<vmem>>) target_semaphore(%run_scoped3A : memref<!tpu.dma_semaphore, #tpu.memory_space<semaphore_mem>>)
        %dma_wait3A = arith.constant 0 : i32
        %dma_wait3A_91 = tpu.memref_slice %arg7[%dma_wait3A] : memref<528xi32, #tpu.memory_space<vmem>> -> memref<512xi32, #tpu.memory_space<vmem>>
        %dma_wait3A_92 = tpu.memref_slice %arg3[%multiple_of3A_71] : memref<1601024xi32, #tpu.memory_space<hbm>> -> memref<512xi32, #tpu.memory_space<hbm>>
        %dma_wait3A_93 = arith.constant 0 : i32
        %dma_wait3A_94 = tpu.memref_slice %arg7[%dma_wait3A_93] : memref<528xi32, #tpu.memory_space<vmem>> -> memref<512xi32, #tpu.memory_space<vmem>>
        %dma_wait3A_95 = tpu.memref_slice %arg3[%multiple_of3A_71] : memref<1601024xi32, #tpu.memory_space<hbm>> -> memref<512xi32, #tpu.memory_space<hbm>>
        tpu.wait_dma2 semaphore(%run_scoped3A : memref<!tpu.dma_semaphore, #tpu.memory_space<semaphore_mem>>) src(%dma_wait3A_95 : memref<512xi32, #tpu.memory_space<hbm>>) dst(%dma_wait3A_94 : memref<512xi32, #tpu.memory_space<vmem>>)
        tpu.yield
      }) : () -> ()
      %sub3A_72 = arith.subi %while3A_11#0, %add3A_68 : i32
      %max3A = arith.constant 0 : i32
      %max3A_73 = arith.maxsi %max3A, %sub3A_72 : i32
      %sub3A_74 = arith.subi %while3A_16#0, %add3A_68 : i32
      %min3A = arith.constant 512 : i32
      %min3A_75 = arith.minsi %min3A, %sub3A_74 : i32
      %while3A_76 = arith.subi %min3A_75, %max3A_73 : i32
      %while3A_77 = arith.addi %max3A_73, %while3A_76 : i32
      %while3A_78 = arith.constant 1 : i32
      %while3A_79 = arith.divsi %while3A_76, %while3A_78 : i32
      %while3A_80 = arith.muli %while3A_79, %while3A_78 : i32
      %while3A_81 = arith.addi %max3A_73, %while3A_80 : i32
      %while3A_82 = arith.constant 1 : i32
      %while3A_83 = scf.for %while3A_86 = %max3A_73 to %while3A_81 step %while3A_82 iter_args(%while3A_87 = %while3A_65) -> (i32)  : i32 {
        %get3A = arith.index_cast %while3A_86 : i32 to index
        %get3A_88 = tpu.vector_load %arg7[%get3A] {strides = array<i32>} : memref<528xi32, #tpu.memory_space<vmem>>, vector<16xi32>,
        %slice3A = vector.extract_strided_slice %get3A_88 {offsets = [0], sizes = [1], strides = [1]} : vector<16xi32> to vector<1xi32>
        %squeeze3A = vector.extract %slice3A[0] : i32 from vector<1xi32>
        %while3A_89 = scf.while (%while3A_169 = %while3A_87) : (i32) -> i32 {
          %add3A_170 = arith.constant 1 : i32
          %add3A_171 = arith.addi %while3A_169, %add3A_170 : i32
          %mul3A_172 = arith.constant 500 : i32
          %mul3A_173 = arith.muli %add3A_171, %mul3A_172 : i32
          %add3A_174 = arith.addi %mul3A_2, %mul3A_173 : i32
          %ge3A = arith.cmpi sge, %squeeze3A, %add3A_174 : i32
          scf.condition(%ge3A) %while3A_169 : i32
        } do {
        ^bb0(%while3A_169: i32):
          %scan3A_170 = arith.constant 0 : i32
          %scan3A_171 = arith.constant 0 : i32
          %scan3A_172 = arith.constant 2000 : i32
          %scan3A_173 = arith.addi %scan3A_171, %scan3A_172 : i32
          %scan3A_174 = arith.constant 1 : i32
          %scan3A_175 = scf.for %scan3A_192 = %scan3A_171 to %scan3A_173 step %scan3A_174 iter_args(%scan3A_193 = %scan3A_170) -> (i32)  : i32 {
            %mul3A_194 = arith.constant 16 : i32
            %mul3A_195 = arith.muli %scan3A_192, %mul3A_194 : i32
            %get3A_196 = arith.index_cast %mul3A_195 : i32 to index
            %get3A_197 = tpu.vector_load %arg5[%get3A_196] {strides = array<i32>} : memref<32000xf32, #tpu.memory_space<vmem>>, vector<16xf32>,
            %eq3A = arith.constant 0xFF800000 : f32
            %eq3A_198 = vector.broadcast %eq3A : f32 to vector<16xf32>
            %eq3A_199 = arith.cmpf oeq, %get3A_197, %eq3A_198 : vector<16xf32>
            %jit3A_200 = arith.constant 0.000000e+00 : f32
            %broadcast_in_dim3A_201 = vector.broadcast %jit3A_200 : f32 to vector<16xf32>
            %select_n3A_202 = arith.select %eq3A_199, %broadcast_in_dim3A_201, %get3A_197 : vector<16xi1>, vector<16xf32>
            %mul3A_203 = arith.constant 16 : i32
            %mul3A_204 = arith.muli %scan3A_192, %mul3A_203 : i32
            %swap3A_205 = arith.index_cast %mul3A_204 : i32 to index
            %swap3A_206 = tpu.vector_load %arg5[%swap3A_205] {strides = array<i32>} : memref<32000xf32, #tpu.memory_space<vmem>>, vector<16xf32>,
            tpu.vector_store %arg5[%swap3A_205], %select_n3A_202 {strides = array<i32>} : memref<32000xf32, #tpu.memory_space<vmem>>, vector<16xf32>,
            %scan3A_207 = arith.constant 0 : i32
            scf.yield %scan3A_207 : i32
          }
          %scan3A_176 = arith.constant 2000 : i32
          %mul3A_177 = arith.constant 500 : i32
          %mul3A_178 = arith.muli %while3A_169, %mul3A_177 : i32
          %add3A_179 = arith.addi %mul3A_2, %mul3A_178 : i32
          %mul3A_180 = arith.constant 64 : i32
          %mul3A_181 = arith.muli %add3A_179, %mul3A_180 : i32
          %multiple_of3A_182 = tpu.assume_multiple %mul3A_181, 8 : i32
          "tpu.region"() ({
            %run_scoped3A = tpu.sem_alloc : memref<!tpu.dma_semaphore, #tpu.memory_space<semaphore_mem>>
            %dma_start3A = tpu.memref_slice %arg4[%multiple_of3A_182] : memref<51200000xf32, #tpu.memory_space<hbm>> -> memref<32000xf32, #tpu.memory_space<hbm>>
            %dma_start3A_192 = tpu.memref_slice %arg4[%multiple_of3A_182] : memref<51200000xf32, #tpu.memory_space<hbm>> -> memref<32000xf32, #tpu.memory_space<hbm>>
            tpu.enqueue_dma source(%arg5 : memref<32000xf32, #tpu.memory_space<vmem>>) target(%dma_start3A_192 : memref<32000xf32, #tpu.memory_space<hbm>>) target_semaphore(%run_scoped3A : memref<!tpu.dma_semaphore, #tpu.memory_space<semaphore_mem>>)
            %dma_wait3A = tpu.memref_slice %arg4[%multiple_of3A_182] : memref<51200000xf32, #tpu.memory_space<hbm>> -> memref<32000xf32, #tpu.memory_space<hbm>>
            %dma_wait3A_193 = tpu.memref_slice %arg4[%multiple_of3A_182] : memref<51200000xf32, #tpu.memory_space<hbm>> -> memref<32000xf32, #tpu.memory_space<hbm>>
            tpu.wait_dma2 semaphore(%run_scoped3A : memref<!tpu.dma_semaphore, #tpu.memory_space<semaphore_mem>>) src(%arg5 : memref<32000xf32, #tpu.memory_space<vmem>>) dst(%dma_wait3A_193 : memref<32000xf32, #tpu.memory_space<hbm>>)
            tpu.yield
          }) : () -> ()
          %scan3A_183 = arith.constant 0 : i32
          %scan3A_184 = arith.constant 0 : i32
          %scan3A_185 = arith.constant 2000 : i32
          %scan3A_186 = arith.addi %scan3A_184, %scan3A_185 : i32
          %scan3A_187 = arith.constant 1 : i32
          %scan3A_188 = scf.for %scan3A_192 = %scan3A_184 to %scan3A_186 step %scan3A_187 iter_args(%scan3A_193 = %scan3A_183) -> (i32)  : i32 {
            %mul3A_194 = arith.constant 16 : i32
            %mul3A_195 = arith.muli %scan3A_192, %mul3A_194 : i32
            %swap3A_196 = arith.index_cast %mul3A_195 : i32 to index
            %swap3A_197 = tpu.vector_load %arg5[%swap3A_196] {strides = array<i32>} : memref<32000xf32, #tpu.memory_space<vmem>>, vector<16xf32>,
            tpu.vector_store %arg5[%swap3A_196], %broadcast_in_dim3A_3 {strides = array<i32>} : memref<32000xf32, #tpu.memory_space<vmem>>, vector<16xf32>,
            %scan3A_198 = arith.constant 0 : i32
            scf.yield %scan3A_198 : i32
          }
          %scan3A_189 = arith.constant 2000 : i32
          %add3A_190 = arith.constant 1 : i32
          %add3A_191 = arith.addi %while3A_169, %add3A_190 : i32
          scf.yield %add3A_191 : i32
        }
        %mul3A_90 = arith.constant 500 : i32
        %mul3A_91 = arith.muli %while3A_89, %mul3A_90 : i32
        %add3A_92 = arith.addi %mul3A_2, %mul3A_91 : i32
        %sub3A_93 = arith.subi %squeeze3A, %add3A_92 : i32
        %mul3A_94 = arith.constant 64 : i32
        %mul3A_95 = arith.muli %sub3A_93, %mul3A_94 : i32
        %add3A_96 = arith.constant 0 : i32
        %add3A_97 = arith.addi %mul3A_95, %add3A_96 : i32
        %get3A_98 = arith.index_cast %add3A_97 : i32 to index
        %get3A_99 = tpu.vector_load %arg5[%get3A_98] {strides = array<i32>} : memref<32000xf32, #tpu.memory_space<vmem>>, vector<16xf32>,
        %mul3A_100 = arith.constant 64 : i32
        %mul3A_101 = arith.muli %while3A_86, %mul3A_100 : i32
        %add3A_102 = arith.constant 0 : i32
        %add3A_103 = arith.addi %mul3A_101, %add3A_102 : i32
        %get3A_104 = arith.index_cast %add3A_103 : i32 to index
        %get3A_105 = tpu.vector_load %arg6[%get3A_104] {strides = array<i32>} : memref<32768xf32, #tpu.memory_space<vmem>>, vector<16xf32>,
        %max3A_106 = arith.maximumf %get3A_99, %get3A_105 : vector<16xf32>
        %mul3A_107 = arith.constant 64 : i32
        %mul3A_108 = arith.muli %sub3A_93, %mul3A_107 : i32
        %add3A_109 = arith.constant 0 : i32
        %add3A_110 = arith.addi %mul3A_108, %add3A_109 : i32
        %swap3A = arith.index_cast %add3A_110 : i32 to index
        %swap3A_111 = tpu.vector_load %arg5[%swap3A] {strides = array<i32>} : memref<32000xf32, #tpu.memory_space<vmem>>, vector<16xf32>,
        tpu.vector_store %arg5[%swap3A], %max3A_106 {strides = array<i32>} : memref<32000xf32, #tpu.memory_space<vmem>>, vector<16xf32>,
        %mul3A_112 = arith.constant 64 : i32
        %mul3A_113 = arith.muli %sub3A_93, %mul3A_112 : i32
        %add3A_114 = arith.constant 16 : i32
        %add3A_115 = arith.addi %mul3A_113, %add3A_114 : i32
        %get3A_116 = arith.index_cast %add3A_115 : i32 to index
        %get3A_117 = tpu.vector_load %arg5[%get3A_116] {strides = array<i32>} : memref<32000xf32, #tpu.memory_space<vmem>>, vector<16xf32>,
        %mul3A_118 = arith.constant 64 : i32
        %mul3A_119 = arith.muli %while3A_86, %mul3A_118 : i32
        %add3A_120 = arith.constant 16 : i32
        %add3A_121 = arith.addi %mul3A_119, %add3A_120 : i32
        %get3A_122 = arith.index_cast %add3A_121 : i32 to index
        %get3A_123 = tpu.vector_load %arg6[%get3A_122] {strides = array<i32>} : memref<32768xf32, #tpu.memory_space<vmem>>, vector<16xf32>,
        %max3A_124 = arith.maximumf %get3A_117, %get3A_123 : vector<16xf32>
        %mul3A_125 = arith.constant 64 : i32
        %mul3A_126 = arith.muli %sub3A_93, %mul3A_125 : i32
        %add3A_127 = arith.constant 16 : i32
        %add3A_128 = arith.addi %mul3A_126, %add3A_127 : i32
        %swap3A_129 = arith.index_cast %add3A_128 : i32 to index
        %swap3A_130 = tpu.vector_load %arg5[%swap3A_129] {strides = array<i32>} : memref<32000xf32, #tpu.memory_space<vmem>>, vector<16xf32>,
        tpu.vector_store %arg5[%swap3A_129], %max3A_124 {strides = array<i32>} : memref<32000xf32, #tpu.memory_space<vmem>>, vector<16xf32>,
        %mul3A_131 = arith.constant 64 : i32
        %mul3A_132 = arith.muli %sub3A_93, %mul3A_131 : i32
        %add3A_133 = arith.constant 32 : i32
        %add3A_134 = arith.addi %mul3A_132, %add3A_133 : i32
        %get3A_135 = arith.index_cast %add3A_134 : i32 to index
        %get3A_136 = tpu.vector_load %arg5[%get3A_135] {strides = array<i32>} : memref<32000xf32, #tpu.memory_space<vmem>>, vector<16xf32>,
        %mul3A_137 = arith.constant 64 : i32
        %mul3A_138 = arith.muli %while3A_86, %mul3A_137 : i32
        %add3A_139 = arith.constant 32 : i32
        %add3A_140 = arith.addi %mul3A_138, %add3A_139 : i32
        %get3A_141 = arith.index_cast %add3A_140 : i32 to index
        %get3A_142 = tpu.vector_load %arg6[%get3A_141] {strides = array<i32>} : memref<32768xf32, #tpu.memory_space<vmem>>, vector<16xf32>,
        %max3A_143 = arith.maximumf %get3A_136, %get3A_142 : vector<16xf32>
        %mul3A_144 = arith.constant 64 : i32
        %mul3A_145 = arith.muli %sub3A_93, %mul3A_144 : i32
        %add3A_146 = arith.constant 32 : i32
        %add3A_147 = arith.addi %mul3A_145, %add3A_146 : i32
        %swap3A_148 = arith.index_cast %add3A_147 : i32 to index
        %swap3A_149 = tpu.vector_load %arg5[%swap3A_148] {strides = array<i32>} : memref<32000xf32, #tpu.memory_space<vmem>>, vector<16xf32>,
        tpu.vector_store %arg5[%swap3A_148], %max3A_143 {strides = array<i32>} : memref<32000xf32, #tpu.memory_space<vmem>>, vector<16xf32>,
        %mul3A_150 = arith.constant 64 : i32
        %mul3A_151 = arith.muli %sub3A_93, %mul3A_150 : i32
        %add3A_152 = arith.constant 48 : i32
        %add3A_153 = arith.addi %mul3A_151, %add3A_152 : i32
        %get3A_154 = arith.index_cast %add3A_153 : i32 to index
        %get3A_155 = tpu.vector_load %arg5[%get3A_154] {strides = array<i32>} : memref<32000xf32, #tpu.memory_space<vmem>>, vector<16xf32>,
        %mul3A_156 = arith.constant 64 : i32
        %mul3A_157 = arith.muli %while3A_86, %mul3A_156 : i32
        %add3A_158 = arith.constant 48 : i32
        %add3A_159 = arith.addi %mul3A_157, %add3A_158 : i32
        %get3A_160 = arith.index_cast %add3A_159 : i32 to index
        %get3A_161 = tpu.vector_load %arg6[%get3A_160] {strides = array<i32>} : memref<32768xf32, #tpu.memory_space<vmem>>, vector<16xf32>,
        %max3A_162 = arith.maximumf %get3A_155, %get3A_161 : vector<16xf32>
        %mul3A_163 = arith.constant 64 : i32
        %mul3A_164 = arith.muli %sub3A_93, %mul3A_163 : i32
        %add3A_165 = arith.constant 48 : i32
        %add3A_166 = arith.addi %mul3A_164, %add3A_165 : i32
        %swap3A_167 = arith.index_cast %add3A_166 : i32 to index
        %swap3A_168 = tpu.vector_load %arg5[%swap3A_167] {strides = array<i32>} : memref<32000xf32, #tpu.memory_space<vmem>>, vector<16xf32>,
        tpu.vector_store %arg5[%swap3A_167], %max3A_162 {strides = array<i32>} : memref<32000xf32, #tpu.memory_space<vmem>>, vector<16xf32>,
        scf.yield %while3A_89 : i32
      }
      %while3A_84 = arith.constant 1 : i32
      %while3A_85 = scf.for %while3A_86 = %while3A_81 to %while3A_77 step %while3A_84 iter_args(%while3A_87 = %while3A_83) -> (i32)  : i32 {
        %get3A = arith.index_cast %while3A_86 : i32 to index
        %get3A_88 = tpu.vector_load %arg7[%get3A] {strides = array<i32>} : memref<528xi32, #tpu.memory_space<vmem>>, vector<16xi32>,
        %slice3A = vector.extract_strided_slice %get3A_88 {offsets = [0], sizes = [1], strides = [1]} : vector<16xi32> to vector<1xi32>
        %squeeze3A = vector.extract %slice3A[0] : i32 from vector<1xi32>
        %while3A_89 = scf.while (%while3A_169 = %while3A_87) : (i32) -> i32 {
          %add3A_170 = arith.constant 1 : i32
          %add3A_171 = arith.addi %while3A_169, %add3A_170 : i32
          %mul3A_172 = arith.constant 500 : i32
          %mul3A_173 = arith.muli %add3A_171, %mul3A_172 : i32
          %add3A_174 = arith.addi %mul3A_2, %mul3A_173 : i32
          %ge3A = arith.cmpi sge, %squeeze3A, %add3A_174 : i32
          scf.condition(%ge3A) %while3A_169 : i32
        } do {
        ^bb0(%while3A_169: i32):
          %scan3A_170 = arith.constant 0 : i32
          %scan3A_171 = arith.constant 0 : i32
          %scan3A_172 = arith.constant 2000 : i32
          %scan3A_173 = arith.addi %scan3A_171, %scan3A_172 : i32
          %scan3A_174 = arith.constant 1 : i32
          %scan3A_175 = scf.for %scan3A_192 = %scan3A_171 to %scan3A_173 step %scan3A_174 iter_args(%scan3A_193 = %scan3A_170) -> (i32)  : i32 {
            %mul3A_194 = arith.constant 16 : i32
            %mul3A_195 = arith.muli %scan3A_192, %mul3A_194 : i32
            %get3A_196 = arith.index_cast %mul3A_195 : i32 to index
            %get3A_197 = tpu.vector_load %arg5[%get3A_196] {strides = array<i32>} : memref<32000xf32, #tpu.memory_space<vmem>>, vector<16xf32>,
            %eq3A = arith.constant 0xFF800000 : f32
            %eq3A_198 = vector.broadcast %eq3A : f32 to vector<16xf32>
            %eq3A_199 = arith.cmpf oeq, %get3A_197, %eq3A_198 : vector<16xf32>
            %jit3A_200 = arith.constant 0.000000e+00 : f32
            %broadcast_in_dim3A_201 = vector.broadcast %jit3A_200 : f32 to vector<16xf32>
            %select_n3A_202 = arith.select %eq3A_199, %broadcast_in_dim3A_201, %get3A_197 : vector<16xi1>, vector<16xf32>
            %mul3A_203 = arith.constant 16 : i32
            %mul3A_204 = arith.muli %scan3A_192, %mul3A_203 : i32
            %swap3A_205 = arith.index_cast %mul3A_204 : i32 to index
            %swap3A_206 = tpu.vector_load %arg5[%swap3A_205] {strides = array<i32>} : memref<32000xf32, #tpu.memory_space<vmem>>, vector<16xf32>,
            tpu.vector_store %arg5[%swap3A_205], %select_n3A_202 {strides = array<i32>} : memref<32000xf32, #tpu.memory_space<vmem>>, vector<16xf32>,
            %scan3A_207 = arith.constant 0 : i32
            scf.yield %scan3A_207 : i32
          }
          %scan3A_176 = arith.constant 2000 : i32
          %mul3A_177 = arith.constant 500 : i32
          %mul3A_178 = arith.muli %while3A_169, %mul3A_177 : i32
          %add3A_179 = arith.addi %mul3A_2, %mul3A_178 : i32
          %mul3A_180 = arith.constant 64 : i32
          %mul3A_181 = arith.muli %add3A_179, %mul3A_180 : i32
          %multiple_of3A_182 = tpu.assume_multiple %mul3A_181, 8 : i32
          "tpu.region"() ({
            %run_scoped3A = tpu.sem_alloc : memref<!tpu.dma_semaphore, #tpu.memory_space<semaphore_mem>>
            %dma_start3A = tpu.memref_slice %arg4[%multiple_of3A_182] : memref<51200000xf32, #tpu.memory_space<hbm>> -> memref<32000xf32, #tpu.memory_space<hbm>>
            %dma_start3A_192 = tpu.memref_slice %arg4[%multiple_of3A_182] : memref<51200000xf32, #tpu.memory_space<hbm>> -> memref<32000xf32, #tpu.memory_space<hbm>>
            tpu.enqueue_dma source(%arg5 : memref<32000xf32, #tpu.memory_space<vmem>>) target(%dma_start3A_192 : memref<32000xf32, #tpu.memory_space<hbm>>) target_semaphore(%run_scoped3A : memref<!tpu.dma_semaphore, #tpu.memory_space<semaphore_mem>>)
            %dma_wait3A = tpu.memref_slice %arg4[%multiple_of3A_182] : memref<51200000xf32, #tpu.memory_space<hbm>> -> memref<32000xf32, #tpu.memory_space<hbm>>
            %dma_wait3A_193 = tpu.memref_slice %arg4[%multiple_of3A_182] : memref<51200000xf32, #tpu.memory_space<hbm>> -> memref<32000xf32, #tpu.memory_space<hbm>>
            tpu.wait_dma2 semaphore(%run_scoped3A : memref<!tpu.dma_semaphore, #tpu.memory_space<semaphore_mem>>) src(%arg5 : memref<32000xf32, #tpu.memory_space<vmem>>) dst(%dma_wait3A_193 : memref<32000xf32, #tpu.memory_space<hbm>>)
            tpu.yield
          }) : () -> ()
          %scan3A_183 = arith.constant 0 : i32
          %scan3A_184 = arith.constant 0 : i32
          %scan3A_185 = arith.constant 2000 : i32
          %scan3A_186 = arith.addi %scan3A_184, %scan3A_185 : i32
          %scan3A_187 = arith.constant 1 : i32
          %scan3A_188 = scf.for %scan3A_192 = %scan3A_184 to %scan3A_186 step %scan3A_187 iter_args(%scan3A_193 = %scan3A_183) -> (i32)  : i32 {
            %mul3A_194 = arith.constant 16 : i32
            %mul3A_195 = arith.muli %scan3A_192, %mul3A_194 : i32
            %swap3A_196 = arith.index_cast %mul3A_195 : i32 to index
            %swap3A_197 = tpu.vector_load %arg5[%swap3A_196] {strides = array<i32>} : memref<32000xf32, #tpu.memory_space<vmem>>, vector<16xf32>,
            tpu.vector_store %arg5[%swap3A_196], %broadcast_in_dim3A_3 {strides = array<i32>} : memref<32000xf32, #tpu.memory_space<vmem>>, vector<16xf32>,
            %scan3A_198 = arith.constant 0 : i32
            scf.yield %scan3A_198 : i32
          }
          %scan3A_189 = arith.constant 2000 : i32
          %add3A_190 = arith.constant 1 : i32
          %add3A_191 = arith.addi %while3A_169, %add3A_190 : i32
          scf.yield %add3A_191 : i32
        }
        %mul3A_90 = arith.constant 500 : i32
        %mul3A_91 = arith.muli %while3A_89, %mul3A_90 : i32
        %add3A_92 = arith.addi %mul3A_2, %mul3A_91 : i32
        %sub3A_93 = arith.subi %squeeze3A, %add3A_92 : i32
        %mul3A_94 = arith.constant 64 : i32
        %mul3A_95 = arith.muli %sub3A_93, %mul3A_94 : i32
        %add3A_96 = arith.constant 0 : i32
        %add3A_97 = arith.addi %mul3A_95, %add3A_96 : i32
        %get3A_98 = arith.index_cast %add3A_97 : i32 to index
        %get3A_99 = tpu.vector_load %arg5[%get3A_98] {strides = array<i32>} : memref<32000xf32, #tpu.memory_space<vmem>>, vector<16xf32>,
        %mul3A_100 = arith.constant 64 : i32
        %mul3A_101 = arith.muli %while3A_86, %mul3A_100 : i32
        %add3A_102 = arith.constant 0 : i32
        %add3A_103 = arith.addi %mul3A_101, %add3A_102 : i32
        %get3A_104 = arith.index_cast %add3A_103 : i32 to index
        %get3A_105 = tpu.vector_load %arg6[%get3A_104] {strides = array<i32>} : memref<32768xf32, #tpu.memory_space<vmem>>, vector<16xf32>,
        %max3A_106 = arith.maximumf %get3A_99, %get3A_105 : vector<16xf32>
        %mul3A_107 = arith.constant 64 : i32
        %mul3A_108 = arith.muli %sub3A_93, %mul3A_107 : i32
        %add3A_109 = arith.constant 0 : i32
        %add3A_110 = arith.addi %mul3A_108, %add3A_109 : i32
        %swap3A = arith.index_cast %add3A_110 : i32 to index
        %swap3A_111 = tpu.vector_load %arg5[%swap3A] {strides = array<i32>} : memref<32000xf32, #tpu.memory_space<vmem>>, vector<16xf32>,
        tpu.vector_store %arg5[%swap3A], %max3A_106 {strides = array<i32>} : memref<32000xf32, #tpu.memory_space<vmem>>, vector<16xf32>,
        %mul3A_112 = arith.constant 64 : i32
        %mul3A_113 = arith.muli %sub3A_93, %mul3A_112 : i32
        %add3A_114 = arith.constant 16 : i32
        %add3A_115 = arith.addi %mul3A_113, %add3A_114 : i32
        %get3A_116 = arith.index_cast %add3A_115 : i32 to index
        %get3A_117 = tpu.vector_load %arg5[%get3A_116] {strides = array<i32>} : memref<32000xf32, #tpu.memory_space<vmem>>, vector<16xf32>,
        %mul3A_118 = arith.constant 64 : i32
        %mul3A_119 = arith.muli %while3A_86, %mul3A_118 : i32
        %add3A_120 = arith.constant 16 : i32
        %add3A_121 = arith.addi %mul3A_119, %add3A_120 : i32
        %get3A_122 = arith.index_cast %add3A_121 : i32 to index
        %get3A_123 = tpu.vector_load %arg6[%get3A_122] {strides = array<i32>} : memref<32768xf32, #tpu.memory_space<vmem>>, vector<16xf32>,
        %max3A_124 = arith.maximumf %get3A_117, %get3A_123 : vector<16xf32>
        %mul3A_125 = arith.constant 64 : i32
        %mul3A_126 = arith.muli %sub3A_93, %mul3A_125 : i32
        %add3A_127 = arith.constant 16 : i32
        %add3A_128 = arith.addi %mul3A_126, %add3A_127 : i32
        %swap3A_129 = arith.index_cast %add3A_128 : i32 to index
        %swap3A_130 = tpu.vector_load %arg5[%swap3A_129] {strides = array<i32>} : memref<32000xf32, #tpu.memory_space<vmem>>, vector<16xf32>,
        tpu.vector_store %arg5[%swap3A_129], %max3A_124 {strides = array<i32>} : memref<32000xf32, #tpu.memory_space<vmem>>, vector<16xf32>,
        %mul3A_131 = arith.constant 64 : i32
        %mul3A_132 = arith.muli %sub3A_93, %mul3A_131 : i32
        %add3A_133 = arith.constant 32 : i32
        %add3A_134 = arith.addi %mul3A_132, %add3A_133 : i32
        %get3A_135 = arith.index_cast %add3A_134 : i32 to index
        %get3A_136 = tpu.vector_load %arg5[%get3A_135] {strides = array<i32>} : memref<32000xf32, #tpu.memory_space<vmem>>, vector<16xf32>,
        %mul3A_137 = arith.constant 64 : i32
        %mul3A_138 = arith.muli %while3A_86, %mul3A_137 : i32
        %add3A_139 = arith.constant 32 : i32
        %add3A_140 = arith.addi %mul3A_138, %add3A_139 : i32
        %get3A_141 = arith.index_cast %add3A_140 : i32 to index
        %get3A_142 = tpu.vector_load %arg6[%get3A_141] {strides = array<i32>} : memref<32768xf32, #tpu.memory_space<vmem>>, vector<16xf32>,
        %max3A_143 = arith.maximumf %get3A_136, %get3A_142 : vector<16xf32>
        %mul3A_144 = arith.constant 64 : i32
        %mul3A_145 = arith.muli %sub3A_93, %mul3A_144 : i32
        %add3A_146 = arith.constant 32 : i32
        %add3A_147 = arith.addi %mul3A_145, %add3A_146 : i32
        %swap3A_148 = arith.index_cast %add3A_147 : i32 to index
        %swap3A_149 = tpu.vector_load %arg5[%swap3A_148] {strides = array<i32>} : memref<32000xf32, #tpu.memory_space<vmem>>, vector<16xf32>,
        tpu.vector_store %arg5[%swap3A_148], %max3A_143 {strides = array<i32>} : memref<32000xf32, #tpu.memory_space<vmem>>, vector<16xf32>,
        %mul3A_150 = arith.constant 64 : i32
        %mul3A_151 = arith.muli %sub3A_93, %mul3A_150 : i32
        %add3A_152 = arith.constant 48 : i32
        %add3A_153 = arith.addi %mul3A_151, %add3A_152 : i32
        %get3A_154 = arith.index_cast %add3A_153 : i32 to index
        %get3A_155 = tpu.vector_load %arg5[%get3A_154] {strides = array<i32>} : memref<32000xf32, #tpu.memory_space<vmem>>, vector<16xf32>,
        %mul3A_156 = arith.constant 64 : i32
        %mul3A_157 = arith.muli %while3A_86, %mul3A_156 : i32
        %add3A_158 = arith.constant 48 : i32
        %add3A_159 = arith.addi %mul3A_157, %add3A_158 : i32
        %get3A_160 = arith.index_cast %add3A_159 : i32 to index
        %get3A_161 = tpu.vector_load %arg6[%get3A_160] {strides = array<i32>} : memref<32768xf32, #tpu.memory_space<vmem>>, vector<16xf32>,
        %max3A_162 = arith.maximumf %get3A_155, %get3A_161 : vector<16xf32>
        %mul3A_163 = arith.constant 64 : i32
        %mul3A_164 = arith.muli %sub3A_93, %mul3A_163 : i32
        %add3A_165 = arith.constant 48 : i32
        %add3A_166 = arith.addi %mul3A_164, %add3A_165 : i32
        %swap3A_167 = arith.index_cast %add3A_166 : i32 to index
        %swap3A_168 = tpu.vector_load %arg5[%swap3A_167] {strides = array<i32>} : memref<32000xf32, #tpu.memory_space<vmem>>, vector<16xf32>,
        tpu.vector_store %arg5[%swap3A_167], %max3A_162 {strides = array<i32>} : memref<32000xf32, #tpu.memory_space<vmem>>, vector<16xf32>,
        scf.yield %while3A_89 : i32
      }
      scf.yield %while3A_85 : i32
    }
    %while3A_50 = arith.constant 1 : i32
    %while3A_51 = scf.for %while3A_64 = %while3A_47 to %while3A_43 step %while3A_50 iter_args(%while3A_65 = %while3A_49) -> (i32)  : i32 {
      %mul3A_66 = arith.constant 512 : i32
      %mul3A_67 = arith.muli %while3A_64, %mul3A_66 : i32
      %add3A_68 = arith.addi %and3A_17, %mul3A_67 : i32
      %mul3A_69 = arith.constant 64 : i32
      %mul3A_70 = arith.muli %add3A_68, %mul3A_69 : i32
      %multiple_of3A = tpu.assume_multiple %mul3A_70, 8 : i32
      "tpu.region"() ({
        %run_scoped3A = tpu.sem_alloc : memref<!tpu.dma_semaphore, #tpu.memory_space<semaphore_mem>>
        %dma_start3A = tpu.memref_slice %arg2[%multiple_of3A] : memref<102432768xf32, #tpu.memory_space<hbm>> -> memref<32768xf32, #tpu.memory_space<hbm>>
        %dma_start3A_86 = tpu.memref_slice %arg2[%multiple_of3A] : memref<102432768xf32, #tpu.memory_space<hbm>> -> memref<32768xf32, #tpu.memory_space<hbm>>
        tpu.enqueue_dma source(%dma_start3A_86 : memref<32768xf32, #tpu.memory_space<hbm>>) target(%arg6 : memref<32768xf32, #tpu.memory_space<vmem>>) target_semaphore(%run_scoped3A : memref<!tpu.dma_semaphore, #tpu.memory_space<semaphore_mem>>)
        %dma_wait3A = tpu.memref_slice %arg2[%multiple_of3A] : memref<102432768xf32, #tpu.memory_space<hbm>> -> memref<32768xf32, #tpu.memory_space<hbm>>
        %dma_wait3A_87 = tpu.memref_slice %arg2[%multiple_of3A] : memref<102432768xf32, #tpu.memory_space<hbm>> -> memref<32768xf32, #tpu.memory_space<hbm>>
        tpu.wait_dma2 semaphore(%run_scoped3A : memref<!tpu.dma_semaphore, #tpu.memory_space<semaphore_mem>>) src(%dma_wait3A_87 : memref<32768xf32, #tpu.memory_space<hbm>>) dst(%arg6 : memref<32768xf32, #tpu.memory_space<vmem>>)
        tpu.yield
      }) : () -> ()
      %multiple_of3A_71 = tpu.assume_multiple %add3A_68, 8 : i32
      "tpu.region"() ({
        %run_scoped3A = tpu.sem_alloc : memref<!tpu.dma_semaphore, #tpu.memory_space<semaphore_mem>>
        %dma_start3A = arith.constant 0 : i32
        %dma_start3A_86 = tpu.memref_slice %arg7[%dma_start3A] : memref<528xi32, #tpu.memory_space<vmem>> -> memref<512xi32, #tpu.memory_space<vmem>>
        %dma_start3A_87 = tpu.memref_slice %arg3[%multiple_of3A_71] : memref<1601024xi32, #tpu.memory_space<hbm>> -> memref<512xi32, #tpu.memory_space<hbm>>
        %dma_start3A_88 = arith.constant 0 : i32
        %dma_start3A_89 = tpu.memref_slice %arg7[%dma_start3A_88] : memref<528xi32, #tpu.memory_space<vmem>> -> memref<512xi32, #tpu.memory_space<vmem>>
        %dma_start3A_90 = tpu.memref_slice %arg3[%multiple_of3A_71] : memref<1601024xi32, #tpu.memory_space<hbm>> -> memref<512xi32, #tpu.memory_space<hbm>>
        tpu.enqueue_dma source(%dma_start3A_90 : memref<512xi32, #tpu.memory_space<hbm>>) target(%dma_start3A_89 : memref<512xi32, #tpu.memory_space<vmem>>) target_semaphore(%run_scoped3A : memref<!tpu.dma_semaphore, #tpu.memory_space<semaphore_mem>>)
        %dma_wait3A = arith.constant 0 : i32
        %dma_wait3A_91 = tpu.memref_slice %arg7[%dma_wait3A] : memref<528xi32, #tpu.memory_space<vmem>> -> memref<512xi32, #tpu.memory_space<vmem>>
        %dma_wait3A_92 = tpu.memref_slice %arg3[%multiple_of3A_71] : memref<1601024xi32, #tpu.memory_space<hbm>> -> memref<512xi32, #tpu.memory_space<hbm>>
        %dma_wait3A_93 = arith.constant 0 : i32
        %dma_wait3A_94 = tpu.memref_slice %arg7[%dma_wait3A_93] : memref<528xi32, #tpu.memory_space<vmem>> -> memref<512xi32, #tpu.memory_space<vmem>>
        %dma_wait3A_95 = tpu.memref_slice %arg3[%multiple_of3A_71] : memref<1601024xi32, #tpu.memory_space<hbm>> -> memref<512xi32, #tpu.memory_space<hbm>>
        tpu.wait_dma2 semaphore(%run_scoped3A : memref<!tpu.dma_semaphore, #tpu.memory_space<semaphore_mem>>) src(%dma_wait3A_95 : memref<512xi32, #tpu.memory_space<hbm>>) dst(%dma_wait3A_94 : memref<512xi32, #tpu.memory_space<vmem>>)
        tpu.yield
      }) : () -> ()
      %sub3A_72 = arith.subi %while3A_11#0, %add3A_68 : i32
      %max3A = arith.constant 0 : i32
      %max3A_73 = arith.maxsi %max3A, %sub3A_72 : i32
      %sub3A_74 = arith.subi %while3A_16#0, %add3A_68 : i32
      %min3A = arith.constant 512 : i32
      %min3A_75 = arith.minsi %min3A, %sub3A_74 : i32
      %while3A_76 = arith.subi %min3A_75, %max3A_73 : i32
      %while3A_77 = arith.addi %max3A_73, %while3A_76 : i32
      %while3A_78 = arith.constant 1 : i32
      %while3A_79 = arith.divsi %while3A_76, %while3A_78 : i32
      %while3A_80 = arith.muli %while3A_79, %while3A_78 : i32
      %while3A_81 = arith.addi %max3A_73, %while3A_80 : i32
      %while3A_82 = arith.constant 1 : i32
      %while3A_83 = scf.for %while3A_86 = %max3A_73 to %while3A_81 step %while3A_82 iter_args(%while3A_87 = %while3A_65) -> (i32)  : i32 {
        %get3A = arith.index_cast %while3A_86 : i32 to index
        %get3A_88 = tpu.vector_load %arg7[%get3A] {strides = array<i32>} : memref<528xi32, #tpu.memory_space<vmem>>, vector<16xi32>,
        %slice3A = vector.extract_strided_slice %get3A_88 {offsets = [0], sizes = [1], strides = [1]} : vector<16xi32> to vector<1xi32>
        %squeeze3A = vector.extract %slice3A[0] : i32 from vector<1xi32>
        %while3A_89 = scf.while (%while3A_169 = %while3A_87) : (i32) -> i32 {
          %add3A_170 = arith.constant 1 : i32
          %add3A_171 = arith.addi %while3A_169, %add3A_170 : i32
          %mul3A_172 = arith.constant 500 : i32
          %mul3A_173 = arith.muli %add3A_171, %mul3A_172 : i32
          %add3A_174 = arith.addi %mul3A_2, %mul3A_173 : i32
          %ge3A = arith.cmpi sge, %squeeze3A, %add3A_174 : i32
          scf.condition(%ge3A) %while3A_169 : i32
        } do {
        ^bb0(%while3A_169: i32):
          %scan3A_170 = arith.constant 0 : i32
          %scan3A_171 = arith.constant 0 : i32
          %scan3A_172 = arith.constant 2000 : i32
          %scan3A_173 = arith.addi %scan3A_171, %scan3A_172 : i32
          %scan3A_174 = arith.constant 1 : i32
          %scan3A_175 = scf.for %scan3A_192 = %scan3A_171 to %scan3A_173 step %scan3A_174 iter_args(%scan3A_193 = %scan3A_170) -> (i32)  : i32 {
            %mul3A_194 = arith.constant 16 : i32
            %mul3A_195 = arith.muli %scan3A_192, %mul3A_194 : i32
            %get3A_196 = arith.index_cast %mul3A_195 : i32 to index
            %get3A_197 = tpu.vector_load %arg5[%get3A_196] {strides = array<i32>} : memref<32000xf32, #tpu.memory_space<vmem>>, vector<16xf32>,
            %eq3A = arith.constant 0xFF800000 : f32
            %eq3A_198 = vector.broadcast %eq3A : f32 to vector<16xf32>
            %eq3A_199 = arith.cmpf oeq, %get3A_197, %eq3A_198 : vector<16xf32>
            %jit3A_200 = arith.constant 0.000000e+00 : f32
            %broadcast_in_dim3A_201 = vector.broadcast %jit3A_200 : f32 to vector<16xf32>
            %select_n3A_202 = arith.select %eq3A_199, %broadcast_in_dim3A_201, %get3A_197 : vector<16xi1>, vector<16xf32>
            %mul3A_203 = arith.constant 16 : i32
            %mul3A_204 = arith.muli %scan3A_192, %mul3A_203 : i32
            %swap3A_205 = arith.index_cast %mul3A_204 : i32 to index
            %swap3A_206 = tpu.vector_load %arg5[%swap3A_205] {strides = array<i32>} : memref<32000xf32, #tpu.memory_space<vmem>>, vector<16xf32>,
            tpu.vector_store %arg5[%swap3A_205], %select_n3A_202 {strides = array<i32>} : memref<32000xf32, #tpu.memory_space<vmem>>, vector<16xf32>,
            %scan3A_207 = arith.constant 0 : i32
            scf.yield %scan3A_207 : i32
          }
          %scan3A_176 = arith.constant 2000 : i32
          %mul3A_177 = arith.constant 500 : i32
          %mul3A_178 = arith.muli %while3A_169, %mul3A_177 : i32
          %add3A_179 = arith.addi %mul3A_2, %mul3A_178 : i32
          %mul3A_180 = arith.constant 64 : i32
          %mul3A_181 = arith.muli %add3A_179, %mul3A_180 : i32
          %multiple_of3A_182 = tpu.assume_multiple %mul3A_181, 8 : i32
          "tpu.region"() ({
            %run_scoped3A = tpu.sem_alloc : memref<!tpu.dma_semaphore, #tpu.memory_space<semaphore_mem>>
            %dma_start3A = tpu.memref_slice %arg4[%multiple_of3A_182] : memref<51200000xf32, #tpu.memory_space<hbm>> -> memref<32000xf32, #tpu.memory_space<hbm>>
            %dma_start3A_192 = tpu.memref_slice %arg4[%multiple_of3A_182] : memref<51200000xf32, #tpu.memory_space<hbm>> -> memref<32000xf32, #tpu.memory_space<hbm>>
            tpu.enqueue_dma source(%arg5 : memref<32000xf32, #tpu.memory_space<vmem>>) target(%dma_start3A_192 : memref<32000xf32, #tpu.memory_space<hbm>>) target_semaphore(%run_scoped3A : memref<!tpu.dma_semaphore, #tpu.memory_space<semaphore_mem>>)
            %dma_wait3A = tpu.memref_slice %arg4[%multiple_of3A_182] : memref<51200000xf32, #tpu.memory_space<hbm>> -> memref<32000xf32, #tpu.memory_space<hbm>>
            %dma_wait3A_193 = tpu.memref_slice %arg4[%multiple_of3A_182] : memref<51200000xf32, #tpu.memory_space<hbm>> -> memref<32000xf32, #tpu.memory_space<hbm>>
            tpu.wait_dma2 semaphore(%run_scoped3A : memref<!tpu.dma_semaphore, #tpu.memory_space<semaphore_mem>>) src(%arg5 : memref<32000xf32, #tpu.memory_space<vmem>>) dst(%dma_wait3A_193 : memref<32000xf32, #tpu.memory_space<hbm>>)
            tpu.yield
          }) : () -> ()
          %scan3A_183 = arith.constant 0 : i32
          %scan3A_184 = arith.constant 0 : i32
          %scan3A_185 = arith.constant 2000 : i32
          %scan3A_186 = arith.addi %scan3A_184, %scan3A_185 : i32
          %scan3A_187 = arith.constant 1 : i32
          %scan3A_188 = scf.for %scan3A_192 = %scan3A_184 to %scan3A_186 step %scan3A_187 iter_args(%scan3A_193 = %scan3A_183) -> (i32)  : i32 {
            %mul3A_194 = arith.constant 16 : i32
            %mul3A_195 = arith.muli %scan3A_192, %mul3A_194 : i32
            %swap3A_196 = arith.index_cast %mul3A_195 : i32 to index
            %swap3A_197 = tpu.vector_load %arg5[%swap3A_196] {strides = array<i32>} : memref<32000xf32, #tpu.memory_space<vmem>>, vector<16xf32>,
            tpu.vector_store %arg5[%swap3A_196], %broadcast_in_dim3A_3 {strides = array<i32>} : memref<32000xf32, #tpu.memory_space<vmem>>, vector<16xf32>,
            %scan3A_198 = arith.constant 0 : i32
            scf.yield %scan3A_198 : i32
          }
          %scan3A_189 = arith.constant 2000 : i32
          %add3A_190 = arith.constant 1 : i32
          %add3A_191 = arith.addi %while3A_169, %add3A_190 : i32
          scf.yield %add3A_191 : i32
        }
        %mul3A_90 = arith.constant 500 : i32
        %mul3A_91 = arith.muli %while3A_89, %mul3A_90 : i32
        %add3A_92 = arith.addi %mul3A_2, %mul3A_91 : i32
        %sub3A_93 = arith.subi %squeeze3A, %add3A_92 : i32
        %mul3A_94 = arith.constant 64 : i32
        %mul3A_95 = arith.muli %sub3A_93, %mul3A_94 : i32
        %add3A_96 = arith.constant 0 : i32
        %add3A_97 = arith.addi %mul3A_95, %add3A_96 : i32
        %get3A_98 = arith.index_cast %add3A_97 : i32 to index
        %get3A_99 = tpu.vector_load %arg5[%get3A_98] {strides = array<i32>} : memref<32000xf32, #tpu.memory_space<vmem>>, vector<16xf32>,
        %mul3A_100 = arith.constant 64 : i32
        %mul3A_101 = arith.muli %while3A_86, %mul3A_100 : i32
        %add3A_102 = arith.constant 0 : i32
        %add3A_103 = arith.addi %mul3A_101, %add3A_102 : i32
        %get3A_104 = arith.index_cast %add3A_103 : i32 to index
        %get3A_105 = tpu.vector_load %arg6[%get3A_104] {strides = array<i32>} : memref<32768xf32, #tpu.memory_space<vmem>>, vector<16xf32>,
        %max3A_106 = arith.maximumf %get3A_99, %get3A_105 : vector<16xf32>
        %mul3A_107 = arith.constant 64 : i32
        %mul3A_108 = arith.muli %sub3A_93, %mul3A_107 : i32
        %add3A_109 = arith.constant 0 : i32
        %add3A_110 = arith.addi %mul3A_108, %add3A_109 : i32
        %swap3A = arith.index_cast %add3A_110 : i32 to index
        %swap3A_111 = tpu.vector_load %arg5[%swap3A] {strides = array<i32>} : memref<32000xf32, #tpu.memory_space<vmem>>, vector<16xf32>,
        tpu.vector_store %arg5[%swap3A], %max3A_106 {strides = array<i32>} : memref<32000xf32, #tpu.memory_space<vmem>>, vector<16xf32>,
        %mul3A_112 = arith.constant 64 : i32
        %mul3A_113 = arith.muli %sub3A_93, %mul3A_112 : i32
        %add3A_114 = arith.constant 16 : i32
        %add3A_115 = arith.addi %mul3A_113, %add3A_114 : i32
        %get3A_116 = arith.index_cast %add3A_115 : i32 to index
        %get3A_117 = tpu.vector_load %arg5[%get3A_116] {strides = array<i32>} : memref<32000xf32, #tpu.memory_space<vmem>>, vector<16xf32>,
        %mul3A_118 = arith.constant 64 : i32
        %mul3A_119 = arith.muli %while3A_86, %mul3A_118 : i32
        %add3A_120 = arith.constant 16 : i32
        %add3A_121 = arith.addi %mul3A_119, %add3A_120 : i32
        %get3A_122 = arith.index_cast %add3A_121 : i32 to index
        %get3A_123 = tpu.vector_load %arg6[%get3A_122] {strides = array<i32>} : memref<32768xf32, #tpu.memory_space<vmem>>, vector<16xf32>,
        %max3A_124 = arith.maximumf %get3A_117, %get3A_123 : vector<16xf32>
        %mul3A_125 = arith.constant 64 : i32
        %mul3A_126 = arith.muli %sub3A_93, %mul3A_125 : i32
        %add3A_127 = arith.constant 16 : i32
        %add3A_128 = arith.addi %mul3A_126, %add3A_127 : i32
        %swap3A_129 = arith.index_cast %add3A_128 : i32 to index
        %swap3A_130 = tpu.vector_load %arg5[%swap3A_129] {strides = array<i32>} : memref<32000xf32, #tpu.memory_space<vmem>>, vector<16xf32>,
        tpu.vector_store %arg5[%swap3A_129], %max3A_124 {strides = array<i32>} : memref<32000xf32, #tpu.memory_space<vmem>>, vector<16xf32>,
        %mul3A_131 = arith.constant 64 : i32
        %mul3A_132 = arith.muli %sub3A_93, %mul3A_131 : i32
        %add3A_133 = arith.constant 32 : i32
        %add3A_134 = arith.addi %mul3A_132, %add3A_133 : i32
        %get3A_135 = arith.index_cast %add3A_134 : i32 to index
        %get3A_136 = tpu.vector_load %arg5[%get3A_135] {strides = array<i32>} : memref<32000xf32, #tpu.memory_space<vmem>>, vector<16xf32>,
        %mul3A_137 = arith.constant 64 : i32
        %mul3A_138 = arith.muli %while3A_86, %mul3A_137 : i32
        %add3A_139 = arith.constant 32 : i32
        %add3A_140 = arith.addi %mul3A_138, %add3A_139 : i32
        %get3A_141 = arith.index_cast %add3A_140 : i32 to index
        %get3A_142 = tpu.vector_load %arg6[%get3A_141] {strides = array<i32>} : memref<32768xf32, #tpu.memory_space<vmem>>, vector<16xf32>,
        %max3A_143 = arith.maximumf %get3A_136, %get3A_142 : vector<16xf32>
        %mul3A_144 = arith.constant 64 : i32
        %mul3A_145 = arith.muli %sub3A_93, %mul3A_144 : i32
        %add3A_146 = arith.constant 32 : i32
        %add3A_147 = arith.addi %mul3A_145, %add3A_146 : i32
        %swap3A_148 = arith.index_cast %add3A_147 : i32 to index
        %swap3A_149 = tpu.vector_load %arg5[%swap3A_148] {strides = array<i32>} : memref<32000xf32, #tpu.memory_space<vmem>>, vector<16xf32>,
        tpu.vector_store %arg5[%swap3A_148], %max3A_143 {strides = array<i32>} : memref<32000xf32, #tpu.memory_space<vmem>>, vector<16xf32>,
        %mul3A_150 = arith.constant 64 : i32
        %mul3A_151 = arith.muli %sub3A_93, %mul3A_150 : i32
        %add3A_152 = arith.constant 48 : i32
        %add3A_153 = arith.addi %mul3A_151, %add3A_152 : i32
        %get3A_154 = arith.index_cast %add3A_153 : i32 to index
        %get3A_155 = tpu.vector_load %arg5[%get3A_154] {strides = array<i32>} : memref<32000xf32, #tpu.memory_space<vmem>>, vector<16xf32>,
        %mul3A_156 = arith.constant 64 : i32
        %mul3A_157 = arith.muli %while3A_86, %mul3A_156 : i32
        %add3A_158 = arith.constant 48 : i32
        %add3A_159 = arith.addi %mul3A_157, %add3A_158 : i32
        %get3A_160 = arith.index_cast %add3A_159 : i32 to index
        %get3A_161 = tpu.vector_load %arg6[%get3A_160] {strides = array<i32>} : memref<32768xf32, #tpu.memory_space<vmem>>, vector<16xf32>,
        %max3A_162 = arith.maximumf %get3A_155, %get3A_161 : vector<16xf32>
        %mul3A_163 = arith.constant 64 : i32
        %mul3A_164 = arith.muli %sub3A_93, %mul3A_163 : i32
        %add3A_165 = arith.constant 48 : i32
        %add3A_166 = arith.addi %mul3A_164, %add3A_165 : i32
        %swap3A_167 = arith.index_cast %add3A_166 : i32 to index
        %swap3A_168 = tpu.vector_load %arg5[%swap3A_167] {strides = array<i32>} : memref<32000xf32, #tpu.memory_space<vmem>>, vector<16xf32>,
        tpu.vector_store %arg5[%swap3A_167], %max3A_162 {strides = array<i32>} : memref<32000xf32, #tpu.memory_space<vmem>>, vector<16xf32>,
        scf.yield %while3A_89 : i32
      }
      %while3A_84 = arith.constant 1 : i32
      %while3A_85 = scf.for %while3A_86 = %while3A_81 to %while3A_77 step %while3A_84 iter_args(%while3A_87 = %while3A_83) -> (i32)  : i32 {
        %get3A = arith.index_cast %while3A_86 : i32 to index
        %get3A_88 = tpu.vector_load %arg7[%get3A] {strides = array<i32>} : memref<528xi32, #tpu.memory_space<vmem>>, vector<16xi32>,
        %slice3A = vector.extract_strided_slice %get3A_88 {offsets = [0], sizes = [1], strides = [1]} : vector<16xi32> to vector<1xi32>
        %squeeze3A = vector.extract %slice3A[0] : i32 from vector<1xi32>
        %while3A_89 = scf.while (%while3A_169 = %while3A_87) : (i32) -> i32 {
          %add3A_170 = arith.constant 1 : i32
          %add3A_171 = arith.addi %while3A_169, %add3A_170 : i32
          %mul3A_172 = arith.constant 500 : i32
          %mul3A_173 = arith.muli %add3A_171, %mul3A_172 : i32
          %add3A_174 = arith.addi %mul3A_2, %mul3A_173 : i32
          %ge3A = arith.cmpi sge, %squeeze3A, %add3A_174 : i32
          scf.condition(%ge3A) %while3A_169 : i32
        } do {
        ^bb0(%while3A_169: i32):
          %scan3A_170 = arith.constant 0 : i32
          %scan3A_171 = arith.constant 0 : i32
          %scan3A_172 = arith.constant 2000 : i32
          %scan3A_173 = arith.addi %scan3A_171, %scan3A_172 : i32
          %scan3A_174 = arith.constant 1 : i32
          %scan3A_175 = scf.for %scan3A_192 = %scan3A_171 to %scan3A_173 step %scan3A_174 iter_args(%scan3A_193 = %scan3A_170) -> (i32)  : i32 {
            %mul3A_194 = arith.constant 16 : i32
            %mul3A_195 = arith.muli %scan3A_192, %mul3A_194 : i32
            %get3A_196 = arith.index_cast %mul3A_195 : i32 to index
            %get3A_197 = tpu.vector_load %arg5[%get3A_196] {strides = array<i32>} : memref<32000xf32, #tpu.memory_space<vmem>>, vector<16xf32>,
            %eq3A = arith.constant 0xFF800000 : f32
            %eq3A_198 = vector.broadcast %eq3A : f32 to vector<16xf32>
            %eq3A_199 = arith.cmpf oeq, %get3A_197, %eq3A_198 : vector<16xf32>
            %jit3A_200 = arith.constant 0.000000e+00 : f32
            %broadcast_in_dim3A_201 = vector.broadcast %jit3A_200 : f32 to vector<16xf32>
            %select_n3A_202 = arith.select %eq3A_199, %broadcast_in_dim3A_201, %get3A_197 : vector<16xi1>, vector<16xf32>
            %mul3A_203 = arith.constant 16 : i32
            %mul3A_204 = arith.muli %scan3A_192, %mul3A_203 : i32
            %swap3A_205 = arith.index_cast %mul3A_204 : i32 to index
            %swap3A_206 = tpu.vector_load %arg5[%swap3A_205] {strides = array<i32>} : memref<32000xf32, #tpu.memory_space<vmem>>, vector<16xf32>,
            tpu.vector_store %arg5[%swap3A_205], %select_n3A_202 {strides = array<i32>} : memref<32000xf32, #tpu.memory_space<vmem>>, vector<16xf32>,
            %scan3A_207 = arith.constant 0 : i32
            scf.yield %scan3A_207 : i32
          }
          %scan3A_176 = arith.constant 2000 : i32
          %mul3A_177 = arith.constant 500 : i32
          %mul3A_178 = arith.muli %while3A_169, %mul3A_177 : i32
          %add3A_179 = arith.addi %mul3A_2, %mul3A_178 : i32
          %mul3A_180 = arith.constant 64 : i32
          %mul3A_181 = arith.muli %add3A_179, %mul3A_180 : i32
          %multiple_of3A_182 = tpu.assume_multiple %mul3A_181, 8 : i32
          "tpu.region"() ({
            %run_scoped3A = tpu.sem_alloc : memref<!tpu.dma_semaphore, #tpu.memory_space<semaphore_mem>>
            %dma_start3A = tpu.memref_slice %arg4[%multiple_of3A_182] : memref<51200000xf32, #tpu.memory_space<hbm>> -> memref<32000xf32, #tpu.memory_space<hbm>>
            %dma_start3A_192 = tpu.memref_slice %arg4[%multiple_of3A_182] : memref<51200000xf32, #tpu.memory_space<hbm>> -> memref<32000xf32, #tpu.memory_space<hbm>>
            tpu.enqueue_dma source(%arg5 : memref<32000xf32, #tpu.memory_space<vmem>>) target(%dma_start3A_192 : memref<32000xf32, #tpu.memory_space<hbm>>) target_semaphore(%run_scoped3A : memref<!tpu.dma_semaphore, #tpu.memory_space<semaphore_mem>>)
            %dma_wait3A = tpu.memref_slice %arg4[%multiple_of3A_182] : memref<51200000xf32, #tpu.memory_space<hbm>> -> memref<32000xf32, #tpu.memory_space<hbm>>
            %dma_wait3A_193 = tpu.memref_slice %arg4[%multiple_of3A_182] : memref<51200000xf32, #tpu.memory_space<hbm>> -> memref<32000xf32, #tpu.memory_space<hbm>>
            tpu.wait_dma2 semaphore(%run_scoped3A : memref<!tpu.dma_semaphore, #tpu.memory_space<semaphore_mem>>) src(%arg5 : memref<32000xf32, #tpu.memory_space<vmem>>) dst(%dma_wait3A_193 : memref<32000xf32, #tpu.memory_space<hbm>>)
            tpu.yield
          }) : () -> ()
          %scan3A_183 = arith.constant 0 : i32
          %scan3A_184 = arith.constant 0 : i32
          %scan3A_185 = arith.constant 2000 : i32
          %scan3A_186 = arith.addi %scan3A_184, %scan3A_185 : i32
          %scan3A_187 = arith.constant 1 : i32
          %scan3A_188 = scf.for %scan3A_192 = %scan3A_184 to %scan3A_186 step %scan3A_187 iter_args(%scan3A_193 = %scan3A_183) -> (i32)  : i32 {
            %mul3A_194 = arith.constant 16 : i32
            %mul3A_195 = arith.muli %scan3A_192, %mul3A_194 : i32
            %swap3A_196 = arith.index_cast %mul3A_195 : i32 to index
            %swap3A_197 = tpu.vector_load %arg5[%swap3A_196] {strides = array<i32>} : memref<32000xf32, #tpu.memory_space<vmem>>, vector<16xf32>,
            tpu.vector_store %arg5[%swap3A_196], %broadcast_in_dim3A_3 {strides = array<i32>} : memref<32000xf32, #tpu.memory_space<vmem>>, vector<16xf32>,
            %scan3A_198 = arith.constant 0 : i32
            scf.yield %scan3A_198 : i32
          }
          %scan3A_189 = arith.constant 2000 : i32
          %add3A_190 = arith.constant 1 : i32
          %add3A_191 = arith.addi %while3A_169, %add3A_190 : i32
          scf.yield %add3A_191 : i32
        }
        %mul3A_90 = arith.constant 500 : i32
        %mul3A_91 = arith.muli %while3A_89, %mul3A_90 : i32
        %add3A_92 = arith.addi %mul3A_2, %mul3A_91 : i32
        %sub3A_93 = arith.subi %squeeze3A, %add3A_92 : i32
        %mul3A_94 = arith.constant 64 : i32
        %mul3A_95 = arith.muli %sub3A_93, %mul3A_94 : i32
        %add3A_96 = arith.constant 0 : i32
        %add3A_97 = arith.addi %mul3A_95, %add3A_96 : i32
        %get3A_98 = arith.index_cast %add3A_97 : i32 to index
        %get3A_99 = tpu.vector_load %arg5[%get3A_98] {strides = array<i32>} : memref<32000xf32, #tpu.memory_space<vmem>>, vector<16xf32>,
        %mul3A_100 = arith.constant 64 : i32
        %mul3A_101 = arith.muli %while3A_86, %mul3A_100 : i32
        %add3A_102 = arith.constant 0 : i32
        %add3A_103 = arith.addi %mul3A_101, %add3A_102 : i32
        %get3A_104 = arith.index_cast %add3A_103 : i32 to index
        %get3A_105 = tpu.vector_load %arg6[%get3A_104] {strides = array<i32>} : memref<32768xf32, #tpu.memory_space<vmem>>, vector<16xf32>,
        %max3A_106 = arith.maximumf %get3A_99, %get3A_105 : vector<16xf32>
        %mul3A_107 = arith.constant 64 : i32
        %mul3A_108 = arith.muli %sub3A_93, %mul3A_107 : i32
        %add3A_109 = arith.constant 0 : i32
        %add3A_110 = arith.addi %mul3A_108, %add3A_109 : i32
        %swap3A = arith.index_cast %add3A_110 : i32 to index
        %swap3A_111 = tpu.vector_load %arg5[%swap3A] {strides = array<i32>} : memref<32000xf32, #tpu.memory_space<vmem>>, vector<16xf32>,
        tpu.vector_store %arg5[%swap3A], %max3A_106 {strides = array<i32>} : memref<32000xf32, #tpu.memory_space<vmem>>, vector<16xf32>,
        %mul3A_112 = arith.constant 64 : i32
        %mul3A_113 = arith.muli %sub3A_93, %mul3A_112 : i32
        %add3A_114 = arith.constant 16 : i32
        %add3A_115 = arith.addi %mul3A_113, %add3A_114 : i32
        %get3A_116 = arith.index_cast %add3A_115 : i32 to index
        %get3A_117 = tpu.vector_load %arg5[%get3A_116] {strides = array<i32>} : memref<32000xf32, #tpu.memory_space<vmem>>, vector<16xf32>,
        %mul3A_118 = arith.constant 64 : i32
        %mul3A_119 = arith.muli %while3A_86, %mul3A_118 : i32
        %add3A_120 = arith.constant 16 : i32
        %add3A_121 = arith.addi %mul3A_119, %add3A_120 : i32
        %get3A_122 = arith.index_cast %add3A_121 : i32 to index
        %get3A_123 = tpu.vector_load %arg6[%get3A_122] {strides = array<i32>} : memref<32768xf32, #tpu.memory_space<vmem>>, vector<16xf32>,
        %max3A_124 = arith.maximumf %get3A_117, %get3A_123 : vector<16xf32>
        %mul3A_125 = arith.constant 64 : i32
        %mul3A_126 = arith.muli %sub3A_93, %mul3A_125 : i32
        %add3A_127 = arith.constant 16 : i32
        %add3A_128 = arith.addi %mul3A_126, %add3A_127 : i32
        %swap3A_129 = arith.index_cast %add3A_128 : i32 to index
        %swap3A_130 = tpu.vector_load %arg5[%swap3A_129] {strides = array<i32>} : memref<32000xf32, #tpu.memory_space<vmem>>, vector<16xf32>,
        tpu.vector_store %arg5[%swap3A_129], %max3A_124 {strides = array<i32>} : memref<32000xf32, #tpu.memory_space<vmem>>, vector<16xf32>,
        %mul3A_131 = arith.constant 64 : i32
        %mul3A_132 = arith.muli %sub3A_93, %mul3A_131 : i32
        %add3A_133 = arith.constant 32 : i32
        %add3A_134 = arith.addi %mul3A_132, %add3A_133 : i32
        %get3A_135 = arith.index_cast %add3A_134 : i32 to index
        %get3A_136 = tpu.vector_load %arg5[%get3A_135] {strides = array<i32>} : memref<32000xf32, #tpu.memory_space<vmem>>, vector<16xf32>,
        %mul3A_137 = arith.constant 64 : i32
        %mul3A_138 = arith.muli %while3A_86, %mul3A_137 : i32
        %add3A_139 = arith.constant 32 : i32
        %add3A_140 = arith.addi %mul3A_138, %add3A_139 : i32
        %get3A_141 = arith.index_cast %add3A_140 : i32 to index
        %get3A_142 = tpu.vector_load %arg6[%get3A_141] {strides = array<i32>} : memref<32768xf32, #tpu.memory_space<vmem>>, vector<16xf32>,
        %max3A_143 = arith.maximumf %get3A_136, %get3A_142 : vector<16xf32>
        %mul3A_144 = arith.constant 64 : i32
        %mul3A_145 = arith.muli %sub3A_93, %mul3A_144 : i32
        %add3A_146 = arith.constant 32 : i32
        %add3A_147 = arith.addi %mul3A_145, %add3A_146 : i32
        %swap3A_148 = arith.index_cast %add3A_147 : i32 to index
        %swap3A_149 = tpu.vector_load %arg5[%swap3A_148] {strides = array<i32>} : memref<32000xf32, #tpu.memory_space<vmem>>, vector<16xf32>,
        tpu.vector_store %arg5[%swap3A_148], %max3A_143 {strides = array<i32>} : memref<32000xf32, #tpu.memory_space<vmem>>, vector<16xf32>,
        %mul3A_150 = arith.constant 64 : i32
        %mul3A_151 = arith.muli %sub3A_93, %mul3A_150 : i32
        %add3A_152 = arith.constant 48 : i32
        %add3A_153 = arith.addi %mul3A_151, %add3A_152 : i32
        %get3A_154 = arith.index_cast %add3A_153 : i32 to index
        %get3A_155 = tpu.vector_load %arg5[%get3A_154] {strides = array<i32>} : memref<32000xf32, #tpu.memory_space<vmem>>, vector<16xf32>,
        %mul3A_156 = arith.constant 64 : i32
        %mul3A_157 = arith.muli %while3A_86, %mul3A_156 : i32
        %add3A_158 = arith.constant 48 : i32
        %add3A_159 = arith.addi %mul3A_157, %add3A_158 : i32
        %get3A_160 = arith.index_cast %add3A_159 : i32 to index
        %get3A_161 = tpu.vector_load %arg6[%get3A_160] {strides = array<i32>} : memref<32768xf32, #tpu.memory_space<vmem>>, vector<16xf32>,
        %max3A_162 = arith.maximumf %get3A_155, %get3A_161 : vector<16xf32>
        %mul3A_163 = arith.constant 64 : i32
        %mul3A_164 = arith.muli %sub3A_93, %mul3A_163 : i32
        %add3A_165 = arith.constant 48 : i32
        %add3A_166 = arith.addi %mul3A_164, %add3A_165 : i32
        %swap3A_167 = arith.index_cast %add3A_166 : i32 to index
        %swap3A_168 = tpu.vector_load %arg5[%swap3A_167] {strides = array<i32>} : memref<32000xf32, #tpu.memory_space<vmem>>, vector<16xf32>,
        tpu.vector_store %arg5[%swap3A_167], %max3A_162 {strides = array<i32>} : memref<32000xf32, #tpu.memory_space<vmem>>, vector<16xf32>,
        scf.yield %while3A_89 : i32
      }
      scf.yield %while3A_85 : i32
    }
    %while3A_52 = arith.constant 50 : i32
    %while3A_53 = arith.constant 0 : i32
    %while3A_54 = arith.subi %while3A_52, %while3A_51 : i32
    %while3A_55 = arith.addi %while3A_51, %while3A_54 : i32
    %while3A_56 = arith.constant 1 : i32
    %while3A_57 = arith.divsi %while3A_54, %while3A_56 : i32
    %while3A_58 = arith.muli %while3A_57, %while3A_56 : i32
    %while3A_59 = arith.addi %while3A_51, %while3A_58 : i32
    %while3A_60 = arith.constant 1 : i32
    %while3A_61 = scf.for %while3A_64 = %while3A_51 to %while3A_59 step %while3A_60 iter_args(%while3A_65 = %while3A_53) -> (i32)  : i32 {
      %scan3A_66 = arith.constant 0 : i32
      %scan3A_67 = arith.constant 0 : i32
      %scan3A_68 = arith.constant 2000 : i32
      %scan3A_69 = arith.addi %scan3A_67, %scan3A_68 : i32
      %scan3A_70 = arith.constant 1 : i32
      %scan3A_71 = scf.for %scan3A_86 = %scan3A_67 to %scan3A_69 step %scan3A_70 iter_args(%scan3A_87 = %scan3A_66) -> (i32)  : i32 {
        %mul3A_88 = arith.constant 16 : i32
        %mul3A_89 = arith.muli %scan3A_86, %mul3A_88 : i32
        %get3A = arith.index_cast %mul3A_89 : i32 to index
        %get3A_90 = tpu.vector_load %arg5[%get3A] {strides = array<i32>} : memref<32000xf32, #tpu.memory_space<vmem>>, vector<16xf32>,
        %eq3A = arith.constant 0xFF800000 : f32
        %eq3A_91 = vector.broadcast %eq3A : f32 to vector<16xf32>
        %eq3A_92 = arith.cmpf oeq, %get3A_90, %eq3A_91 : vector<16xf32>
        %jit3A_93 = arith.constant 0.000000e+00 : f32
        %broadcast_in_dim3A_94 = vector.broadcast %jit3A_93 : f32 to vector<16xf32>
        %select_n3A_95 = arith.select %eq3A_92, %broadcast_in_dim3A_94, %get3A_90 : vector<16xi1>, vector<16xf32>
        %mul3A_96 = arith.constant 16 : i32
        %mul3A_97 = arith.muli %scan3A_86, %mul3A_96 : i32
        %swap3A = arith.index_cast %mul3A_97 : i32 to index
        %swap3A_98 = tpu.vector_load %arg5[%swap3A] {strides = array<i32>} : memref<32000xf32, #tpu.memory_space<vmem>>, vector<16xf32>,
        tpu.vector_store %arg5[%swap3A], %select_n3A_95 {strides = array<i32>} : memref<32000xf32, #tpu.memory_space<vmem>>, vector<16xf32>,
        %scan3A_99 = arith.constant 0 : i32
        scf.yield %scan3A_99 : i32
      }
      %scan3A_72 = arith.constant 2000 : i32
      %mul3A_73 = arith.constant 500 : i32
      %mul3A_74 = arith.muli %while3A_64, %mul3A_73 : i32
      %add3A_75 = arith.addi %mul3A_2, %mul3A_74 : i32
      %mul3A_76 = arith.constant 64 : i32
      %mul3A_77 = arith.muli %add3A_75, %mul3A_76 : i32
      %multiple_of3A = tpu.assume_multiple %mul3A_77, 8 : i32
      "tpu.region"() ({
        %run_scoped3A = tpu.sem_alloc : memref<!tpu.dma_semaphore, #tpu.memory_space<semaphore_mem>>
        %dma_start3A = tpu.memref_slice %arg4[%multiple_of3A] : memref<51200000xf32, #tpu.memory_space<hbm>> -> memref<32000xf32, #tpu.memory_space<hbm>>
        %dma_start3A_86 = tpu.memref_slice %arg4[%multiple_of3A] : memref<51200000xf32, #tpu.memory_space<hbm>> -> memref<32000xf32, #tpu.memory_space<hbm>>
        tpu.enqueue_dma source(%arg5 : memref<32000xf32, #tpu.memory_space<vmem>>) target(%dma_start3A_86 : memref<32000xf32, #tpu.memory_space<hbm>>) target_semaphore(%run_scoped3A : memref<!tpu.dma_semaphore, #tpu.memory_space<semaphore_mem>>)
        %dma_wait3A = tpu.memref_slice %arg4[%multiple_of3A] : memref<51200000xf32, #tpu.memory_space<hbm>> -> memref<32000xf32, #tpu.memory_space<hbm>>
        %dma_wait3A_87 = tpu.memref_slice %arg4[%multiple_of3A] : memref<51200000xf32, #tpu.memory_space<hbm>> -> memref<32000xf32, #tpu.memory_space<hbm>>
        tpu.wait_dma2 semaphore(%run_scoped3A : memref<!tpu.dma_semaphore, #tpu.memory_space<semaphore_mem>>) src(%arg5 : memref<32000xf32, #tpu.memory_space<vmem>>) dst(%dma_wait3A_87 : memref<32000xf32, #tpu.memory_space<hbm>>)
        tpu.yield
      }) : () -> ()
      %scan3A_78 = arith.constant 0 : i32
      %scan3A_79 = arith.constant 0 : i32
      %scan3A_80 = arith.constant 2000 : i32
      %scan3A_81 = arith.addi %scan3A_79, %scan3A_80 : i32
      %scan3A_82 = arith.constant 1 : i32
      %scan3A_83 = scf.for %scan3A_86 = %scan3A_79 to %scan3A_81 step %scan3A_82 iter_args(%scan3A_87 = %scan3A_78) -> (i32)  : i32 {
        %mul3A_88 = arith.constant 16 : i32
        %mul3A_89 = arith.muli %scan3A_86, %mul3A_88 : i32
        %swap3A = arith.index_cast %mul3A_89 : i32 to index
        %swap3A_90 = tpu.vector_load %arg5[%swap3A] {strides = array<i32>} : memref<32000xf32, #tpu.memory_space<vmem>>, vector<16xf32>,
        tpu.vector_store %arg5[%swap3A], %broadcast_in_dim3A_3 {strides = array<i32>} : memref<32000xf32, #tpu.memory_space<vmem>>, vector<16xf32>,
        %scan3A_91 = arith.constant 0 : i32
        scf.yield %scan3A_91 : i32
      }
      %scan3A_84 = arith.constant 2000 : i32
      %while3A_85 = arith.constant 0 : i32
      scf.yield %while3A_85 : i32
    }
    %while3A_62 = arith.constant 1 : i32
    %while3A_63 = scf.for %while3A_64 = %while3A_59 to %while3A_55 step %while3A_62 iter_args(%while3A_65 = %while3A_61) -> (i32)  : i32 {
      %scan3A_66 = arith.constant 0 : i32
      %scan3A_67 = arith.constant 0 : i32
      %scan3A_68 = arith.constant 2000 : i32
      %scan3A_69 = arith.addi %scan3A_67, %scan3A_68 : i32
      %scan3A_70 = arith.constant 1 : i32
      %scan3A_71 = scf.for %scan3A_86 = %scan3A_67 to %scan3A_69 step %scan3A_70 iter_args(%scan3A_87 = %scan3A_66) -> (i32)  : i32 {
        %mul3A_88 = arith.constant 16 : i32
        %mul3A_89 = arith.muli %scan3A_86, %mul3A_88 : i32
        %get3A = arith.index_cast %mul3A_89 : i32 to index
        %get3A_90 = tpu.vector_load %arg5[%get3A] {strides = array<i32>} : memref<32000xf32, #tpu.memory_space<vmem>>, vector<16xf32>,
        %eq3A = arith.constant 0xFF800000 : f32
        %eq3A_91 = vector.broadcast %eq3A : f32 to vector<16xf32>
        %eq3A_92 = arith.cmpf oeq, %get3A_90, %eq3A_91 : vector<16xf32>
        %jit3A_93 = arith.constant 0.000000e+00 : f32
        %broadcast_in_dim3A_94 = vector.broadcast %jit3A_93 : f32 to vector<16xf32>
        %select_n3A_95 = arith.select %eq3A_92, %broadcast_in_dim3A_94, %get3A_90 : vector<16xi1>, vector<16xf32>
        %mul3A_96 = arith.constant 16 : i32
        %mul3A_97 = arith.muli %scan3A_86, %mul3A_96 : i32
        %swap3A = arith.index_cast %mul3A_97 : i32 to index
        %swap3A_98 = tpu.vector_load %arg5[%swap3A] {strides = array<i32>} : memref<32000xf32, #tpu.memory_space<vmem>>, vector<16xf32>,
        tpu.vector_store %arg5[%swap3A], %select_n3A_95 {strides = array<i32>} : memref<32000xf32, #tpu.memory_space<vmem>>, vector<16xf32>,
        %scan3A_99 = arith.constant 0 : i32
        scf.yield %scan3A_99 : i32
      }
      %scan3A_72 = arith.constant 2000 : i32
      %mul3A_73 = arith.constant 500 : i32
      %mul3A_74 = arith.muli %while3A_64, %mul3A_73 : i32
      %add3A_75 = arith.addi %mul3A_2, %mul3A_74 : i32
      %mul3A_76 = arith.constant 64 : i32
      %mul3A_77 = arith.muli %add3A_75, %mul3A_76 : i32
      %multiple_of3A = tpu.assume_multiple %mul3A_77, 8 : i32
      "tpu.region"() ({
        %run_scoped3A = tpu.sem_alloc : memref<!tpu.dma_semaphore, #tpu.memory_space<semaphore_mem>>
        %dma_start3A = tpu.memref_slice %arg4[%multiple_of3A] : memref<51200000xf32, #tpu.memory_space<hbm>> -> memref<32000xf32, #tpu.memory_space<hbm>>
        %dma_start3A_86 = tpu.memref_slice %arg4[%multiple_of3A] : memref<51200000xf32, #tpu.memory_space<hbm>> -> memref<32000xf32, #tpu.memory_space<hbm>>
        tpu.enqueue_dma source(%arg5 : memref<32000xf32, #tpu.memory_space<vmem>>) target(%dma_start3A_86 : memref<32000xf32, #tpu.memory_space<hbm>>) target_semaphore(%run_scoped3A : memref<!tpu.dma_semaphore, #tpu.memory_space<semaphore_mem>>)
        %dma_wait3A = tpu.memref_slice %arg4[%multiple_of3A] : memref<51200000xf32, #tpu.memory_space<hbm>> -> memref<32000xf32, #tpu.memory_space<hbm>>
        %dma_wait3A_87 = tpu.memref_slice %arg4[%multiple_of3A] : memref<51200000xf32, #tpu.memory_space<hbm>> -> memref<32000xf32, #tpu.memory_space<hbm>>
        tpu.wait_dma2 semaphore(%run_scoped3A : memref<!tpu.dma_semaphore, #tpu.memory_space<semaphore_mem>>) src(%arg5 : memref<32000xf32, #tpu.memory_space<vmem>>) dst(%dma_wait3A_87 : memref<32000xf32, #tpu.memory_space<hbm>>)
        tpu.yield
      }) : () -> ()
      %scan3A_78 = arith.constant 0 : i32
      %scan3A_79 = arith.constant 0 : i32
      %scan3A_80 = arith.constant 2000 : i32
      %scan3A_81 = arith.addi %scan3A_79, %scan3A_80 : i32
      %scan3A_82 = arith.constant 1 : i32
      %scan3A_83 = scf.for %scan3A_86 = %scan3A_79 to %scan3A_81 step %scan3A_82 iter_args(%scan3A_87 = %scan3A_78) -> (i32)  : i32 {
        %mul3A_88 = arith.constant 16 : i32
        %mul3A_89 = arith.muli %scan3A_86, %mul3A_88 : i32
        %swap3A = arith.index_cast %mul3A_89 : i32 to index
        %swap3A_90 = tpu.vector_load %arg5[%swap3A] {strides = array<i32>} : memref<32000xf32, #tpu.memory_space<vmem>>, vector<16xf32>,
        tpu.vector_store %arg5[%swap3A], %broadcast_in_dim3A_3 {strides = array<i32>} : memref<32000xf32, #tpu.memory_space<vmem>>, vector<16xf32>,
        %scan3A_91 = arith.constant 0 : i32
        scf.yield %scan3A_91 : i32
      }
      %scan3A_84 = arith.constant 2000 : i32
      %while3A_85 = arith.constant 0 : i32
      scf.yield %while3A_85 : i32
    }
    return
  }
}

#map = affine_map<(d0, d1) -> (0, 0)>
#map1 = affine_map<(d0, d1) -> (0)>
module attributes {stable_mosaic.version = 14 : i64} {
  func.func @_scatter_max_body(%arg0: i32, %arg1: i32, %arg2: memref<400128x128xf32, #tpu.memory_space<hbm>>, %arg3: memref<800000xi32, #tpu.memory_space<hbm>>, %arg4: memref<3201024xf32, #tpu.memory_space<hbm>>, %arg5: memref<100032xf32, #tpu.memory_space<vmem>>, %arg6: memref<2000xi32, #tpu.memory_space<vmem>>, %arg7: memref<2096xi32, #tpu.memory_space<vmem>>, %arg8: memref<2096xi32, #tpu.memory_space<vmem>>, %arg9: memref<64xi32, #tpu.memory_space<vmem>>, %arg10: memref<64x128xf32, #tpu.memory_space<vmem>>, %arg11: memref<!tpu.dma_semaphore, #tpu.memory_space<semaphore_mem>>) attributes {dimension_semantics = [#tpu.dimension_semantics<core_parallel>, #tpu.dimension_semantics<subcore_parallel>], iteration_bounds = array<i64: 2, 16>, scalar_prefetch = 0 : i64, scratch_operands = 7 : i64, tpu.core_type = #tpu.core_type<sc_vector_subcore>, window_params = [{transform_indices = #map}, {transform_indices = #map1}, {transform_indices = #map1}]} {
    %mul3A = arith.constant 2 : i32
    %mul3A_0 = arith.muli %arg1, %mul3A : i32
    %add3A = arith.addi %mul3A_0, %arg0 : i32
    %mul3A_1 = arith.constant 1563 : i32
    %mul3A_2 = arith.muli %add3A, %mul3A_1 : i32
    %iota3A = tpu.iota {dimensions = array<i32: 0>} : vector<16xi32>
    %broadcast_in_dim3A = arith.constant 0xFF800000 : f32
    %broadcast_in_dim3A_3 = vector.broadcast %broadcast_in_dim3A : f32 to vector<16xf32>
    %scan3A = arith.constant 0 : i32
    %scan3A_4 = arith.constant 0 : i32
    %scan3A_5 = arith.constant 6252 : i32
    %scan3A_6 = arith.addi %scan3A_4, %scan3A_5 : i32
    %scan3A_7 = arith.constant 1 : i32
    %scan3A_8 = scf.for %scan3A_26 = %scan3A_4 to %scan3A_6 step %scan3A_7 iter_args(%scan3A_27 = %scan3A) -> (i32)  : i32 {
      %mul3A_28 = arith.constant 16 : i32
      %mul3A_29 = arith.muli %scan3A_26, %mul3A_28 : i32
      %swap3A = arith.index_cast %mul3A_29 : i32 to index
      %swap3A_30 = tpu.vector_load %arg5[%swap3A] {strides = array<i32>} : memref<100032xf32, #tpu.memory_space<vmem>>, vector<16xf32>,
      tpu.vector_store %arg5[%swap3A], %broadcast_in_dim3A_3 {strides = array<i32>} : memref<100032xf32, #tpu.memory_space<vmem>>, vector<16xf32>,
      %scan3A_31 = arith.constant 0 : i32
      scf.yield %scan3A_31 : i32
    }
    %scan3A_9 = arith.constant 6252 : i32
    %scan3A_10 = arith.constant 0 : i32
    %scan3A_11 = arith.constant 0 : i32
    %scan3A_12 = arith.constant 400 : i32
    %scan3A_13 = arith.addi %scan3A_11, %scan3A_12 : i32
    %scan3A_14 = arith.constant 1 : i32
    %scan3A_15 = scf.for %scan3A_26 = %scan3A_11 to %scan3A_13 step %scan3A_14 iter_args(%scan3A_27 = %scan3A_10) -> (i32)  : i32 {
      %mul3A_28 = arith.constant 2000 : i32
      %mul3A_29 = arith.muli %scan3A_26, %mul3A_28 : i32
      %multiple_of3A_30 = tpu.assume_multiple %mul3A_29, 8 : i32
      "tpu.region"() ({
        %run_scoped3A = tpu.sem_alloc : memref<!tpu.dma_semaphore, #tpu.memory_space<semaphore_mem>>
        %dma_start3A = tpu.memref_slice %arg3[%multiple_of3A_30] : memref<800000xi32, #tpu.memory_space<hbm>> -> memref<2000xi32, #tpu.memory_space<hbm>>
        %dma_start3A_109 = tpu.memref_slice %arg3[%multiple_of3A_30] : memref<800000xi32, #tpu.memory_space<hbm>> -> memref<2000xi32, #tpu.memory_space<hbm>>
        tpu.enqueue_dma source(%dma_start3A_109 : memref<2000xi32, #tpu.memory_space<hbm>>) target(%arg6 : memref<2000xi32, #tpu.memory_space<vmem>>) target_semaphore(%run_scoped3A : memref<!tpu.dma_semaphore, #tpu.memory_space<semaphore_mem>>)
        %dma_wait3A = tpu.memref_slice %arg3[%multiple_of3A_30] : memref<800000xi32, #tpu.memory_space<hbm>> -> memref<2000xi32, #tpu.memory_space<hbm>>
        %dma_wait3A_110 = tpu.memref_slice %arg3[%multiple_of3A_30] : memref<800000xi32, #tpu.memory_space<hbm>> -> memref<2000xi32, #tpu.memory_space<hbm>>
        tpu.wait_dma2 semaphore(%run_scoped3A : memref<!tpu.dma_semaphore, #tpu.memory_space<semaphore_mem>>) src(%dma_wait3A_110 : memref<2000xi32, #tpu.memory_space<hbm>>) dst(%arg6 : memref<2000xi32, #tpu.memory_space<vmem>>)
        tpu.yield
      }) : () -> ()
      %scan3A_31 = arith.constant 0 : i32
      %scan3A_32 = arith.constant 0 : i32
      %scan3A_33 = arith.constant 125 : i32
      %scan3A_34 = arith.addi %scan3A_32, %scan3A_33 : i32
      %scan3A_35 = arith.constant 1 : i32
      %scan3A_36 = scf.for %scan3A_109 = %scan3A_32 to %scan3A_34 step %scan3A_35 iter_args(%scan3A_110 = %scan3A_31) -> (i32)  : i32 {
        %mul3A_111 = arith.constant 16 : i32
        %mul3A_112 = arith.muli %scan3A_109, %mul3A_111 : i32
        %get3A_113 = arith.index_cast %mul3A_112 : i32 to index
        %get3A_114 = tpu.vector_load %arg6[%get3A_113] {strides = array<i32>} : memref<2000xi32, #tpu.memory_space<vmem>>, vector<16xi32>,
        %ge3A = vector.broadcast %mul3A_2 : i32 to vector<16xi32>
        %ge3A_115 = arith.cmpi sge, %get3A_114, %ge3A : vector<16xi32>
        %add3A_116 = arith.constant 1563 : i32
        %add3A_117 = arith.addi %mul3A_2, %add3A_116 : i32
        %lt3A_118 = vector.broadcast %add3A_117 : i32 to vector<16xi32>
        %lt3A_119 = arith.cmpi slt, %get3A_114, %lt3A_118 : vector<16xi32>
        %and3A_120 = arith.andi %ge3A_115, %lt3A_119 : vector<16xi1>
        %convert_element_type3A = arith.extui %and3A_120 : vector<16xi1> to vector<16xi32>
        %reduce_sum3A = arith.constant true
        %reduce_sum3A_121 = vector.broadcast %reduce_sum3A : i1 to vector<16xi1>
        %reduce_sum3A_122 = tpu.scan <sum>, %convert_element_type3A masked %reduce_sum3A_121 : vector<16xi32>, vector<16xi1> -> vector<16xi32>
        %reduce_sum3A_123 = vector.extract %reduce_sum3A_122[15] : i32 from vector<16xi32>
        %mul3A_124 = arith.constant 2000 : i32
        %mul3A_125 = arith.muli %scan3A_26, %mul3A_124 : i32
        %mul3A_126 = arith.constant 16 : i32
        %mul3A_127 = arith.muli %scan3A_109, %mul3A_126 : i32
        %add3A_128 = arith.addi %mul3A_125, %mul3A_127 : i32
        %add3A_129 = vector.broadcast %add3A_128 : i32 to vector<16xi32>
        %add3A_130 = arith.addi %add3A_129, %iota3A : vector<16xi32>
        %shift_right_arithmetic3A = arith.constant 1 : i32
        %shift_right_arithmetic3A_131 = vector.broadcast %shift_right_arithmetic3A : i32 to vector<16xi32>
        %shift_right_arithmetic3A_132 = arith.shrsi %add3A_130, %shift_right_arithmetic3A_131 : vector<16xi32>
        %swap3A_133 = arith.index_cast %scan3A_110 : i32 to index
        %swap3A_134 = tpu.vector_load %arg7[%swap3A_133] masked %and3A_120 {strides = array<i32>} : memref<2096xi32, #tpu.memory_space<vmem>>, vector<16xi32>, vector<16xi1>
        tpu.vector_store %arg7[%swap3A_133], %shift_right_arithmetic3A_132 masked %and3A_120 {strides = array<i32>} : memref<2096xi32, #tpu.memory_space<vmem>>, vector<16xi32>, vector<16xi1>
        %sub3A_135 = vector.broadcast %mul3A_2 : i32 to vector<16xi32>
        %sub3A_136 = arith.subi %get3A_114, %sub3A_135 : vector<16xi32>
        %shift_left3A = arith.constant 1 : i32
        %shift_left3A_137 = vector.broadcast %shift_left3A : i32 to vector<16xi32>
        %shift_left3A_138 = arith.shli %sub3A_136, %shift_left3A_137 : vector<16xi32>
        %and3A_139 = arith.constant 1 : i32
        %and3A_140 = vector.broadcast %and3A_139 : i32 to vector<16xi32>
        %and3A_141 = arith.andi %add3A_130, %and3A_140 : vector<16xi32>
        %or3A = arith.ori %shift_left3A_138, %and3A_141 : vector<16xi32>
        %swap3A_142 = arith.index_cast %scan3A_110 : i32 to index
        %swap3A_143 = tpu.vector_load %arg8[%swap3A_142] masked %and3A_120 {strides = array<i32>} : memref<2096xi32, #tpu.memory_space<vmem>>, vector<16xi32>, vector<16xi1>
        tpu.vector_store %arg8[%swap3A_142], %or3A masked %and3A_120 {strides = array<i32>} : memref<2096xi32, #tpu.memory_space<vmem>>, vector<16xi32>, vector<16xi1>
        %add3A_144 = arith.addi %scan3A_110, %reduce_sum3A_123 : i32
        scf.yield %add3A_144 : i32
      }
      %scan3A_37 = arith.constant 125 : i32
      %and3A = arith.constant -16 : i32
      %and3A_38 = arith.andi %scan3A_36, %and3A : i32
      %get3A = arith.index_cast %and3A_38 : i32 to index
      %get3A_39 = tpu.vector_load %arg7[%get3A] {strides = array<i32>} : memref<2096xi32, #tpu.memory_space<vmem>>, vector<16xi32>,
      %sub3A = arith.subi %scan3A_36, %and3A_38 : i32
      %lt3A = vector.broadcast %sub3A : i32 to vector<16xi32>
      %lt3A_40 = arith.cmpi slt, %iota3A, %lt3A : vector<16xi32>
      %jit3A = arith.constant 0 : i32
      %broadcast_in_dim3A_41 = vector.broadcast %jit3A : i32 to vector<16xi32>
      %select_n3A = arith.select %lt3A_40, %get3A_39, %broadcast_in_dim3A_41 : vector<16xi1>, vector<16xi32>
      %swap3A = arith.index_cast %and3A_38 : i32 to index
      %swap3A_42 = tpu.vector_load %arg7[%swap3A] {strides = array<i32>} : memref<2096xi32, #tpu.memory_space<vmem>>, vector<16xi32>,
      tpu.vector_store %arg7[%swap3A], %select_n3A {strides = array<i32>} : memref<2096xi32, #tpu.memory_space<vmem>>, vector<16xi32>,
      %broadcast_in_dim3A_43 = arith.constant 0 : i32
      %broadcast_in_dim3A_44 = vector.broadcast %broadcast_in_dim3A_43 : i32 to vector<16xi32>
      %add3A_45 = arith.constant 16 : i32
      %add3A_46 = arith.addi %and3A_38, %add3A_45 : i32
      %swap3A_47 = arith.index_cast %add3A_46 : i32 to index
      %swap3A_48 = tpu.vector_load %arg7[%swap3A_47] {strides = array<i32>} : memref<2096xi32, #tpu.memory_space<vmem>>, vector<16xi32>,
      tpu.vector_store %arg7[%swap3A_47], %broadcast_in_dim3A_44 {strides = array<i32>} : memref<2096xi32, #tpu.memory_space<vmem>>, vector<16xi32>,
      %broadcast_in_dim3A_49 = arith.constant 0 : i32
      %broadcast_in_dim3A_50 = vector.broadcast %broadcast_in_dim3A_49 : i32 to vector<16xi32>
      %add3A_51 = arith.constant 32 : i32
      %add3A_52 = arith.addi %and3A_38, %add3A_51 : i32
      %swap3A_53 = arith.index_cast %add3A_52 : i32 to index
      %swap3A_54 = tpu.vector_load %arg7[%swap3A_53] {strides = array<i32>} : memref<2096xi32, #tpu.memory_space<vmem>>, vector<16xi32>,
      tpu.vector_store %arg7[%swap3A_53], %broadcast_in_dim3A_50 {strides = array<i32>} : memref<2096xi32, #tpu.memory_space<vmem>>, vector<16xi32>,
      %broadcast_in_dim3A_55 = arith.constant 0 : i32
      %broadcast_in_dim3A_56 = vector.broadcast %broadcast_in_dim3A_55 : i32 to vector<16xi32>
      %add3A_57 = arith.constant 48 : i32
      %add3A_58 = arith.addi %and3A_38, %add3A_57 : i32
      %swap3A_59 = arith.index_cast %add3A_58 : i32 to index
      %swap3A_60 = tpu.vector_load %arg7[%swap3A_59] {strides = array<i32>} : memref<2096xi32, #tpu.memory_space<vmem>>, vector<16xi32>,
      tpu.vector_store %arg7[%swap3A_59], %broadcast_in_dim3A_56 {strides = array<i32>} : memref<2096xi32, #tpu.memory_space<vmem>>, vector<16xi32>,
      %broadcast_in_dim3A_61 = arith.constant 0 : i32
      %broadcast_in_dim3A_62 = vector.broadcast %broadcast_in_dim3A_61 : i32 to vector<16xi32>
      %add3A_63 = arith.constant 64 : i32
      %add3A_64 = arith.addi %and3A_38, %add3A_63 : i32
      %swap3A_65 = arith.index_cast %add3A_64 : i32 to index
      %swap3A_66 = tpu.vector_load %arg7[%swap3A_65] {strides = array<i32>} : memref<2096xi32, #tpu.memory_space<vmem>>, vector<16xi32>,
      tpu.vector_store %arg7[%swap3A_65], %broadcast_in_dim3A_62 {strides = array<i32>} : memref<2096xi32, #tpu.memory_space<vmem>>, vector<16xi32>,
      %broadcast_in_dim3A_67 = arith.constant 0 : i32
      %broadcast_in_dim3A_68 = vector.broadcast %broadcast_in_dim3A_67 : i32 to vector<16xi32>
      %add3A_69 = arith.constant 80 : i32
      %add3A_70 = arith.addi %and3A_38, %add3A_69 : i32
      %swap3A_71 = arith.index_cast %add3A_70 : i32 to index
      %swap3A_72 = tpu.vector_load %arg7[%swap3A_71] {strides = array<i32>} : memref<2096xi32, #tpu.memory_space<vmem>>, vector<16xi32>,
      tpu.vector_store %arg7[%swap3A_71], %broadcast_in_dim3A_68 {strides = array<i32>} : memref<2096xi32, #tpu.memory_space<vmem>>, vector<16xi32>,
      %add3A_73 = arith.constant 64 : i32
      %add3A_74 = arith.addi %scan3A_36, %add3A_73 : i32
      %sub3A_75 = arith.constant 1 : i32
      %sub3A_76 = arith.subi %add3A_74, %sub3A_75 : i32
      %jit3A_77 = arith.constant 64 : i32
      %div3A = arith.divsi %sub3A_76, %jit3A_77 : i32
      %sign3A = arith.constant 0 : i32
      %sign3A_78 = arith.cmpi sgt, %sub3A_76, %sign3A : i32
      %sign3A_79 = arith.extui %sign3A_78 : i1 to i32
      %sign3A_80 = arith.constant 0 : i32
      %sign3A_81 = arith.cmpi slt, %sub3A_76, %sign3A_80 : i32
      %sign3A_82 = arith.extui %sign3A_81 : i1 to i32
      %sign3A_83 = arith.subi %sign3A_79, %sign3A_82 : i32
      %sign3A_84 = arith.constant 0 : i32
      %sign3A_85 = arith.cmpi sgt, %jit3A_77, %sign3A_84 : i32
      %sign3A_86 = arith.extui %sign3A_85 : i1 to i32
      %sign3A_87 = arith.constant 0 : i32
      %sign3A_88 = arith.cmpi slt, %jit3A_77, %sign3A_87 : i32
      %sign3A_89 = arith.extui %sign3A_88 : i1 to i32
      %sign3A_90 = arith.subi %sign3A_86, %sign3A_89 : i32
      %ne3A = arith.cmpi ne, %sign3A_83, %sign3A_90 : i32
      %rem3A = arith.remsi %sub3A_76, %jit3A_77 : i32
      %ne3A_91 = arith.constant 0 : i32
      %ne3A_92 = arith.cmpi ne, %rem3A, %ne3A_91 : i32
      %and3A_93 = arith.andi %ne3A, %ne3A_92 : i1
      %sub3A_94 = arith.constant 1 : i32
      %sub3A_95 = arith.subi %div3A, %sub3A_94 : i32
      %select_n3A_96 = arith.select %and3A_93, %sub3A_95, %div3A : i32
      %while3A = arith.constant 0 : i32
      %while3A_97 = arith.constant 0 : i32
      %while3A_98 = arith.subi %select_n3A_96, %while3A : i32
      %while3A_99 = arith.addi %while3A, %while3A_98 : i32
      %while3A_100 = arith.constant 1 : i32
      %while3A_101 = arith.divsi %while3A_98, %while3A_100 : i32
      %while3A_102 = arith.muli %while3A_101, %while3A_100 : i32
      %while3A_103 = arith.addi %while3A, %while3A_102 : i32
      %while3A_104 = arith.constant 1 : i32
      %while3A_105 = scf.for %while3A_109 = %while3A to %while3A_103 step %while3A_104 iter_args(%while3A_110 = %while3A_97) -> (i32)  : i32 {
        %mul3A_111 = arith.constant 64 : i32
        %mul3A_112 = arith.muli %while3A_109, %mul3A_111 : i32
        %add3A_113 = arith.constant 0 : i32
        %add3A_114 = arith.addi %mul3A_112, %add3A_113 : i32
        %get3A_115 = arith.index_cast %add3A_114 : i32 to index
        %get3A_116 = tpu.vector_load %arg7[%get3A_115] {strides = array<i32>} : memref<2096xi32, #tpu.memory_space<vmem>>, vector<16xi32>,
        %swap3A_117 = arith.constant 0 : index
        %swap3A_118 = tpu.vector_load %arg9[%swap3A_117] {strides = array<i32>} : memref<64xi32, #tpu.memory_space<vmem>>, vector<16xi32>,
        tpu.vector_store %arg9[%swap3A_117], %get3A_116 {strides = array<i32>} : memref<64xi32, #tpu.memory_space<vmem>>, vector<16xi32>,
        %mul3A_119 = arith.constant 64 : i32
        %mul3A_120 = arith.muli %while3A_109, %mul3A_119 : i32
        %add3A_121 = arith.constant 16 : i32
        %add3A_122 = arith.addi %mul3A_120, %add3A_121 : i32
        %get3A_123 = arith.index_cast %add3A_122 : i32 to index
        %get3A_124 = tpu.vector_load %arg7[%get3A_123] {strides = array<i32>} : memref<2096xi32, #tpu.memory_space<vmem>>, vector<16xi32>,
        %swap3A_125 = arith.constant 16 : index
        %swap3A_126 = tpu.vector_load %arg9[%swap3A_125] {strides = array<i32>} : memref<64xi32, #tpu.memory_space<vmem>>, vector<16xi32>,
        tpu.vector_store %arg9[%swap3A_125], %get3A_124 {strides = array<i32>} : memref<64xi32, #tpu.memory_space<vmem>>, vector<16xi32>,
        %mul3A_127 = arith.constant 64 : i32
        %mul3A_128 = arith.muli %while3A_109, %mul3A_127 : i32
        %add3A_129 = arith.constant 32 : i32
        %add3A_130 = arith.addi %mul3A_128, %add3A_129 : i32
        %get3A_131 = arith.index_cast %add3A_130 : i32 to index
        %get3A_132 = tpu.vector_load %arg7[%get3A_131] {strides = array<i32>} : memref<2096xi32, #tpu.memory_space<vmem>>, vector<16xi32>,
        %swap3A_133 = arith.constant 32 : index
        %swap3A_134 = tpu.vector_load %arg9[%swap3A_133] {strides = array<i32>} : memref<64xi32, #tpu.memory_space<vmem>>, vector<16xi32>,
        tpu.vector_store %arg9[%swap3A_133], %get3A_132 {strides = array<i32>} : memref<64xi32, #tpu.memory_space<vmem>>, vector<16xi32>,
        %mul3A_135 = arith.constant 64 : i32
        %mul3A_136 = arith.muli %while3A_109, %mul3A_135 : i32
        %add3A_137 = arith.constant 48 : i32
        %add3A_138 = arith.addi %mul3A_136, %add3A_137 : i32
        %get3A_139 = arith.index_cast %add3A_138 : i32 to index
        %get3A_140 = tpu.vector_load %arg7[%get3A_139] {strides = array<i32>} : memref<2096xi32, #tpu.memory_space<vmem>>, vector<16xi32>,
        %swap3A_141 = arith.constant 48 : index
        %swap3A_142 = tpu.vector_load %arg9[%swap3A_141] {strides = array<i32>} : memref<64xi32, #tpu.memory_space<vmem>>, vector<16xi32>,
        tpu.vector_store %arg9[%swap3A_141], %get3A_140 {strides = array<i32>} : memref<64xi32, #tpu.memory_space<vmem>>, vector<16xi32>,
        %dma_start3A = arith.constant 0 : i32
        %dma_start3A_143 = arith.constant 0 : i32
        %dma_start3A_144 = tpu.memref_slice %arg2[%dma_start3A, %dma_start3A_143] : memref<400128x128xf32, #tpu.memory_space<hbm>> -> memref<400128x128xf32, #tpu.memory_space<hbm>>
        tpu.enqueue_indirect_dma source(%dma_start3A_144 : memref<400128x128xf32, #tpu.memory_space<hbm>>) target(%arg10 : memref<64x128xf32, #tpu.memory_space<vmem>>) offsets(%arg9 : memref<64xi32, #tpu.memory_space<vmem>>) semaphore(%arg11 : memref<!tpu.dma_semaphore, #tpu.memory_space<semaphore_mem>>)
        %dma_wait3A = arith.constant 0 : i32
        %dma_wait3A_145 = arith.constant 0 : i32
        %dma_wait3A_146 = tpu.memref_slice %arg2[%dma_wait3A, %dma_wait3A_145] : memref<400128x128xf32, #tpu.memory_space<hbm>> -> memref<400128x128xf32, #tpu.memory_space<hbm>>
        tpu.wait_indirect_dma semaphore(%arg11 : memref<!tpu.dma_semaphore, #tpu.memory_space<semaphore_mem>>) src(%dma_wait3A_146 : memref<400128x128xf32, #tpu.memory_space<hbm>>) dst(%arg10 : memref<64x128xf32, #tpu.memory_space<vmem>>)
        %mul3A_147 = arith.constant 64 : i32
        %mul3A_148 = arith.muli %while3A_109, %mul3A_147 : i32
        %add3A_149 = arith.constant 64 : i32
        %add3A_150 = arith.addi %mul3A_148, %add3A_149 : i32
        %min3A = arith.minsi %scan3A_36, %add3A_150 : i32
        %while3A_151 = arith.constant 0 : i32
        %while3A_152 = arith.subi %min3A, %mul3A_148 : i32
        %while3A_153 = arith.addi %mul3A_148, %while3A_152 : i32
        %while3A_154 = arith.constant 1 : i32
        %while3A_155 = arith.divsi %while3A_152, %while3A_154 : i32
        %while3A_156 = arith.muli %while3A_155, %while3A_154 : i32
        %while3A_157 = arith.addi %mul3A_148, %while3A_156 : i32
        %while3A_158 = arith.constant 1 : i32
        %while3A_159 = scf.for %while3A_163 = %mul3A_148 to %while3A_157 step %while3A_158 iter_args(%while3A_164 = %while3A_151) -> (i32)  : i32 {
          %get3A_165 = arith.index_cast %while3A_163 : i32 to index
          %get3A_166 = tpu.vector_load %arg8[%get3A_165] {strides = array<i32>} : memref<2096xi32, #tpu.memory_space<vmem>>, vector<16xi32>,
          %slice3A = vector.extract_strided_slice %get3A_166 {offsets = [0], sizes = [1], strides = [1]} : vector<16xi32> to vector<1xi32>
          %squeeze3A = vector.extract %slice3A[0] : i32 from vector<1xi32>
          %shift_right_arithmetic3A = arith.constant 1 : i32
          %shift_right_arithmetic3A_167 = arith.shrsi %squeeze3A, %shift_right_arithmetic3A : i32
          %and3A_168 = arith.constant 1 : i32
          %and3A_169 = arith.andi %squeeze3A, %and3A_168 : i32
          %sub3A_170 = arith.subi %while3A_163, %mul3A_148 : i32
          %mul3A_171 = arith.constant 64 : i32
          %mul3A_172 = arith.muli %shift_right_arithmetic3A_167, %mul3A_171 : i32
          %add3A_173 = arith.constant 0 : i32
          %add3A_174 = arith.addi %mul3A_172, %add3A_173 : i32
          %get3A_175 = arith.index_cast %add3A_174 : i32 to index
          %get3A_176 = tpu.vector_load %arg5[%get3A_175] {strides = array<i32>} : memref<100032xf32, #tpu.memory_space<vmem>>, vector<16xf32>,
          %mul3A_177 = arith.constant 64 : i32
          %mul3A_178 = arith.muli %and3A_169, %mul3A_177 : i32
          %add3A_179 = arith.constant 0 : i32
          %add3A_180 = arith.addi %mul3A_178, %add3A_179 : i32
          %get3A_181 = arith.index_cast %sub3A_170 : i32 to index
          %get3A_182 = arith.index_cast %add3A_180 : i32 to index
          %get3A_183 = tpu.vector_load %arg10[%get3A_181, %get3A_182] {strides = array<i32>} : memref<64x128xf32, #tpu.memory_space<vmem>>, vector<16xf32>,
          %max3A = arith.maximumf %get3A_176, %get3A_183 : vector<16xf32>
          %mul3A_184 = arith.constant 64 : i32
          %mul3A_185 = arith.muli %shift_right_arithmetic3A_167, %mul3A_184 : i32
          %add3A_186 = arith.constant 0 : i32
          %add3A_187 = arith.addi %mul3A_185, %add3A_186 : i32
          %swap3A_188 = arith.index_cast %add3A_187 : i32 to index
          %swap3A_189 = tpu.vector_load %arg5[%swap3A_188] {strides = array<i32>} : memref<100032xf32, #tpu.memory_space<vmem>>, vector<16xf32>,
          tpu.vector_store %arg5[%swap3A_188], %max3A {strides = array<i32>} : memref<100032xf32, #tpu.memory_space<vmem>>, vector<16xf32>,
          %mul3A_190 = arith.constant 64 : i32
          %mul3A_191 = arith.muli %shift_right_arithmetic3A_167, %mul3A_190 : i32
          %add3A_192 = arith.constant 16 : i32
          %add3A_193 = arith.addi %mul3A_191, %add3A_192 : i32
          %get3A_194 = arith.index_cast %add3A_193 : i32 to index
          %get3A_195 = tpu.vector_load %arg5[%get3A_194] {strides = array<i32>} : memref<100032xf32, #tpu.memory_space<vmem>>, vector<16xf32>,
          %mul3A_196 = arith.constant 64 : i32
          %mul3A_197 = arith.muli %and3A_169, %mul3A_196 : i32
          %add3A_198 = arith.constant 16 : i32
          %add3A_199 = arith.addi %mul3A_197, %add3A_198 : i32
          %get3A_200 = arith.index_cast %sub3A_170 : i32 to index
          %get3A_201 = arith.index_cast %add3A_199 : i32 to index
          %get3A_202 = tpu.vector_load %arg10[%get3A_200, %get3A_201] {strides = array<i32>} : memref<64x128xf32, #tpu.memory_space<vmem>>, vector<16xf32>,
          %max3A_203 = arith.maximumf %get3A_195, %get3A_202 : vector<16xf32>
          %mul3A_204 = arith.constant 64 : i32
          %mul3A_205 = arith.muli %shift_right_arithmetic3A_167, %mul3A_204 : i32
          %add3A_206 = arith.constant 16 : i32
          %add3A_207 = arith.addi %mul3A_205, %add3A_206 : i32
          %swap3A_208 = arith.index_cast %add3A_207 : i32 to index
          %swap3A_209 = tpu.vector_load %arg5[%swap3A_208] {strides = array<i32>} : memref<100032xf32, #tpu.memory_space<vmem>>, vector<16xf32>,
          tpu.vector_store %arg5[%swap3A_208], %max3A_203 {strides = array<i32>} : memref<100032xf32, #tpu.memory_space<vmem>>, vector<16xf32>,
          %mul3A_210 = arith.constant 64 : i32
          %mul3A_211 = arith.muli %shift_right_arithmetic3A_167, %mul3A_210 : i32
          %add3A_212 = arith.constant 32 : i32
          %add3A_213 = arith.addi %mul3A_211, %add3A_212 : i32
          %get3A_214 = arith.index_cast %add3A_213 : i32 to index
          %get3A_215 = tpu.vector_load %arg5[%get3A_214] {strides = array<i32>} : memref<100032xf32, #tpu.memory_space<vmem>>, vector<16xf32>,
          %mul3A_216 = arith.constant 64 : i32
          %mul3A_217 = arith.muli %and3A_169, %mul3A_216 : i32
          %add3A_218 = arith.constant 32 : i32
          %add3A_219 = arith.addi %mul3A_217, %add3A_218 : i32
          %get3A_220 = arith.index_cast %sub3A_170 : i32 to index
          %get3A_221 = arith.index_cast %add3A_219 : i32 to index
          %get3A_222 = tpu.vector_load %arg10[%get3A_220, %get3A_221] {strides = array<i32>} : memref<64x128xf32, #tpu.memory_space<vmem>>, vector<16xf32>,
          %max3A_223 = arith.maximumf %get3A_215, %get3A_222 : vector<16xf32>
          %mul3A_224 = arith.constant 64 : i32
          %mul3A_225 = arith.muli %shift_right_arithmetic3A_167, %mul3A_224 : i32
          %add3A_226 = arith.constant 32 : i32
          %add3A_227 = arith.addi %mul3A_225, %add3A_226 : i32
          %swap3A_228 = arith.index_cast %add3A_227 : i32 to index
          %swap3A_229 = tpu.vector_load %arg5[%swap3A_228] {strides = array<i32>} : memref<100032xf32, #tpu.memory_space<vmem>>, vector<16xf32>,
          tpu.vector_store %arg5[%swap3A_228], %max3A_223 {strides = array<i32>} : memref<100032xf32, #tpu.memory_space<vmem>>, vector<16xf32>,
          %mul3A_230 = arith.constant 64 : i32
          %mul3A_231 = arith.muli %shift_right_arithmetic3A_167, %mul3A_230 : i32
          %add3A_232 = arith.constant 48 : i32
          %add3A_233 = arith.addi %mul3A_231, %add3A_232 : i32
          %get3A_234 = arith.index_cast %add3A_233 : i32 to index
          %get3A_235 = tpu.vector_load %arg5[%get3A_234] {strides = array<i32>} : memref<100032xf32, #tpu.memory_space<vmem>>, vector<16xf32>,
          %mul3A_236 = arith.constant 64 : i32
          %mul3A_237 = arith.muli %and3A_169, %mul3A_236 : i32
          %add3A_238 = arith.constant 48 : i32
          %add3A_239 = arith.addi %mul3A_237, %add3A_238 : i32
          %get3A_240 = arith.index_cast %sub3A_170 : i32 to index
          %get3A_241 = arith.index_cast %add3A_239 : i32 to index
          %get3A_242 = tpu.vector_load %arg10[%get3A_240, %get3A_241] {strides = array<i32>} : memref<64x128xf32, #tpu.memory_space<vmem>>, vector<16xf32>,
          %max3A_243 = arith.maximumf %get3A_235, %get3A_242 : vector<16xf32>
          %mul3A_244 = arith.constant 64 : i32
          %mul3A_245 = arith.muli %shift_right_arithmetic3A_167, %mul3A_244 : i32
          %add3A_246 = arith.constant 48 : i32
          %add3A_247 = arith.addi %mul3A_245, %add3A_246 : i32
          %swap3A_248 = arith.index_cast %add3A_247 : i32 to index
          %swap3A_249 = tpu.vector_load %arg5[%swap3A_248] {strides = array<i32>} : memref<100032xf32, #tpu.memory_space<vmem>>, vector<16xf32>,
          tpu.vector_store %arg5[%swap3A_248], %max3A_243 {strides = array<i32>} : memref<100032xf32, #tpu.memory_space<vmem>>, vector<16xf32>,
          %while3A_250 = arith.constant 0 : i32
          scf.yield %while3A_250 : i32
        }
        %while3A_160 = arith.constant 1 : i32
        %while3A_161 = scf.for %while3A_163 = %while3A_157 to %while3A_153 step %while3A_160 iter_args(%while3A_164 = %while3A_159) -> (i32)  : i32 {
          %get3A_165 = arith.index_cast %while3A_163 : i32 to index
          %get3A_166 = tpu.vector_load %arg8[%get3A_165] {strides = array<i32>} : memref<2096xi32, #tpu.memory_space<vmem>>, vector<16xi32>,
          %slice3A = vector.extract_strided_slice %get3A_166 {offsets = [0], sizes = [1], strides = [1]} : vector<16xi32> to vector<1xi32>
          %squeeze3A = vector.extract %slice3A[0] : i32 from vector<1xi32>
          %shift_right_arithmetic3A = arith.constant 1 : i32
          %shift_right_arithmetic3A_167 = arith.shrsi %squeeze3A, %shift_right_arithmetic3A : i32
          %and3A_168 = arith.constant 1 : i32
          %and3A_169 = arith.andi %squeeze3A, %and3A_168 : i32
          %sub3A_170 = arith.subi %while3A_163, %mul3A_148 : i32
          %mul3A_171 = arith.constant 64 : i32
          %mul3A_172 = arith.muli %shift_right_arithmetic3A_167, %mul3A_171 : i32
          %add3A_173 = arith.constant 0 : i32
          %add3A_174 = arith.addi %mul3A_172, %add3A_173 : i32
          %get3A_175 = arith.index_cast %add3A_174 : i32 to index
          %get3A_176 = tpu.vector_load %arg5[%get3A_175] {strides = array<i32>} : memref<100032xf32, #tpu.memory_space<vmem>>, vector<16xf32>,
          %mul3A_177 = arith.constant 64 : i32
          %mul3A_178 = arith.muli %and3A_169, %mul3A_177 : i32
          %add3A_179 = arith.constant 0 : i32
          %add3A_180 = arith.addi %mul3A_178, %add3A_179 : i32
          %get3A_181 = arith.index_cast %sub3A_170 : i32 to index
          %get3A_182 = arith.index_cast %add3A_180 : i32 to index
          %get3A_183 = tpu.vector_load %arg10[%get3A_181, %get3A_182] {strides = array<i32>} : memref<64x128xf32, #tpu.memory_space<vmem>>, vector<16xf32>,
          %max3A = arith.maximumf %get3A_176, %get3A_183 : vector<16xf32>
          %mul3A_184 = arith.constant 64 : i32
          %mul3A_185 = arith.muli %shift_right_arithmetic3A_167, %mul3A_184 : i32
          %add3A_186 = arith.constant 0 : i32
          %add3A_187 = arith.addi %mul3A_185, %add3A_186 : i32
          %swap3A_188 = arith.index_cast %add3A_187 : i32 to index
          %swap3A_189 = tpu.vector_load %arg5[%swap3A_188] {strides = array<i32>} : memref<100032xf32, #tpu.memory_space<vmem>>, vector<16xf32>,
          tpu.vector_store %arg5[%swap3A_188], %max3A {strides = array<i32>} : memref<100032xf32, #tpu.memory_space<vmem>>, vector<16xf32>,
          %mul3A_190 = arith.constant 64 : i32
          %mul3A_191 = arith.muli %shift_right_arithmetic3A_167, %mul3A_190 : i32
          %add3A_192 = arith.constant 16 : i32
          %add3A_193 = arith.addi %mul3A_191, %add3A_192 : i32
          %get3A_194 = arith.index_cast %add3A_193 : i32 to index
          %get3A_195 = tpu.vector_load %arg5[%get3A_194] {strides = array<i32>} : memref<100032xf32, #tpu.memory_space<vmem>>, vector<16xf32>,
          %mul3A_196 = arith.constant 64 : i32
          %mul3A_197 = arith.muli %and3A_169, %mul3A_196 : i32
          %add3A_198 = arith.constant 16 : i32
          %add3A_199 = arith.addi %mul3A_197, %add3A_198 : i32
          %get3A_200 = arith.index_cast %sub3A_170 : i32 to index
          %get3A_201 = arith.index_cast %add3A_199 : i32 to index
          %get3A_202 = tpu.vector_load %arg10[%get3A_200, %get3A_201] {strides = array<i32>} : memref<64x128xf32, #tpu.memory_space<vmem>>, vector<16xf32>,
          %max3A_203 = arith.maximumf %get3A_195, %get3A_202 : vector<16xf32>
          %mul3A_204 = arith.constant 64 : i32
          %mul3A_205 = arith.muli %shift_right_arithmetic3A_167, %mul3A_204 : i32
          %add3A_206 = arith.constant 16 : i32
          %add3A_207 = arith.addi %mul3A_205, %add3A_206 : i32
          %swap3A_208 = arith.index_cast %add3A_207 : i32 to index
          %swap3A_209 = tpu.vector_load %arg5[%swap3A_208] {strides = array<i32>} : memref<100032xf32, #tpu.memory_space<vmem>>, vector<16xf32>,
          tpu.vector_store %arg5[%swap3A_208], %max3A_203 {strides = array<i32>} : memref<100032xf32, #tpu.memory_space<vmem>>, vector<16xf32>,
          %mul3A_210 = arith.constant 64 : i32
          %mul3A_211 = arith.muli %shift_right_arithmetic3A_167, %mul3A_210 : i32
          %add3A_212 = arith.constant 32 : i32
          %add3A_213 = arith.addi %mul3A_211, %add3A_212 : i32
          %get3A_214 = arith.index_cast %add3A_213 : i32 to index
          %get3A_215 = tpu.vector_load %arg5[%get3A_214] {strides = array<i32>} : memref<100032xf32, #tpu.memory_space<vmem>>, vector<16xf32>,
          %mul3A_216 = arith.constant 64 : i32
          %mul3A_217 = arith.muli %and3A_169, %mul3A_216 : i32
          %add3A_218 = arith.constant 32 : i32
          %add3A_219 = arith.addi %mul3A_217, %add3A_218 : i32
          %get3A_220 = arith.index_cast %sub3A_170 : i32 to index
          %get3A_221 = arith.index_cast %add3A_219 : i32 to index
          %get3A_222 = tpu.vector_load %arg10[%get3A_220, %get3A_221] {strides = array<i32>} : memref<64x128xf32, #tpu.memory_space<vmem>>, vector<16xf32>,
          %max3A_223 = arith.maximumf %get3A_215, %get3A_222 : vector<16xf32>
          %mul3A_224 = arith.constant 64 : i32
          %mul3A_225 = arith.muli %shift_right_arithmetic3A_167, %mul3A_224 : i32
          %add3A_226 = arith.constant 32 : i32
          %add3A_227 = arith.addi %mul3A_225, %add3A_226 : i32
          %swap3A_228 = arith.index_cast %add3A_227 : i32 to index
          %swap3A_229 = tpu.vector_load %arg5[%swap3A_228] {strides = array<i32>} : memref<100032xf32, #tpu.memory_space<vmem>>, vector<16xf32>,
          tpu.vector_store %arg5[%swap3A_228], %max3A_223 {strides = array<i32>} : memref<100032xf32, #tpu.memory_space<vmem>>, vector<16xf32>,
          %mul3A_230 = arith.constant 64 : i32
          %mul3A_231 = arith.muli %shift_right_arithmetic3A_167, %mul3A_230 : i32
          %add3A_232 = arith.constant 48 : i32
          %add3A_233 = arith.addi %mul3A_231, %add3A_232 : i32
          %get3A_234 = arith.index_cast %add3A_233 : i32 to index
          %get3A_235 = tpu.vector_load %arg5[%get3A_234] {strides = array<i32>} : memref<100032xf32, #tpu.memory_space<vmem>>, vector<16xf32>,
          %mul3A_236 = arith.constant 64 : i32
          %mul3A_237 = arith.muli %and3A_169, %mul3A_236 : i32
          %add3A_238 = arith.constant 48 : i32
          %add3A_239 = arith.addi %mul3A_237, %add3A_238 : i32
          %get3A_240 = arith.index_cast %sub3A_170 : i32 to index
          %get3A_241 = arith.index_cast %add3A_239 : i32 to index
          %get3A_242 = tpu.vector_load %arg10[%get3A_240, %get3A_241] {strides = array<i32>} : memref<64x128xf32, #tpu.memory_space<vmem>>, vector<16xf32>,
          %max3A_243 = arith.maximumf %get3A_235, %get3A_242 : vector<16xf32>
          %mul3A_244 = arith.constant 64 : i32
          %mul3A_245 = arith.muli %shift_right_arithmetic3A_167, %mul3A_244 : i32
          %add3A_246 = arith.constant 48 : i32
          %add3A_247 = arith.addi %mul3A_245, %add3A_246 : i32
          %swap3A_248 = arith.index_cast %add3A_247 : i32 to index
          %swap3A_249 = tpu.vector_load %arg5[%swap3A_248] {strides = array<i32>} : memref<100032xf32, #tpu.memory_space<vmem>>, vector<16xf32>,
          tpu.vector_store %arg5[%swap3A_248], %max3A_243 {strides = array<i32>} : memref<100032xf32, #tpu.memory_space<vmem>>, vector<16xf32>,
          %while3A_250 = arith.constant 0 : i32
          scf.yield %while3A_250 : i32
        }
        %while3A_162 = arith.constant 0 : i32
        scf.yield %while3A_162 : i32
      }
      %while3A_106 = arith.constant 1 : i32
      %while3A_107 = scf.for %while3A_109 = %while3A_103 to %while3A_99 step %while3A_106 iter_args(%while3A_110 = %while3A_105) -> (i32)  : i32 {
        %mul3A_111 = arith.constant 64 : i32
        %mul3A_112 = arith.muli %while3A_109, %mul3A_111 : i32
        %add3A_113 = arith.constant 0 : i32
        %add3A_114 = arith.addi %mul3A_112, %add3A_113 : i32
        %get3A_115 = arith.index_cast %add3A_114 : i32 to index
        %get3A_116 = tpu.vector_load %arg7[%get3A_115] {strides = array<i32>} : memref<2096xi32, #tpu.memory_space<vmem>>, vector<16xi32>,
        %swap3A_117 = arith.constant 0 : index
        %swap3A_118 = tpu.vector_load %arg9[%swap3A_117] {strides = array<i32>} : memref<64xi32, #tpu.memory_space<vmem>>, vector<16xi32>,
        tpu.vector_store %arg9[%swap3A_117], %get3A_116 {strides = array<i32>} : memref<64xi32, #tpu.memory_space<vmem>>, vector<16xi32>,
        %mul3A_119 = arith.constant 64 : i32
        %mul3A_120 = arith.muli %while3A_109, %mul3A_119 : i32
        %add3A_121 = arith.constant 16 : i32
        %add3A_122 = arith.addi %mul3A_120, %add3A_121 : i32
        %get3A_123 = arith.index_cast %add3A_122 : i32 to index
        %get3A_124 = tpu.vector_load %arg7[%get3A_123] {strides = array<i32>} : memref<2096xi32, #tpu.memory_space<vmem>>, vector<16xi32>,
        %swap3A_125 = arith.constant 16 : index
        %swap3A_126 = tpu.vector_load %arg9[%swap3A_125] {strides = array<i32>} : memref<64xi32, #tpu.memory_space<vmem>>, vector<16xi32>,
        tpu.vector_store %arg9[%swap3A_125], %get3A_124 {strides = array<i32>} : memref<64xi32, #tpu.memory_space<vmem>>, vector<16xi32>,
        %mul3A_127 = arith.constant 64 : i32
        %mul3A_128 = arith.muli %while3A_109, %mul3A_127 : i32
        %add3A_129 = arith.constant 32 : i32
        %add3A_130 = arith.addi %mul3A_128, %add3A_129 : i32
        %get3A_131 = arith.index_cast %add3A_130 : i32 to index
        %get3A_132 = tpu.vector_load %arg7[%get3A_131] {strides = array<i32>} : memref<2096xi32, #tpu.memory_space<vmem>>, vector<16xi32>,
        %swap3A_133 = arith.constant 32 : index
        %swap3A_134 = tpu.vector_load %arg9[%swap3A_133] {strides = array<i32>} : memref<64xi32, #tpu.memory_space<vmem>>, vector<16xi32>,
        tpu.vector_store %arg9[%swap3A_133], %get3A_132 {strides = array<i32>} : memref<64xi32, #tpu.memory_space<vmem>>, vector<16xi32>,
        %mul3A_135 = arith.constant 64 : i32
        %mul3A_136 = arith.muli %while3A_109, %mul3A_135 : i32
        %add3A_137 = arith.constant 48 : i32
        %add3A_138 = arith.addi %mul3A_136, %add3A_137 : i32
        %get3A_139 = arith.index_cast %add3A_138 : i32 to index
        %get3A_140 = tpu.vector_load %arg7[%get3A_139] {strides = array<i32>} : memref<2096xi32, #tpu.memory_space<vmem>>, vector<16xi32>,
        %swap3A_141 = arith.constant 48 : index
        %swap3A_142 = tpu.vector_load %arg9[%swap3A_141] {strides = array<i32>} : memref<64xi32, #tpu.memory_space<vmem>>, vector<16xi32>,
        tpu.vector_store %arg9[%swap3A_141], %get3A_140 {strides = array<i32>} : memref<64xi32, #tpu.memory_space<vmem>>, vector<16xi32>,
        %dma_start3A = arith.constant 0 : i32
        %dma_start3A_143 = arith.constant 0 : i32
        %dma_start3A_144 = tpu.memref_slice %arg2[%dma_start3A, %dma_start3A_143] : memref<400128x128xf32, #tpu.memory_space<hbm>> -> memref<400128x128xf32, #tpu.memory_space<hbm>>
        tpu.enqueue_indirect_dma source(%dma_start3A_144 : memref<400128x128xf32, #tpu.memory_space<hbm>>) target(%arg10 : memref<64x128xf32, #tpu.memory_space<vmem>>) offsets(%arg9 : memref<64xi32, #tpu.memory_space<vmem>>) semaphore(%arg11 : memref<!tpu.dma_semaphore, #tpu.memory_space<semaphore_mem>>)
        %dma_wait3A = arith.constant 0 : i32
        %dma_wait3A_145 = arith.constant 0 : i32
        %dma_wait3A_146 = tpu.memref_slice %arg2[%dma_wait3A, %dma_wait3A_145] : memref<400128x128xf32, #tpu.memory_space<hbm>> -> memref<400128x128xf32, #tpu.memory_space<hbm>>
        tpu.wait_indirect_dma semaphore(%arg11 : memref<!tpu.dma_semaphore, #tpu.memory_space<semaphore_mem>>) src(%dma_wait3A_146 : memref<400128x128xf32, #tpu.memory_space<hbm>>) dst(%arg10 : memref<64x128xf32, #tpu.memory_space<vmem>>)
        %mul3A_147 = arith.constant 64 : i32
        %mul3A_148 = arith.muli %while3A_109, %mul3A_147 : i32
        %add3A_149 = arith.constant 64 : i32
        %add3A_150 = arith.addi %mul3A_148, %add3A_149 : i32
        %min3A = arith.minsi %scan3A_36, %add3A_150 : i32
        %while3A_151 = arith.constant 0 : i32
        %while3A_152 = arith.subi %min3A, %mul3A_148 : i32
        %while3A_153 = arith.addi %mul3A_148, %while3A_152 : i32
        %while3A_154 = arith.constant 1 : i32
        %while3A_155 = arith.divsi %while3A_152, %while3A_154 : i32
        %while3A_156 = arith.muli %while3A_155, %while3A_154 : i32
        %while3A_157 = arith.addi %mul3A_148, %while3A_156 : i32
        %while3A_158 = arith.constant 1 : i32
        %while3A_159 = scf.for %while3A_163 = %mul3A_148 to %while3A_157 step %while3A_158 iter_args(%while3A_164 = %while3A_151) -> (i32)  : i32 {
          %get3A_165 = arith.index_cast %while3A_163 : i32 to index
          %get3A_166 = tpu.vector_load %arg8[%get3A_165] {strides = array<i32>} : memref<2096xi32, #tpu.memory_space<vmem>>, vector<16xi32>,
          %slice3A = vector.extract_strided_slice %get3A_166 {offsets = [0], sizes = [1], strides = [1]} : vector<16xi32> to vector<1xi32>
          %squeeze3A = vector.extract %slice3A[0] : i32 from vector<1xi32>
          %shift_right_arithmetic3A = arith.constant 1 : i32
          %shift_right_arithmetic3A_167 = arith.shrsi %squeeze3A, %shift_right_arithmetic3A : i32
          %and3A_168 = arith.constant 1 : i32
          %and3A_169 = arith.andi %squeeze3A, %and3A_168 : i32
          %sub3A_170 = arith.subi %while3A_163, %mul3A_148 : i32
          %mul3A_171 = arith.constant 64 : i32
          %mul3A_172 = arith.muli %shift_right_arithmetic3A_167, %mul3A_171 : i32
          %add3A_173 = arith.constant 0 : i32
          %add3A_174 = arith.addi %mul3A_172, %add3A_173 : i32
          %get3A_175 = arith.index_cast %add3A_174 : i32 to index
          %get3A_176 = tpu.vector_load %arg5[%get3A_175] {strides = array<i32>} : memref<100032xf32, #tpu.memory_space<vmem>>, vector<16xf32>,
          %mul3A_177 = arith.constant 64 : i32
          %mul3A_178 = arith.muli %and3A_169, %mul3A_177 : i32
          %add3A_179 = arith.constant 0 : i32
          %add3A_180 = arith.addi %mul3A_178, %add3A_179 : i32
          %get3A_181 = arith.index_cast %sub3A_170 : i32 to index
          %get3A_182 = arith.index_cast %add3A_180 : i32 to index
          %get3A_183 = tpu.vector_load %arg10[%get3A_181, %get3A_182] {strides = array<i32>} : memref<64x128xf32, #tpu.memory_space<vmem>>, vector<16xf32>,
          %max3A = arith.maximumf %get3A_176, %get3A_183 : vector<16xf32>
          %mul3A_184 = arith.constant 64 : i32
          %mul3A_185 = arith.muli %shift_right_arithmetic3A_167, %mul3A_184 : i32
          %add3A_186 = arith.constant 0 : i32
          %add3A_187 = arith.addi %mul3A_185, %add3A_186 : i32
          %swap3A_188 = arith.index_cast %add3A_187 : i32 to index
          %swap3A_189 = tpu.vector_load %arg5[%swap3A_188] {strides = array<i32>} : memref<100032xf32, #tpu.memory_space<vmem>>, vector<16xf32>,
          tpu.vector_store %arg5[%swap3A_188], %max3A {strides = array<i32>} : memref<100032xf32, #tpu.memory_space<vmem>>, vector<16xf32>,
          %mul3A_190 = arith.constant 64 : i32
          %mul3A_191 = arith.muli %shift_right_arithmetic3A_167, %mul3A_190 : i32
          %add3A_192 = arith.constant 16 : i32
          %add3A_193 = arith.addi %mul3A_191, %add3A_192 : i32
          %get3A_194 = arith.index_cast %add3A_193 : i32 to index
          %get3A_195 = tpu.vector_load %arg5[%get3A_194] {strides = array<i32>} : memref<100032xf32, #tpu.memory_space<vmem>>, vector<16xf32>,
          %mul3A_196 = arith.constant 64 : i32
          %mul3A_197 = arith.muli %and3A_169, %mul3A_196 : i32
          %add3A_198 = arith.constant 16 : i32
          %add3A_199 = arith.addi %mul3A_197, %add3A_198 : i32
          %get3A_200 = arith.index_cast %sub3A_170 : i32 to index
          %get3A_201 = arith.index_cast %add3A_199 : i32 to index
          %get3A_202 = tpu.vector_load %arg10[%get3A_200, %get3A_201] {strides = array<i32>} : memref<64x128xf32, #tpu.memory_space<vmem>>, vector<16xf32>,
          %max3A_203 = arith.maximumf %get3A_195, %get3A_202 : vector<16xf32>
          %mul3A_204 = arith.constant 64 : i32
          %mul3A_205 = arith.muli %shift_right_arithmetic3A_167, %mul3A_204 : i32
          %add3A_206 = arith.constant 16 : i32
          %add3A_207 = arith.addi %mul3A_205, %add3A_206 : i32
          %swap3A_208 = arith.index_cast %add3A_207 : i32 to index
          %swap3A_209 = tpu.vector_load %arg5[%swap3A_208] {strides = array<i32>} : memref<100032xf32, #tpu.memory_space<vmem>>, vector<16xf32>,
          tpu.vector_store %arg5[%swap3A_208], %max3A_203 {strides = array<i32>} : memref<100032xf32, #tpu.memory_space<vmem>>, vector<16xf32>,
          %mul3A_210 = arith.constant 64 : i32
          %mul3A_211 = arith.muli %shift_right_arithmetic3A_167, %mul3A_210 : i32
          %add3A_212 = arith.constant 32 : i32
          %add3A_213 = arith.addi %mul3A_211, %add3A_212 : i32
          %get3A_214 = arith.index_cast %add3A_213 : i32 to index
          %get3A_215 = tpu.vector_load %arg5[%get3A_214] {strides = array<i32>} : memref<100032xf32, #tpu.memory_space<vmem>>, vector<16xf32>,
          %mul3A_216 = arith.constant 64 : i32
          %mul3A_217 = arith.muli %and3A_169, %mul3A_216 : i32
          %add3A_218 = arith.constant 32 : i32
          %add3A_219 = arith.addi %mul3A_217, %add3A_218 : i32
          %get3A_220 = arith.index_cast %sub3A_170 : i32 to index
          %get3A_221 = arith.index_cast %add3A_219 : i32 to index
          %get3A_222 = tpu.vector_load %arg10[%get3A_220, %get3A_221] {strides = array<i32>} : memref<64x128xf32, #tpu.memory_space<vmem>>, vector<16xf32>,
          %max3A_223 = arith.maximumf %get3A_215, %get3A_222 : vector<16xf32>
          %mul3A_224 = arith.constant 64 : i32
          %mul3A_225 = arith.muli %shift_right_arithmetic3A_167, %mul3A_224 : i32
          %add3A_226 = arith.constant 32 : i32
          %add3A_227 = arith.addi %mul3A_225, %add3A_226 : i32
          %swap3A_228 = arith.index_cast %add3A_227 : i32 to index
          %swap3A_229 = tpu.vector_load %arg5[%swap3A_228] {strides = array<i32>} : memref<100032xf32, #tpu.memory_space<vmem>>, vector<16xf32>,
          tpu.vector_store %arg5[%swap3A_228], %max3A_223 {strides = array<i32>} : memref<100032xf32, #tpu.memory_space<vmem>>, vector<16xf32>,
          %mul3A_230 = arith.constant 64 : i32
          %mul3A_231 = arith.muli %shift_right_arithmetic3A_167, %mul3A_230 : i32
          %add3A_232 = arith.constant 48 : i32
          %add3A_233 = arith.addi %mul3A_231, %add3A_232 : i32
          %get3A_234 = arith.index_cast %add3A_233 : i32 to index
          %get3A_235 = tpu.vector_load %arg5[%get3A_234] {strides = array<i32>} : memref<100032xf32, #tpu.memory_space<vmem>>, vector<16xf32>,
          %mul3A_236 = arith.constant 64 : i32
          %mul3A_237 = arith.muli %and3A_169, %mul3A_236 : i32
          %add3A_238 = arith.constant 48 : i32
          %add3A_239 = arith.addi %mul3A_237, %add3A_238 : i32
          %get3A_240 = arith.index_cast %sub3A_170 : i32 to index
          %get3A_241 = arith.index_cast %add3A_239 : i32 to index
          %get3A_242 = tpu.vector_load %arg10[%get3A_240, %get3A_241] {strides = array<i32>} : memref<64x128xf32, #tpu.memory_space<vmem>>, vector<16xf32>,
          %max3A_243 = arith.maximumf %get3A_235, %get3A_242 : vector<16xf32>
          %mul3A_244 = arith.constant 64 : i32
          %mul3A_245 = arith.muli %shift_right_arithmetic3A_167, %mul3A_244 : i32
          %add3A_246 = arith.constant 48 : i32
          %add3A_247 = arith.addi %mul3A_245, %add3A_246 : i32
          %swap3A_248 = arith.index_cast %add3A_247 : i32 to index
          %swap3A_249 = tpu.vector_load %arg5[%swap3A_248] {strides = array<i32>} : memref<100032xf32, #tpu.memory_space<vmem>>, vector<16xf32>,
          tpu.vector_store %arg5[%swap3A_248], %max3A_243 {strides = array<i32>} : memref<100032xf32, #tpu.memory_space<vmem>>, vector<16xf32>,
          %while3A_250 = arith.constant 0 : i32
          scf.yield %while3A_250 : i32
        }
        %while3A_160 = arith.constant 1 : i32
        %while3A_161 = scf.for %while3A_163 = %while3A_157 to %while3A_153 step %while3A_160 iter_args(%while3A_164 = %while3A_159) -> (i32)  : i32 {
          %get3A_165 = arith.index_cast %while3A_163 : i32 to index
          %get3A_166 = tpu.vector_load %arg8[%get3A_165] {strides = array<i32>} : memref<2096xi32, #tpu.memory_space<vmem>>, vector<16xi32>,
          %slice3A = vector.extract_strided_slice %get3A_166 {offsets = [0], sizes = [1], strides = [1]} : vector<16xi32> to vector<1xi32>
          %squeeze3A = vector.extract %slice3A[0] : i32 from vector<1xi32>
          %shift_right_arithmetic3A = arith.constant 1 : i32
          %shift_right_arithmetic3A_167 = arith.shrsi %squeeze3A, %shift_right_arithmetic3A : i32
          %and3A_168 = arith.constant 1 : i32
          %and3A_169 = arith.andi %squeeze3A, %and3A_168 : i32
          %sub3A_170 = arith.subi %while3A_163, %mul3A_148 : i32
          %mul3A_171 = arith.constant 64 : i32
          %mul3A_172 = arith.muli %shift_right_arithmetic3A_167, %mul3A_171 : i32
          %add3A_173 = arith.constant 0 : i32
          %add3A_174 = arith.addi %mul3A_172, %add3A_173 : i32
          %get3A_175 = arith.index_cast %add3A_174 : i32 to index
          %get3A_176 = tpu.vector_load %arg5[%get3A_175] {strides = array<i32>} : memref<100032xf32, #tpu.memory_space<vmem>>, vector<16xf32>,
          %mul3A_177 = arith.constant 64 : i32
          %mul3A_178 = arith.muli %and3A_169, %mul3A_177 : i32
          %add3A_179 = arith.constant 0 : i32
          %add3A_180 = arith.addi %mul3A_178, %add3A_179 : i32
          %get3A_181 = arith.index_cast %sub3A_170 : i32 to index
          %get3A_182 = arith.index_cast %add3A_180 : i32 to index
          %get3A_183 = tpu.vector_load %arg10[%get3A_181, %get3A_182] {strides = array<i32>} : memref<64x128xf32, #tpu.memory_space<vmem>>, vector<16xf32>,
          %max3A = arith.maximumf %get3A_176, %get3A_183 : vector<16xf32>
          %mul3A_184 = arith.constant 64 : i32
          %mul3A_185 = arith.muli %shift_right_arithmetic3A_167, %mul3A_184 : i32
          %add3A_186 = arith.constant 0 : i32
          %add3A_187 = arith.addi %mul3A_185, %add3A_186 : i32
          %swap3A_188 = arith.index_cast %add3A_187 : i32 to index
          %swap3A_189 = tpu.vector_load %arg5[%swap3A_188] {strides = array<i32>} : memref<100032xf32, #tpu.memory_space<vmem>>, vector<16xf32>,
          tpu.vector_store %arg5[%swap3A_188], %max3A {strides = array<i32>} : memref<100032xf32, #tpu.memory_space<vmem>>, vector<16xf32>,
          %mul3A_190 = arith.constant 64 : i32
          %mul3A_191 = arith.muli %shift_right_arithmetic3A_167, %mul3A_190 : i32
          %add3A_192 = arith.constant 16 : i32
          %add3A_193 = arith.addi %mul3A_191, %add3A_192 : i32
          %get3A_194 = arith.index_cast %add3A_193 : i32 to index
          %get3A_195 = tpu.vector_load %arg5[%get3A_194] {strides = array<i32>} : memref<100032xf32, #tpu.memory_space<vmem>>, vector<16xf32>,
          %mul3A_196 = arith.constant 64 : i32
          %mul3A_197 = arith.muli %and3A_169, %mul3A_196 : i32
          %add3A_198 = arith.constant 16 : i32
          %add3A_199 = arith.addi %mul3A_197, %add3A_198 : i32
          %get3A_200 = arith.index_cast %sub3A_170 : i32 to index
          %get3A_201 = arith.index_cast %add3A_199 : i32 to index
          %get3A_202 = tpu.vector_load %arg10[%get3A_200, %get3A_201] {strides = array<i32>} : memref<64x128xf32, #tpu.memory_space<vmem>>, vector<16xf32>,
          %max3A_203 = arith.maximumf %get3A_195, %get3A_202 : vector<16xf32>
          %mul3A_204 = arith.constant 64 : i32
          %mul3A_205 = arith.muli %shift_right_arithmetic3A_167, %mul3A_204 : i32
          %add3A_206 = arith.constant 16 : i32
          %add3A_207 = arith.addi %mul3A_205, %add3A_206 : i32
          %swap3A_208 = arith.index_cast %add3A_207 : i32 to index
          %swap3A_209 = tpu.vector_load %arg5[%swap3A_208] {strides = array<i32>} : memref<100032xf32, #tpu.memory_space<vmem>>, vector<16xf32>,
          tpu.vector_store %arg5[%swap3A_208], %max3A_203 {strides = array<i32>} : memref<100032xf32, #tpu.memory_space<vmem>>, vector<16xf32>,
          %mul3A_210 = arith.constant 64 : i32
          %mul3A_211 = arith.muli %shift_right_arithmetic3A_167, %mul3A_210 : i32
          %add3A_212 = arith.constant 32 : i32
          %add3A_213 = arith.addi %mul3A_211, %add3A_212 : i32
          %get3A_214 = arith.index_cast %add3A_213 : i32 to index
          %get3A_215 = tpu.vector_load %arg5[%get3A_214] {strides = array<i32>} : memref<100032xf32, #tpu.memory_space<vmem>>, vector<16xf32>,
          %mul3A_216 = arith.constant 64 : i32
          %mul3A_217 = arith.muli %and3A_169, %mul3A_216 : i32
          %add3A_218 = arith.constant 32 : i32
          %add3A_219 = arith.addi %mul3A_217, %add3A_218 : i32
          %get3A_220 = arith.index_cast %sub3A_170 : i32 to index
          %get3A_221 = arith.index_cast %add3A_219 : i32 to index
          %get3A_222 = tpu.vector_load %arg10[%get3A_220, %get3A_221] {strides = array<i32>} : memref<64x128xf32, #tpu.memory_space<vmem>>, vector<16xf32>,
          %max3A_223 = arith.maximumf %get3A_215, %get3A_222 : vector<16xf32>
          %mul3A_224 = arith.constant 64 : i32
          %mul3A_225 = arith.muli %shift_right_arithmetic3A_167, %mul3A_224 : i32
          %add3A_226 = arith.constant 32 : i32
          %add3A_227 = arith.addi %mul3A_225, %add3A_226 : i32
          %swap3A_228 = arith.index_cast %add3A_227 : i32 to index
          %swap3A_229 = tpu.vector_load %arg5[%swap3A_228] {strides = array<i32>} : memref<100032xf32, #tpu.memory_space<vmem>>, vector<16xf32>,
          tpu.vector_store %arg5[%swap3A_228], %max3A_223 {strides = array<i32>} : memref<100032xf32, #tpu.memory_space<vmem>>, vector<16xf32>,
          %mul3A_230 = arith.constant 64 : i32
          %mul3A_231 = arith.muli %shift_right_arithmetic3A_167, %mul3A_230 : i32
          %add3A_232 = arith.constant 48 : i32
          %add3A_233 = arith.addi %mul3A_231, %add3A_232 : i32
          %get3A_234 = arith.index_cast %add3A_233 : i32 to index
          %get3A_235 = tpu.vector_load %arg5[%get3A_234] {strides = array<i32>} : memref<100032xf32, #tpu.memory_space<vmem>>, vector<16xf32>,
          %mul3A_236 = arith.constant 64 : i32
          %mul3A_237 = arith.muli %and3A_169, %mul3A_236 : i32
          %add3A_238 = arith.constant 48 : i32
          %add3A_239 = arith.addi %mul3A_237, %add3A_238 : i32
          %get3A_240 = arith.index_cast %sub3A_170 : i32 to index
          %get3A_241 = arith.index_cast %add3A_239 : i32 to index
          %get3A_242 = tpu.vector_load %arg10[%get3A_240, %get3A_241] {strides = array<i32>} : memref<64x128xf32, #tpu.memory_space<vmem>>, vector<16xf32>,
          %max3A_243 = arith.maximumf %get3A_235, %get3A_242 : vector<16xf32>
          %mul3A_244 = arith.constant 64 : i32
          %mul3A_245 = arith.muli %shift_right_arithmetic3A_167, %mul3A_244 : i32
          %add3A_246 = arith.constant 48 : i32
          %add3A_247 = arith.addi %mul3A_245, %add3A_246 : i32
          %swap3A_248 = arith.index_cast %add3A_247 : i32 to index
          %swap3A_249 = tpu.vector_load %arg5[%swap3A_248] {strides = array<i32>} : memref<100032xf32, #tpu.memory_space<vmem>>, vector<16xf32>,
          tpu.vector_store %arg5[%swap3A_248], %max3A_243 {strides = array<i32>} : memref<100032xf32, #tpu.memory_space<vmem>>, vector<16xf32>,
          %while3A_250 = arith.constant 0 : i32
          scf.yield %while3A_250 : i32
        }
        %while3A_162 = arith.constant 0 : i32
        scf.yield %while3A_162 : i32
      }
      %scan3A_108 = arith.constant 0 : i32
      scf.yield %scan3A_108 : i32
    }
    %scan3A_16 = arith.constant 400 : i32
    %scan3A_17 = arith.constant 0 : i32
    %scan3A_18 = arith.constant 0 : i32
    %scan3A_19 = arith.constant 6252 : i32
    %scan3A_20 = arith.addi %scan3A_18, %scan3A_19 : i32
    %scan3A_21 = arith.constant 1 : i32
    %scan3A_22 = scf.for %scan3A_26 = %scan3A_18 to %scan3A_20 step %scan3A_21 iter_args(%scan3A_27 = %scan3A_17) -> (i32)  : i32 {
      %mul3A_28 = arith.constant 16 : i32
      %mul3A_29 = arith.muli %scan3A_26, %mul3A_28 : i32
      %get3A = arith.index_cast %mul3A_29 : i32 to index
      %get3A_30 = tpu.vector_load %arg5[%get3A] {strides = array<i32>} : memref<100032xf32, #tpu.memory_space<vmem>>, vector<16xf32>,
      %eq3A = arith.constant 0xFF800000 : f32
      %eq3A_31 = vector.broadcast %eq3A : f32 to vector<16xf32>
      %eq3A_32 = arith.cmpf oeq, %get3A_30, %eq3A_31 : vector<16xf32>
      %jit3A = arith.constant 0.000000e+00 : f32
      %broadcast_in_dim3A_33 = vector.broadcast %jit3A : f32 to vector<16xf32>
      %select_n3A = arith.select %eq3A_32, %broadcast_in_dim3A_33, %get3A_30 : vector<16xi1>, vector<16xf32>
      %mul3A_34 = arith.constant 16 : i32
      %mul3A_35 = arith.muli %scan3A_26, %mul3A_34 : i32
      %swap3A = arith.index_cast %mul3A_35 : i32 to index
      %swap3A_36 = tpu.vector_load %arg5[%swap3A] {strides = array<i32>} : memref<100032xf32, #tpu.memory_space<vmem>>, vector<16xf32>,
      tpu.vector_store %arg5[%swap3A], %select_n3A {strides = array<i32>} : memref<100032xf32, #tpu.memory_space<vmem>>, vector<16xf32>,
      %scan3A_37 = arith.constant 0 : i32
      scf.yield %scan3A_37 : i32
    }
    %scan3A_23 = arith.constant 6252 : i32
    %mul3A_24 = arith.constant 64 : i32
    %mul3A_25 = arith.muli %mul3A_2, %mul3A_24 : i32
    %multiple_of3A = tpu.assume_multiple %mul3A_25, 8 : i32
    "tpu.region"() ({
      %run_scoped3A = tpu.sem_alloc : memref<!tpu.dma_semaphore, #tpu.memory_space<semaphore_mem>>
      %dma_start3A = tpu.memref_slice %arg4[%multiple_of3A] : memref<3201024xf32, #tpu.memory_space<hbm>> -> memref<100032xf32, #tpu.memory_space<hbm>>
      %dma_start3A_26 = tpu.memref_slice %arg4[%multiple_of3A] : memref<3201024xf32, #tpu.memory_space<hbm>> -> memref<100032xf32, #tpu.memory_space<hbm>>
      tpu.enqueue_dma source(%arg5 : memref<100032xf32, #tpu.memory_space<vmem>>) target(%dma_start3A_26 : memref<100032xf32, #tpu.memory_space<hbm>>) target_semaphore(%run_scoped3A : memref<!tpu.dma_semaphore, #tpu.memory_space<semaphore_mem>>)
      %dma_wait3A = tpu.memref_slice %arg4[%multiple_of3A] : memref<3201024xf32, #tpu.memory_space<hbm>> -> memref<100032xf32, #tpu.memory_space<hbm>>
      %dma_wait3A_27 = tpu.memref_slice %arg4[%multiple_of3A] : memref<3201024xf32, #tpu.memory_space<hbm>> -> memref<100032xf32, #tpu.memory_space<hbm>>
      tpu.wait_dma2 semaphore(%run_scoped3A : memref<!tpu.dma_semaphore, #tpu.memory_space<semaphore_mem>>) src(%arg5 : memref<100032xf32, #tpu.memory_space<vmem>>) dst(%dma_wait3A_27 : memref<100032xf32, #tpu.memory_space<hbm>>)
      tpu.yield
    }) : () -> ()
    return
  }
}

#map = affine_map<(d0, d1) -> (0, 0)>
#map1 = affine_map<(d0, d1) -> (0)>
module attributes {stable_mosaic.version = 14 : i64} {
  func.func @_scatter_max_body(%arg0: i32, %arg1: i32, %arg2: memref<400000x128xf32, #tpu.memory_space<hbm>>, %arg3: memref<800000xi32, #tpu.memory_space<hbm>>, %arg4: memref<3201024xf32, #tpu.memory_space<hbm>>, %arg5: memref<100032xf32, #tpu.memory_space<vmem>>, %arg6: memref<2000xi32, #tpu.memory_space<vmem>>, %arg7: memref<2096xi32, #tpu.memory_space<vmem>>, %arg8: memref<2096xi32, #tpu.memory_space<vmem>>, %arg9: memref<64xi32, #tpu.memory_space<vmem>>, %arg10: memref<64x128xf32, #tpu.memory_space<vmem>>, %arg11: memref<!tpu.dma_semaphore, #tpu.memory_space<semaphore_mem>>) attributes {dimension_semantics = [#tpu.dimension_semantics<core_parallel>, #tpu.dimension_semantics<subcore_parallel>], iteration_bounds = array<i64: 2, 16>, scalar_prefetch = 0 : i64, scratch_operands = 7 : i64, tpu.core_type = #tpu.core_type<sc_vector_subcore>, window_params = [{transform_indices = #map}, {transform_indices = #map1}, {transform_indices = #map1}]} {
    %mul3A = arith.constant 2 : i32
    %mul3A_0 = arith.muli %arg1, %mul3A : i32
    %add3A = arith.addi %mul3A_0, %arg0 : i32
    %mul3A_1 = arith.constant 1563 : i32
    %mul3A_2 = arith.muli %add3A, %mul3A_1 : i32
    %iota3A = tpu.iota {dimensions = array<i32: 0>} : vector<16xi32>
    %broadcast_in_dim3A = arith.constant 0xFF800000 : f32
    %broadcast_in_dim3A_3 = vector.broadcast %broadcast_in_dim3A : f32 to vector<16xf32>
    %scan3A = arith.constant 0 : i32
    %scan3A_4 = arith.constant 0 : i32
    %scan3A_5 = arith.constant 6252 : i32
    %scan3A_6 = arith.addi %scan3A_4, %scan3A_5 : i32
    %scan3A_7 = arith.constant 1 : i32
    %scan3A_8 = scf.for %scan3A_26 = %scan3A_4 to %scan3A_6 step %scan3A_7 iter_args(%scan3A_27 = %scan3A) -> (i32)  : i32 {
      %mul3A_28 = arith.constant 16 : i32
      %mul3A_29 = arith.muli %scan3A_26, %mul3A_28 : i32
      %swap3A = arith.index_cast %mul3A_29 : i32 to index
      %swap3A_30 = tpu.vector_load %arg5[%swap3A] {strides = array<i32>} : memref<100032xf32, #tpu.memory_space<vmem>>, vector<16xf32>,
      tpu.vector_store %arg5[%swap3A], %broadcast_in_dim3A_3 {strides = array<i32>} : memref<100032xf32, #tpu.memory_space<vmem>>, vector<16xf32>,
      %scan3A_31 = arith.constant 0 : i32
      scf.yield %scan3A_31 : i32
    }
    %scan3A_9 = arith.constant 6252 : i32
    %scan3A_10 = arith.constant 0 : i32
    %scan3A_11 = arith.constant 0 : i32
    %scan3A_12 = arith.constant 400 : i32
    %scan3A_13 = arith.addi %scan3A_11, %scan3A_12 : i32
    %scan3A_14 = arith.constant 1 : i32
    %scan3A_15 = scf.for %scan3A_26 = %scan3A_11 to %scan3A_13 step %scan3A_14 iter_args(%scan3A_27 = %scan3A_10) -> (i32)  : i32 {
      %mul3A_28 = arith.constant 2000 : i32
      %mul3A_29 = arith.muli %scan3A_26, %mul3A_28 : i32
      %multiple_of3A_30 = tpu.assume_multiple %mul3A_29, 8 : i32
      "tpu.region"() ({
        %run_scoped3A = tpu.sem_alloc : memref<!tpu.dma_semaphore, #tpu.memory_space<semaphore_mem>>
        %dma_start3A = tpu.memref_slice %arg3[%multiple_of3A_30] : memref<800000xi32, #tpu.memory_space<hbm>> -> memref<2000xi32, #tpu.memory_space<hbm>>
        %dma_start3A_109 = tpu.memref_slice %arg3[%multiple_of3A_30] : memref<800000xi32, #tpu.memory_space<hbm>> -> memref<2000xi32, #tpu.memory_space<hbm>>
        tpu.enqueue_dma source(%dma_start3A_109 : memref<2000xi32, #tpu.memory_space<hbm>>) target(%arg6 : memref<2000xi32, #tpu.memory_space<vmem>>) target_semaphore(%run_scoped3A : memref<!tpu.dma_semaphore, #tpu.memory_space<semaphore_mem>>)
        %dma_wait3A = tpu.memref_slice %arg3[%multiple_of3A_30] : memref<800000xi32, #tpu.memory_space<hbm>> -> memref<2000xi32, #tpu.memory_space<hbm>>
        %dma_wait3A_110 = tpu.memref_slice %arg3[%multiple_of3A_30] : memref<800000xi32, #tpu.memory_space<hbm>> -> memref<2000xi32, #tpu.memory_space<hbm>>
        tpu.wait_dma2 semaphore(%run_scoped3A : memref<!tpu.dma_semaphore, #tpu.memory_space<semaphore_mem>>) src(%dma_wait3A_110 : memref<2000xi32, #tpu.memory_space<hbm>>) dst(%arg6 : memref<2000xi32, #tpu.memory_space<vmem>>)
        tpu.yield
      }) : () -> ()
      %scan3A_31 = arith.constant 0 : i32
      %scan3A_32 = arith.constant 0 : i32
      %scan3A_33 = arith.constant 125 : i32
      %scan3A_34 = arith.addi %scan3A_32, %scan3A_33 : i32
      %scan3A_35 = arith.constant 1 : i32
      %scan3A_36 = scf.for %scan3A_109 = %scan3A_32 to %scan3A_34 step %scan3A_35 iter_args(%scan3A_110 = %scan3A_31) -> (i32)  : i32 {
        %mul3A_111 = arith.constant 16 : i32
        %mul3A_112 = arith.muli %scan3A_109, %mul3A_111 : i32
        %get3A_113 = arith.index_cast %mul3A_112 : i32 to index
        %get3A_114 = tpu.vector_load %arg6[%get3A_113] {strides = array<i32>} : memref<2000xi32, #tpu.memory_space<vmem>>, vector<16xi32>,
        %ge3A = vector.broadcast %mul3A_2 : i32 to vector<16xi32>
        %ge3A_115 = arith.cmpi sge, %get3A_114, %ge3A : vector<16xi32>
        %add3A_116 = arith.constant 1563 : i32
        %add3A_117 = arith.addi %mul3A_2, %add3A_116 : i32
        %lt3A_118 = vector.broadcast %add3A_117 : i32 to vector<16xi32>
        %lt3A_119 = arith.cmpi slt, %get3A_114, %lt3A_118 : vector<16xi32>
        %and3A_120 = arith.andi %ge3A_115, %lt3A_119 : vector<16xi1>
        %convert_element_type3A = arith.extui %and3A_120 : vector<16xi1> to vector<16xi32>
        %reduce_sum3A = arith.constant true
        %reduce_sum3A_121 = vector.broadcast %reduce_sum3A : i1 to vector<16xi1>
        %reduce_sum3A_122 = tpu.scan <sum>, %convert_element_type3A masked %reduce_sum3A_121 : vector<16xi32>, vector<16xi1> -> vector<16xi32>
        %reduce_sum3A_123 = vector.extract %reduce_sum3A_122[15] : i32 from vector<16xi32>
        %mul3A_124 = arith.constant 2000 : i32
        %mul3A_125 = arith.muli %scan3A_26, %mul3A_124 : i32
        %mul3A_126 = arith.constant 16 : i32
        %mul3A_127 = arith.muli %scan3A_109, %mul3A_126 : i32
        %add3A_128 = arith.addi %mul3A_125, %mul3A_127 : i32
        %add3A_129 = vector.broadcast %add3A_128 : i32 to vector<16xi32>
        %add3A_130 = arith.addi %add3A_129, %iota3A : vector<16xi32>
        %shift_right_arithmetic3A = arith.constant 1 : i32
        %shift_right_arithmetic3A_131 = vector.broadcast %shift_right_arithmetic3A : i32 to vector<16xi32>
        %shift_right_arithmetic3A_132 = arith.shrsi %add3A_130, %shift_right_arithmetic3A_131 : vector<16xi32>
        %swap3A_133 = arith.index_cast %scan3A_110 : i32 to index
        %swap3A_134 = tpu.vector_load %arg7[%swap3A_133] masked %and3A_120 {strides = array<i32>} : memref<2096xi32, #tpu.memory_space<vmem>>, vector<16xi32>, vector<16xi1>
        tpu.vector_store %arg7[%swap3A_133], %shift_right_arithmetic3A_132 masked %and3A_120 {strides = array<i32>} : memref<2096xi32, #tpu.memory_space<vmem>>, vector<16xi32>, vector<16xi1>
        %sub3A_135 = vector.broadcast %mul3A_2 : i32 to vector<16xi32>
        %sub3A_136 = arith.subi %get3A_114, %sub3A_135 : vector<16xi32>
        %shift_left3A = arith.constant 1 : i32
        %shift_left3A_137 = vector.broadcast %shift_left3A : i32 to vector<16xi32>
        %shift_left3A_138 = arith.shli %sub3A_136, %shift_left3A_137 : vector<16xi32>
        %and3A_139 = arith.constant 1 : i32
        %and3A_140 = vector.broadcast %and3A_139 : i32 to vector<16xi32>
        %and3A_141 = arith.andi %add3A_130, %and3A_140 : vector<16xi32>
        %or3A = arith.ori %shift_left3A_138, %and3A_141 : vector<16xi32>
        %swap3A_142 = arith.index_cast %scan3A_110 : i32 to index
        %swap3A_143 = tpu.vector_load %arg8[%swap3A_142] masked %and3A_120 {strides = array<i32>} : memref<2096xi32, #tpu.memory_space<vmem>>, vector<16xi32>, vector<16xi1>
        tpu.vector_store %arg8[%swap3A_142], %or3A masked %and3A_120 {strides = array<i32>} : memref<2096xi32, #tpu.memory_space<vmem>>, vector<16xi32>, vector<16xi1>
        %add3A_144 = arith.addi %scan3A_110, %reduce_sum3A_123 : i32
        scf.yield %add3A_144 : i32
      }
      %scan3A_37 = arith.constant 125 : i32
      %and3A = arith.constant -16 : i32
      %and3A_38 = arith.andi %scan3A_36, %and3A : i32
      %get3A = arith.index_cast %and3A_38 : i32 to index
      %get3A_39 = tpu.vector_load %arg7[%get3A] {strides = array<i32>} : memref<2096xi32, #tpu.memory_space<vmem>>, vector<16xi32>,
      %sub3A = arith.subi %scan3A_36, %and3A_38 : i32
      %lt3A = vector.broadcast %sub3A : i32 to vector<16xi32>
      %lt3A_40 = arith.cmpi slt, %iota3A, %lt3A : vector<16xi32>
      %jit3A = arith.constant 0 : i32
      %broadcast_in_dim3A_41 = vector.broadcast %jit3A : i32 to vector<16xi32>
      %select_n3A = arith.select %lt3A_40, %get3A_39, %broadcast_in_dim3A_41 : vector<16xi1>, vector<16xi32>
      %swap3A = arith.index_cast %and3A_38 : i32 to index
      %swap3A_42 = tpu.vector_load %arg7[%swap3A] {strides = array<i32>} : memref<2096xi32, #tpu.memory_space<vmem>>, vector<16xi32>,
      tpu.vector_store %arg7[%swap3A], %select_n3A {strides = array<i32>} : memref<2096xi32, #tpu.memory_space<vmem>>, vector<16xi32>,
      %broadcast_in_dim3A_43 = arith.constant 0 : i32
      %broadcast_in_dim3A_44 = vector.broadcast %broadcast_in_dim3A_43 : i32 to vector<16xi32>
      %add3A_45 = arith.constant 16 : i32
      %add3A_46 = arith.addi %and3A_38, %add3A_45 : i32
      %swap3A_47 = arith.index_cast %add3A_46 : i32 to index
      %swap3A_48 = tpu.vector_load %arg7[%swap3A_47] {strides = array<i32>} : memref<2096xi32, #tpu.memory_space<vmem>>, vector<16xi32>,
      tpu.vector_store %arg7[%swap3A_47], %broadcast_in_dim3A_44 {strides = array<i32>} : memref<2096xi32, #tpu.memory_space<vmem>>, vector<16xi32>,
      %broadcast_in_dim3A_49 = arith.constant 0 : i32
      %broadcast_in_dim3A_50 = vector.broadcast %broadcast_in_dim3A_49 : i32 to vector<16xi32>
      %add3A_51 = arith.constant 32 : i32
      %add3A_52 = arith.addi %and3A_38, %add3A_51 : i32
      %swap3A_53 = arith.index_cast %add3A_52 : i32 to index
      %swap3A_54 = tpu.vector_load %arg7[%swap3A_53] {strides = array<i32>} : memref<2096xi32, #tpu.memory_space<vmem>>, vector<16xi32>,
      tpu.vector_store %arg7[%swap3A_53], %broadcast_in_dim3A_50 {strides = array<i32>} : memref<2096xi32, #tpu.memory_space<vmem>>, vector<16xi32>,
      %broadcast_in_dim3A_55 = arith.constant 0 : i32
      %broadcast_in_dim3A_56 = vector.broadcast %broadcast_in_dim3A_55 : i32 to vector<16xi32>
      %add3A_57 = arith.constant 48 : i32
      %add3A_58 = arith.addi %and3A_38, %add3A_57 : i32
      %swap3A_59 = arith.index_cast %add3A_58 : i32 to index
      %swap3A_60 = tpu.vector_load %arg7[%swap3A_59] {strides = array<i32>} : memref<2096xi32, #tpu.memory_space<vmem>>, vector<16xi32>,
      tpu.vector_store %arg7[%swap3A_59], %broadcast_in_dim3A_56 {strides = array<i32>} : memref<2096xi32, #tpu.memory_space<vmem>>, vector<16xi32>,
      %broadcast_in_dim3A_61 = arith.constant 0 : i32
      %broadcast_in_dim3A_62 = vector.broadcast %broadcast_in_dim3A_61 : i32 to vector<16xi32>
      %add3A_63 = arith.constant 64 : i32
      %add3A_64 = arith.addi %and3A_38, %add3A_63 : i32
      %swap3A_65 = arith.index_cast %add3A_64 : i32 to index
      %swap3A_66 = tpu.vector_load %arg7[%swap3A_65] {strides = array<i32>} : memref<2096xi32, #tpu.memory_space<vmem>>, vector<16xi32>,
      tpu.vector_store %arg7[%swap3A_65], %broadcast_in_dim3A_62 {strides = array<i32>} : memref<2096xi32, #tpu.memory_space<vmem>>, vector<16xi32>,
      %broadcast_in_dim3A_67 = arith.constant 0 : i32
      %broadcast_in_dim3A_68 = vector.broadcast %broadcast_in_dim3A_67 : i32 to vector<16xi32>
      %add3A_69 = arith.constant 80 : i32
      %add3A_70 = arith.addi %and3A_38, %add3A_69 : i32
      %swap3A_71 = arith.index_cast %add3A_70 : i32 to index
      %swap3A_72 = tpu.vector_load %arg7[%swap3A_71] {strides = array<i32>} : memref<2096xi32, #tpu.memory_space<vmem>>, vector<16xi32>,
      tpu.vector_store %arg7[%swap3A_71], %broadcast_in_dim3A_68 {strides = array<i32>} : memref<2096xi32, #tpu.memory_space<vmem>>, vector<16xi32>,
      %add3A_73 = arith.constant 64 : i32
      %add3A_74 = arith.addi %scan3A_36, %add3A_73 : i32
      %sub3A_75 = arith.constant 1 : i32
      %sub3A_76 = arith.subi %add3A_74, %sub3A_75 : i32
      %jit3A_77 = arith.constant 64 : i32
      %div3A = arith.divsi %sub3A_76, %jit3A_77 : i32
      %sign3A = arith.constant 0 : i32
      %sign3A_78 = arith.cmpi sgt, %sub3A_76, %sign3A : i32
      %sign3A_79 = arith.extui %sign3A_78 : i1 to i32
      %sign3A_80 = arith.constant 0 : i32
      %sign3A_81 = arith.cmpi slt, %sub3A_76, %sign3A_80 : i32
      %sign3A_82 = arith.extui %sign3A_81 : i1 to i32
      %sign3A_83 = arith.subi %sign3A_79, %sign3A_82 : i32
      %sign3A_84 = arith.constant 0 : i32
      %sign3A_85 = arith.cmpi sgt, %jit3A_77, %sign3A_84 : i32
      %sign3A_86 = arith.extui %sign3A_85 : i1 to i32
      %sign3A_87 = arith.constant 0 : i32
      %sign3A_88 = arith.cmpi slt, %jit3A_77, %sign3A_87 : i32
      %sign3A_89 = arith.extui %sign3A_88 : i1 to i32
      %sign3A_90 = arith.subi %sign3A_86, %sign3A_89 : i32
      %ne3A = arith.cmpi ne, %sign3A_83, %sign3A_90 : i32
      %rem3A = arith.remsi %sub3A_76, %jit3A_77 : i32
      %ne3A_91 = arith.constant 0 : i32
      %ne3A_92 = arith.cmpi ne, %rem3A, %ne3A_91 : i32
      %and3A_93 = arith.andi %ne3A, %ne3A_92 : i1
      %sub3A_94 = arith.constant 1 : i32
      %sub3A_95 = arith.subi %div3A, %sub3A_94 : i32
      %select_n3A_96 = arith.select %and3A_93, %sub3A_95, %div3A : i32
      %while3A = arith.constant 0 : i32
      %while3A_97 = arith.constant 0 : i32
      %while3A_98 = arith.subi %select_n3A_96, %while3A : i32
      %while3A_99 = arith.addi %while3A, %while3A_98 : i32
      %while3A_100 = arith.constant 1 : i32
      %while3A_101 = arith.divsi %while3A_98, %while3A_100 : i32
      %while3A_102 = arith.muli %while3A_101, %while3A_100 : i32
      %while3A_103 = arith.addi %while3A, %while3A_102 : i32
      %while3A_104 = arith.constant 1 : i32
      %while3A_105 = scf.for %while3A_109 = %while3A to %while3A_103 step %while3A_104 iter_args(%while3A_110 = %while3A_97) -> (i32)  : i32 {
        %mul3A_111 = arith.constant 64 : i32
        %mul3A_112 = arith.muli %while3A_109, %mul3A_111 : i32
        %add3A_113 = arith.constant 0 : i32
        %add3A_114 = arith.addi %mul3A_112, %add3A_113 : i32
        %get3A_115 = arith.index_cast %add3A_114 : i32 to index
        %get3A_116 = tpu.vector_load %arg7[%get3A_115] {strides = array<i32>} : memref<2096xi32, #tpu.memory_space<vmem>>, vector<16xi32>,
        %swap3A_117 = arith.constant 0 : index
        %swap3A_118 = tpu.vector_load %arg9[%swap3A_117] {strides = array<i32>} : memref<64xi32, #tpu.memory_space<vmem>>, vector<16xi32>,
        tpu.vector_store %arg9[%swap3A_117], %get3A_116 {strides = array<i32>} : memref<64xi32, #tpu.memory_space<vmem>>, vector<16xi32>,
        %mul3A_119 = arith.constant 64 : i32
        %mul3A_120 = arith.muli %while3A_109, %mul3A_119 : i32
        %add3A_121 = arith.constant 16 : i32
        %add3A_122 = arith.addi %mul3A_120, %add3A_121 : i32
        %get3A_123 = arith.index_cast %add3A_122 : i32 to index
        %get3A_124 = tpu.vector_load %arg7[%get3A_123] {strides = array<i32>} : memref<2096xi32, #tpu.memory_space<vmem>>, vector<16xi32>,
        %swap3A_125 = arith.constant 16 : index
        %swap3A_126 = tpu.vector_load %arg9[%swap3A_125] {strides = array<i32>} : memref<64xi32, #tpu.memory_space<vmem>>, vector<16xi32>,
        tpu.vector_store %arg9[%swap3A_125], %get3A_124 {strides = array<i32>} : memref<64xi32, #tpu.memory_space<vmem>>, vector<16xi32>,
        %mul3A_127 = arith.constant 64 : i32
        %mul3A_128 = arith.muli %while3A_109, %mul3A_127 : i32
        %add3A_129 = arith.constant 32 : i32
        %add3A_130 = arith.addi %mul3A_128, %add3A_129 : i32
        %get3A_131 = arith.index_cast %add3A_130 : i32 to index
        %get3A_132 = tpu.vector_load %arg7[%get3A_131] {strides = array<i32>} : memref<2096xi32, #tpu.memory_space<vmem>>, vector<16xi32>,
        %swap3A_133 = arith.constant 32 : index
        %swap3A_134 = tpu.vector_load %arg9[%swap3A_133] {strides = array<i32>} : memref<64xi32, #tpu.memory_space<vmem>>, vector<16xi32>,
        tpu.vector_store %arg9[%swap3A_133], %get3A_132 {strides = array<i32>} : memref<64xi32, #tpu.memory_space<vmem>>, vector<16xi32>,
        %mul3A_135 = arith.constant 64 : i32
        %mul3A_136 = arith.muli %while3A_109, %mul3A_135 : i32
        %add3A_137 = arith.constant 48 : i32
        %add3A_138 = arith.addi %mul3A_136, %add3A_137 : i32
        %get3A_139 = arith.index_cast %add3A_138 : i32 to index
        %get3A_140 = tpu.vector_load %arg7[%get3A_139] {strides = array<i32>} : memref<2096xi32, #tpu.memory_space<vmem>>, vector<16xi32>,
        %swap3A_141 = arith.constant 48 : index
        %swap3A_142 = tpu.vector_load %arg9[%swap3A_141] {strides = array<i32>} : memref<64xi32, #tpu.memory_space<vmem>>, vector<16xi32>,
        tpu.vector_store %arg9[%swap3A_141], %get3A_140 {strides = array<i32>} : memref<64xi32, #tpu.memory_space<vmem>>, vector<16xi32>,
        %dma_start3A = arith.constant 0 : i32
        %dma_start3A_143 = arith.constant 0 : i32
        %dma_start3A_144 = tpu.memref_slice %arg2[%dma_start3A, %dma_start3A_143] : memref<400000x128xf32, #tpu.memory_space<hbm>> -> memref<400000x128xf32, #tpu.memory_space<hbm>>
        tpu.enqueue_indirect_dma source(%dma_start3A_144 : memref<400000x128xf32, #tpu.memory_space<hbm>>) target(%arg10 : memref<64x128xf32, #tpu.memory_space<vmem>>) offsets(%arg9 : memref<64xi32, #tpu.memory_space<vmem>>) semaphore(%arg11 : memref<!tpu.dma_semaphore, #tpu.memory_space<semaphore_mem>>)
        %dma_wait3A = arith.constant 0 : i32
        %dma_wait3A_145 = arith.constant 0 : i32
        %dma_wait3A_146 = tpu.memref_slice %arg2[%dma_wait3A, %dma_wait3A_145] : memref<400000x128xf32, #tpu.memory_space<hbm>> -> memref<400000x128xf32, #tpu.memory_space<hbm>>
        tpu.wait_indirect_dma semaphore(%arg11 : memref<!tpu.dma_semaphore, #tpu.memory_space<semaphore_mem>>) src(%dma_wait3A_146 : memref<400000x128xf32, #tpu.memory_space<hbm>>) dst(%arg10 : memref<64x128xf32, #tpu.memory_space<vmem>>)
        %mul3A_147 = arith.constant 64 : i32
        %mul3A_148 = arith.muli %while3A_109, %mul3A_147 : i32
        %add3A_149 = arith.constant 64 : i32
        %add3A_150 = arith.addi %mul3A_148, %add3A_149 : i32
        %min3A = arith.minsi %scan3A_36, %add3A_150 : i32
        %while3A_151 = arith.constant 0 : i32
        %while3A_152 = arith.subi %min3A, %mul3A_148 : i32
        %while3A_153 = arith.addi %mul3A_148, %while3A_152 : i32
        %while3A_154 = arith.constant 1 : i32
        %while3A_155 = arith.divsi %while3A_152, %while3A_154 : i32
        %while3A_156 = arith.muli %while3A_155, %while3A_154 : i32
        %while3A_157 = arith.addi %mul3A_148, %while3A_156 : i32
        %while3A_158 = arith.constant 1 : i32
        %while3A_159 = scf.for %while3A_163 = %mul3A_148 to %while3A_157 step %while3A_158 iter_args(%while3A_164 = %while3A_151) -> (i32)  : i32 {
          %get3A_165 = arith.index_cast %while3A_163 : i32 to index
          %get3A_166 = tpu.vector_load %arg8[%get3A_165] {strides = array<i32>} : memref<2096xi32, #tpu.memory_space<vmem>>, vector<16xi32>,
          %slice3A = vector.extract_strided_slice %get3A_166 {offsets = [0], sizes = [1], strides = [1]} : vector<16xi32> to vector<1xi32>
          %squeeze3A = vector.extract %slice3A[0] : i32 from vector<1xi32>
          %shift_right_arithmetic3A = arith.constant 1 : i32
          %shift_right_arithmetic3A_167 = arith.shrsi %squeeze3A, %shift_right_arithmetic3A : i32
          %and3A_168 = arith.constant 1 : i32
          %and3A_169 = arith.andi %squeeze3A, %and3A_168 : i32
          %sub3A_170 = arith.subi %while3A_163, %mul3A_148 : i32
          %mul3A_171 = arith.constant 64 : i32
          %mul3A_172 = arith.muli %shift_right_arithmetic3A_167, %mul3A_171 : i32
          %add3A_173 = arith.constant 0 : i32
          %add3A_174 = arith.addi %mul3A_172, %add3A_173 : i32
          %get3A_175 = arith.index_cast %add3A_174 : i32 to index
          %get3A_176 = tpu.vector_load %arg5[%get3A_175] {strides = array<i32>} : memref<100032xf32, #tpu.memory_space<vmem>>, vector<16xf32>,
          %mul3A_177 = arith.constant 64 : i32
          %mul3A_178 = arith.muli %and3A_169, %mul3A_177 : i32
          %add3A_179 = arith.constant 0 : i32
          %add3A_180 = arith.addi %mul3A_178, %add3A_179 : i32
          %get3A_181 = arith.index_cast %sub3A_170 : i32 to index
          %get3A_182 = arith.index_cast %add3A_180 : i32 to index
          %get3A_183 = tpu.vector_load %arg10[%get3A_181, %get3A_182] {strides = array<i32>} : memref<64x128xf32, #tpu.memory_space<vmem>>, vector<16xf32>,
          %max3A = arith.maximumf %get3A_176, %get3A_183 : vector<16xf32>
          %mul3A_184 = arith.constant 64 : i32
          %mul3A_185 = arith.muli %shift_right_arithmetic3A_167, %mul3A_184 : i32
          %add3A_186 = arith.constant 0 : i32
          %add3A_187 = arith.addi %mul3A_185, %add3A_186 : i32
          %swap3A_188 = arith.index_cast %add3A_187 : i32 to index
          %swap3A_189 = tpu.vector_load %arg5[%swap3A_188] {strides = array<i32>} : memref<100032xf32, #tpu.memory_space<vmem>>, vector<16xf32>,
          tpu.vector_store %arg5[%swap3A_188], %max3A {strides = array<i32>} : memref<100032xf32, #tpu.memory_space<vmem>>, vector<16xf32>,
          %mul3A_190 = arith.constant 64 : i32
          %mul3A_191 = arith.muli %shift_right_arithmetic3A_167, %mul3A_190 : i32
          %add3A_192 = arith.constant 16 : i32
          %add3A_193 = arith.addi %mul3A_191, %add3A_192 : i32
          %get3A_194 = arith.index_cast %add3A_193 : i32 to index
          %get3A_195 = tpu.vector_load %arg5[%get3A_194] {strides = array<i32>} : memref<100032xf32, #tpu.memory_space<vmem>>, vector<16xf32>,
          %mul3A_196 = arith.constant 64 : i32
          %mul3A_197 = arith.muli %and3A_169, %mul3A_196 : i32
          %add3A_198 = arith.constant 16 : i32
          %add3A_199 = arith.addi %mul3A_197, %add3A_198 : i32
          %get3A_200 = arith.index_cast %sub3A_170 : i32 to index
          %get3A_201 = arith.index_cast %add3A_199 : i32 to index
          %get3A_202 = tpu.vector_load %arg10[%get3A_200, %get3A_201] {strides = array<i32>} : memref<64x128xf32, #tpu.memory_space<vmem>>, vector<16xf32>,
          %max3A_203 = arith.maximumf %get3A_195, %get3A_202 : vector<16xf32>
          %mul3A_204 = arith.constant 64 : i32
          %mul3A_205 = arith.muli %shift_right_arithmetic3A_167, %mul3A_204 : i32
          %add3A_206 = arith.constant 16 : i32
          %add3A_207 = arith.addi %mul3A_205, %add3A_206 : i32
          %swap3A_208 = arith.index_cast %add3A_207 : i32 to index
          %swap3A_209 = tpu.vector_load %arg5[%swap3A_208] {strides = array<i32>} : memref<100032xf32, #tpu.memory_space<vmem>>, vector<16xf32>,
          tpu.vector_store %arg5[%swap3A_208], %max3A_203 {strides = array<i32>} : memref<100032xf32, #tpu.memory_space<vmem>>, vector<16xf32>,
          %mul3A_210 = arith.constant 64 : i32
          %mul3A_211 = arith.muli %shift_right_arithmetic3A_167, %mul3A_210 : i32
          %add3A_212 = arith.constant 32 : i32
          %add3A_213 = arith.addi %mul3A_211, %add3A_212 : i32
          %get3A_214 = arith.index_cast %add3A_213 : i32 to index
          %get3A_215 = tpu.vector_load %arg5[%get3A_214] {strides = array<i32>} : memref<100032xf32, #tpu.memory_space<vmem>>, vector<16xf32>,
          %mul3A_216 = arith.constant 64 : i32
          %mul3A_217 = arith.muli %and3A_169, %mul3A_216 : i32
          %add3A_218 = arith.constant 32 : i32
          %add3A_219 = arith.addi %mul3A_217, %add3A_218 : i32
          %get3A_220 = arith.index_cast %sub3A_170 : i32 to index
          %get3A_221 = arith.index_cast %add3A_219 : i32 to index
          %get3A_222 = tpu.vector_load %arg10[%get3A_220, %get3A_221] {strides = array<i32>} : memref<64x128xf32, #tpu.memory_space<vmem>>, vector<16xf32>,
          %max3A_223 = arith.maximumf %get3A_215, %get3A_222 : vector<16xf32>
          %mul3A_224 = arith.constant 64 : i32
          %mul3A_225 = arith.muli %shift_right_arithmetic3A_167, %mul3A_224 : i32
          %add3A_226 = arith.constant 32 : i32
          %add3A_227 = arith.addi %mul3A_225, %add3A_226 : i32
          %swap3A_228 = arith.index_cast %add3A_227 : i32 to index
          %swap3A_229 = tpu.vector_load %arg5[%swap3A_228] {strides = array<i32>} : memref<100032xf32, #tpu.memory_space<vmem>>, vector<16xf32>,
          tpu.vector_store %arg5[%swap3A_228], %max3A_223 {strides = array<i32>} : memref<100032xf32, #tpu.memory_space<vmem>>, vector<16xf32>,
          %mul3A_230 = arith.constant 64 : i32
          %mul3A_231 = arith.muli %shift_right_arithmetic3A_167, %mul3A_230 : i32
          %add3A_232 = arith.constant 48 : i32
          %add3A_233 = arith.addi %mul3A_231, %add3A_232 : i32
          %get3A_234 = arith.index_cast %add3A_233 : i32 to index
          %get3A_235 = tpu.vector_load %arg5[%get3A_234] {strides = array<i32>} : memref<100032xf32, #tpu.memory_space<vmem>>, vector<16xf32>,
          %mul3A_236 = arith.constant 64 : i32
          %mul3A_237 = arith.muli %and3A_169, %mul3A_236 : i32
          %add3A_238 = arith.constant 48 : i32
          %add3A_239 = arith.addi %mul3A_237, %add3A_238 : i32
          %get3A_240 = arith.index_cast %sub3A_170 : i32 to index
          %get3A_241 = arith.index_cast %add3A_239 : i32 to index
          %get3A_242 = tpu.vector_load %arg10[%get3A_240, %get3A_241] {strides = array<i32>} : memref<64x128xf32, #tpu.memory_space<vmem>>, vector<16xf32>,
          %max3A_243 = arith.maximumf %get3A_235, %get3A_242 : vector<16xf32>
          %mul3A_244 = arith.constant 64 : i32
          %mul3A_245 = arith.muli %shift_right_arithmetic3A_167, %mul3A_244 : i32
          %add3A_246 = arith.constant 48 : i32
          %add3A_247 = arith.addi %mul3A_245, %add3A_246 : i32
          %swap3A_248 = arith.index_cast %add3A_247 : i32 to index
          %swap3A_249 = tpu.vector_load %arg5[%swap3A_248] {strides = array<i32>} : memref<100032xf32, #tpu.memory_space<vmem>>, vector<16xf32>,
          tpu.vector_store %arg5[%swap3A_248], %max3A_243 {strides = array<i32>} : memref<100032xf32, #tpu.memory_space<vmem>>, vector<16xf32>,
          %while3A_250 = arith.constant 0 : i32
          scf.yield %while3A_250 : i32
        }
        %while3A_160 = arith.constant 1 : i32
        %while3A_161 = scf.for %while3A_163 = %while3A_157 to %while3A_153 step %while3A_160 iter_args(%while3A_164 = %while3A_159) -> (i32)  : i32 {
          %get3A_165 = arith.index_cast %while3A_163 : i32 to index
          %get3A_166 = tpu.vector_load %arg8[%get3A_165] {strides = array<i32>} : memref<2096xi32, #tpu.memory_space<vmem>>, vector<16xi32>,
          %slice3A = vector.extract_strided_slice %get3A_166 {offsets = [0], sizes = [1], strides = [1]} : vector<16xi32> to vector<1xi32>
          %squeeze3A = vector.extract %slice3A[0] : i32 from vector<1xi32>
          %shift_right_arithmetic3A = arith.constant 1 : i32
          %shift_right_arithmetic3A_167 = arith.shrsi %squeeze3A, %shift_right_arithmetic3A : i32
          %and3A_168 = arith.constant 1 : i32
          %and3A_169 = arith.andi %squeeze3A, %and3A_168 : i32
          %sub3A_170 = arith.subi %while3A_163, %mul3A_148 : i32
          %mul3A_171 = arith.constant 64 : i32
          %mul3A_172 = arith.muli %shift_right_arithmetic3A_167, %mul3A_171 : i32
          %add3A_173 = arith.constant 0 : i32
          %add3A_174 = arith.addi %mul3A_172, %add3A_173 : i32
          %get3A_175 = arith.index_cast %add3A_174 : i32 to index
          %get3A_176 = tpu.vector_load %arg5[%get3A_175] {strides = array<i32>} : memref<100032xf32, #tpu.memory_space<vmem>>, vector<16xf32>,
          %mul3A_177 = arith.constant 64 : i32
          %mul3A_178 = arith.muli %and3A_169, %mul3A_177 : i32
          %add3A_179 = arith.constant 0 : i32
          %add3A_180 = arith.addi %mul3A_178, %add3A_179 : i32
          %get3A_181 = arith.index_cast %sub3A_170 : i32 to index
          %get3A_182 = arith.index_cast %add3A_180 : i32 to index
          %get3A_183 = tpu.vector_load %arg10[%get3A_181, %get3A_182] {strides = array<i32>} : memref<64x128xf32, #tpu.memory_space<vmem>>, vector<16xf32>,
          %max3A = arith.maximumf %get3A_176, %get3A_183 : vector<16xf32>
          %mul3A_184 = arith.constant 64 : i32
          %mul3A_185 = arith.muli %shift_right_arithmetic3A_167, %mul3A_184 : i32
          %add3A_186 = arith.constant 0 : i32
          %add3A_187 = arith.addi %mul3A_185, %add3A_186 : i32
          %swap3A_188 = arith.index_cast %add3A_187 : i32 to index
          %swap3A_189 = tpu.vector_load %arg5[%swap3A_188] {strides = array<i32>} : memref<100032xf32, #tpu.memory_space<vmem>>, vector<16xf32>,
          tpu.vector_store %arg5[%swap3A_188], %max3A {strides = array<i32>} : memref<100032xf32, #tpu.memory_space<vmem>>, vector<16xf32>,
          %mul3A_190 = arith.constant 64 : i32
          %mul3A_191 = arith.muli %shift_right_arithmetic3A_167, %mul3A_190 : i32
          %add3A_192 = arith.constant 16 : i32
          %add3A_193 = arith.addi %mul3A_191, %add3A_192 : i32
          %get3A_194 = arith.index_cast %add3A_193 : i32 to index
          %get3A_195 = tpu.vector_load %arg5[%get3A_194] {strides = array<i32>} : memref<100032xf32, #tpu.memory_space<vmem>>, vector<16xf32>,
          %mul3A_196 = arith.constant 64 : i32
          %mul3A_197 = arith.muli %and3A_169, %mul3A_196 : i32
          %add3A_198 = arith.constant 16 : i32
          %add3A_199 = arith.addi %mul3A_197, %add3A_198 : i32
          %get3A_200 = arith.index_cast %sub3A_170 : i32 to index
          %get3A_201 = arith.index_cast %add3A_199 : i32 to index
          %get3A_202 = tpu.vector_load %arg10[%get3A_200, %get3A_201] {strides = array<i32>} : memref<64x128xf32, #tpu.memory_space<vmem>>, vector<16xf32>,
          %max3A_203 = arith.maximumf %get3A_195, %get3A_202 : vector<16xf32>
          %mul3A_204 = arith.constant 64 : i32
          %mul3A_205 = arith.muli %shift_right_arithmetic3A_167, %mul3A_204 : i32
          %add3A_206 = arith.constant 16 : i32
          %add3A_207 = arith.addi %mul3A_205, %add3A_206 : i32
          %swap3A_208 = arith.index_cast %add3A_207 : i32 to index
          %swap3A_209 = tpu.vector_load %arg5[%swap3A_208] {strides = array<i32>} : memref<100032xf32, #tpu.memory_space<vmem>>, vector<16xf32>,
          tpu.vector_store %arg5[%swap3A_208], %max3A_203 {strides = array<i32>} : memref<100032xf32, #tpu.memory_space<vmem>>, vector<16xf32>,
          %mul3A_210 = arith.constant 64 : i32
          %mul3A_211 = arith.muli %shift_right_arithmetic3A_167, %mul3A_210 : i32
          %add3A_212 = arith.constant 32 : i32
          %add3A_213 = arith.addi %mul3A_211, %add3A_212 : i32
          %get3A_214 = arith.index_cast %add3A_213 : i32 to index
          %get3A_215 = tpu.vector_load %arg5[%get3A_214] {strides = array<i32>} : memref<100032xf32, #tpu.memory_space<vmem>>, vector<16xf32>,
          %mul3A_216 = arith.constant 64 : i32
          %mul3A_217 = arith.muli %and3A_169, %mul3A_216 : i32
          %add3A_218 = arith.constant 32 : i32
          %add3A_219 = arith.addi %mul3A_217, %add3A_218 : i32
          %get3A_220 = arith.index_cast %sub3A_170 : i32 to index
          %get3A_221 = arith.index_cast %add3A_219 : i32 to index
          %get3A_222 = tpu.vector_load %arg10[%get3A_220, %get3A_221] {strides = array<i32>} : memref<64x128xf32, #tpu.memory_space<vmem>>, vector<16xf32>,
          %max3A_223 = arith.maximumf %get3A_215, %get3A_222 : vector<16xf32>
          %mul3A_224 = arith.constant 64 : i32
          %mul3A_225 = arith.muli %shift_right_arithmetic3A_167, %mul3A_224 : i32
          %add3A_226 = arith.constant 32 : i32
          %add3A_227 = arith.addi %mul3A_225, %add3A_226 : i32
          %swap3A_228 = arith.index_cast %add3A_227 : i32 to index
          %swap3A_229 = tpu.vector_load %arg5[%swap3A_228] {strides = array<i32>} : memref<100032xf32, #tpu.memory_space<vmem>>, vector<16xf32>,
          tpu.vector_store %arg5[%swap3A_228], %max3A_223 {strides = array<i32>} : memref<100032xf32, #tpu.memory_space<vmem>>, vector<16xf32>,
          %mul3A_230 = arith.constant 64 : i32
          %mul3A_231 = arith.muli %shift_right_arithmetic3A_167, %mul3A_230 : i32
          %add3A_232 = arith.constant 48 : i32
          %add3A_233 = arith.addi %mul3A_231, %add3A_232 : i32
          %get3A_234 = arith.index_cast %add3A_233 : i32 to index
          %get3A_235 = tpu.vector_load %arg5[%get3A_234] {strides = array<i32>} : memref<100032xf32, #tpu.memory_space<vmem>>, vector<16xf32>,
          %mul3A_236 = arith.constant 64 : i32
          %mul3A_237 = arith.muli %and3A_169, %mul3A_236 : i32
          %add3A_238 = arith.constant 48 : i32
          %add3A_239 = arith.addi %mul3A_237, %add3A_238 : i32
          %get3A_240 = arith.index_cast %sub3A_170 : i32 to index
          %get3A_241 = arith.index_cast %add3A_239 : i32 to index
          %get3A_242 = tpu.vector_load %arg10[%get3A_240, %get3A_241] {strides = array<i32>} : memref<64x128xf32, #tpu.memory_space<vmem>>, vector<16xf32>,
          %max3A_243 = arith.maximumf %get3A_235, %get3A_242 : vector<16xf32>
          %mul3A_244 = arith.constant 64 : i32
          %mul3A_245 = arith.muli %shift_right_arithmetic3A_167, %mul3A_244 : i32
          %add3A_246 = arith.constant 48 : i32
          %add3A_247 = arith.addi %mul3A_245, %add3A_246 : i32
          %swap3A_248 = arith.index_cast %add3A_247 : i32 to index
          %swap3A_249 = tpu.vector_load %arg5[%swap3A_248] {strides = array<i32>} : memref<100032xf32, #tpu.memory_space<vmem>>, vector<16xf32>,
          tpu.vector_store %arg5[%swap3A_248], %max3A_243 {strides = array<i32>} : memref<100032xf32, #tpu.memory_space<vmem>>, vector<16xf32>,
          %while3A_250 = arith.constant 0 : i32
          scf.yield %while3A_250 : i32
        }
        %while3A_162 = arith.constant 0 : i32
        scf.yield %while3A_162 : i32
      }
      %while3A_106 = arith.constant 1 : i32
      %while3A_107 = scf.for %while3A_109 = %while3A_103 to %while3A_99 step %while3A_106 iter_args(%while3A_110 = %while3A_105) -> (i32)  : i32 {
        %mul3A_111 = arith.constant 64 : i32
        %mul3A_112 = arith.muli %while3A_109, %mul3A_111 : i32
        %add3A_113 = arith.constant 0 : i32
        %add3A_114 = arith.addi %mul3A_112, %add3A_113 : i32
        %get3A_115 = arith.index_cast %add3A_114 : i32 to index
        %get3A_116 = tpu.vector_load %arg7[%get3A_115] {strides = array<i32>} : memref<2096xi32, #tpu.memory_space<vmem>>, vector<16xi32>,
        %swap3A_117 = arith.constant 0 : index
        %swap3A_118 = tpu.vector_load %arg9[%swap3A_117] {strides = array<i32>} : memref<64xi32, #tpu.memory_space<vmem>>, vector<16xi32>,
        tpu.vector_store %arg9[%swap3A_117], %get3A_116 {strides = array<i32>} : memref<64xi32, #tpu.memory_space<vmem>>, vector<16xi32>,
        %mul3A_119 = arith.constant 64 : i32
        %mul3A_120 = arith.muli %while3A_109, %mul3A_119 : i32
        %add3A_121 = arith.constant 16 : i32
        %add3A_122 = arith.addi %mul3A_120, %add3A_121 : i32
        %get3A_123 = arith.index_cast %add3A_122 : i32 to index
        %get3A_124 = tpu.vector_load %arg7[%get3A_123] {strides = array<i32>} : memref<2096xi32, #tpu.memory_space<vmem>>, vector<16xi32>,
        %swap3A_125 = arith.constant 16 : index
        %swap3A_126 = tpu.vector_load %arg9[%swap3A_125] {strides = array<i32>} : memref<64xi32, #tpu.memory_space<vmem>>, vector<16xi32>,
        tpu.vector_store %arg9[%swap3A_125], %get3A_124 {strides = array<i32>} : memref<64xi32, #tpu.memory_space<vmem>>, vector<16xi32>,
        %mul3A_127 = arith.constant 64 : i32
        %mul3A_128 = arith.muli %while3A_109, %mul3A_127 : i32
        %add3A_129 = arith.constant 32 : i32
        %add3A_130 = arith.addi %mul3A_128, %add3A_129 : i32
        %get3A_131 = arith.index_cast %add3A_130 : i32 to index
        %get3A_132 = tpu.vector_load %arg7[%get3A_131] {strides = array<i32>} : memref<2096xi32, #tpu.memory_space<vmem>>, vector<16xi32>,
        %swap3A_133 = arith.constant 32 : index
        %swap3A_134 = tpu.vector_load %arg9[%swap3A_133] {strides = array<i32>} : memref<64xi32, #tpu.memory_space<vmem>>, vector<16xi32>,
        tpu.vector_store %arg9[%swap3A_133], %get3A_132 {strides = array<i32>} : memref<64xi32, #tpu.memory_space<vmem>>, vector<16xi32>,
        %mul3A_135 = arith.constant 64 : i32
        %mul3A_136 = arith.muli %while3A_109, %mul3A_135 : i32
        %add3A_137 = arith.constant 48 : i32
        %add3A_138 = arith.addi %mul3A_136, %add3A_137 : i32
        %get3A_139 = arith.index_cast %add3A_138 : i32 to index
        %get3A_140 = tpu.vector_load %arg7[%get3A_139] {strides = array<i32>} : memref<2096xi32, #tpu.memory_space<vmem>>, vector<16xi32>,
        %swap3A_141 = arith.constant 48 : index
        %swap3A_142 = tpu.vector_load %arg9[%swap3A_141] {strides = array<i32>} : memref<64xi32, #tpu.memory_space<vmem>>, vector<16xi32>,
        tpu.vector_store %arg9[%swap3A_141], %get3A_140 {strides = array<i32>} : memref<64xi32, #tpu.memory_space<vmem>>, vector<16xi32>,
        %dma_start3A = arith.constant 0 : i32
        %dma_start3A_143 = arith.constant 0 : i32
        %dma_start3A_144 = tpu.memref_slice %arg2[%dma_start3A, %dma_start3A_143] : memref<400000x128xf32, #tpu.memory_space<hbm>> -> memref<400000x128xf32, #tpu.memory_space<hbm>>
        tpu.enqueue_indirect_dma source(%dma_start3A_144 : memref<400000x128xf32, #tpu.memory_space<hbm>>) target(%arg10 : memref<64x128xf32, #tpu.memory_space<vmem>>) offsets(%arg9 : memref<64xi32, #tpu.memory_space<vmem>>) semaphore(%arg11 : memref<!tpu.dma_semaphore, #tpu.memory_space<semaphore_mem>>)
        %dma_wait3A = arith.constant 0 : i32
        %dma_wait3A_145 = arith.constant 0 : i32
        %dma_wait3A_146 = tpu.memref_slice %arg2[%dma_wait3A, %dma_wait3A_145] : memref<400000x128xf32, #tpu.memory_space<hbm>> -> memref<400000x128xf32, #tpu.memory_space<hbm>>
        tpu.wait_indirect_dma semaphore(%arg11 : memref<!tpu.dma_semaphore, #tpu.memory_space<semaphore_mem>>) src(%dma_wait3A_146 : memref<400000x128xf32, #tpu.memory_space<hbm>>) dst(%arg10 : memref<64x128xf32, #tpu.memory_space<vmem>>)
        %mul3A_147 = arith.constant 64 : i32
        %mul3A_148 = arith.muli %while3A_109, %mul3A_147 : i32
        %add3A_149 = arith.constant 64 : i32
        %add3A_150 = arith.addi %mul3A_148, %add3A_149 : i32
        %min3A = arith.minsi %scan3A_36, %add3A_150 : i32
        %while3A_151 = arith.constant 0 : i32
        %while3A_152 = arith.subi %min3A, %mul3A_148 : i32
        %while3A_153 = arith.addi %mul3A_148, %while3A_152 : i32
        %while3A_154 = arith.constant 1 : i32
        %while3A_155 = arith.divsi %while3A_152, %while3A_154 : i32
        %while3A_156 = arith.muli %while3A_155, %while3A_154 : i32
        %while3A_157 = arith.addi %mul3A_148, %while3A_156 : i32
        %while3A_158 = arith.constant 1 : i32
        %while3A_159 = scf.for %while3A_163 = %mul3A_148 to %while3A_157 step %while3A_158 iter_args(%while3A_164 = %while3A_151) -> (i32)  : i32 {
          %get3A_165 = arith.index_cast %while3A_163 : i32 to index
          %get3A_166 = tpu.vector_load %arg8[%get3A_165] {strides = array<i32>} : memref<2096xi32, #tpu.memory_space<vmem>>, vector<16xi32>,
          %slice3A = vector.extract_strided_slice %get3A_166 {offsets = [0], sizes = [1], strides = [1]} : vector<16xi32> to vector<1xi32>
          %squeeze3A = vector.extract %slice3A[0] : i32 from vector<1xi32>
          %shift_right_arithmetic3A = arith.constant 1 : i32
          %shift_right_arithmetic3A_167 = arith.shrsi %squeeze3A, %shift_right_arithmetic3A : i32
          %and3A_168 = arith.constant 1 : i32
          %and3A_169 = arith.andi %squeeze3A, %and3A_168 : i32
          %sub3A_170 = arith.subi %while3A_163, %mul3A_148 : i32
          %mul3A_171 = arith.constant 64 : i32
          %mul3A_172 = arith.muli %shift_right_arithmetic3A_167, %mul3A_171 : i32
          %add3A_173 = arith.constant 0 : i32
          %add3A_174 = arith.addi %mul3A_172, %add3A_173 : i32
          %get3A_175 = arith.index_cast %add3A_174 : i32 to index
          %get3A_176 = tpu.vector_load %arg5[%get3A_175] {strides = array<i32>} : memref<100032xf32, #tpu.memory_space<vmem>>, vector<16xf32>,
          %mul3A_177 = arith.constant 64 : i32
          %mul3A_178 = arith.muli %and3A_169, %mul3A_177 : i32
          %add3A_179 = arith.constant 0 : i32
          %add3A_180 = arith.addi %mul3A_178, %add3A_179 : i32
          %get3A_181 = arith.index_cast %sub3A_170 : i32 to index
          %get3A_182 = arith.index_cast %add3A_180 : i32 to index
          %get3A_183 = tpu.vector_load %arg10[%get3A_181, %get3A_182] {strides = array<i32>} : memref<64x128xf32, #tpu.memory_space<vmem>>, vector<16xf32>,
          %max3A = arith.maximumf %get3A_176, %get3A_183 : vector<16xf32>
          %mul3A_184 = arith.constant 64 : i32
          %mul3A_185 = arith.muli %shift_right_arithmetic3A_167, %mul3A_184 : i32
          %add3A_186 = arith.constant 0 : i32
          %add3A_187 = arith.addi %mul3A_185, %add3A_186 : i32
          %swap3A_188 = arith.index_cast %add3A_187 : i32 to index
          %swap3A_189 = tpu.vector_load %arg5[%swap3A_188] {strides = array<i32>} : memref<100032xf32, #tpu.memory_space<vmem>>, vector<16xf32>,
          tpu.vector_store %arg5[%swap3A_188], %max3A {strides = array<i32>} : memref<100032xf32, #tpu.memory_space<vmem>>, vector<16xf32>,
          %mul3A_190 = arith.constant 64 : i32
          %mul3A_191 = arith.muli %shift_right_arithmetic3A_167, %mul3A_190 : i32
          %add3A_192 = arith.constant 16 : i32
          %add3A_193 = arith.addi %mul3A_191, %add3A_192 : i32
          %get3A_194 = arith.index_cast %add3A_193 : i32 to index
          %get3A_195 = tpu.vector_load %arg5[%get3A_194] {strides = array<i32>} : memref<100032xf32, #tpu.memory_space<vmem>>, vector<16xf32>,
          %mul3A_196 = arith.constant 64 : i32
          %mul3A_197 = arith.muli %and3A_169, %mul3A_196 : i32
          %add3A_198 = arith.constant 16 : i32
          %add3A_199 = arith.addi %mul3A_197, %add3A_198 : i32
          %get3A_200 = arith.index_cast %sub3A_170 : i32 to index
          %get3A_201 = arith.index_cast %add3A_199 : i32 to index
          %get3A_202 = tpu.vector_load %arg10[%get3A_200, %get3A_201] {strides = array<i32>} : memref<64x128xf32, #tpu.memory_space<vmem>>, vector<16xf32>,
          %max3A_203 = arith.maximumf %get3A_195, %get3A_202 : vector<16xf32>
          %mul3A_204 = arith.constant 64 : i32
          %mul3A_205 = arith.muli %shift_right_arithmetic3A_167, %mul3A_204 : i32
          %add3A_206 = arith.constant 16 : i32
          %add3A_207 = arith.addi %mul3A_205, %add3A_206 : i32
          %swap3A_208 = arith.index_cast %add3A_207 : i32 to index
          %swap3A_209 = tpu.vector_load %arg5[%swap3A_208] {strides = array<i32>} : memref<100032xf32, #tpu.memory_space<vmem>>, vector<16xf32>,
          tpu.vector_store %arg5[%swap3A_208], %max3A_203 {strides = array<i32>} : memref<100032xf32, #tpu.memory_space<vmem>>, vector<16xf32>,
          %mul3A_210 = arith.constant 64 : i32
          %mul3A_211 = arith.muli %shift_right_arithmetic3A_167, %mul3A_210 : i32
          %add3A_212 = arith.constant 32 : i32
          %add3A_213 = arith.addi %mul3A_211, %add3A_212 : i32
          %get3A_214 = arith.index_cast %add3A_213 : i32 to index
          %get3A_215 = tpu.vector_load %arg5[%get3A_214] {strides = array<i32>} : memref<100032xf32, #tpu.memory_space<vmem>>, vector<16xf32>,
          %mul3A_216 = arith.constant 64 : i32
          %mul3A_217 = arith.muli %and3A_169, %mul3A_216 : i32
          %add3A_218 = arith.constant 32 : i32
          %add3A_219 = arith.addi %mul3A_217, %add3A_218 : i32
          %get3A_220 = arith.index_cast %sub3A_170 : i32 to index
          %get3A_221 = arith.index_cast %add3A_219 : i32 to index
          %get3A_222 = tpu.vector_load %arg10[%get3A_220, %get3A_221] {strides = array<i32>} : memref<64x128xf32, #tpu.memory_space<vmem>>, vector<16xf32>,
          %max3A_223 = arith.maximumf %get3A_215, %get3A_222 : vector<16xf32>
          %mul3A_224 = arith.constant 64 : i32
          %mul3A_225 = arith.muli %shift_right_arithmetic3A_167, %mul3A_224 : i32
          %add3A_226 = arith.constant 32 : i32
          %add3A_227 = arith.addi %mul3A_225, %add3A_226 : i32
          %swap3A_228 = arith.index_cast %add3A_227 : i32 to index
          %swap3A_229 = tpu.vector_load %arg5[%swap3A_228] {strides = array<i32>} : memref<100032xf32, #tpu.memory_space<vmem>>, vector<16xf32>,
          tpu.vector_store %arg5[%swap3A_228], %max3A_223 {strides = array<i32>} : memref<100032xf32, #tpu.memory_space<vmem>>, vector<16xf32>,
          %mul3A_230 = arith.constant 64 : i32
          %mul3A_231 = arith.muli %shift_right_arithmetic3A_167, %mul3A_230 : i32
          %add3A_232 = arith.constant 48 : i32
          %add3A_233 = arith.addi %mul3A_231, %add3A_232 : i32
          %get3A_234 = arith.index_cast %add3A_233 : i32 to index
          %get3A_235 = tpu.vector_load %arg5[%get3A_234] {strides = array<i32>} : memref<100032xf32, #tpu.memory_space<vmem>>, vector<16xf32>,
          %mul3A_236 = arith.constant 64 : i32
          %mul3A_237 = arith.muli %and3A_169, %mul3A_236 : i32
          %add3A_238 = arith.constant 48 : i32
          %add3A_239 = arith.addi %mul3A_237, %add3A_238 : i32
          %get3A_240 = arith.index_cast %sub3A_170 : i32 to index
          %get3A_241 = arith.index_cast %add3A_239 : i32 to index
          %get3A_242 = tpu.vector_load %arg10[%get3A_240, %get3A_241] {strides = array<i32>} : memref<64x128xf32, #tpu.memory_space<vmem>>, vector<16xf32>,
          %max3A_243 = arith.maximumf %get3A_235, %get3A_242 : vector<16xf32>
          %mul3A_244 = arith.constant 64 : i32
          %mul3A_245 = arith.muli %shift_right_arithmetic3A_167, %mul3A_244 : i32
          %add3A_246 = arith.constant 48 : i32
          %add3A_247 = arith.addi %mul3A_245, %add3A_246 : i32
          %swap3A_248 = arith.index_cast %add3A_247 : i32 to index
          %swap3A_249 = tpu.vector_load %arg5[%swap3A_248] {strides = array<i32>} : memref<100032xf32, #tpu.memory_space<vmem>>, vector<16xf32>,
          tpu.vector_store %arg5[%swap3A_248], %max3A_243 {strides = array<i32>} : memref<100032xf32, #tpu.memory_space<vmem>>, vector<16xf32>,
          %while3A_250 = arith.constant 0 : i32
          scf.yield %while3A_250 : i32
        }
        %while3A_160 = arith.constant 1 : i32
        %while3A_161 = scf.for %while3A_163 = %while3A_157 to %while3A_153 step %while3A_160 iter_args(%while3A_164 = %while3A_159) -> (i32)  : i32 {
          %get3A_165 = arith.index_cast %while3A_163 : i32 to index
          %get3A_166 = tpu.vector_load %arg8[%get3A_165] {strides = array<i32>} : memref<2096xi32, #tpu.memory_space<vmem>>, vector<16xi32>,
          %slice3A = vector.extract_strided_slice %get3A_166 {offsets = [0], sizes = [1], strides = [1]} : vector<16xi32> to vector<1xi32>
          %squeeze3A = vector.extract %slice3A[0] : i32 from vector<1xi32>
          %shift_right_arithmetic3A = arith.constant 1 : i32
          %shift_right_arithmetic3A_167 = arith.shrsi %squeeze3A, %shift_right_arithmetic3A : i32
          %and3A_168 = arith.constant 1 : i32
          %and3A_169 = arith.andi %squeeze3A, %and3A_168 : i32
          %sub3A_170 = arith.subi %while3A_163, %mul3A_148 : i32
          %mul3A_171 = arith.constant 64 : i32
          %mul3A_172 = arith.muli %shift_right_arithmetic3A_167, %mul3A_171 : i32
          %add3A_173 = arith.constant 0 : i32
          %add3A_174 = arith.addi %mul3A_172, %add3A_173 : i32
          %get3A_175 = arith.index_cast %add3A_174 : i32 to index
          %get3A_176 = tpu.vector_load %arg5[%get3A_175] {strides = array<i32>} : memref<100032xf32, #tpu.memory_space<vmem>>, vector<16xf32>,
          %mul3A_177 = arith.constant 64 : i32
          %mul3A_178 = arith.muli %and3A_169, %mul3A_177 : i32
          %add3A_179 = arith.constant 0 : i32
          %add3A_180 = arith.addi %mul3A_178, %add3A_179 : i32
          %get3A_181 = arith.index_cast %sub3A_170 : i32 to index
          %get3A_182 = arith.index_cast %add3A_180 : i32 to index
          %get3A_183 = tpu.vector_load %arg10[%get3A_181, %get3A_182] {strides = array<i32>} : memref<64x128xf32, #tpu.memory_space<vmem>>, vector<16xf32>,
          %max3A = arith.maximumf %get3A_176, %get3A_183 : vector<16xf32>
          %mul3A_184 = arith.constant 64 : i32
          %mul3A_185 = arith.muli %shift_right_arithmetic3A_167, %mul3A_184 : i32
          %add3A_186 = arith.constant 0 : i32
          %add3A_187 = arith.addi %mul3A_185, %add3A_186 : i32
          %swap3A_188 = arith.index_cast %add3A_187 : i32 to index
          %swap3A_189 = tpu.vector_load %arg5[%swap3A_188] {strides = array<i32>} : memref<100032xf32, #tpu.memory_space<vmem>>, vector<16xf32>,
          tpu.vector_store %arg5[%swap3A_188], %max3A {strides = array<i32>} : memref<100032xf32, #tpu.memory_space<vmem>>, vector<16xf32>,
          %mul3A_190 = arith.constant 64 : i32
          %mul3A_191 = arith.muli %shift_right_arithmetic3A_167, %mul3A_190 : i32
          %add3A_192 = arith.constant 16 : i32
          %add3A_193 = arith.addi %mul3A_191, %add3A_192 : i32
          %get3A_194 = arith.index_cast %add3A_193 : i32 to index
          %get3A_195 = tpu.vector_load %arg5[%get3A_194] {strides = array<i32>} : memref<100032xf32, #tpu.memory_space<vmem>>, vector<16xf32>,
          %mul3A_196 = arith.constant 64 : i32
          %mul3A_197 = arith.muli %and3A_169, %mul3A_196 : i32
          %add3A_198 = arith.constant 16 : i32
          %add3A_199 = arith.addi %mul3A_197, %add3A_198 : i32
          %get3A_200 = arith.index_cast %sub3A_170 : i32 to index
          %get3A_201 = arith.index_cast %add3A_199 : i32 to index
          %get3A_202 = tpu.vector_load %arg10[%get3A_200, %get3A_201] {strides = array<i32>} : memref<64x128xf32, #tpu.memory_space<vmem>>, vector<16xf32>,
          %max3A_203 = arith.maximumf %get3A_195, %get3A_202 : vector<16xf32>
          %mul3A_204 = arith.constant 64 : i32
          %mul3A_205 = arith.muli %shift_right_arithmetic3A_167, %mul3A_204 : i32
          %add3A_206 = arith.constant 16 : i32
          %add3A_207 = arith.addi %mul3A_205, %add3A_206 : i32
          %swap3A_208 = arith.index_cast %add3A_207 : i32 to index
          %swap3A_209 = tpu.vector_load %arg5[%swap3A_208] {strides = array<i32>} : memref<100032xf32, #tpu.memory_space<vmem>>, vector<16xf32>,
          tpu.vector_store %arg5[%swap3A_208], %max3A_203 {strides = array<i32>} : memref<100032xf32, #tpu.memory_space<vmem>>, vector<16xf32>,
          %mul3A_210 = arith.constant 64 : i32
          %mul3A_211 = arith.muli %shift_right_arithmetic3A_167, %mul3A_210 : i32
          %add3A_212 = arith.constant 32 : i32
          %add3A_213 = arith.addi %mul3A_211, %add3A_212 : i32
          %get3A_214 = arith.index_cast %add3A_213 : i32 to index
          %get3A_215 = tpu.vector_load %arg5[%get3A_214] {strides = array<i32>} : memref<100032xf32, #tpu.memory_space<vmem>>, vector<16xf32>,
          %mul3A_216 = arith.constant 64 : i32
          %mul3A_217 = arith.muli %and3A_169, %mul3A_216 : i32
          %add3A_218 = arith.constant 32 : i32
          %add3A_219 = arith.addi %mul3A_217, %add3A_218 : i32
          %get3A_220 = arith.index_cast %sub3A_170 : i32 to index
          %get3A_221 = arith.index_cast %add3A_219 : i32 to index
          %get3A_222 = tpu.vector_load %arg10[%get3A_220, %get3A_221] {strides = array<i32>} : memref<64x128xf32, #tpu.memory_space<vmem>>, vector<16xf32>,
          %max3A_223 = arith.maximumf %get3A_215, %get3A_222 : vector<16xf32>
          %mul3A_224 = arith.constant 64 : i32
          %mul3A_225 = arith.muli %shift_right_arithmetic3A_167, %mul3A_224 : i32
          %add3A_226 = arith.constant 32 : i32
          %add3A_227 = arith.addi %mul3A_225, %add3A_226 : i32
          %swap3A_228 = arith.index_cast %add3A_227 : i32 to index
          %swap3A_229 = tpu.vector_load %arg5[%swap3A_228] {strides = array<i32>} : memref<100032xf32, #tpu.memory_space<vmem>>, vector<16xf32>,
          tpu.vector_store %arg5[%swap3A_228], %max3A_223 {strides = array<i32>} : memref<100032xf32, #tpu.memory_space<vmem>>, vector<16xf32>,
          %mul3A_230 = arith.constant 64 : i32
          %mul3A_231 = arith.muli %shift_right_arithmetic3A_167, %mul3A_230 : i32
          %add3A_232 = arith.constant 48 : i32
          %add3A_233 = arith.addi %mul3A_231, %add3A_232 : i32
          %get3A_234 = arith.index_cast %add3A_233 : i32 to index
          %get3A_235 = tpu.vector_load %arg5[%get3A_234] {strides = array<i32>} : memref<100032xf32, #tpu.memory_space<vmem>>, vector<16xf32>,
          %mul3A_236 = arith.constant 64 : i32
          %mul3A_237 = arith.muli %and3A_169, %mul3A_236 : i32
          %add3A_238 = arith.constant 48 : i32
          %add3A_239 = arith.addi %mul3A_237, %add3A_238 : i32
          %get3A_240 = arith.index_cast %sub3A_170 : i32 to index
          %get3A_241 = arith.index_cast %add3A_239 : i32 to index
          %get3A_242 = tpu.vector_load %arg10[%get3A_240, %get3A_241] {strides = array<i32>} : memref<64x128xf32, #tpu.memory_space<vmem>>, vector<16xf32>,
          %max3A_243 = arith.maximumf %get3A_235, %get3A_242 : vector<16xf32>
          %mul3A_244 = arith.constant 64 : i32
          %mul3A_245 = arith.muli %shift_right_arithmetic3A_167, %mul3A_244 : i32
          %add3A_246 = arith.constant 48 : i32
          %add3A_247 = arith.addi %mul3A_245, %add3A_246 : i32
          %swap3A_248 = arith.index_cast %add3A_247 : i32 to index
          %swap3A_249 = tpu.vector_load %arg5[%swap3A_248] {strides = array<i32>} : memref<100032xf32, #tpu.memory_space<vmem>>, vector<16xf32>,
          tpu.vector_store %arg5[%swap3A_248], %max3A_243 {strides = array<i32>} : memref<100032xf32, #tpu.memory_space<vmem>>, vector<16xf32>,
          %while3A_250 = arith.constant 0 : i32
          scf.yield %while3A_250 : i32
        }
        %while3A_162 = arith.constant 0 : i32
        scf.yield %while3A_162 : i32
      }
      %scan3A_108 = arith.constant 0 : i32
      scf.yield %scan3A_108 : i32
    }
    %scan3A_16 = arith.constant 400 : i32
    %scan3A_17 = arith.constant 0 : i32
    %scan3A_18 = arith.constant 0 : i32
    %scan3A_19 = arith.constant 6252 : i32
    %scan3A_20 = arith.addi %scan3A_18, %scan3A_19 : i32
    %scan3A_21 = arith.constant 1 : i32
    %scan3A_22 = scf.for %scan3A_26 = %scan3A_18 to %scan3A_20 step %scan3A_21 iter_args(%scan3A_27 = %scan3A_17) -> (i32)  : i32 {
      %mul3A_28 = arith.constant 16 : i32
      %mul3A_29 = arith.muli %scan3A_26, %mul3A_28 : i32
      %get3A = arith.index_cast %mul3A_29 : i32 to index
      %get3A_30 = tpu.vector_load %arg5[%get3A] {strides = array<i32>} : memref<100032xf32, #tpu.memory_space<vmem>>, vector<16xf32>,
      %eq3A = arith.constant 0xFF800000 : f32
      %eq3A_31 = vector.broadcast %eq3A : f32 to vector<16xf32>
      %eq3A_32 = arith.cmpf oeq, %get3A_30, %eq3A_31 : vector<16xf32>
      %jit3A = arith.constant 0.000000e+00 : f32
      %broadcast_in_dim3A_33 = vector.broadcast %jit3A : f32 to vector<16xf32>
      %select_n3A = arith.select %eq3A_32, %broadcast_in_dim3A_33, %get3A_30 : vector<16xi1>, vector<16xf32>
      %mul3A_34 = arith.constant 16 : i32
      %mul3A_35 = arith.muli %scan3A_26, %mul3A_34 : i32
      %swap3A = arith.index_cast %mul3A_35 : i32 to index
      %swap3A_36 = tpu.vector_load %arg5[%swap3A] {strides = array<i32>} : memref<100032xf32, #tpu.memory_space<vmem>>, vector<16xf32>,
      tpu.vector_store %arg5[%swap3A], %select_n3A {strides = array<i32>} : memref<100032xf32, #tpu.memory_space<vmem>>, vector<16xf32>,
      %scan3A_37 = arith.constant 0 : i32
      scf.yield %scan3A_37 : i32
    }
    %scan3A_23 = arith.constant 6252 : i32
    %mul3A_24 = arith.constant 64 : i32
    %mul3A_25 = arith.muli %mul3A_2, %mul3A_24 : i32
    %multiple_of3A = tpu.assume_multiple %mul3A_25, 8 : i32
    "tpu.region"() ({
      %run_scoped3A = tpu.sem_alloc : memref<!tpu.dma_semaphore, #tpu.memory_space<semaphore_mem>>
      %dma_start3A = tpu.memref_slice %arg4[%multiple_of3A] : memref<3201024xf32, #tpu.memory_space<hbm>> -> memref<100032xf32, #tpu.memory_space<hbm>>
      %dma_start3A_26 = tpu.memref_slice %arg4[%multiple_of3A] : memref<3201024xf32, #tpu.memory_space<hbm>> -> memref<100032xf32, #tpu.memory_space<hbm>>
      tpu.enqueue_dma source(%arg5 : memref<100032xf32, #tpu.memory_space<vmem>>) target(%dma_start3A_26 : memref<100032xf32, #tpu.memory_space<hbm>>) target_semaphore(%run_scoped3A : memref<!tpu.dma_semaphore, #tpu.memory_space<semaphore_mem>>)
      %dma_wait3A = tpu.memref_slice %arg4[%multiple_of3A] : memref<3201024xf32, #tpu.memory_space<hbm>> -> memref<100032xf32, #tpu.memory_space<hbm>>
      %dma_wait3A_27 = tpu.memref_slice %arg4[%multiple_of3A] : memref<3201024xf32, #tpu.memory_space<hbm>> -> memref<100032xf32, #tpu.memory_space<hbm>>
      tpu.wait_dma2 semaphore(%run_scoped3A : memref<!tpu.dma_semaphore, #tpu.memory_space<semaphore_mem>>) src(%arg5 : memref<100032xf32, #tpu.memory_space<vmem>>) dst(%dma_wait3A_27 : memref<100032xf32, #tpu.memory_space<hbm>>)
      tpu.yield
    }) : () -> ()
    return
  }
}

#map = affine_map<(d0, d1) -> (0, 0)>
#map1 = affine_map<(d0, d1) -> (0)>
module attributes {stable_mosaic.version = 14 : i64} {
  func.func @_scatter_max_body(%arg0: i32, %arg1: i32, %arg2: memref<400000x128xf32, #tpu.memory_space<hbm>>, %arg3: memref<800000xi32, #tpu.memory_space<hbm>>, %arg4: memref<3201024xf32, #tpu.memory_space<hbm>>, %arg5: memref<100032xf32, #tpu.memory_space<vmem>>, %arg6: memref<2000xi32, #tpu.memory_space<vmem>>, %arg7: memref<2096xi32, #tpu.memory_space<vmem>>, %arg8: memref<2096xi32, #tpu.memory_space<vmem>>, %arg9: memref<64xi32, #tpu.memory_space<vmem>>, %arg10: memref<64x128xf32, #tpu.memory_space<vmem>>, %arg11: memref<!tpu.dma_semaphore, #tpu.memory_space<semaphore_mem>>) attributes {dimension_semantics = [#tpu.dimension_semantics<core_parallel>, #tpu.dimension_semantics<subcore_parallel>], iteration_bounds = array<i64: 2, 16>, scalar_prefetch = 0 : i64, scratch_operands = 7 : i64, tpu.core_type = #tpu.core_type<sc_vector_subcore>, window_params = [{transform_indices = #map}, {transform_indices = #map1}, {transform_indices = #map1}]} {
    %mul3A = arith.constant 2 : i32
    %mul3A_0 = arith.muli %arg1, %mul3A : i32
    %add3A = arith.addi %mul3A_0, %arg0 : i32
    %mul3A_1 = arith.constant 1563 : i32
    %mul3A_2 = arith.muli %add3A, %mul3A_1 : i32
    %iota3A = tpu.iota {dimensions = array<i32: 0>} : vector<16xi32>
    %broadcast_in_dim3A = arith.constant 0xFF800000 : f32
    %broadcast_in_dim3A_3 = vector.broadcast %broadcast_in_dim3A : f32 to vector<16xf32>
    %scan3A = arith.constant 0 : i32
    %scan3A_4 = arith.constant 0 : i32
    %scan3A_5 = arith.constant 6252 : i32
    %scan3A_6 = arith.addi %scan3A_4, %scan3A_5 : i32
    %scan3A_7 = arith.constant 1 : i32
    %scan3A_8 = scf.for %scan3A_26 = %scan3A_4 to %scan3A_6 step %scan3A_7 iter_args(%scan3A_27 = %scan3A) -> (i32)  : i32 {
      %mul3A_28 = arith.constant 16 : i32
      %mul3A_29 = arith.muli %scan3A_26, %mul3A_28 : i32
      %swap3A = arith.index_cast %mul3A_29 : i32 to index
      %swap3A_30 = tpu.vector_load %arg5[%swap3A] {strides = array<i32>} : memref<100032xf32, #tpu.memory_space<vmem>>, vector<16xf32>,
      tpu.vector_store %arg5[%swap3A], %broadcast_in_dim3A_3 {strides = array<i32>} : memref<100032xf32, #tpu.memory_space<vmem>>, vector<16xf32>,
      %scan3A_31 = arith.constant 0 : i32
      scf.yield %scan3A_31 : i32
    }
    %scan3A_9 = arith.constant 6252 : i32
    %scan3A_10 = arith.constant 0 : i32
    %scan3A_11 = arith.constant 0 : i32
    %scan3A_12 = arith.constant 400 : i32
    %scan3A_13 = arith.addi %scan3A_11, %scan3A_12 : i32
    %scan3A_14 = arith.constant 1 : i32
    %scan3A_15 = scf.for %scan3A_26 = %scan3A_11 to %scan3A_13 step %scan3A_14 iter_args(%scan3A_27 = %scan3A_10) -> (i32)  : i32 {
      %mul3A_28 = arith.constant 2000 : i32
      %mul3A_29 = arith.muli %scan3A_26, %mul3A_28 : i32
      %multiple_of3A_30 = tpu.assume_multiple %mul3A_29, 8 : i32
      "tpu.region"() ({
        %run_scoped3A = tpu.sem_alloc : memref<!tpu.dma_semaphore, #tpu.memory_space<semaphore_mem>>
        %dma_start3A = tpu.memref_slice %arg3[%multiple_of3A_30] : memref<800000xi32, #tpu.memory_space<hbm>> -> memref<2000xi32, #tpu.memory_space<hbm>>
        %dma_start3A_109 = tpu.memref_slice %arg3[%multiple_of3A_30] : memref<800000xi32, #tpu.memory_space<hbm>> -> memref<2000xi32, #tpu.memory_space<hbm>>
        tpu.enqueue_dma source(%dma_start3A_109 : memref<2000xi32, #tpu.memory_space<hbm>>) target(%arg6 : memref<2000xi32, #tpu.memory_space<vmem>>) target_semaphore(%run_scoped3A : memref<!tpu.dma_semaphore, #tpu.memory_space<semaphore_mem>>)
        %dma_wait3A = tpu.memref_slice %arg3[%multiple_of3A_30] : memref<800000xi32, #tpu.memory_space<hbm>> -> memref<2000xi32, #tpu.memory_space<hbm>>
        %dma_wait3A_110 = tpu.memref_slice %arg3[%multiple_of3A_30] : memref<800000xi32, #tpu.memory_space<hbm>> -> memref<2000xi32, #tpu.memory_space<hbm>>
        tpu.wait_dma2 semaphore(%run_scoped3A : memref<!tpu.dma_semaphore, #tpu.memory_space<semaphore_mem>>) src(%dma_wait3A_110 : memref<2000xi32, #tpu.memory_space<hbm>>) dst(%arg6 : memref<2000xi32, #tpu.memory_space<vmem>>)
        tpu.yield
      }) : () -> ()
      %scan3A_31 = arith.constant 0 : i32
      %scan3A_32 = arith.constant 0 : i32
      %scan3A_33 = arith.constant 125 : i32
      %scan3A_34 = arith.addi %scan3A_32, %scan3A_33 : i32
      %scan3A_35 = arith.constant 1 : i32
      %scan3A_36 = scf.for %scan3A_109 = %scan3A_32 to %scan3A_34 step %scan3A_35 iter_args(%scan3A_110 = %scan3A_31) -> (i32)  : i32 {
        %mul3A_111 = arith.constant 16 : i32
        %mul3A_112 = arith.muli %scan3A_109, %mul3A_111 : i32
        %get3A_113 = arith.index_cast %mul3A_112 : i32 to index
        %get3A_114 = tpu.vector_load %arg6[%get3A_113] {strides = array<i32>} : memref<2000xi32, #tpu.memory_space<vmem>>, vector<16xi32>,
        %ge3A = vector.broadcast %mul3A_2 : i32 to vector<16xi32>
        %ge3A_115 = arith.cmpi sge, %get3A_114, %ge3A : vector<16xi32>
        %add3A_116 = arith.constant 1563 : i32
        %add3A_117 = arith.addi %mul3A_2, %add3A_116 : i32
        %lt3A_118 = vector.broadcast %add3A_117 : i32 to vector<16xi32>
        %lt3A_119 = arith.cmpi slt, %get3A_114, %lt3A_118 : vector<16xi32>
        %and3A_120 = arith.andi %ge3A_115, %lt3A_119 : vector<16xi1>
        %convert_element_type3A = arith.extui %and3A_120 : vector<16xi1> to vector<16xi32>
        %reduce_sum3A = arith.constant true
        %reduce_sum3A_121 = vector.broadcast %reduce_sum3A : i1 to vector<16xi1>
        %reduce_sum3A_122 = tpu.scan <sum>, %convert_element_type3A masked %reduce_sum3A_121 : vector<16xi32>, vector<16xi1> -> vector<16xi32>
        %reduce_sum3A_123 = vector.extract %reduce_sum3A_122[15] : i32 from vector<16xi32>
        %mul3A_124 = arith.constant 2000 : i32
        %mul3A_125 = arith.muli %scan3A_26, %mul3A_124 : i32
        %mul3A_126 = arith.constant 16 : i32
        %mul3A_127 = arith.muli %scan3A_109, %mul3A_126 : i32
        %add3A_128 = arith.addi %mul3A_125, %mul3A_127 : i32
        %add3A_129 = vector.broadcast %add3A_128 : i32 to vector<16xi32>
        %add3A_130 = arith.addi %add3A_129, %iota3A : vector<16xi32>
        %shift_right_arithmetic3A = arith.constant 1 : i32
        %shift_right_arithmetic3A_131 = vector.broadcast %shift_right_arithmetic3A : i32 to vector<16xi32>
        %shift_right_arithmetic3A_132 = arith.shrsi %add3A_130, %shift_right_arithmetic3A_131 : vector<16xi32>
        %swap3A_133 = arith.index_cast %scan3A_110 : i32 to index
        %swap3A_134 = tpu.vector_load %arg7[%swap3A_133] masked %and3A_120 {strides = array<i32>} : memref<2096xi32, #tpu.memory_space<vmem>>, vector<16xi32>, vector<16xi1>
        tpu.vector_store %arg7[%swap3A_133], %shift_right_arithmetic3A_132 masked %and3A_120 {strides = array<i32>} : memref<2096xi32, #tpu.memory_space<vmem>>, vector<16xi32>, vector<16xi1>
        %sub3A_135 = vector.broadcast %mul3A_2 : i32 to vector<16xi32>
        %sub3A_136 = arith.subi %get3A_114, %sub3A_135 : vector<16xi32>
        %shift_left3A = arith.constant 1 : i32
        %shift_left3A_137 = vector.broadcast %shift_left3A : i32 to vector<16xi32>
        %shift_left3A_138 = arith.shli %sub3A_136, %shift_left3A_137 : vector<16xi32>
        %and3A_139 = arith.constant 1 : i32
        %and3A_140 = vector.broadcast %and3A_139 : i32 to vector<16xi32>
        %and3A_141 = arith.andi %add3A_130, %and3A_140 : vector<16xi32>
        %or3A = arith.ori %shift_left3A_138, %and3A_141 : vector<16xi32>
        %swap3A_142 = arith.index_cast %scan3A_110 : i32 to index
        %swap3A_143 = tpu.vector_load %arg8[%swap3A_142] masked %and3A_120 {strides = array<i32>} : memref<2096xi32, #tpu.memory_space<vmem>>, vector<16xi32>, vector<16xi1>
        tpu.vector_store %arg8[%swap3A_142], %or3A masked %and3A_120 {strides = array<i32>} : memref<2096xi32, #tpu.memory_space<vmem>>, vector<16xi32>, vector<16xi1>
        %add3A_144 = arith.addi %scan3A_110, %reduce_sum3A_123 : i32
        scf.yield %add3A_144 : i32
      }
      %scan3A_37 = arith.constant 125 : i32
      %and3A = arith.constant -16 : i32
      %and3A_38 = arith.andi %scan3A_36, %and3A : i32
      %get3A = arith.index_cast %and3A_38 : i32 to index
      %get3A_39 = tpu.vector_load %arg7[%get3A] {strides = array<i32>} : memref<2096xi32, #tpu.memory_space<vmem>>, vector<16xi32>,
      %sub3A = arith.subi %scan3A_36, %and3A_38 : i32
      %lt3A = vector.broadcast %sub3A : i32 to vector<16xi32>
      %lt3A_40 = arith.cmpi slt, %iota3A, %lt3A : vector<16xi32>
      %jit3A = arith.constant 0 : i32
      %broadcast_in_dim3A_41 = vector.broadcast %jit3A : i32 to vector<16xi32>
      %select_n3A = arith.select %lt3A_40, %get3A_39, %broadcast_in_dim3A_41 : vector<16xi1>, vector<16xi32>
      %swap3A = arith.index_cast %and3A_38 : i32 to index
      %swap3A_42 = tpu.vector_load %arg7[%swap3A] {strides = array<i32>} : memref<2096xi32, #tpu.memory_space<vmem>>, vector<16xi32>,
      tpu.vector_store %arg7[%swap3A], %select_n3A {strides = array<i32>} : memref<2096xi32, #tpu.memory_space<vmem>>, vector<16xi32>,
      %broadcast_in_dim3A_43 = arith.constant 0 : i32
      %broadcast_in_dim3A_44 = vector.broadcast %broadcast_in_dim3A_43 : i32 to vector<16xi32>
      %add3A_45 = arith.constant 16 : i32
      %add3A_46 = arith.addi %and3A_38, %add3A_45 : i32
      %swap3A_47 = arith.index_cast %add3A_46 : i32 to index
      %swap3A_48 = tpu.vector_load %arg7[%swap3A_47] {strides = array<i32>} : memref<2096xi32, #tpu.memory_space<vmem>>, vector<16xi32>,
      tpu.vector_store %arg7[%swap3A_47], %broadcast_in_dim3A_44 {strides = array<i32>} : memref<2096xi32, #tpu.memory_space<vmem>>, vector<16xi32>,
      %broadcast_in_dim3A_49 = arith.constant 0 : i32
      %broadcast_in_dim3A_50 = vector.broadcast %broadcast_in_dim3A_49 : i32 to vector<16xi32>
      %add3A_51 = arith.constant 32 : i32
      %add3A_52 = arith.addi %and3A_38, %add3A_51 : i32
      %swap3A_53 = arith.index_cast %add3A_52 : i32 to index
      %swap3A_54 = tpu.vector_load %arg7[%swap3A_53] {strides = array<i32>} : memref<2096xi32, #tpu.memory_space<vmem>>, vector<16xi32>,
      tpu.vector_store %arg7[%swap3A_53], %broadcast_in_dim3A_50 {strides = array<i32>} : memref<2096xi32, #tpu.memory_space<vmem>>, vector<16xi32>,
      %broadcast_in_dim3A_55 = arith.constant 0 : i32
      %broadcast_in_dim3A_56 = vector.broadcast %broadcast_in_dim3A_55 : i32 to vector<16xi32>
      %add3A_57 = arith.constant 48 : i32
      %add3A_58 = arith.addi %and3A_38, %add3A_57 : i32
      %swap3A_59 = arith.index_cast %add3A_58 : i32 to index
      %swap3A_60 = tpu.vector_load %arg7[%swap3A_59] {strides = array<i32>} : memref<2096xi32, #tpu.memory_space<vmem>>, vector<16xi32>,
      tpu.vector_store %arg7[%swap3A_59], %broadcast_in_dim3A_56 {strides = array<i32>} : memref<2096xi32, #tpu.memory_space<vmem>>, vector<16xi32>,
      %broadcast_in_dim3A_61 = arith.constant 0 : i32
      %broadcast_in_dim3A_62 = vector.broadcast %broadcast_in_dim3A_61 : i32 to vector<16xi32>
      %add3A_63 = arith.constant 64 : i32
      %add3A_64 = arith.addi %and3A_38, %add3A_63 : i32
      %swap3A_65 = arith.index_cast %add3A_64 : i32 to index
      %swap3A_66 = tpu.vector_load %arg7[%swap3A_65] {strides = array<i32>} : memref<2096xi32, #tpu.memory_space<vmem>>, vector<16xi32>,
      tpu.vector_store %arg7[%swap3A_65], %broadcast_in_dim3A_62 {strides = array<i32>} : memref<2096xi32, #tpu.memory_space<vmem>>, vector<16xi32>,
      %broadcast_in_dim3A_67 = arith.constant 0 : i32
      %broadcast_in_dim3A_68 = vector.broadcast %broadcast_in_dim3A_67 : i32 to vector<16xi32>
      %add3A_69 = arith.constant 80 : i32
      %add3A_70 = arith.addi %and3A_38, %add3A_69 : i32
      %swap3A_71 = arith.index_cast %add3A_70 : i32 to index
      %swap3A_72 = tpu.vector_load %arg7[%swap3A_71] {strides = array<i32>} : memref<2096xi32, #tpu.memory_space<vmem>>, vector<16xi32>,
      tpu.vector_store %arg7[%swap3A_71], %broadcast_in_dim3A_68 {strides = array<i32>} : memref<2096xi32, #tpu.memory_space<vmem>>, vector<16xi32>,
      %add3A_73 = arith.constant 64 : i32
      %add3A_74 = arith.addi %scan3A_36, %add3A_73 : i32
      %sub3A_75 = arith.constant 1 : i32
      %sub3A_76 = arith.subi %add3A_74, %sub3A_75 : i32
      %jit3A_77 = arith.constant 64 : i32
      %div3A = arith.divsi %sub3A_76, %jit3A_77 : i32
      %sign3A = arith.constant 0 : i32
      %sign3A_78 = arith.cmpi sgt, %sub3A_76, %sign3A : i32
      %sign3A_79 = arith.extui %sign3A_78 : i1 to i32
      %sign3A_80 = arith.constant 0 : i32
      %sign3A_81 = arith.cmpi slt, %sub3A_76, %sign3A_80 : i32
      %sign3A_82 = arith.extui %sign3A_81 : i1 to i32
      %sign3A_83 = arith.subi %sign3A_79, %sign3A_82 : i32
      %sign3A_84 = arith.constant 0 : i32
      %sign3A_85 = arith.cmpi sgt, %jit3A_77, %sign3A_84 : i32
      %sign3A_86 = arith.extui %sign3A_85 : i1 to i32
      %sign3A_87 = arith.constant 0 : i32
      %sign3A_88 = arith.cmpi slt, %jit3A_77, %sign3A_87 : i32
      %sign3A_89 = arith.extui %sign3A_88 : i1 to i32
      %sign3A_90 = arith.subi %sign3A_86, %sign3A_89 : i32
      %ne3A = arith.cmpi ne, %sign3A_83, %sign3A_90 : i32
      %rem3A = arith.remsi %sub3A_76, %jit3A_77 : i32
      %ne3A_91 = arith.constant 0 : i32
      %ne3A_92 = arith.cmpi ne, %rem3A, %ne3A_91 : i32
      %and3A_93 = arith.andi %ne3A, %ne3A_92 : i1
      %sub3A_94 = arith.constant 1 : i32
      %sub3A_95 = arith.subi %div3A, %sub3A_94 : i32
      %select_n3A_96 = arith.select %and3A_93, %sub3A_95, %div3A : i32
      %while3A = arith.constant 0 : i32
      %while3A_97 = arith.constant 0 : i32
      %while3A_98 = arith.subi %select_n3A_96, %while3A : i32
      %while3A_99 = arith.addi %while3A, %while3A_98 : i32
      %while3A_100 = arith.constant 1 : i32
      %while3A_101 = arith.divsi %while3A_98, %while3A_100 : i32
      %while3A_102 = arith.muli %while3A_101, %while3A_100 : i32
      %while3A_103 = arith.addi %while3A, %while3A_102 : i32
      %while3A_104 = arith.constant 1 : i32
      %while3A_105 = scf.for %while3A_109 = %while3A to %while3A_103 step %while3A_104 iter_args(%while3A_110 = %while3A_97) -> (i32)  : i32 {
        %mul3A_111 = arith.constant 64 : i32
        %mul3A_112 = arith.muli %while3A_109, %mul3A_111 : i32
        %add3A_113 = arith.constant 0 : i32
        %add3A_114 = arith.addi %mul3A_112, %add3A_113 : i32
        %get3A_115 = arith.index_cast %add3A_114 : i32 to index
        %get3A_116 = tpu.vector_load %arg7[%get3A_115] {strides = array<i32>} : memref<2096xi32, #tpu.memory_space<vmem>>, vector<16xi32>,
        %swap3A_117 = arith.constant 0 : index
        %swap3A_118 = tpu.vector_load %arg9[%swap3A_117] {strides = array<i32>} : memref<64xi32, #tpu.memory_space<vmem>>, vector<16xi32>,
        tpu.vector_store %arg9[%swap3A_117], %get3A_116 {strides = array<i32>} : memref<64xi32, #tpu.memory_space<vmem>>, vector<16xi32>,
        %mul3A_119 = arith.constant 64 : i32
        %mul3A_120 = arith.muli %while3A_109, %mul3A_119 : i32
        %add3A_121 = arith.constant 16 : i32
        %add3A_122 = arith.addi %mul3A_120, %add3A_121 : i32
        %get3A_123 = arith.index_cast %add3A_122 : i32 to index
        %get3A_124 = tpu.vector_load %arg7[%get3A_123] {strides = array<i32>} : memref<2096xi32, #tpu.memory_space<vmem>>, vector<16xi32>,
        %swap3A_125 = arith.constant 16 : index
        %swap3A_126 = tpu.vector_load %arg9[%swap3A_125] {strides = array<i32>} : memref<64xi32, #tpu.memory_space<vmem>>, vector<16xi32>,
        tpu.vector_store %arg9[%swap3A_125], %get3A_124 {strides = array<i32>} : memref<64xi32, #tpu.memory_space<vmem>>, vector<16xi32>,
        %mul3A_127 = arith.constant 64 : i32
        %mul3A_128 = arith.muli %while3A_109, %mul3A_127 : i32
        %add3A_129 = arith.constant 32 : i32
        %add3A_130 = arith.addi %mul3A_128, %add3A_129 : i32
        %get3A_131 = arith.index_cast %add3A_130 : i32 to index
        %get3A_132 = tpu.vector_load %arg7[%get3A_131] {strides = array<i32>} : memref<2096xi32, #tpu.memory_space<vmem>>, vector<16xi32>,
        %swap3A_133 = arith.constant 32 : index
        %swap3A_134 = tpu.vector_load %arg9[%swap3A_133] {strides = array<i32>} : memref<64xi32, #tpu.memory_space<vmem>>, vector<16xi32>,
        tpu.vector_store %arg9[%swap3A_133], %get3A_132 {strides = array<i32>} : memref<64xi32, #tpu.memory_space<vmem>>, vector<16xi32>,
        %mul3A_135 = arith.constant 64 : i32
        %mul3A_136 = arith.muli %while3A_109, %mul3A_135 : i32
        %add3A_137 = arith.constant 48 : i32
        %add3A_138 = arith.addi %mul3A_136, %add3A_137 : i32
        %get3A_139 = arith.index_cast %add3A_138 : i32 to index
        %get3A_140 = tpu.vector_load %arg7[%get3A_139] {strides = array<i32>} : memref<2096xi32, #tpu.memory_space<vmem>>, vector<16xi32>,
        %swap3A_141 = arith.constant 48 : index
        %swap3A_142 = tpu.vector_load %arg9[%swap3A_141] {strides = array<i32>} : memref<64xi32, #tpu.memory_space<vmem>>, vector<16xi32>,
        tpu.vector_store %arg9[%swap3A_141], %get3A_140 {strides = array<i32>} : memref<64xi32, #tpu.memory_space<vmem>>, vector<16xi32>,
        %dma_start3A = arith.constant 0 : i32
        %dma_start3A_143 = arith.constant 0 : i32
        %dma_start3A_144 = tpu.memref_slice %arg2[%dma_start3A, %dma_start3A_143] : memref<400000x128xf32, #tpu.memory_space<hbm>> -> memref<400000x128xf32, #tpu.memory_space<hbm>>
        tpu.enqueue_indirect_dma source(%dma_start3A_144 : memref<400000x128xf32, #tpu.memory_space<hbm>>) target(%arg10 : memref<64x128xf32, #tpu.memory_space<vmem>>) offsets(%arg9 : memref<64xi32, #tpu.memory_space<vmem>>) semaphore(%arg11 : memref<!tpu.dma_semaphore, #tpu.memory_space<semaphore_mem>>)
        %dma_wait3A = arith.constant 0 : i32
        %dma_wait3A_145 = arith.constant 0 : i32
        %dma_wait3A_146 = tpu.memref_slice %arg2[%dma_wait3A, %dma_wait3A_145] : memref<400000x128xf32, #tpu.memory_space<hbm>> -> memref<400000x128xf32, #tpu.memory_space<hbm>>
        tpu.wait_indirect_dma semaphore(%arg11 : memref<!tpu.dma_semaphore, #tpu.memory_space<semaphore_mem>>) src(%dma_wait3A_146 : memref<400000x128xf32, #tpu.memory_space<hbm>>) dst(%arg10 : memref<64x128xf32, #tpu.memory_space<vmem>>)
        %mul3A_147 = arith.constant 64 : i32
        %mul3A_148 = arith.muli %while3A_109, %mul3A_147 : i32
        %add3A_149 = arith.constant 64 : i32
        %add3A_150 = arith.addi %mul3A_148, %add3A_149 : i32
        %min3A = arith.minsi %scan3A_36, %add3A_150 : i32
        %while3A_151 = arith.constant 0 : i32
        %while3A_152 = arith.subi %min3A, %mul3A_148 : i32
        %while3A_153 = arith.addi %mul3A_148, %while3A_152 : i32
        %while3A_154 = arith.constant 1 : i32
        %while3A_155 = arith.divsi %while3A_152, %while3A_154 : i32
        %while3A_156 = arith.muli %while3A_155, %while3A_154 : i32
        %while3A_157 = arith.addi %mul3A_148, %while3A_156 : i32
        %while3A_158 = arith.constant 1 : i32
        %while3A_159 = scf.for %while3A_163 = %mul3A_148 to %while3A_157 step %while3A_158 iter_args(%while3A_164 = %while3A_151) -> (i32)  : i32 {
          %get3A_165 = arith.index_cast %while3A_163 : i32 to index
          %get3A_166 = tpu.vector_load %arg8[%get3A_165] {strides = array<i32>} : memref<2096xi32, #tpu.memory_space<vmem>>, vector<16xi32>,
          %slice3A = vector.extract_strided_slice %get3A_166 {offsets = [0], sizes = [1], strides = [1]} : vector<16xi32> to vector<1xi32>
          %squeeze3A = vector.extract %slice3A[0] : i32 from vector<1xi32>
          %shift_right_arithmetic3A = arith.constant 1 : i32
          %shift_right_arithmetic3A_167 = arith.shrsi %squeeze3A, %shift_right_arithmetic3A : i32
          %and3A_168 = arith.constant 1 : i32
          %and3A_169 = arith.andi %squeeze3A, %and3A_168 : i32
          %sub3A_170 = arith.subi %while3A_163, %mul3A_148 : i32
          %mul3A_171 = arith.constant 64 : i32
          %mul3A_172 = arith.muli %shift_right_arithmetic3A_167, %mul3A_171 : i32
          %add3A_173 = arith.constant 0 : i32
          %add3A_174 = arith.addi %mul3A_172, %add3A_173 : i32
          %get3A_175 = arith.index_cast %add3A_174 : i32 to index
          %get3A_176 = tpu.vector_load %arg5[%get3A_175] {strides = array<i32>} : memref<100032xf32, #tpu.memory_space<vmem>>, vector<16xf32>,
          %mul3A_177 = arith.constant 64 : i32
          %mul3A_178 = arith.muli %and3A_169, %mul3A_177 : i32
          %add3A_179 = arith.constant 0 : i32
          %add3A_180 = arith.addi %mul3A_178, %add3A_179 : i32
          %get3A_181 = arith.index_cast %sub3A_170 : i32 to index
          %get3A_182 = arith.index_cast %add3A_180 : i32 to index
          %get3A_183 = tpu.vector_load %arg10[%get3A_181, %get3A_182] {strides = array<i32>} : memref<64x128xf32, #tpu.memory_space<vmem>>, vector<16xf32>,
          %max3A = arith.maximumf %get3A_176, %get3A_183 : vector<16xf32>
          %mul3A_184 = arith.constant 64 : i32
          %mul3A_185 = arith.muli %shift_right_arithmetic3A_167, %mul3A_184 : i32
          %add3A_186 = arith.constant 0 : i32
          %add3A_187 = arith.addi %mul3A_185, %add3A_186 : i32
          %swap3A_188 = arith.index_cast %add3A_187 : i32 to index
          %swap3A_189 = tpu.vector_load %arg5[%swap3A_188] {strides = array<i32>} : memref<100032xf32, #tpu.memory_space<vmem>>, vector<16xf32>,
          tpu.vector_store %arg5[%swap3A_188], %max3A {strides = array<i32>} : memref<100032xf32, #tpu.memory_space<vmem>>, vector<16xf32>,
          %mul3A_190 = arith.constant 64 : i32
          %mul3A_191 = arith.muli %shift_right_arithmetic3A_167, %mul3A_190 : i32
          %add3A_192 = arith.constant 16 : i32
          %add3A_193 = arith.addi %mul3A_191, %add3A_192 : i32
          %get3A_194 = arith.index_cast %add3A_193 : i32 to index
          %get3A_195 = tpu.vector_load %arg5[%get3A_194] {strides = array<i32>} : memref<100032xf32, #tpu.memory_space<vmem>>, vector<16xf32>,
          %mul3A_196 = arith.constant 64 : i32
          %mul3A_197 = arith.muli %and3A_169, %mul3A_196 : i32
          %add3A_198 = arith.constant 16 : i32
          %add3A_199 = arith.addi %mul3A_197, %add3A_198 : i32
          %get3A_200 = arith.index_cast %sub3A_170 : i32 to index
          %get3A_201 = arith.index_cast %add3A_199 : i32 to index
          %get3A_202 = tpu.vector_load %arg10[%get3A_200, %get3A_201] {strides = array<i32>} : memref<64x128xf32, #tpu.memory_space<vmem>>, vector<16xf32>,
          %max3A_203 = arith.maximumf %get3A_195, %get3A_202 : vector<16xf32>
          %mul3A_204 = arith.constant 64 : i32
          %mul3A_205 = arith.muli %shift_right_arithmetic3A_167, %mul3A_204 : i32
          %add3A_206 = arith.constant 16 : i32
          %add3A_207 = arith.addi %mul3A_205, %add3A_206 : i32
          %swap3A_208 = arith.index_cast %add3A_207 : i32 to index
          %swap3A_209 = tpu.vector_load %arg5[%swap3A_208] {strides = array<i32>} : memref<100032xf32, #tpu.memory_space<vmem>>, vector<16xf32>,
          tpu.vector_store %arg5[%swap3A_208], %max3A_203 {strides = array<i32>} : memref<100032xf32, #tpu.memory_space<vmem>>, vector<16xf32>,
          %mul3A_210 = arith.constant 64 : i32
          %mul3A_211 = arith.muli %shift_right_arithmetic3A_167, %mul3A_210 : i32
          %add3A_212 = arith.constant 32 : i32
          %add3A_213 = arith.addi %mul3A_211, %add3A_212 : i32
          %get3A_214 = arith.index_cast %add3A_213 : i32 to index
          %get3A_215 = tpu.vector_load %arg5[%get3A_214] {strides = array<i32>} : memref<100032xf32, #tpu.memory_space<vmem>>, vector<16xf32>,
          %mul3A_216 = arith.constant 64 : i32
          %mul3A_217 = arith.muli %and3A_169, %mul3A_216 : i32
          %add3A_218 = arith.constant 32 : i32
          %add3A_219 = arith.addi %mul3A_217, %add3A_218 : i32
          %get3A_220 = arith.index_cast %sub3A_170 : i32 to index
          %get3A_221 = arith.index_cast %add3A_219 : i32 to index
          %get3A_222 = tpu.vector_load %arg10[%get3A_220, %get3A_221] {strides = array<i32>} : memref<64x128xf32, #tpu.memory_space<vmem>>, vector<16xf32>,
          %max3A_223 = arith.maximumf %get3A_215, %get3A_222 : vector<16xf32>
          %mul3A_224 = arith.constant 64 : i32
          %mul3A_225 = arith.muli %shift_right_arithmetic3A_167, %mul3A_224 : i32
          %add3A_226 = arith.constant 32 : i32
          %add3A_227 = arith.addi %mul3A_225, %add3A_226 : i32
          %swap3A_228 = arith.index_cast %add3A_227 : i32 to index
          %swap3A_229 = tpu.vector_load %arg5[%swap3A_228] {strides = array<i32>} : memref<100032xf32, #tpu.memory_space<vmem>>, vector<16xf32>,
          tpu.vector_store %arg5[%swap3A_228], %max3A_223 {strides = array<i32>} : memref<100032xf32, #tpu.memory_space<vmem>>, vector<16xf32>,
          %mul3A_230 = arith.constant 64 : i32
          %mul3A_231 = arith.muli %shift_right_arithmetic3A_167, %mul3A_230 : i32
          %add3A_232 = arith.constant 48 : i32
          %add3A_233 = arith.addi %mul3A_231, %add3A_232 : i32
          %get3A_234 = arith.index_cast %add3A_233 : i32 to index
          %get3A_235 = tpu.vector_load %arg5[%get3A_234] {strides = array<i32>} : memref<100032xf32, #tpu.memory_space<vmem>>, vector<16xf32>,
          %mul3A_236 = arith.constant 64 : i32
          %mul3A_237 = arith.muli %and3A_169, %mul3A_236 : i32
          %add3A_238 = arith.constant 48 : i32
          %add3A_239 = arith.addi %mul3A_237, %add3A_238 : i32
          %get3A_240 = arith.index_cast %sub3A_170 : i32 to index
          %get3A_241 = arith.index_cast %add3A_239 : i32 to index
          %get3A_242 = tpu.vector_load %arg10[%get3A_240, %get3A_241] {strides = array<i32>} : memref<64x128xf32, #tpu.memory_space<vmem>>, vector<16xf32>,
          %max3A_243 = arith.maximumf %get3A_235, %get3A_242 : vector<16xf32>
          %mul3A_244 = arith.constant 64 : i32
          %mul3A_245 = arith.muli %shift_right_arithmetic3A_167, %mul3A_244 : i32
          %add3A_246 = arith.constant 48 : i32
          %add3A_247 = arith.addi %mul3A_245, %add3A_246 : i32
          %swap3A_248 = arith.index_cast %add3A_247 : i32 to index
          %swap3A_249 = tpu.vector_load %arg5[%swap3A_248] {strides = array<i32>} : memref<100032xf32, #tpu.memory_space<vmem>>, vector<16xf32>,
          tpu.vector_store %arg5[%swap3A_248], %max3A_243 {strides = array<i32>} : memref<100032xf32, #tpu.memory_space<vmem>>, vector<16xf32>,
          %while3A_250 = arith.constant 0 : i32
          scf.yield %while3A_250 : i32
        }
        %while3A_160 = arith.constant 1 : i32
        %while3A_161 = scf.for %while3A_163 = %while3A_157 to %while3A_153 step %while3A_160 iter_args(%while3A_164 = %while3A_159) -> (i32)  : i32 {
          %get3A_165 = arith.index_cast %while3A_163 : i32 to index
          %get3A_166 = tpu.vector_load %arg8[%get3A_165] {strides = array<i32>} : memref<2096xi32, #tpu.memory_space<vmem>>, vector<16xi32>,
          %slice3A = vector.extract_strided_slice %get3A_166 {offsets = [0], sizes = [1], strides = [1]} : vector<16xi32> to vector<1xi32>
          %squeeze3A = vector.extract %slice3A[0] : i32 from vector<1xi32>
          %shift_right_arithmetic3A = arith.constant 1 : i32
          %shift_right_arithmetic3A_167 = arith.shrsi %squeeze3A, %shift_right_arithmetic3A : i32
          %and3A_168 = arith.constant 1 : i32
          %and3A_169 = arith.andi %squeeze3A, %and3A_168 : i32
          %sub3A_170 = arith.subi %while3A_163, %mul3A_148 : i32
          %mul3A_171 = arith.constant 64 : i32
          %mul3A_172 = arith.muli %shift_right_arithmetic3A_167, %mul3A_171 : i32
          %add3A_173 = arith.constant 0 : i32
          %add3A_174 = arith.addi %mul3A_172, %add3A_173 : i32
          %get3A_175 = arith.index_cast %add3A_174 : i32 to index
          %get3A_176 = tpu.vector_load %arg5[%get3A_175] {strides = array<i32>} : memref<100032xf32, #tpu.memory_space<vmem>>, vector<16xf32>,
          %mul3A_177 = arith.constant 64 : i32
          %mul3A_178 = arith.muli %and3A_169, %mul3A_177 : i32
          %add3A_179 = arith.constant 0 : i32
          %add3A_180 = arith.addi %mul3A_178, %add3A_179 : i32
          %get3A_181 = arith.index_cast %sub3A_170 : i32 to index
          %get3A_182 = arith.index_cast %add3A_180 : i32 to index
          %get3A_183 = tpu.vector_load %arg10[%get3A_181, %get3A_182] {strides = array<i32>} : memref<64x128xf32, #tpu.memory_space<vmem>>, vector<16xf32>,
          %max3A = arith.maximumf %get3A_176, %get3A_183 : vector<16xf32>
          %mul3A_184 = arith.constant 64 : i32
          %mul3A_185 = arith.muli %shift_right_arithmetic3A_167, %mul3A_184 : i32
          %add3A_186 = arith.constant 0 : i32
          %add3A_187 = arith.addi %mul3A_185, %add3A_186 : i32
          %swap3A_188 = arith.index_cast %add3A_187 : i32 to index
          %swap3A_189 = tpu.vector_load %arg5[%swap3A_188] {strides = array<i32>} : memref<100032xf32, #tpu.memory_space<vmem>>, vector<16xf32>,
          tpu.vector_store %arg5[%swap3A_188], %max3A {strides = array<i32>} : memref<100032xf32, #tpu.memory_space<vmem>>, vector<16xf32>,
          %mul3A_190 = arith.constant 64 : i32
          %mul3A_191 = arith.muli %shift_right_arithmetic3A_167, %mul3A_190 : i32
          %add3A_192 = arith.constant 16 : i32
          %add3A_193 = arith.addi %mul3A_191, %add3A_192 : i32
          %get3A_194 = arith.index_cast %add3A_193 : i32 to index
          %get3A_195 = tpu.vector_load %arg5[%get3A_194] {strides = array<i32>} : memref<100032xf32, #tpu.memory_space<vmem>>, vector<16xf32>,
          %mul3A_196 = arith.constant 64 : i32
          %mul3A_197 = arith.muli %and3A_169, %mul3A_196 : i32
          %add3A_198 = arith.constant 16 : i32
          %add3A_199 = arith.addi %mul3A_197, %add3A_198 : i32
          %get3A_200 = arith.index_cast %sub3A_170 : i32 to index
          %get3A_201 = arith.index_cast %add3A_199 : i32 to index
          %get3A_202 = tpu.vector_load %arg10[%get3A_200, %get3A_201] {strides = array<i32>} : memref<64x128xf32, #tpu.memory_space<vmem>>, vector<16xf32>,
          %max3A_203 = arith.maximumf %get3A_195, %get3A_202 : vector<16xf32>
          %mul3A_204 = arith.constant 64 : i32
          %mul3A_205 = arith.muli %shift_right_arithmetic3A_167, %mul3A_204 : i32
          %add3A_206 = arith.constant 16 : i32
          %add3A_207 = arith.addi %mul3A_205, %add3A_206 : i32
          %swap3A_208 = arith.index_cast %add3A_207 : i32 to index
          %swap3A_209 = tpu.vector_load %arg5[%swap3A_208] {strides = array<i32>} : memref<100032xf32, #tpu.memory_space<vmem>>, vector<16xf32>,
          tpu.vector_store %arg5[%swap3A_208], %max3A_203 {strides = array<i32>} : memref<100032xf32, #tpu.memory_space<vmem>>, vector<16xf32>,
          %mul3A_210 = arith.constant 64 : i32
          %mul3A_211 = arith.muli %shift_right_arithmetic3A_167, %mul3A_210 : i32
          %add3A_212 = arith.constant 32 : i32
          %add3A_213 = arith.addi %mul3A_211, %add3A_212 : i32
          %get3A_214 = arith.index_cast %add3A_213 : i32 to index
          %get3A_215 = tpu.vector_load %arg5[%get3A_214] {strides = array<i32>} : memref<100032xf32, #tpu.memory_space<vmem>>, vector<16xf32>,
          %mul3A_216 = arith.constant 64 : i32
          %mul3A_217 = arith.muli %and3A_169, %mul3A_216 : i32
          %add3A_218 = arith.constant 32 : i32
          %add3A_219 = arith.addi %mul3A_217, %add3A_218 : i32
          %get3A_220 = arith.index_cast %sub3A_170 : i32 to index
          %get3A_221 = arith.index_cast %add3A_219 : i32 to index
          %get3A_222 = tpu.vector_load %arg10[%get3A_220, %get3A_221] {strides = array<i32>} : memref<64x128xf32, #tpu.memory_space<vmem>>, vector<16xf32>,
          %max3A_223 = arith.maximumf %get3A_215, %get3A_222 : vector<16xf32>
          %mul3A_224 = arith.constant 64 : i32
          %mul3A_225 = arith.muli %shift_right_arithmetic3A_167, %mul3A_224 : i32
          %add3A_226 = arith.constant 32 : i32
          %add3A_227 = arith.addi %mul3A_225, %add3A_226 : i32
          %swap3A_228 = arith.index_cast %add3A_227 : i32 to index
          %swap3A_229 = tpu.vector_load %arg5[%swap3A_228] {strides = array<i32>} : memref<100032xf32, #tpu.memory_space<vmem>>, vector<16xf32>,
          tpu.vector_store %arg5[%swap3A_228], %max3A_223 {strides = array<i32>} : memref<100032xf32, #tpu.memory_space<vmem>>, vector<16xf32>,
          %mul3A_230 = arith.constant 64 : i32
          %mul3A_231 = arith.muli %shift_right_arithmetic3A_167, %mul3A_230 : i32
          %add3A_232 = arith.constant 48 : i32
          %add3A_233 = arith.addi %mul3A_231, %add3A_232 : i32
          %get3A_234 = arith.index_cast %add3A_233 : i32 to index
          %get3A_235 = tpu.vector_load %arg5[%get3A_234] {strides = array<i32>} : memref<100032xf32, #tpu.memory_space<vmem>>, vector<16xf32>,
          %mul3A_236 = arith.constant 64 : i32
          %mul3A_237 = arith.muli %and3A_169, %mul3A_236 : i32
          %add3A_238 = arith.constant 48 : i32
          %add3A_239 = arith.addi %mul3A_237, %add3A_238 : i32
          %get3A_240 = arith.index_cast %sub3A_170 : i32 to index
          %get3A_241 = arith.index_cast %add3A_239 : i32 to index
          %get3A_242 = tpu.vector_load %arg10[%get3A_240, %get3A_241] {strides = array<i32>} : memref<64x128xf32, #tpu.memory_space<vmem>>, vector<16xf32>,
          %max3A_243 = arith.maximumf %get3A_235, %get3A_242 : vector<16xf32>
          %mul3A_244 = arith.constant 64 : i32
          %mul3A_245 = arith.muli %shift_right_arithmetic3A_167, %mul3A_244 : i32
          %add3A_246 = arith.constant 48 : i32
          %add3A_247 = arith.addi %mul3A_245, %add3A_246 : i32
          %swap3A_248 = arith.index_cast %add3A_247 : i32 to index
          %swap3A_249 = tpu.vector_load %arg5[%swap3A_248] {strides = array<i32>} : memref<100032xf32, #tpu.memory_space<vmem>>, vector<16xf32>,
          tpu.vector_store %arg5[%swap3A_248], %max3A_243 {strides = array<i32>} : memref<100032xf32, #tpu.memory_space<vmem>>, vector<16xf32>,
          %while3A_250 = arith.constant 0 : i32
          scf.yield %while3A_250 : i32
        }
        %while3A_162 = arith.constant 0 : i32
        scf.yield %while3A_162 : i32
      }
      %while3A_106 = arith.constant 1 : i32
      %while3A_107 = scf.for %while3A_109 = %while3A_103 to %while3A_99 step %while3A_106 iter_args(%while3A_110 = %while3A_105) -> (i32)  : i32 {
        %mul3A_111 = arith.constant 64 : i32
        %mul3A_112 = arith.muli %while3A_109, %mul3A_111 : i32
        %add3A_113 = arith.constant 0 : i32
        %add3A_114 = arith.addi %mul3A_112, %add3A_113 : i32
        %get3A_115 = arith.index_cast %add3A_114 : i32 to index
        %get3A_116 = tpu.vector_load %arg7[%get3A_115] {strides = array<i32>} : memref<2096xi32, #tpu.memory_space<vmem>>, vector<16xi32>,
        %swap3A_117 = arith.constant 0 : index
        %swap3A_118 = tpu.vector_load %arg9[%swap3A_117] {strides = array<i32>} : memref<64xi32, #tpu.memory_space<vmem>>, vector<16xi32>,
        tpu.vector_store %arg9[%swap3A_117], %get3A_116 {strides = array<i32>} : memref<64xi32, #tpu.memory_space<vmem>>, vector<16xi32>,
        %mul3A_119 = arith.constant 64 : i32
        %mul3A_120 = arith.muli %while3A_109, %mul3A_119 : i32
        %add3A_121 = arith.constant 16 : i32
        %add3A_122 = arith.addi %mul3A_120, %add3A_121 : i32
        %get3A_123 = arith.index_cast %add3A_122 : i32 to index
        %get3A_124 = tpu.vector_load %arg7[%get3A_123] {strides = array<i32>} : memref<2096xi32, #tpu.memory_space<vmem>>, vector<16xi32>,
        %swap3A_125 = arith.constant 16 : index
        %swap3A_126 = tpu.vector_load %arg9[%swap3A_125] {strides = array<i32>} : memref<64xi32, #tpu.memory_space<vmem>>, vector<16xi32>,
        tpu.vector_store %arg9[%swap3A_125], %get3A_124 {strides = array<i32>} : memref<64xi32, #tpu.memory_space<vmem>>, vector<16xi32>,
        %mul3A_127 = arith.constant 64 : i32
        %mul3A_128 = arith.muli %while3A_109, %mul3A_127 : i32
        %add3A_129 = arith.constant 32 : i32
        %add3A_130 = arith.addi %mul3A_128, %add3A_129 : i32
        %get3A_131 = arith.index_cast %add3A_130 : i32 to index
        %get3A_132 = tpu.vector_load %arg7[%get3A_131] {strides = array<i32>} : memref<2096xi32, #tpu.memory_space<vmem>>, vector<16xi32>,
        %swap3A_133 = arith.constant 32 : index
        %swap3A_134 = tpu.vector_load %arg9[%swap3A_133] {strides = array<i32>} : memref<64xi32, #tpu.memory_space<vmem>>, vector<16xi32>,
        tpu.vector_store %arg9[%swap3A_133], %get3A_132 {strides = array<i32>} : memref<64xi32, #tpu.memory_space<vmem>>, vector<16xi32>,
        %mul3A_135 = arith.constant 64 : i32
        %mul3A_136 = arith.muli %while3A_109, %mul3A_135 : i32
        %add3A_137 = arith.constant 48 : i32
        %add3A_138 = arith.addi %mul3A_136, %add3A_137 : i32
        %get3A_139 = arith.index_cast %add3A_138 : i32 to index
        %get3A_140 = tpu.vector_load %arg7[%get3A_139] {strides = array<i32>} : memref<2096xi32, #tpu.memory_space<vmem>>, vector<16xi32>,
        %swap3A_141 = arith.constant 48 : index
        %swap3A_142 = tpu.vector_load %arg9[%swap3A_141] {strides = array<i32>} : memref<64xi32, #tpu.memory_space<vmem>>, vector<16xi32>,
        tpu.vector_store %arg9[%swap3A_141], %get3A_140 {strides = array<i32>} : memref<64xi32, #tpu.memory_space<vmem>>, vector<16xi32>,
        %dma_start3A = arith.constant 0 : i32
        %dma_start3A_143 = arith.constant 0 : i32
        %dma_start3A_144 = tpu.memref_slice %arg2[%dma_start3A, %dma_start3A_143] : memref<400000x128xf32, #tpu.memory_space<hbm>> -> memref<400000x128xf32, #tpu.memory_space<hbm>>
        tpu.enqueue_indirect_dma source(%dma_start3A_144 : memref<400000x128xf32, #tpu.memory_space<hbm>>) target(%arg10 : memref<64x128xf32, #tpu.memory_space<vmem>>) offsets(%arg9 : memref<64xi32, #tpu.memory_space<vmem>>) semaphore(%arg11 : memref<!tpu.dma_semaphore, #tpu.memory_space<semaphore_mem>>)
        %dma_wait3A = arith.constant 0 : i32
        %dma_wait3A_145 = arith.constant 0 : i32
        %dma_wait3A_146 = tpu.memref_slice %arg2[%dma_wait3A, %dma_wait3A_145] : memref<400000x128xf32, #tpu.memory_space<hbm>> -> memref<400000x128xf32, #tpu.memory_space<hbm>>
        tpu.wait_indirect_dma semaphore(%arg11 : memref<!tpu.dma_semaphore, #tpu.memory_space<semaphore_mem>>) src(%dma_wait3A_146 : memref<400000x128xf32, #tpu.memory_space<hbm>>) dst(%arg10 : memref<64x128xf32, #tpu.memory_space<vmem>>)
        %mul3A_147 = arith.constant 64 : i32
        %mul3A_148 = arith.muli %while3A_109, %mul3A_147 : i32
        %add3A_149 = arith.constant 64 : i32
        %add3A_150 = arith.addi %mul3A_148, %add3A_149 : i32
        %min3A = arith.minsi %scan3A_36, %add3A_150 : i32
        %while3A_151 = arith.constant 0 : i32
        %while3A_152 = arith.subi %min3A, %mul3A_148 : i32
        %while3A_153 = arith.addi %mul3A_148, %while3A_152 : i32
        %while3A_154 = arith.constant 1 : i32
        %while3A_155 = arith.divsi %while3A_152, %while3A_154 : i32
        %while3A_156 = arith.muli %while3A_155, %while3A_154 : i32
        %while3A_157 = arith.addi %mul3A_148, %while3A_156 : i32
        %while3A_158 = arith.constant 1 : i32
        %while3A_159 = scf.for %while3A_163 = %mul3A_148 to %while3A_157 step %while3A_158 iter_args(%while3A_164 = %while3A_151) -> (i32)  : i32 {
          %get3A_165 = arith.index_cast %while3A_163 : i32 to index
          %get3A_166 = tpu.vector_load %arg8[%get3A_165] {strides = array<i32>} : memref<2096xi32, #tpu.memory_space<vmem>>, vector<16xi32>,
          %slice3A = vector.extract_strided_slice %get3A_166 {offsets = [0], sizes = [1], strides = [1]} : vector<16xi32> to vector<1xi32>
          %squeeze3A = vector.extract %slice3A[0] : i32 from vector<1xi32>
          %shift_right_arithmetic3A = arith.constant 1 : i32
          %shift_right_arithmetic3A_167 = arith.shrsi %squeeze3A, %shift_right_arithmetic3A : i32
          %and3A_168 = arith.constant 1 : i32
          %and3A_169 = arith.andi %squeeze3A, %and3A_168 : i32
          %sub3A_170 = arith.subi %while3A_163, %mul3A_148 : i32
          %mul3A_171 = arith.constant 64 : i32
          %mul3A_172 = arith.muli %shift_right_arithmetic3A_167, %mul3A_171 : i32
          %add3A_173 = arith.constant 0 : i32
          %add3A_174 = arith.addi %mul3A_172, %add3A_173 : i32
          %get3A_175 = arith.index_cast %add3A_174 : i32 to index
          %get3A_176 = tpu.vector_load %arg5[%get3A_175] {strides = array<i32>} : memref<100032xf32, #tpu.memory_space<vmem>>, vector<16xf32>,
          %mul3A_177 = arith.constant 64 : i32
          %mul3A_178 = arith.muli %and3A_169, %mul3A_177 : i32
          %add3A_179 = arith.constant 0 : i32
          %add3A_180 = arith.addi %mul3A_178, %add3A_179 : i32
          %get3A_181 = arith.index_cast %sub3A_170 : i32 to index
          %get3A_182 = arith.index_cast %add3A_180 : i32 to index
          %get3A_183 = tpu.vector_load %arg10[%get3A_181, %get3A_182] {strides = array<i32>} : memref<64x128xf32, #tpu.memory_space<vmem>>, vector<16xf32>,
          %max3A = arith.maximumf %get3A_176, %get3A_183 : vector<16xf32>
          %mul3A_184 = arith.constant 64 : i32
          %mul3A_185 = arith.muli %shift_right_arithmetic3A_167, %mul3A_184 : i32
          %add3A_186 = arith.constant 0 : i32
          %add3A_187 = arith.addi %mul3A_185, %add3A_186 : i32
          %swap3A_188 = arith.index_cast %add3A_187 : i32 to index
          %swap3A_189 = tpu.vector_load %arg5[%swap3A_188] {strides = array<i32>} : memref<100032xf32, #tpu.memory_space<vmem>>, vector<16xf32>,
          tpu.vector_store %arg5[%swap3A_188], %max3A {strides = array<i32>} : memref<100032xf32, #tpu.memory_space<vmem>>, vector<16xf32>,
          %mul3A_190 = arith.constant 64 : i32
          %mul3A_191 = arith.muli %shift_right_arithmetic3A_167, %mul3A_190 : i32
          %add3A_192 = arith.constant 16 : i32
          %add3A_193 = arith.addi %mul3A_191, %add3A_192 : i32
          %get3A_194 = arith.index_cast %add3A_193 : i32 to index
          %get3A_195 = tpu.vector_load %arg5[%get3A_194] {strides = array<i32>} : memref<100032xf32, #tpu.memory_space<vmem>>, vector<16xf32>,
          %mul3A_196 = arith.constant 64 : i32
          %mul3A_197 = arith.muli %and3A_169, %mul3A_196 : i32
          %add3A_198 = arith.constant 16 : i32
          %add3A_199 = arith.addi %mul3A_197, %add3A_198 : i32
          %get3A_200 = arith.index_cast %sub3A_170 : i32 to index
          %get3A_201 = arith.index_cast %add3A_199 : i32 to index
          %get3A_202 = tpu.vector_load %arg10[%get3A_200, %get3A_201] {strides = array<i32>} : memref<64x128xf32, #tpu.memory_space<vmem>>, vector<16xf32>,
          %max3A_203 = arith.maximumf %get3A_195, %get3A_202 : vector<16xf32>
          %mul3A_204 = arith.constant 64 : i32
          %mul3A_205 = arith.muli %shift_right_arithmetic3A_167, %mul3A_204 : i32
          %add3A_206 = arith.constant 16 : i32
          %add3A_207 = arith.addi %mul3A_205, %add3A_206 : i32
          %swap3A_208 = arith.index_cast %add3A_207 : i32 to index
          %swap3A_209 = tpu.vector_load %arg5[%swap3A_208] {strides = array<i32>} : memref<100032xf32, #tpu.memory_space<vmem>>, vector<16xf32>,
          tpu.vector_store %arg5[%swap3A_208], %max3A_203 {strides = array<i32>} : memref<100032xf32, #tpu.memory_space<vmem>>, vector<16xf32>,
          %mul3A_210 = arith.constant 64 : i32
          %mul3A_211 = arith.muli %shift_right_arithmetic3A_167, %mul3A_210 : i32
          %add3A_212 = arith.constant 32 : i32
          %add3A_213 = arith.addi %mul3A_211, %add3A_212 : i32
          %get3A_214 = arith.index_cast %add3A_213 : i32 to index
          %get3A_215 = tpu.vector_load %arg5[%get3A_214] {strides = array<i32>} : memref<100032xf32, #tpu.memory_space<vmem>>, vector<16xf32>,
          %mul3A_216 = arith.constant 64 : i32
          %mul3A_217 = arith.muli %and3A_169, %mul3A_216 : i32
          %add3A_218 = arith.constant 32 : i32
          %add3A_219 = arith.addi %mul3A_217, %add3A_218 : i32
          %get3A_220 = arith.index_cast %sub3A_170 : i32 to index
          %get3A_221 = arith.index_cast %add3A_219 : i32 to index
          %get3A_222 = tpu.vector_load %arg10[%get3A_220, %get3A_221] {strides = array<i32>} : memref<64x128xf32, #tpu.memory_space<vmem>>, vector<16xf32>,
          %max3A_223 = arith.maximumf %get3A_215, %get3A_222 : vector<16xf32>
          %mul3A_224 = arith.constant 64 : i32
          %mul3A_225 = arith.muli %shift_right_arithmetic3A_167, %mul3A_224 : i32
          %add3A_226 = arith.constant 32 : i32
          %add3A_227 = arith.addi %mul3A_225, %add3A_226 : i32
          %swap3A_228 = arith.index_cast %add3A_227 : i32 to index
          %swap3A_229 = tpu.vector_load %arg5[%swap3A_228] {strides = array<i32>} : memref<100032xf32, #tpu.memory_space<vmem>>, vector<16xf32>,
          tpu.vector_store %arg5[%swap3A_228], %max3A_223 {strides = array<i32>} : memref<100032xf32, #tpu.memory_space<vmem>>, vector<16xf32>,
          %mul3A_230 = arith.constant 64 : i32
          %mul3A_231 = arith.muli %shift_right_arithmetic3A_167, %mul3A_230 : i32
          %add3A_232 = arith.constant 48 : i32
          %add3A_233 = arith.addi %mul3A_231, %add3A_232 : i32
          %get3A_234 = arith.index_cast %add3A_233 : i32 to index
          %get3A_235 = tpu.vector_load %arg5[%get3A_234] {strides = array<i32>} : memref<100032xf32, #tpu.memory_space<vmem>>, vector<16xf32>,
          %mul3A_236 = arith.constant 64 : i32
          %mul3A_237 = arith.muli %and3A_169, %mul3A_236 : i32
          %add3A_238 = arith.constant 48 : i32
          %add3A_239 = arith.addi %mul3A_237, %add3A_238 : i32
          %get3A_240 = arith.index_cast %sub3A_170 : i32 to index
          %get3A_241 = arith.index_cast %add3A_239 : i32 to index
          %get3A_242 = tpu.vector_load %arg10[%get3A_240, %get3A_241] {strides = array<i32>} : memref<64x128xf32, #tpu.memory_space<vmem>>, vector<16xf32>,
          %max3A_243 = arith.maximumf %get3A_235, %get3A_242 : vector<16xf32>
          %mul3A_244 = arith.constant 64 : i32
          %mul3A_245 = arith.muli %shift_right_arithmetic3A_167, %mul3A_244 : i32
          %add3A_246 = arith.constant 48 : i32
          %add3A_247 = arith.addi %mul3A_245, %add3A_246 : i32
          %swap3A_248 = arith.index_cast %add3A_247 : i32 to index
          %swap3A_249 = tpu.vector_load %arg5[%swap3A_248] {strides = array<i32>} : memref<100032xf32, #tpu.memory_space<vmem>>, vector<16xf32>,
          tpu.vector_store %arg5[%swap3A_248], %max3A_243 {strides = array<i32>} : memref<100032xf32, #tpu.memory_space<vmem>>, vector<16xf32>,
          %while3A_250 = arith.constant 0 : i32
          scf.yield %while3A_250 : i32
        }
        %while3A_160 = arith.constant 1 : i32
        %while3A_161 = scf.for %while3A_163 = %while3A_157 to %while3A_153 step %while3A_160 iter_args(%while3A_164 = %while3A_159) -> (i32)  : i32 {
          %get3A_165 = arith.index_cast %while3A_163 : i32 to index
          %get3A_166 = tpu.vector_load %arg8[%get3A_165] {strides = array<i32>} : memref<2096xi32, #tpu.memory_space<vmem>>, vector<16xi32>,
          %slice3A = vector.extract_strided_slice %get3A_166 {offsets = [0], sizes = [1], strides = [1]} : vector<16xi32> to vector<1xi32>
          %squeeze3A = vector.extract %slice3A[0] : i32 from vector<1xi32>
          %shift_right_arithmetic3A = arith.constant 1 : i32
          %shift_right_arithmetic3A_167 = arith.shrsi %squeeze3A, %shift_right_arithmetic3A : i32
          %and3A_168 = arith.constant 1 : i32
          %and3A_169 = arith.andi %squeeze3A, %and3A_168 : i32
          %sub3A_170 = arith.subi %while3A_163, %mul3A_148 : i32
          %mul3A_171 = arith.constant 64 : i32
          %mul3A_172 = arith.muli %shift_right_arithmetic3A_167, %mul3A_171 : i32
          %add3A_173 = arith.constant 0 : i32
          %add3A_174 = arith.addi %mul3A_172, %add3A_173 : i32
          %get3A_175 = arith.index_cast %add3A_174 : i32 to index
          %get3A_176 = tpu.vector_load %arg5[%get3A_175] {strides = array<i32>} : memref<100032xf32, #tpu.memory_space<vmem>>, vector<16xf32>,
          %mul3A_177 = arith.constant 64 : i32
          %mul3A_178 = arith.muli %and3A_169, %mul3A_177 : i32
          %add3A_179 = arith.constant 0 : i32
          %add3A_180 = arith.addi %mul3A_178, %add3A_179 : i32
          %get3A_181 = arith.index_cast %sub3A_170 : i32 to index
          %get3A_182 = arith.index_cast %add3A_180 : i32 to index
          %get3A_183 = tpu.vector_load %arg10[%get3A_181, %get3A_182] {strides = array<i32>} : memref<64x128xf32, #tpu.memory_space<vmem>>, vector<16xf32>,
          %max3A = arith.maximumf %get3A_176, %get3A_183 : vector<16xf32>
          %mul3A_184 = arith.constant 64 : i32
          %mul3A_185 = arith.muli %shift_right_arithmetic3A_167, %mul3A_184 : i32
          %add3A_186 = arith.constant 0 : i32
          %add3A_187 = arith.addi %mul3A_185, %add3A_186 : i32
          %swap3A_188 = arith.index_cast %add3A_187 : i32 to index
          %swap3A_189 = tpu.vector_load %arg5[%swap3A_188] {strides = array<i32>} : memref<100032xf32, #tpu.memory_space<vmem>>, vector<16xf32>,
          tpu.vector_store %arg5[%swap3A_188], %max3A {strides = array<i32>} : memref<100032xf32, #tpu.memory_space<vmem>>, vector<16xf32>,
          %mul3A_190 = arith.constant 64 : i32
          %mul3A_191 = arith.muli %shift_right_arithmetic3A_167, %mul3A_190 : i32
          %add3A_192 = arith.constant 16 : i32
          %add3A_193 = arith.addi %mul3A_191, %add3A_192 : i32
          %get3A_194 = arith.index_cast %add3A_193 : i32 to index
          %get3A_195 = tpu.vector_load %arg5[%get3A_194] {strides = array<i32>} : memref<100032xf32, #tpu.memory_space<vmem>>, vector<16xf32>,
          %mul3A_196 = arith.constant 64 : i32
          %mul3A_197 = arith.muli %and3A_169, %mul3A_196 : i32
          %add3A_198 = arith.constant 16 : i32
          %add3A_199 = arith.addi %mul3A_197, %add3A_198 : i32
          %get3A_200 = arith.index_cast %sub3A_170 : i32 to index
          %get3A_201 = arith.index_cast %add3A_199 : i32 to index
          %get3A_202 = tpu.vector_load %arg10[%get3A_200, %get3A_201] {strides = array<i32>} : memref<64x128xf32, #tpu.memory_space<vmem>>, vector<16xf32>,
          %max3A_203 = arith.maximumf %get3A_195, %get3A_202 : vector<16xf32>
          %mul3A_204 = arith.constant 64 : i32
          %mul3A_205 = arith.muli %shift_right_arithmetic3A_167, %mul3A_204 : i32
          %add3A_206 = arith.constant 16 : i32
          %add3A_207 = arith.addi %mul3A_205, %add3A_206 : i32
          %swap3A_208 = arith.index_cast %add3A_207 : i32 to index
          %swap3A_209 = tpu.vector_load %arg5[%swap3A_208] {strides = array<i32>} : memref<100032xf32, #tpu.memory_space<vmem>>, vector<16xf32>,
          tpu.vector_store %arg5[%swap3A_208], %max3A_203 {strides = array<i32>} : memref<100032xf32, #tpu.memory_space<vmem>>, vector<16xf32>,
          %mul3A_210 = arith.constant 64 : i32
          %mul3A_211 = arith.muli %shift_right_arithmetic3A_167, %mul3A_210 : i32
          %add3A_212 = arith.constant 32 : i32
          %add3A_213 = arith.addi %mul3A_211, %add3A_212 : i32
          %get3A_214 = arith.index_cast %add3A_213 : i32 to index
          %get3A_215 = tpu.vector_load %arg5[%get3A_214] {strides = array<i32>} : memref<100032xf32, #tpu.memory_space<vmem>>, vector<16xf32>,
          %mul3A_216 = arith.constant 64 : i32
          %mul3A_217 = arith.muli %and3A_169, %mul3A_216 : i32
          %add3A_218 = arith.constant 32 : i32
          %add3A_219 = arith.addi %mul3A_217, %add3A_218 : i32
          %get3A_220 = arith.index_cast %sub3A_170 : i32 to index
          %get3A_221 = arith.index_cast %add3A_219 : i32 to index
          %get3A_222 = tpu.vector_load %arg10[%get3A_220, %get3A_221] {strides = array<i32>} : memref<64x128xf32, #tpu.memory_space<vmem>>, vector<16xf32>,
          %max3A_223 = arith.maximumf %get3A_215, %get3A_222 : vector<16xf32>
          %mul3A_224 = arith.constant 64 : i32
          %mul3A_225 = arith.muli %shift_right_arithmetic3A_167, %mul3A_224 : i32
          %add3A_226 = arith.constant 32 : i32
          %add3A_227 = arith.addi %mul3A_225, %add3A_226 : i32
          %swap3A_228 = arith.index_cast %add3A_227 : i32 to index
          %swap3A_229 = tpu.vector_load %arg5[%swap3A_228] {strides = array<i32>} : memref<100032xf32, #tpu.memory_space<vmem>>, vector<16xf32>,
          tpu.vector_store %arg5[%swap3A_228], %max3A_223 {strides = array<i32>} : memref<100032xf32, #tpu.memory_space<vmem>>, vector<16xf32>,
          %mul3A_230 = arith.constant 64 : i32
          %mul3A_231 = arith.muli %shift_right_arithmetic3A_167, %mul3A_230 : i32
          %add3A_232 = arith.constant 48 : i32
          %add3A_233 = arith.addi %mul3A_231, %add3A_232 : i32
          %get3A_234 = arith.index_cast %add3A_233 : i32 to index
          %get3A_235 = tpu.vector_load %arg5[%get3A_234] {strides = array<i32>} : memref<100032xf32, #tpu.memory_space<vmem>>, vector<16xf32>,
          %mul3A_236 = arith.constant 64 : i32
          %mul3A_237 = arith.muli %and3A_169, %mul3A_236 : i32
          %add3A_238 = arith.constant 48 : i32
          %add3A_239 = arith.addi %mul3A_237, %add3A_238 : i32
          %get3A_240 = arith.index_cast %sub3A_170 : i32 to index
          %get3A_241 = arith.index_cast %add3A_239 : i32 to index
          %get3A_242 = tpu.vector_load %arg10[%get3A_240, %get3A_241] {strides = array<i32>} : memref<64x128xf32, #tpu.memory_space<vmem>>, vector<16xf32>,
          %max3A_243 = arith.maximumf %get3A_235, %get3A_242 : vector<16xf32>
          %mul3A_244 = arith.constant 64 : i32
          %mul3A_245 = arith.muli %shift_right_arithmetic3A_167, %mul3A_244 : i32
          %add3A_246 = arith.constant 48 : i32
          %add3A_247 = arith.addi %mul3A_245, %add3A_246 : i32
          %swap3A_248 = arith.index_cast %add3A_247 : i32 to index
          %swap3A_249 = tpu.vector_load %arg5[%swap3A_248] {strides = array<i32>} : memref<100032xf32, #tpu.memory_space<vmem>>, vector<16xf32>,
          tpu.vector_store %arg5[%swap3A_248], %max3A_243 {strides = array<i32>} : memref<100032xf32, #tpu.memory_space<vmem>>, vector<16xf32>,
          %while3A_250 = arith.constant 0 : i32
          scf.yield %while3A_250 : i32
        }
        %while3A_162 = arith.constant 0 : i32
        scf.yield %while3A_162 : i32
      }
      %scan3A_108 = arith.constant 0 : i32
      scf.yield %scan3A_108 : i32
    }
    %scan3A_16 = arith.constant 400 : i32
    %scan3A_17 = arith.constant 0 : i32
    %scan3A_18 = arith.constant 0 : i32
    %scan3A_19 = arith.constant 6252 : i32
    %scan3A_20 = arith.addi %scan3A_18, %scan3A_19 : i32
    %scan3A_21 = arith.constant 1 : i32
    %scan3A_22 = scf.for %scan3A_26 = %scan3A_18 to %scan3A_20 step %scan3A_21 iter_args(%scan3A_27 = %scan3A_17) -> (i32)  : i32 {
      %mul3A_28 = arith.constant 16 : i32
      %mul3A_29 = arith.muli %scan3A_26, %mul3A_28 : i32
      %get3A = arith.index_cast %mul3A_29 : i32 to index
      %get3A_30 = tpu.vector_load %arg5[%get3A] {strides = array<i32>} : memref<100032xf32, #tpu.memory_space<vmem>>, vector<16xf32>,
      %eq3A = arith.constant 0xFF800000 : f32
      %eq3A_31 = vector.broadcast %eq3A : f32 to vector<16xf32>
      %eq3A_32 = arith.cmpf oeq, %get3A_30, %eq3A_31 : vector<16xf32>
      %jit3A = arith.constant 0.000000e+00 : f32
      %broadcast_in_dim3A_33 = vector.broadcast %jit3A : f32 to vector<16xf32>
      %select_n3A = arith.select %eq3A_32, %broadcast_in_dim3A_33, %get3A_30 : vector<16xi1>, vector<16xf32>
      %mul3A_34 = arith.constant 16 : i32
      %mul3A_35 = arith.muli %scan3A_26, %mul3A_34 : i32
      %swap3A = arith.index_cast %mul3A_35 : i32 to index
      %swap3A_36 = tpu.vector_load %arg5[%swap3A] {strides = array<i32>} : memref<100032xf32, #tpu.memory_space<vmem>>, vector<16xf32>,
      tpu.vector_store %arg5[%swap3A], %select_n3A {strides = array<i32>} : memref<100032xf32, #tpu.memory_space<vmem>>, vector<16xf32>,
      %scan3A_37 = arith.constant 0 : i32
      scf.yield %scan3A_37 : i32
    }
    %scan3A_23 = arith.constant 6252 : i32
    %mul3A_24 = arith.constant 64 : i32
    %mul3A_25 = arith.muli %mul3A_2, %mul3A_24 : i32
    %multiple_of3A = tpu.assume_multiple %mul3A_25, 8 : i32
    "tpu.region"() ({
      %run_scoped3A = tpu.sem_alloc : memref<!tpu.dma_semaphore, #tpu.memory_space<semaphore_mem>>
      %dma_start3A = tpu.memref_slice %arg4[%multiple_of3A] : memref<3201024xf32, #tpu.memory_space<hbm>> -> memref<100032xf32, #tpu.memory_space<hbm>>
      %dma_start3A_26 = tpu.memref_slice %arg4[%multiple_of3A] : memref<3201024xf32, #tpu.memory_space<hbm>> -> memref<100032xf32, #tpu.memory_space<hbm>>
      tpu.enqueue_dma source(%arg5 : memref<100032xf32, #tpu.memory_space<vmem>>) target(%dma_start3A_26 : memref<100032xf32, #tpu.memory_space<hbm>>) target_semaphore(%run_scoped3A : memref<!tpu.dma_semaphore, #tpu.memory_space<semaphore_mem>>)
      %dma_wait3A = tpu.memref_slice %arg4[%multiple_of3A] : memref<3201024xf32, #tpu.memory_space<hbm>> -> memref<100032xf32, #tpu.memory_space<hbm>>
      %dma_wait3A_27 = tpu.memref_slice %arg4[%multiple_of3A] : memref<3201024xf32, #tpu.memory_space<hbm>> -> memref<100032xf32, #tpu.memory_space<hbm>>
      tpu.wait_dma2 semaphore(%run_scoped3A : memref<!tpu.dma_semaphore, #tpu.memory_space<semaphore_mem>>) src(%arg5 : memref<100032xf32, #tpu.memory_space<vmem>>) dst(%dma_wait3A_27 : memref<100032xf32, #tpu.memory_space<hbm>>)
      tpu.yield
    }) : () -> ()
    return
  }
}

module attributes {stable_mosaic.version = 14 : i64} {
  func.func @_mm_body(%arg0: i32, %arg1: memref<512x16xf32, #tpu.memory_space<vmem>>, %arg2: memref<16x64xf32, #tpu.memory_space<vmem>>, %arg3: memref<512x64xf32, #tpu.memory_space<vmem>>) attributes {dimension_semantics = [#tpu.dimension_semantics<arbitrary>], iteration_bounds = array<i64: 3126>, scalar_prefetch = 0 : i64, scratch_operands = 0 : i64, tpu.core_type = #tpu.core_type<tc>, window_params = [{transform_indices = @transform_0, window_bounds = array<i64: 512, 16>}, {pipeline_mode = #tpu.pipeline_mode<synchronous>, transform_indices = @transform_1, window_bounds = array<i64: 16, 64>}, {transform_indices = @transform_2, window_bounds = array<i64: 512, 64>}]} {
    %get3A = arith.constant 0 : index
    %get3A_0 = arith.constant 0 : index
    %get3A_1 = vector.load %arg1[%get3A, %get3A_0] : memref<512x16xf32, #tpu.memory_space<vmem>>, vector<512x16xf32>
    %get3A_2 = arith.constant 0 : index
    %get3A_3 = arith.constant 0 : index
    %get3A_4 = vector.load %arg2[%get3A_2, %get3A_3] : memref<16x64xf32, #tpu.memory_space<vmem>>, vector<16x64xf32>
    %dot_general3A = arith.constant dense<0.000000e+00> : vector<512x64xf32>
    %dot_general3A_5 = tpu.matmul %get3A_1, %get3A_4, %dot_general3A {dimension_numbers = #tpu.dot_dimension_numbers<[1], [0], [0], [1], [0, 0, 1, 1], [], []>, transpose_lhs_hint = false} : vector<512x16xf32>, vector<16x64xf32>, vector<512x64xf32> -> vector<512x64xf32>
    %swap3A = arith.constant 0 : index
    %swap3A_6 = arith.constant 0 : index
    %swap3A_7 = vector.load %arg3[%swap3A, %swap3A_6] : memref<512x64xf32, #tpu.memory_space<vmem>>, vector<512x64xf32>
    tpu.vector_store %arg3[%swap3A, %swap3A_6], %dot_general3A_5 {strides = array<i32>} : memref<512x64xf32, #tpu.memory_space<vmem>>, vector<512x64xf32>,
    return
  }
  func.func @transform_0(%arg0: i32) -> (i32, i32) {
    %c0_i32 = arith.constant 0 : i32
    %c0_i32_0 = arith.constant 0 : i32
    return %arg0, %c0_i32 : i32, i32
  }
  func.func @transform_1(%arg0: i32) -> (i32, i32) {
    %c0_i32 = arith.constant 0 : i32
    %c0_i32_0 = arith.constant 0 : i32
    %c0_i32_1 = arith.constant 0 : i32
    return %c0_i32, %c0_i32_0 : i32, i32
  }
  func.func @transform_2(%arg0: i32) -> (i32, i32) {
    %c0_i32 = arith.constant 0 : i32
    %c0_i32_0 = arith.constant 0 : i32
    return %arg0, %c0_i32 : i32, i32
  }
}

module attributes {stable_mosaic.version = 14 : i64} {
  func.func @_mm_body(%arg0: i32, %arg1: memref<512x16xf32, #tpu.memory_space<vmem>>, %arg2: memref<16x64xf32, #tpu.memory_space<vmem>>, %arg3: memref<512x64xf32, #tpu.memory_space<vmem>>) attributes {dimension_semantics = [#tpu.dimension_semantics<arbitrary>], iteration_bounds = array<i64: 1563>, scalar_prefetch = 0 : i64, scratch_operands = 0 : i64, tpu.core_type = #tpu.core_type<tc>, window_params = [{transform_indices = @transform_0, window_bounds = array<i64: 512, 16>}, {pipeline_mode = #tpu.pipeline_mode<synchronous>, transform_indices = @transform_1, window_bounds = array<i64: 16, 64>}, {transform_indices = @transform_2, window_bounds = array<i64: 512, 64>}]} {
    %get3A = arith.constant 0 : index
    %get3A_0 = arith.constant 0 : index
    %get3A_1 = vector.load %arg1[%get3A, %get3A_0] : memref<512x16xf32, #tpu.memory_space<vmem>>, vector<512x16xf32>
    %get3A_2 = arith.constant 0 : index
    %get3A_3 = arith.constant 0 : index
    %get3A_4 = vector.load %arg2[%get3A_2, %get3A_3] : memref<16x64xf32, #tpu.memory_space<vmem>>, vector<16x64xf32>
    %dot_general3A = arith.constant dense<0.000000e+00> : vector<512x64xf32>
    %dot_general3A_5 = tpu.matmul %get3A_1, %get3A_4, %dot_general3A {dimension_numbers = #tpu.dot_dimension_numbers<[1], [0], [0], [1], [0, 0, 1, 1], [], []>, transpose_lhs_hint = false} : vector<512x16xf32>, vector<16x64xf32>, vector<512x64xf32> -> vector<512x64xf32>
    %swap3A = arith.constant 0 : index
    %swap3A_6 = arith.constant 0 : index
    %swap3A_7 = vector.load %arg3[%swap3A, %swap3A_6] : memref<512x64xf32, #tpu.memory_space<vmem>>, vector<512x64xf32>
    tpu.vector_store %arg3[%swap3A, %swap3A_6], %dot_general3A_5 {strides = array<i32>} : memref<512x64xf32, #tpu.memory_space<vmem>>, vector<512x64xf32>,
    return
  }
  func.func @transform_0(%arg0: i32) -> (i32, i32) {
    %c0_i32 = arith.constant 0 : i32
    %c0_i32_0 = arith.constant 0 : i32
    return %arg0, %c0_i32 : i32, i32
  }
  func.func @transform_1(%arg0: i32) -> (i32, i32) {
    %c0_i32 = arith.constant 0 : i32
    %c0_i32_0 = arith.constant 0 : i32
    %c0_i32_1 = arith.constant 0 : i32
    return %c0_i32, %c0_i32_0 : i32, i32
  }
  func.func @transform_2(%arg0: i32) -> (i32, i32) {
    %c0_i32 = arith.constant 0 : i32
    %c0_i32_0 = arith.constant 0 : i32
    return %arg0, %c0_i32 : i32, i32
  }
}

module attributes {stable_mosaic.version = 14 : i64} {
  func.func @_mlp_body(%arg0: i32, %arg1: memref<1024x64xf32, #tpu.memory_space<vmem>>, %arg2: memref<1024x64xf32, #tpu.memory_space<vmem>>, %arg3: memref<1024x64xf32, #tpu.memory_space<vmem>>, %arg4: memref<192x64xf32, #tpu.memory_space<vmem>>, %arg5: memref<64xf32, #tpu.memory_space<vmem>>, %arg6: memref<64x16xf32, #tpu.memory_space<vmem>>, %arg7: memref<16xf32, #tpu.memory_space<vmem>>, %arg8: memref<1024x16xf32, #tpu.memory_space<vmem>>) attributes {dimension_semantics = [#tpu.dimension_semantics<arbitrary>], iteration_bounds = array<i64: 49>, scalar_prefetch = 0 : i64, scratch_operands = 0 : i64, tpu.core_type = #tpu.core_type<tc>, window_params = [{transform_indices = @transform_0, window_bounds = array<i64: 1024, 64>}, {transform_indices = @transform_1, window_bounds = array<i64: 1024, 64>}, {transform_indices = @transform_2, window_bounds = array<i64: 1024, 64>}, {pipeline_mode = #tpu.pipeline_mode<synchronous>, transform_indices = @transform_3, window_bounds = array<i64: 192, 64>}, {pipeline_mode = #tpu.pipeline_mode<synchronous>, transform_indices = @transform_4, window_bounds = array<i64: 64>}, {pipeline_mode = #tpu.pipeline_mode<synchronous>, transform_indices = @transform_5, window_bounds = array<i64: 64, 16>}, {pipeline_mode = #tpu.pipeline_mode<synchronous>, transform_indices = @transform_6, window_bounds = array<i64: 16>}, {transform_indices = @transform_7, window_bounds = array<i64: 1024, 16>}]} {
    %get3A = arith.constant 0 : index
    %get3A_0 = arith.constant 0 : index
    %get3A_1 = vector.load %arg1[%get3A, %get3A_0] : memref<1024x64xf32, #tpu.memory_space<vmem>>, vector<1024x64xf32>
    %get3A_2 = arith.constant 0 : index
    %get3A_3 = arith.constant 0 : index
    %get3A_4 = vector.load %arg2[%get3A_2, %get3A_3] : memref<1024x64xf32, #tpu.memory_space<vmem>>, vector<1024x64xf32>
    %get3A_5 = arith.constant 0 : index
    %get3A_6 = arith.constant 0 : index
    %get3A_7 = vector.load %arg3[%get3A_5, %get3A_6] : memref<1024x64xf32, #tpu.memory_space<vmem>>, vector<1024x64xf32>
    %concatenate3A = tpu.concatenate %get3A_1, %get3A_4, %get3A_7 in 1 : vector<1024x64xf32>, vector<1024x64xf32>, vector<1024x64xf32> -> vector<1024x192xf32>
    %get3A_8 = arith.constant 0 : index
    %get3A_9 = arith.constant 0 : index
    %get3A_10 = vector.load %arg4[%get3A_8, %get3A_9] : memref<192x64xf32, #tpu.memory_space<vmem>>, vector<192x64xf32>
    %dot_general3A = arith.constant dense<0.000000e+00> : vector<1024x64xf32>
    %dot_general3A_11 = tpu.matmul %concatenate3A, %get3A_10, %dot_general3A {dimension_numbers = #tpu.dot_dimension_numbers<[1], [0], [0], [1], [0, 0, 1, 1], [], []>, transpose_lhs_hint = false} : vector<1024x192xf32>, vector<192x64xf32>, vector<1024x64xf32> -> vector<1024x64xf32>
    %get3A_12 = arith.constant 0 : index
    %get3A_13 = vector.load %arg5[%get3A_12] : memref<64xf32, #tpu.memory_space<vmem>>, vector<64xf32>
    %broadcast_in_dim3A = vector.shape_cast %get3A_13 : vector<64xf32> to vector<1x64xf32>
    %add3A = vector.broadcast %broadcast_in_dim3A : vector<1x64xf32> to vector<1024x64xf32>
    %add3A_14 = arith.addf %dot_general3A_11, %add3A : vector<1024x64xf32>
    %max3A = arith.constant 0.000000e+00 : f32
    %max3A_15 = vector.broadcast %max3A : f32 to vector<1024x64xf32>
    %max3A_16 = arith.maximumf %add3A_14, %max3A_15 : vector<1024x64xf32>
    %get3A_17 = arith.constant 0 : index
    %get3A_18 = arith.constant 0 : index
    %get3A_19 = vector.load %arg6[%get3A_17, %get3A_18] : memref<64x16xf32, #tpu.memory_space<vmem>>, vector<64x16xf32>
    %dot_general3A_20 = arith.constant dense<0.000000e+00> : vector<1024x16xf32>
    %dot_general3A_21 = tpu.matmul %max3A_16, %get3A_19, %dot_general3A_20 {dimension_numbers = #tpu.dot_dimension_numbers<[1], [0], [0], [1], [0, 0, 1, 1], [], []>, transpose_lhs_hint = false} : vector<1024x64xf32>, vector<64x16xf32>, vector<1024x16xf32> -> vector<1024x16xf32>
    %get3A_22 = arith.constant 0 : index
    %get3A_23 = vector.load %arg7[%get3A_22] : memref<16xf32, #tpu.memory_space<vmem>>, vector<16xf32>
    %broadcast_in_dim3A_24 = vector.shape_cast %get3A_23 : vector<16xf32> to vector<1x16xf32>
    %add3A_25 = vector.broadcast %broadcast_in_dim3A_24 : vector<1x16xf32> to vector<1024x16xf32>
    %add3A_26 = arith.addf %dot_general3A_21, %add3A_25 : vector<1024x16xf32>
    %swap3A = arith.constant 0 : index
    %swap3A_27 = arith.constant 0 : index
    %swap3A_28 = vector.load %arg8[%swap3A, %swap3A_27] : memref<1024x16xf32, #tpu.memory_space<vmem>>, vector<1024x16xf32>
    tpu.vector_store %arg8[%swap3A, %swap3A_27], %add3A_26 {strides = array<i32>} : memref<1024x16xf32, #tpu.memory_space<vmem>>, vector<1024x16xf32>,
    return
  }
  func.func @transform_0(%arg0: i32) -> (i32, i32) {
    %c0_i32 = arith.constant 0 : i32
    %c0_i32_0 = arith.constant 0 : i32
    return %arg0, %c0_i32 : i32, i32
  }
  func.func @transform_1(%arg0: i32) -> (i32, i32) {
    %c0_i32 = arith.constant 0 : i32
    %c0_i32_0 = arith.constant 0 : i32
    return %arg0, %c0_i32 : i32, i32
  }
  func.func @transform_2(%arg0: i32) -> (i32, i32) {
    %c0_i32 = arith.constant 0 : i32
    %c0_i32_0 = arith.constant 0 : i32
    return %arg0, %c0_i32 : i32, i32
  }
  func.func @transform_3(%arg0: i32) -> (i32, i32) {
    %c0_i32 = arith.constant 0 : i32
    %c0_i32_0 = arith.constant 0 : i32
    %c0_i32_1 = arith.constant 0 : i32
    return %c0_i32, %c0_i32_0 : i32, i32
  }
  func.func @transform_4(%arg0: i32) -> i32 {
    %c0_i32 = arith.constant 0 : i32
    %c0_i32_0 = arith.constant 0 : i32
    return %c0_i32 : i32
  }
  func.func @transform_5(%arg0: i32) -> (i32, i32) {
    %c0_i32 = arith.constant 0 : i32
    %c0_i32_0 = arith.constant 0 : i32
    %c0_i32_1 = arith.constant 0 : i32
    return %c0_i32, %c0_i32_0 : i32, i32
  }
  func.func @transform_6(%arg0: i32) -> i32 {
    %c0_i32 = arith.constant 0 : i32
    %c0_i32_0 = arith.constant 0 : i32
    return %c0_i32 : i32
  }
  func.func @transform_7(%arg0: i32) -> (i32, i32) {
    %c0_i32 = arith.constant 0 : i32
    %c0_i32_0 = arith.constant 0 : i32
    return %arg0, %c0_i32 : i32, i32
  }
}

</mosaic_0001>

<sc_bundles>
// kernel: _run.12.cloned.1.call-start
scs
__scs_entry_jumppad:
0x0: {  	(pc) =	sbr.rel $0x88, $3  }
0x1: {  	(tag) =	ssettag $0x0;
	lr =	simm.s32 $0x1  }
0x2: {  	[smem:$0x3F97] =	sst lr;
	_ =	strace $0xD0000000  }
0x3: {  	_ = 	snop  }
0x4: {  	_ = 	snop  }
0x5: {  	_ = 	snop  }
0x6: {  	_ = 	snop  }
0x7: {  	_ = 	snop  }
__scs_overlays_trampoline_lowered:
0x8: {  	[smem:$0x3FA6] =	sst s0  }
0x9: {  	[smem:$0x3FA7] =	sst s1  }
0xa: {  	[smem:$0x3FA8] =	sst s2  }
0xb: {  	[smem:$0x3FA9] =	sst s3  }
0xc: {  	[smem:$0x3FAA] =	sst s4  }
0xd: {  	[smem:$0x3FAB] =	sst s5  }
0xe: {  	[smem:$0x3FAC] =	sst s6  }
0xf: {  	[smem:$0x3FAD] =	sst s7  }
0x10: {  	[smem:$0x3FAE] =	sst s8  }
0x11: {  	[smem:$0x3FAF] =	sst s9;
	s0 =	simm.s32 @!p0 $0x0  }
0x12: {  	s1 =	sld [smem:$0x3F95];
	s0 =	simm.s32 @p0 $0x1  }
0x13: {  	[smem:$0x3FB0] =	sst s0;
	s0 =	simm.s32 @!p1 $0x0  }
0x14: {  	s2 =	sld [smem:$0x3F94];
	s0 =	simm.s32 @p1 $0x1  }
0x15: {  	[smem:$0x3FB1] =	sst s0;
	s0 =	simm.s32 @!p2 $0x0  }
0x16: {  	s3 =	sld [smem:$0x3FDB];
	s0 =	simm.s32 @p2 $0x1  }
0x17: {  	s4 =	simm.s32 $0x1BF5;
	[smem:$0x3FB3] =	sst s0  }
0x18: {  	s0 =	sld [smem:$0x3F96];
	_ =	swait.ge [sflag:s4], $0x0  }
0x19: {  	s7 =	sld [smem:$0x3F97]  }
0x1a: {  	s8 =	sadd.s32 $0xFFFFE003, lr  }
0x1b: {  	s9 =	sadd.s32 $0xFFFFFEF7, lr;
	s5 =	simm.s32 $0xFFFFFFFF;
	p2 =	slt.u32 s8, $0xFFFFF086  }
0x1c: {  	p1 =	slt.u32 s9, $0xF7A;
	s5 =	simm.s32 @!p2 $0x0  }
0x1d: {  	s5 =	simm.s32 @p1 $0x1;
	p0 =	seq.s32 s7, s2  }
0x1e: {  	s7 =	smul.u32 @!p0 $0xF7A, s2;
	p2 =	seq.s32 @!p0 s5, $0x0  }
0x1f: {  	s9 =	smul.u32 $0xF7A, s1;
	s8 =	simm.s32 @!p0 $0x1BF5;
	p2 =	por !p2, p0  }
0x20: {  	[sflag:s8] =	ssyncset.s32 @!p0 $0xFFFFF086;
	s6 =	sadd.s32 @!p0 s3, s7;
	s7 =	simm.s32 @!p0 $0x108  }
0x21: {  	s3 =	sadd.s32 s3, s9;
	s6 =	sadd.s32 @!p0 $0x88, s6;
	s7 =	simm.s32 @p2 $0x1082  }
0x22: {  	[simem:s7], [sflag:s8] =	dma.local @!p0 [hbm:s6], $0xF7A  }
0x23: {  	s9 =	sor.u32 $0xD0000000, s2;
	s6 =	simm.s32 $0x108;
	_ =	swait.ge @!p0 [sflag:s8], $0x0  }
0x24: {  	s3 =	sadd.s32 $0x88, s3;
	s6 =	simm.s32 @!p1 $0x1082;
	[sflag:s4] =	ssyncset.s32 $0xFFFFF086  }
0x25: {  	[simem:s6], [sflag:s4] =	dma.local [hbm:s3], $0xF7A  }
0x26: {  	[smem:$0x3F97] =	sst s1;
	(tag) =	ssettag s2;
	_ =	strace s9  }
0x27: {  	s1 =	sld [smem:$0x3FA7]  }
0x28: {  	s2 =	sld [smem:$0x3FA8]  }
0x29: {  	s4 =	sld [smem:$0x3FAA]  }
0x2a: {  	p0 =	seq.s32 s5, $0x0;
	s5 =	sld [smem:$0x3FAB]  }
0x2b: {  	s6 =	sld [smem:$0x3FAC]  }
0x2c: {  	s7 =	sld [smem:$0x3FAD]  }
0x2d: {  	s3 =	simm.s32 $0x108;
	s8 =	sld [smem:$0x3FAE]  }
0x2e: {  	s3 =	simm.s32 @!p0 $0x1082;
	s9 =	sld [smem:$0x3FAF]  }
0x2f: {  	lr =	sadd.s32 s0, s3;
	s0 =	sld [smem:$0x3FA6]  }
0x30: {  	s3 =	sld [smem:$0x3FA9]  }
0x31: {  	[smem:$0x3FB2] =	sst s10  }
0x32: {  	s10 =	sld [smem:$0x3FB0];
	_ =	sdelay $0x3  }
0x33: {  	p0 =	seq.s32 s10, $0x1;
	s10 =	sld [smem:$0x3FB2];
	_ =	sdelay $0x3  }
0x34: {  	[smem:$0x3FB2] =	sst s10  }
0x35: {  	s10 =	sld [smem:$0x3FB1];
	_ =	sdelay $0x3  }
0x36: {  	p1 =	seq.s32 s10, $0x1;
	s10 =	sld [smem:$0x3FB2];
	_ =	sdelay $0x3  }
0x37: {  	[smem:$0x3FB2] =	sst s10  }
0x38: {  	s10 =	sld [smem:$0x3FB3]  }
0x39: {  	_ = 	snop;
	(pc) =	sbr.ind lr, $3  }
0x3a: {  	_ = 	snop  }
0x3b: {  	_ = 	snop  }
0x3c: {  	p2 =	seq.s32 s10, $0x1;
	s10 =	sld [smem:$0x3FB2]  }
0x3d: {  	_ =	shalt  }
0x3e: {  	_ =	shalt  }
0x3f: {  	_ =	shalt  }
0x40: {  	_ =	shalt  }
0x41: {  	_ =	shalt  }
0x42: {  	_ =	shalt  }
0x43: {  	_ =	shalt  }
0x44: {  	_ =	shalt  }
0x45: {  	_ =	shalt  }
0x46: {  	_ =	shalt  }
0x47: {  	_ =	shalt  }
0x48: {  	_ =	shalt  }
0x49: {  	_ =	shalt  }
0x4a: {  	_ =	shalt  }
0x4b: {  	_ =	shalt  }
0x4c: {  	_ =	shalt  }
0x4d: {  	_ =	shalt  }
0x4e: {  	_ =	shalt  }
0x4f: {  	_ =	shalt  }
0x50: {  	_ =	shalt  }
0x51: {  	_ =	shalt  }
0x52: {  	_ =	shalt  }
0x53: {  	_ =	shalt  }
0x54: {  	_ =	shalt  }
0x55: {  	_ =	shalt  }
0x56: {  	_ =	shalt  }
0x57: {  	_ =	shalt  }
0x58: {  	_ =	shalt  }
0x59: {  	_ =	shalt  }
0x5a: {  	_ =	shalt  }
0x5b: {  	_ =	shalt  }
0x5c: {  	_ =	shalt  }
0x5d: {  	_ =	shalt  }
0x5e: {  	_ =	shalt  }
0x5f: {  	_ =	shalt  }
0x60: {  	_ =	shalt  }
0x61: {  	_ =	shalt  }
0x62: {  	_ =	shalt  }
0x63: {  	_ =	shalt  }
0x64: {  	_ =	shalt  }
0x65: {  	_ =	shalt  }
0x66: {  	_ =	shalt  }
0x67: {  	_ =	shalt  }
0x68: {  	_ =	shalt  }
0x69: {  	_ =	shalt  }
0x6a: {  	_ =	shalt  }
0x6b: {  	_ =	shalt  }
0x6c: {  	_ =	shalt  }
0x6d: {  	_ =	shalt  }
0x6e: {  	_ =	shalt  }
0x6f: {  	_ =	shalt  }
0x70: {  	_ =	shalt  }
0x71: {  	_ =	shalt  }
0x72: {  	_ =	shalt  }
0x73: {  	_ =	shalt  }
0x74: {  	_ =	shalt  }
0x75: {  	_ =	shalt  }
0x76: {  	_ =	shalt  }
0x77: {  	_ =	shalt  }
0x78: {  	_ =	shalt  }
0x79: {  	_ =	shalt  }
0x7a: {  	_ =	shalt  }
0x7b: {  	_ =	shalt  }
0x7c: {  	_ =	shalt  }
0x7d: {  	_ =	shalt  }
0x7e: {  	_ =	shalt  }
0x7f: {  	_ =	shalt  }
0x80: {  	_ =	shalt  }
0x81: {  	_ =	shalt  }
0x82: {  	_ =	shalt  }
0x83: {  	_ =	shalt  }
0x84: {  	_ =	shalt  }
0x85: {  	_ =	shalt  }
0x86: {  	_ =	shalt  }
0x87: {  	_ =	shalt  }
.Lfunc_end0:
.L_simem_size_0:
called_computation.1_lowered:
.L_overlay_start_0:
0x88: {  	s2 =	sld [smem:$0x3FD9]  }
0x89: {  	s3 =	sld [smem:$0x3FFE];
	_ =	sdelay $0x1  }
0x8a: {  	s1 =	srdreg.scid  }
0x8b: {  	s0 =	sand.u32 $0x1, s1  }
0x8c: {  	s17 =	sshll.u32 s0, $0xA;
	s2 =	sadd.s32 s3, s2  }
0x8d: {  	s2 =	sadd.s32 s2, s17  }
0x8e: {  	[smem:$0x3FBE] =	sst s2  }
0x8f: {  	_ = 	snop  }
0x90: {  	(tm) =	ssettm $0x1  }
0x91: {  	s18 =	sld [smem:$0x3FFB];
	_ =	sdelay $0x3  }
0x92: {  	_ =	strace s18  }
0x93: {  	s2 =	sld [smem:$0x3FFC];
	_ =	sdelay $0x3  }
0x94: {  	_ =	strace s2  }
0x95: {  	s2 =	sld [smem:$0x3FFD];
	_ =	sdelay $0x3  }
0x96: {  	_ =	strace s2  }
0x97: {  	_ =	strace $0x8FFFFFFF  }
0x98: {  	s19 =	sld [smem:$0x3FDB];
	_ =	sdelay $0x1  }
0x99: {  	s20 =	simm.s32 $_scs_section_size  }
0x9a: {  	s4 =	simm.s32 $_size__tile_overlayer_lowered;
	s5 =	simm.s32 $_tile_overlayer_lowered  }
0x9b: {  	s6 =	simm.s32 $0x1BFF;
	s21 =	sshll.u32 s5, $0x1;
	s3 =	sadd.s32 s20, s19  }
0x9c: {  	s22 =	simm.s32 $0x0;
	s4 =	sshll.u32 s4, $0x1;
	s5 =	sadd.s32 s21, s3  }
0x9d: {  	[timem:s22], [sflag:s6] =	dma.local [hbm:s5], s4  }
0x9e: {  	_ =	swait.ge [sflag:s6], s4  }
0x9f: {  	s4 =	ssub.s32 $0x0, s4;
	[sflag:s6] =	ssyncset.done $0x0  }
0xa0: {  	[sflag:s6] =	ssyncadd.s32 s4;
	_ =	sdelay $0x1  }
0xa1: {  	s23 =	simm.s32 $0x1B8B  }
0xa2: {  	_ =	swait.ge [sflag:s23], $0x1  }
0xa3: {  	[sflag:s23] =	ssyncset.done $0x0  }
0xa4: {  	[sflag:s23] =	ssyncadd.s32 $0xFFFFFFFF  }
0xa5: {  	s4 =	sld [smem:$0x0]  }
0xa6: {  	s5 =	sand.u32 $0xFFFFFFFE, s1  }
0xa7: {  	p0 =	sne.s32 s1, s5  }
0xa8: {  	s5 =	sshll.u32 @p0 s5, $0xE  }
0xa9: {  	s5 =	sadd.s32 @p0 $0x11B8D, s5;
	s6 =	sshll.u32 @p0 s4, $0x11  }
0xaa: {  	s5 =	sor.u32 @p0 s6, s5  }
0xab: {  	[sflag:s5] =	ssyncadd.remote.s32 @p0 $0x1;
	_ =	sdelay $0x1  }
0xac: {  	s5 =	simm.s32 @p0 $0x1B8D  }
0xad: {  	_ =	swait.eq @p0 [sflag:s5], $0x1  }
0xae: {  	[sflag:s5] =	ssyncadd.s32 @p0 $0xFFFFFFFF  }
0xaf: {  	s6 =	sshll.u32 @!p0 s1, $0xE  }
0xb0: {  	s6 =	sor.u32 @!p0 $0x4000, s6;
	s5 =	simm.s32 @!p0 $0x1B8D  }
0xb1: {  	s4 =	sshll.u32 @!p0 s4, $0x11;
	s6 =	sadd.s32 @!p0 $0x11B8D, s6;
	_ =	swait.eq @!p0 [sflag:s5], $0x1  }
0xb2: {  	s4 =	sor.u32 @!p0 s4, s6;
	[sflag:s5] =	ssyncadd.s32 @!p0 $0xFFFFFFFF  }
0xb3: {  	s25 =	simm.s32 $0x1B8E;
	s24 =	sld [smem:$0x3FFE];
	[sflag:s4] =	ssyncadd.remote.s32 @!p0 $0x1  }
0xb4: {  	s26 =	simm.s32 $execute0_lowered;
	[smem:$0x3FD2] =	sst s25  }
0xb5: {  	s5 =	sshll.u32 s26, $0x1;
	_ =	strace $0x80000049;
	[dreg:$0x1] =	wrdreg $0xFFFFFFFF  }
0xb6: {  	s28 =	simm.s32 $_size_execute0_lowered;
	s3 =	sadd.s32 s3, s5;
	[dreg:$0x0] =	wrdreg $0x0  }
0xb7: {  	s5 =	sshll.u32 s28, $0x1;
	[dreg:$0x2] =	wrdreg s3  }
0xb8: {  	[dreg:$0x3] =	wrdreg s5  }
0xb9: {  	[dreg:$0x4] =	wrdreg $0xC0  }
0xba: {  	_ =	task [dreg:s22], $0x5FFFF  }
0xbb: {  	[dreg:$0x1] =	wrdreg $0xFFFFFFFF  }
0xbc: {  	[dreg:$0x0] =	wrdreg $0x60  }
0xbd: {  	[dreg:$0x2] =	wrdreg s24  }
0xbe: {  	[dreg:$0x3] =	wrdreg $0x9  }
0xbf: {  	_ =	task.clear_ibuf [dreg:s22], $0x4FFFF;
	_ =	strace $0x90000049  }
0xc0: {  	s29 =	simm.s32 $0x9;
	_ =	strace $0x8000004B  }
0xc1: {  	_ =	swait.ge [sflag:s29], $0x1  }
0xc2: {  	[sflag:s29] =	ssyncadd.s32 $0xFFFFFFFF  }
0xc3: {  	_ =	strace $0x9000004B  }
0xc4: {  	_ =	sfence  }
0xc5: {  	s30 =	sld [smem:$0x0];
	_ =	sdelay $0x2  }
0xc6: {  	s31 =	sshll.u32 s1, $0xD;
	s1 =	sshrl.u32 s1, $0x2  }
0xc7: {  	s4 =	sand.u32 $0x4000, s31;
	s1 =	sadd.s32 s1, s30  }
0xc8: {  	s0 =	sor.u32 s4, s0;
	s1 =	sshll.u32 s1, $0x11  }
0xc9: {  	s0 =	sor.u32 s1, s0  }
0xca: {  	s0 =	sadd.s32 $0x8F2B, s0  }
0xcb: {  	[sflag:s0] =	ssyncadd.remote.s32 $0x1  }
0xcc: {  	_ =	sfence.sel $0xFFFF  }
0xcd: {  	[dreg:$0x0] =	wrdreg $0xFFFFFFFF;
	(pc) =	sbr.abs _section_cstart, $3  }
0xce: {  	[dreg:$0x1] =	wrdreg $0xFFFFFFFF  }
0xcf: {  	_ =	task.clear_ibuf [dreg:s22], $0x2FFFF;
	_ =	strace $0x9FFFFFFF  }
0xd0: {  	(tm) =	ssettm $0x7FFFFFFF  }
0xd1: {  	_ =	shalt  }
tec
execute0_lowered:
.L_overlay_start_1:
0x0: {  	(tag) =	ssettag $0x1  }
0x1: {  	s5 =	rddreg [dreg:$0x0]  }
0x2: {  	s0 =	rddreg [dreg:$0x1];
	s3 =	srdreg.scid  }
0x3: {  	s1 =	stileid.u32;
	s2 =	simm.s32 $0x0;
	s10 =	simm.s32 $0x40  }
0x4: {  	s11 =	simm.s32 $0x1A000;
	s3 =	sand.u32 $0x1, s3;
	s4 =	sshll.u32 s1, $0x1  }
0x5: {  	s12 =	simm.s32 $0x0;
	[smem:$0x7FF] =	sst s2;
	s4 =	sor.u32 s3, s4  }
0x6: {  	_ =	strace $0x8000004A;
	s7 =	ssub.s32 $0x2, s3;
	s6 =	smul.u32 $0x30D8, s4  }
0x7: {  	s3 =	sadd.s32 $0x1283200, s5;
	s8 =	sshrl.u32 s7, $0x1;
	s9 =	smul.u32 $0x61B, s4  }
0x8: {  	s4 =	sadd.s32 $0x189E200, s5;
	s30 =	ssub.s32 s7, s8;
	s7 =	simm.s32 $0x18700  }
0x9: {  	v2 =	vlaneseq.u32;
	v3 =	vimm.f32 $-Inf;
	v4 =	vimm.s32 $0x0;
	s8 =	simm.s32 $0x2;
	s5 =	sadd.s32 s6, s5;
	s31 =	sadd.s32 $0x61B, s9  }
0xa: {  	v5 =	vand.u32 $0x1, v2;
	s6 =	smax.u32 s30, $0x1;
	v0 =	vmov s9;
	s9 =	simm.s32 $0x1;
	s5 =	sadd.s32 $0x18B6A00, s5;
	v1 =	vmov s31  }
.LBB2_1:
0xb: {  	s13 =	simm.s32 $0x40;
	s14 =	simm.s32 $0x0  }
.LBB2_2:
0xc: {  	p0 =	sne.s32 s13, $0x61AC0;
	[tilespmem:s14+$0x0] =	vst v3;
	s14 =	smov.u32 s13;
	s13 =	sadd.s32 $0x40, s13  }
.Ltmp0:
0xd: {  	(pc) =	sbr.rel @p0 .LBB2_2-.Ltmp0, $2  }
0xe: {  	_ =	sdelay $0x2  }
0xf: {  	s14 =	sshra.s32 s14, $0x2  }
.Ltmp1:
0x10: {  	(pc) =	sbr.rel .LBB2_4-.Ltmp1, $2  }
0x11: {  	_ =	sdelay $0x2  }
0x12: {  	[tilespmem:s14+$0x0] =	vst v3;
	s13 =	simm.s32 $0x0;
	s14 =	simm.s32 $0x0;
	s15 =	simm.s32 $0x0  }
.LBB2_13:
0x13: {  	s15 =	sadd.s32 $0x1, s15  }
0x14: {  	p0 =	sne.s32 s15, $0x190  }
.Ltmp2:
0x15: {  	_ = 	snop;
	(pc) =	sbr.rel @!p0 .LBB2_14-.Ltmp2, $2  }
0x16: {  	_ =	sdelay $0x2  }
0x17: {  	s14 =	sadd.s32 $0x7D0, s14  }
.LBB2_4:
0x18: {  	s16 =	smul.u32 $0x7D0, s15;
	_ =	sdelay $0x1  }
0x19: {  	s16 =	sshrl.u32 s16, $0x3  }
0x1a: {  	s16 =	sadd.s32 s4, s16  }
0x1b: {  	[tilespmem:s7], [sflag:$0x2] =	stream.linear.gather [hbm4b:s16+s13], $0x7D0, $0x38;
	[tilespmem:$0x1C080] =	vst v63  }
0x1c: {  	_ =	swait.ge [sflag:s8], $0x7D0  }
0x1d: {  	[sflag:s8] =	ssyncset.done $0x0  }
0x1e: {  	s31 =	simm.s32 $0x0;
	[sflag:s8] =	ssyncadd.s32 $0xFFFFF830  }
0x1f: {  	v6 =	vld [tilespmem:s31+$0x18700];
	_ =	sdelay $0x4  }
0x20: {  	vm0 =	vge.s32 v6, v0;
	vm1 =	vlt.s32 v6, v1  }
0x21: {  	vm0 =	vmand vm0, vm1  }
0x22: {  	v7 =	vsel vm0, $0x1, v4  }
0x23: {  	(xrf0) =	vadd.scan.msk.s32 $0xffff, v7;
	_ =	sdelay $0x4  }
0x24: {  	v6 =	vsub.s32 v6, v0;
	v7 =	vor.u32 s14, v2  }
0x25: {  	v6 =	vshll.u32 v6, $0x1;
	v7 =	vshrl.u32 v7, $0x1;
	v8, _, _ =	vpop (xrf0)  }
0x26: {  	s19 =	simm.s32 $0x10;
	v6 =	vor.u32 v5, v6;
	[tilespmem:s13+$0x18F00] =	vst.msk vm0, v7;
	(v2sf) =	vpush v8, $0xF  }
0x27: {  	s18 =	simm.s32 $0x80;
	s17 =	smov.u32 s14;
	s16 =	simm.s32 $0x0;
	[tilespmem:s13+$0x19780] =	vst.msk vm0, v6  }
.LBB2_5:
0x28: {  	p0 =	sne.s32 s18, $0x1F00;
	v6 =	vld [tilespmem:s19+$0x18700];
	_ =	sdelay $0x4  }
0x29: {  	vm0 =	vge.s32 v6, v0;
	vm1 =	vlt.s32 v6, v1;
	v6 =	vsub.s32 v6, v0  }
0x2a: {  	vm0 =	vmand vm0, vm1  }
0x2b: {  	v7 =	vsel vm0, $0x1, v4  }
0x2c: {  	(xrf0) =	vadd.scan.msk.s32 $0xffff, v7;
	_ =	sdelay $0x3  }
.Ltmp3:
0x2d: {  	s17 =	sadd.s32 $0x10, s17;
	(pc) =	sbr.rel @p0 .LBB2_5-.Ltmp3, $4  }
0x2e: {  	v7 =	vor.u32 s17, v2;
	s19 =	spop (v2sf)  }
0x2f: {  	v6 =	vshll.u32 v6, $0x1;
	v7 =	vshrl.u32 v7, $0x1;
	v8, _, _ =	vpop (xrf0);
	s16 =	sadd.s32 s16, s19  }
0x30: {  	v6 =	vor.u32 v5, v6;
	[tilespmem:s16+$0x18F00] =	vst.msk vm0, v7;
	(v2sf) =	vpush v8, $0xF  }
0x31: {  	s19 =	sshra.s32 s18, $0x2;
	s18 =	sadd.s32 $0x40, s18;
	[tilespmem:s16+$0x19780] =	vst.msk vm0, v6  }
0x32: {  	v6 =	vld [tilespmem:s19+$0x18700];
	_ =	sdelay $0x4  }
0x33: {  	vm0 =	vge.s32 v6, v0;
	vm1 =	vlt.s32 v6, v1  }
0x34: {  	vm0 =	vmand vm0, vm1  }
0x35: {  	v7 =	vsel vm0, $0x1, v4  }
0x36: {  	(xrf0) =	vadd.scan.msk.s32 $0xffff, v7;
	_ =	sdelay $0x5  }
0x37: {  	v7, _, _ =	vpop (xrf0)  }
0x38: {  	(v2sf) =	vpush v7, $0xF;
	_ =	sdelay $0xd  }
0x39: {  	s18 =	spop (v2sf)  }
0x3a: {  	s18 =	sadd.s32 s16, s18;
	s19 =	spop (v2sf)  }
0x3b: {  	s16 =	sadd.s32 s18, s19  }
0x3c: {  	s30 =	sadd.s32 $0x3F, s16  }
0x3d: {  	s17 =	sadd.s32 $0x10, s17;
	s21 =	sand.u32 $0x3F, s30  }
0x3e: {  	v6 =	vsub.s32 v6, v0;
	v7 =	vor.u32 s17, v2;
	s31 =	sshra.s32 s30, $0x1F;
	p1 =	slt.s32 s30, $0x1;
	p0 =	sne.s32 s21, $0x0  }
0x3f: {  	v6 =	vshll.u32 v6, $0x1;
	v7 =	vshrl.u32 v7, $0x1;
	s21 =	sshrl.u32 s31, $0x1A;
	p0 =	por !p1, !p0  }
0x40: {  	v6 =	vor.u32 v5, v6;
	[tilespmem:s18+$0x18F00] =	vst.msk vm0, v7;
	s17 =	sadd.s32 s21, s30;
	s21 =	simm.s32 $0x1;
	p0 =	por !p0, !p0  }
0x41: {  	[tilespmem:s18+$0x19780] =	vst.msk vm0, v6;
	s20 =	sand.u32 $0xFFFFFFF0, s16;
	s17 =	sshra.s32 s17, $0x6;
	s21 =	simm.s32 @!p0 $0x0  }
0x42: {  	v6 =	vld [tilespmem:s20+$0x18F00];
	s17 =	ssub.s32 s17, s21  }
0x43: {  	[tilespmem:s20+$0x18F10] =	vst v4;
	p0 =	slt.s32 s17, $0x1  }
.Ltmp4:
0x44: {  	s29 =	sand.u32 $0xF, s16;
	[tilespmem:s20+$0x18F20] =	vst v4;
	(pc) =	sbr.rel @p0 .LBB2_13-.Ltmp4, $4  }
0x45: {  	v7 =	vmov s29;
	[tilespmem:s20+$0x18F30] =	vst v4  }
0x46: {  	[tilespmem:s20+$0x18F40] =	vst v4;
	vm15 =	vgt.u32 v7, v2  }
0x47: {  	[tilespmem:s20+$0x18F50] =	vst v4;
	v6 =	vnsel vm15, $0x0, v6  }
0x48: {  	[tilespmem:s20+$0x18F00] =	vst v6  }
.Ltmp5:
0x49: {  	(pc) =	sbr.rel .LBB2_8-.Ltmp5, $3  }
0x4a: {  	_ =	sdelay $0x1  }
0x4b: {  	s18 =	sadd.s32 s18, s19;
	s19 =	simm.s32 $0x40  }
0x4c: {  	s20 =	simm.s32 $0x0;
	s21 =	simm.s32 $0x19780;
	s22 =	simm.s32 $0x0  }
.LBB2_11:
0x4d: {  	v6 =	vmax.f32 v6, v7  }
0x4e: {  	[tilespmem:s26+$0x0] =	vst v6  }
.LBB2_12:
0x4f: {  	s22 =	sadd.s32 $0x1, s22  }
0x50: {  	p0 =	sne.s32 s22, s17  }
.Ltmp6:
0x51: {  	_ = 	snop;
	(pc) =	sbr.rel @!p0 .LBB2_13-.Ltmp6, $2  }
0x52: {  	_ =	sdelay $0x2  }
0x53: {  	s19 =	sadd.s32 $0x40, s19;
	s20 =	sadd.s32 $0xFFFFFFC0, s20;
	s21 =	sadd.s32 $0x40, s21  }
.LBB2_8:
0x54: {  	s24 =	sshll.u32 s22, $0x6  }
0x55: {  	v6 =	vld [tilespmem:s24+$0x18F00];
	_ =	sdelay $0x4  }
0x56: {  	[tilespmem:$0x1A000] =	vst v6  }
0x57: {  	v6 =	vld [tilespmem:s24+$0x18F10];
	_ =	sdelay $0x4  }
0x58: {  	[tilespmem:$0x1A010] =	vst v6  }
0x59: {  	v6 =	vld [tilespmem:s24+$0x18F20];
	_ =	sdelay $0x4  }
0x5a: {  	[tilespmem:$0x1A020] =	vst v6  }
0x5b: {  	v6 =	vld [tilespmem:s24+$0x18F30];
	_ =	sdelay $0x3  }
0x5c: {  	p0 =	sle.s32 s16, s24  }
.Ltmp7:
0x5d: {  	s23 =	simm.s32 $0x1A080;
	[tilespmem:$0x1A030] =	vst v6;
	(pc) =	sbr.rel @p0 .LBB2_12-.Ltmp7, $4  }
0x5e: {  	[tilespmem:s23], [sflag:$0x1] =	stream.indirect.gather [hbm4b:s3+s10], $0x80, s11, s10, $0xb8;
	[tilespmem:$0x1C080] =	vst v63  }
0x5f: {  	_ =	swait.ge [sflag:s9], $0x2000  }
0x60: {  	[sflag:s9] =	ssyncset.done $0x0  }
0x61: {  	[sflag:s9] =	ssyncadd.s32 $0xFFFFE000  }
0x62: {  	v6 =	vld [tilespmem:s21+$0x0];
	_ =	sdelay $0x4  }
0x63: {  	(v2sf) =	vpush v6, $0x0;
	_ =	sdelay $0xe  }
0x64: {  	s24 =	spop (v2sf)  }
0x65: {  	s25 =	sshll.u32 s24, $0x5;
	s24 =	sand.u32 $0x1, s24  }
0x66: {  	s26 =	sand.u32 $0xFFFFFFC0, s25;
	s24 =	sshll.u32 s24, $0x6  }
0x67: {  	v6 =	vld [tilespmem:s26+$0x0];
	s28 =	sadd.s32 $0x1A080, s24  }
0x68: {  	v7 =	vld [tilespmem:s28+$0x0];
	_ =	sdelay $0x4  }
0x69: {  	v6 =	vmax.f32 v6, v7  }
0x6a: {  	[tilespmem:s26+$0x0] =	vst v6;
	v6 =	vld [tilespmem:s26+$0x10]  }
0x6b: {  	v7 =	vld [tilespmem:s28+$0x10];
	_ =	sdelay $0x4  }
0x6c: {  	v6 =	vmax.f32 v6, v7  }
0x6d: {  	s31 =	sor.u32 $0x20, s25;
	[tilespmem:s26+$0x10] =	vst v6  }
0x6e: {  	v6 =	vld [tilespmem:s31+$0x0]  }
0x6f: {  	v7 =	vld [tilespmem:s28+$0x20];
	_ =	sdelay $0x3  }
0x70: {  	p0 =	slt.s32 s19, s18;
	s26 =	smov.u32 s18  }
0x71: {  	s26 =	smov.u32 @p0 s19;
	v6 =	vmax.f32 v6, v7  }
0x72: {  	s29 =	sadd.s32 s20, s26;
	s26 =	sor.u32 $0x30, s25;
	[tilespmem:s31+$0x0] =	vst v6  }
0x73: {  	p0 =	sne.s32 s29, $0x1;
	v6 =	vld [tilespmem:s26+$0x0]  }
.Ltmp8:
0x74: {  	v7 =	vld [tilespmem:s28+$0x30];
	(pc) =	sbr.rel @!p0 .LBB2_11-.Ltmp8, $2  }
0x75: {  	_ =	sdelay $0x2  }
0x76: {  	s25 =	smov.u32 s21;
	s24 =	sadd.s32 $0xFFFFFFFF, s29  }
.LBB2_10:
0x77: {  	p0 =	sne.s32 s24, $0x1;
	s23 =	sadd.s32 $0x80, s23;
	s25 =	sadd.s32 $0x1, s25  }
0x78: {  	s24 =	sadd.s32 $0xFFFFFFFF, s24  }
0x79: {  	v6 =	vmax.f32 v6, v7  }
0x7a: {  	[tilespmem:s26+$0x0] =	vst v6  }
0x7b: {  	v6 =	vld [tilespmem:s25+$0x0];
	_ =	sdelay $0x4  }
0x7c: {  	(v2sf) =	vpush v6, $0x0;
	_ =	sdelay $0xe  }
0x7d: {  	s26 =	spop (v2sf)  }
0x7e: {  	s28 =	sshll.u32 s26, $0x5;
	s26 =	sand.u32 $0x1, s26  }
0x7f: {  	s29 =	sand.u32 $0xFFFFFFC0, s28;
	s26 =	sshll.u32 s26, $0x6  }
0x80: {  	v6 =	vld [tilespmem:s29+$0x0];
	s30 =	sadd.s32 s26, s23  }
0x81: {  	v7 =	vld [tilespmem:s30+$0x0];
	_ =	sdelay $0x4  }
0x82: {  	v6 =	vmax.f32 v6, v7  }
0x83: {  	[tilespmem:s29+$0x0] =	vst v6;
	v6 =	vld [tilespmem:s29+$0x10]  }
0x84: {  	v7 =	vld [tilespmem:s30+$0x10];
	_ =	sdelay $0x4  }
0x85: {  	v6 =	vmax.f32 v6, v7  }
0x86: {  	s26 =	sor.u32 $0x20, s28;
	[tilespmem:s29+$0x10] =	vst v6  }
0x87: {  	v6 =	vld [tilespmem:s26+$0x0]  }
0x88: {  	v7 =	vld [tilespmem:s30+$0x20];
	_ =	sdelay $0x3  }
.Ltmp9:
0x89: {  	(pc) =	sbr.rel @p0 .LBB2_10-.Ltmp9, $4  }
0x8a: {  	v6 =	vmax.f32 v6, v7  }
0x8b: {  	[tilespmem:s26+$0x0] =	vst v6;
	s26 =	sor.u32 $0x30, s28  }
0x8c: {  	v6 =	vld [tilespmem:s26+$0x0]  }
0x8d: {  	v7 =	vld [tilespmem:s30+$0x30]  }
.Ltmp10:
0x8e: {  	_ = 	snop;
	(pc) =	sbr.rel .LBB2_11-.Ltmp10, $1  }
0x8f: {  	_ =	sdelay $0x3  }
.LBB2_14:
0x90: {  	s13 =	simm.s32 $0x0;
	s14 =	simm.s32 $0x40  }
.LBB2_15:
0x91: {  	p0 =	sne.s32 s14, $0x61AC0;
	v6 =	vld [tilespmem:s13+$0x0];
	_ =	sdelay $0x2  }
.Ltmp11:
0x92: {  	(pc) =	sbr.rel @p0 .LBB2_15-.Ltmp11, $4  }
0x93: {  	_ = 	snop  }
0x94: {  	vm0 =	veq.f32 v6, $-Inf  }
0x95: {  	v6 =	vsel vm0, $0x0, v6  }
0x96: {  	[tilespmem:s13+$0x0] =	vst v6;
	s13 =	sshra.s32 s14, $0x2;
	s14 =	sadd.s32 $0x40, s14  }
0x97: {  	v6 =	vld [tilespmem:s13+$0x0];
	_ =	sdelay $0x4  }
0x98: {  	s12 =	sadd.s32 $0x1, s12;
	vm0 =	veq.f32 v6, $-Inf  }
0x99: {  	p0 =	sne.s32 s12, s6;
	v6 =	vsel vm0, $0x0, v6  }
.Ltmp12:
0x9a: {  	[tilespmem:s13+$0x0] =	vst v6;
	(pc) =	sbr.rel @p0 .LBB2_1-.Ltmp12, $4  }
0x9b: {  	[hbm4b:s5+s2] =	stream.linear.scatter [tilespmem:s2], [sflag:$0x2], $0x186C0, $0x38;
	[tilespmem:$0x1C080] =	vst v63  }
0x9c: {  	_ =	swait.ge [sflag:s8], $0x186C0  }
0x9d: {  	[sflag:s8] =	ssyncset.done $0x0  }
0x9e: {  	[sflag:s8] =	ssyncadd.s32 $0xFFFE7940  }
0x9f: {  	_ =	sfence.sel $0x180000  }
0xa0: {  	[bflag:$0x0] =	sbarrier.arrive $0xFFFF  }
0xa1: {  	p0 =	sne.s32 s1, $0x0;
	_ =	strace $0x9000004A  }
0xa2: {  	s0 =	sadd.s32 @!p0 $0x100000, s0;
	[bflag:$0x2] =	sbarrier.arrive $0xFFFF  }
0xa3: {  	[sflag:s0] =	ssyncadd.tile.s32 @!p0 $0x1;
	_ =	shalt  }
.Lfunc_end2:
_tile_overlayer_lowered:
.L_overlay_start_2:
0xa4: {  	(tag) =	ssettag $0x2  }
0xa5: {  	s0 =	rddreg [dreg:$0x0];
	s2 =	stileid.u32  }
0xa6: {  	s1 =	rddreg [dreg:$0x1];
	p0 =	sne.s32 s2, $0x0  }
0xa7: {  	s3 =	rddreg [dreg:$0x2];
	[bflag:$0x3] =	sbarrier.arrive $0xFFFF;
	s2 =	simm.s32 @!p0 $0x1C02  }
0xa8: {  	[timem:s3], [sflag:s2] =	dma.local @!p0 [hbm:s0], s1  }
0xa9: {  	s0 =	simm.s32 @!p0 $0x2  }
0xaa: {  	_ =	swait.ge @!p0 [sflag:s0], s1  }
0xab: {  	s1 =	ssub.s32 @!p0 $0x0, s1;
	[sflag:s0] =	ssyncset.done @!p0 $0x0  }
0xac: {  	[sflag:s0] =	ssyncadd.s32 @!p0 s1  }
0xad: {  	[bflag:$0x3] =	sbarrier.arrive $0xFFFF  }
0xae: {  	_ =	shalt  }

// kernel: _run.15.cloned.1.call-start
scs
__scs_entry_jumppad:
0x0: {  	(pc) =	sbr.rel $0x88, $3  }
0x1: {  	(tag) =	ssettag $0x0;
	lr =	simm.s32 $0x1  }
0x2: {  	[smem:$0x3F97] =	sst lr;
	_ =	strace $0xD0000000  }
0x3: {  	_ = 	snop  }
0x4: {  	_ = 	snop  }
0x5: {  	_ = 	snop  }
0x6: {  	_ = 	snop  }
0x7: {  	_ = 	snop  }
__scs_overlays_trampoline_lowered:
0x8: {  	[smem:$0x3FA6] =	sst s0  }
0x9: {  	[smem:$0x3FA7] =	sst s1  }
0xa: {  	[smem:$0x3FA8] =	sst s2  }
0xb: {  	[smem:$0x3FA9] =	sst s3  }
0xc: {  	[smem:$0x3FAA] =	sst s4  }
0xd: {  	[smem:$0x3FAB] =	sst s5  }
0xe: {  	[smem:$0x3FAC] =	sst s6  }
0xf: {  	[smem:$0x3FAD] =	sst s7  }
0x10: {  	[smem:$0x3FAE] =	sst s8  }
0x11: {  	[smem:$0x3FAF] =	sst s9;
	s0 =	simm.s32 @!p0 $0x0  }
0x12: {  	s1 =	sld [smem:$0x3F95];
	s0 =	simm.s32 @p0 $0x1  }
0x13: {  	[smem:$0x3FB0] =	sst s0;
	s0 =	simm.s32 @!p1 $0x0  }
0x14: {  	s2 =	sld [smem:$0x3F94];
	s0 =	simm.s32 @p1 $0x1  }
0x15: {  	[smem:$0x3FB1] =	sst s0;
	s0 =	simm.s32 @!p2 $0x0  }
0x16: {  	s3 =	sld [smem:$0x3FDB];
	s0 =	simm.s32 @p2 $0x1  }
0x17: {  	s4 =	simm.s32 $0x1BF5;
	[smem:$0x3FB3] =	sst s0  }
0x18: {  	s0 =	sld [smem:$0x3F96];
	_ =	swait.ge [sflag:s4], $0x0  }
0x19: {  	s7 =	sld [smem:$0x3F97]  }
0x1a: {  	s8 =	sadd.s32 $0xFFFFE003, lr  }
0x1b: {  	s9 =	sadd.s32 $0xFFFFFEF7, lr;
	s5 =	simm.s32 $0xFFFFFFFF;
	p2 =	slt.u32 s8, $0xFFFFF086  }
0x1c: {  	p1 =	slt.u32 s9, $0xF7A;
	s5 =	simm.s32 @!p2 $0x0  }
0x1d: {  	s5 =	simm.s32 @p1 $0x1;
	p0 =	seq.s32 s7, s2  }
0x1e: {  	s7 =	smul.u32 @!p0 $0xF7A, s2;
	p2 =	seq.s32 @!p0 s5, $0x0  }
0x1f: {  	s9 =	smul.u32 $0xF7A, s1;
	s8 =	simm.s32 @!p0 $0x1BF5;
	p2 =	por !p2, p0  }
0x20: {  	[sflag:s8] =	ssyncset.s32 @!p0 $0xFFFFF086;
	s6 =	sadd.s32 @!p0 s3, s7;
	s7 =	simm.s32 @!p0 $0x108  }
0x21: {  	s3 =	sadd.s32 s3, s9;
	s6 =	sadd.s32 @!p0 $0x88, s6;
	s7 =	simm.s32 @p2 $0x1082  }
0x22: {  	[simem:s7], [sflag:s8] =	dma.local @!p0 [hbm:s6], $0xF7A  }
0x23: {  	s9 =	sor.u32 $0xD0000000, s2;
	s6 =	simm.s32 $0x108;
	_ =	swait.ge @!p0 [sflag:s8], $0x0  }
0x24: {  	s3 =	sadd.s32 $0x88, s3;
	s6 =	simm.s32 @!p1 $0x1082;
	[sflag:s4] =	ssyncset.s32 $0xFFFFF086  }
0x25: {  	[simem:s6], [sflag:s4] =	dma.local [hbm:s3], $0xF7A  }
0x26: {  	[smem:$0x3F97] =	sst s1;
	(tag) =	ssettag s2;
	_ =	strace s9  }
0x27: {  	s1 =	sld [smem:$0x3FA7]  }
0x28: {  	s2 =	sld [smem:$0x3FA8]  }
0x29: {  	s4 =	sld [smem:$0x3FAA]  }
0x2a: {  	p0 =	seq.s32 s5, $0x0;
	s5 =	sld [smem:$0x3FAB]  }
0x2b: {  	s6 =	sld [smem:$0x3FAC]  }
0x2c: {  	s7 =	sld [smem:$0x3FAD]  }
0x2d: {  	s3 =	simm.s32 $0x108;
	s8 =	sld [smem:$0x3FAE]  }
0x2e: {  	s3 =	simm.s32 @!p0 $0x1082;
	s9 =	sld [smem:$0x3FAF]  }
0x2f: {  	lr =	sadd.s32 s0, s3;
	s0 =	sld [smem:$0x3FA6]  }
0x30: {  	s3 =	sld [smem:$0x3FA9]  }
0x31: {  	[smem:$0x3FB2] =	sst s10  }
0x32: {  	s10 =	sld [smem:$0x3FB0];
	_ =	sdelay $0x3  }
0x33: {  	p0 =	seq.s32 s10, $0x1;
	s10 =	sld [smem:$0x3FB2];
	_ =	sdelay $0x3  }
0x34: {  	[smem:$0x3FB2] =	sst s10  }
0x35: {  	s10 =	sld [smem:$0x3FB1];
	_ =	sdelay $0x3  }
0x36: {  	p1 =	seq.s32 s10, $0x1;
	s10 =	sld [smem:$0x3FB2];
	_ =	sdelay $0x3  }
0x37: {  	[smem:$0x3FB2] =	sst s10  }
0x38: {  	s10 =	sld [smem:$0x3FB3]  }
0x39: {  	_ = 	snop;
	(pc) =	sbr.ind lr, $3  }
0x3a: {  	_ = 	snop  }
0x3b: {  	_ = 	snop  }
0x3c: {  	p2 =	seq.s32 s10, $0x1;
	s10 =	sld [smem:$0x3FB2]  }
0x3d: {  	_ =	shalt  }
0x3e: {  	_ =	shalt  }
0x3f: {  	_ =	shalt  }
0x40: {  	_ =	shalt  }
0x41: {  	_ =	shalt  }
0x42: {  	_ =	shalt  }
0x43: {  	_ =	shalt  }
0x44: {  	_ =	shalt  }
0x45: {  	_ =	shalt  }
0x46: {  	_ =	shalt  }
0x47: {  	_ =	shalt  }
0x48: {  	_ =	shalt  }
0x49: {  	_ =	shalt  }
0x4a: {  	_ =	shalt  }
0x4b: {  	_ =	shalt  }
0x4c: {  	_ =	shalt  }
0x4d: {  	_ =	shalt  }
0x4e: {  	_ =	shalt  }
0x4f: {  	_ =	shalt  }
0x50: {  	_ =	shalt  }
0x51: {  	_ =	shalt  }
0x52: {  	_ =	shalt  }
0x53: {  	_ =	shalt  }
0x54: {  	_ =	shalt  }
0x55: {  	_ =	shalt  }
0x56: {  	_ =	shalt  }
0x57: {  	_ =	shalt  }
0x58: {  	_ =	shalt  }
0x59: {  	_ =	shalt  }
0x5a: {  	_ =	shalt  }
0x5b: {  	_ =	shalt  }
0x5c: {  	_ =	shalt  }
0x5d: {  	_ =	shalt  }
0x5e: {  	_ =	shalt  }
0x5f: {  	_ =	shalt  }
0x60: {  	_ =	shalt  }
0x61: {  	_ =	shalt  }
0x62: {  	_ =	shalt  }
0x63: {  	_ =	shalt  }
0x64: {  	_ =	shalt  }
0x65: {  	_ =	shalt  }
0x66: {  	_ =	shalt  }
0x67: {  	_ =	shalt  }
0x68: {  	_ =	shalt  }
0x69: {  	_ =	shalt  }
0x6a: {  	_ =	shalt  }
0x6b: {  	_ =	shalt  }
0x6c: {  	_ =	shalt  }
0x6d: {  	_ =	shalt  }
0x6e: {  	_ =	shalt  }
0x6f: {  	_ =	shalt  }
0x70: {  	_ =	shalt  }
0x71: {  	_ =	shalt  }
0x72: {  	_ =	shalt  }
0x73: {  	_ =	shalt  }
0x74: {  	_ =	shalt  }
0x75: {  	_ =	shalt  }
0x76: {  	_ =	shalt  }
0x77: {  	_ =	shalt  }
0x78: {  	_ =	shalt  }
0x79: {  	_ =	shalt  }
0x7a: {  	_ =	shalt  }
0x7b: {  	_ =	shalt  }
0x7c: {  	_ =	shalt  }
0x7d: {  	_ =	shalt  }
0x7e: {  	_ =	shalt  }
0x7f: {  	_ =	shalt  }
0x80: {  	_ =	shalt  }
0x81: {  	_ =	shalt  }
0x82: {  	_ =	shalt  }
0x83: {  	_ =	shalt  }
0x84: {  	_ =	shalt  }
0x85: {  	_ =	shalt  }
0x86: {  	_ =	shalt  }
0x87: {  	_ =	shalt  }
.Lfunc_end0:
.L_simem_size_0:
called_computation.2_lowered:
.L_overlay_start_0:
0x88: {  	s2 =	sld [smem:$0x3FD9]  }
0x89: {  	s3 =	sld [smem:$0x3FFE];
	_ =	sdelay $0x1  }
0x8a: {  	s1 =	srdreg.scid  }
0x8b: {  	s0 =	sand.u32 $0x1, s1  }
0x8c: {  	s17 =	sshll.u32 s0, $0xA;
	s2 =	sadd.s32 s3, s2  }
0x8d: {  	s2 =	sadd.s32 s2, s17  }
0x8e: {  	[smem:$0x3FBE] =	sst s2  }
0x8f: {  	_ = 	snop  }
0x90: {  	s18 =	sld [smem:$0x3FD0];
	(tm) =	ssettm $0x1  }
0x91: {  	s19 =	sld [smem:$0x3FFB];
	_ =	sdelay $0x3  }
0x92: {  	_ =	strace s19  }
0x93: {  	s2 =	sld [smem:$0x3FFC];
	_ =	sdelay $0x3  }
0x94: {  	_ =	strace s2  }
0x95: {  	s2 =	sld [smem:$0x3FFD];
	_ =	sdelay $0x3  }
0x96: {  	_ =	strace s2  }
0x97: {  	_ =	strace $0x8FFFFFFF  }
0x98: {  	s20 =	sld [smem:$0x3FDB];
	_ =	sdelay $0x1  }
0x99: {  	s4 =	simm.s32 $_scs_section_size  }
0x9a: {  	s5 =	simm.s32 $_size__tile_overlayer_lowered;
	s6 =	simm.s32 $_tile_overlayer_lowered  }
0x9b: {  	s7 =	simm.s32 $0x1BFF;
	s21 =	sshll.u32 s6, $0x1;
	s4 =	sadd.s32 s4, s20  }
0x9c: {  	s22 =	simm.s32 $0x0;
	s5 =	sshll.u32 s5, $0x1;
	s6 =	sadd.s32 s21, s4  }
0x9d: {  	[timem:s22], [sflag:s7] =	dma.local [hbm:s6], s5  }
0x9e: {  	_ =	swait.ge [sflag:s7], s5  }
0x9f: {  	s5 =	ssub.s32 $0x0, s5;
	[sflag:s7] =	ssyncset.done $0x0  }
0xa0: {  	[sflag:s7] =	ssyncadd.s32 s5;
	_ =	sdelay $0x1  }
0xa1: {  	s23 =	simm.s32 $0x1B8B  }
0xa2: {  	_ =	swait.ge [sflag:s23], $0x1  }
0xa3: {  	[sflag:s23] =	ssyncset.done $0x0  }
0xa4: {  	[sflag:s23] =	ssyncadd.s32 $0xFFFFFFFF  }
0xa5: {  	s5 =	sld [smem:$0x0]  }
0xa6: {  	s6 =	sand.u32 $0xFFFFFFFE, s1  }
0xa7: {  	p0 =	sne.s32 s1, s6  }
0xa8: {  	s6 =	sshll.u32 @p0 s6, $0xE  }
0xa9: {  	s6 =	sadd.s32 @p0 $0x11B8D, s6;
	s7 =	sshll.u32 @p0 s5, $0x11  }
0xaa: {  	s6 =	sor.u32 @p0 s7, s6  }
0xab: {  	[sflag:s6] =	ssyncadd.remote.s32 @p0 $0x1;
	_ =	sdelay $0x1  }
0xac: {  	s6 =	simm.s32 @p0 $0x1B8D  }
0xad: {  	_ =	swait.eq @p0 [sflag:s6], $0x1  }
0xae: {  	[sflag:s6] =	ssyncadd.s32 @p0 $0xFFFFFFFF  }
0xaf: {  	s7 =	sshll.u32 @!p0 s1, $0xE  }
0xb0: {  	s7 =	sor.u32 @!p0 $0x4000, s7;
	s6 =	simm.s32 @!p0 $0x1B8D  }
0xb1: {  	s5 =	sshll.u32 @!p0 s5, $0x11;
	s7 =	sadd.s32 @!p0 $0x11B8D, s7;
	_ =	swait.eq @!p0 [sflag:s6], $0x1  }
0xb2: {  	s5 =	sor.u32 @!p0 s5, s7;
	[sflag:s6] =	ssyncadd.s32 @!p0 $0xFFFFFFFF  }
0xb3: {  	s25 =	simm.s32 $0x1B8E;
	s24 =	sld [smem:$0x3FFE];
	[sflag:s5] =	ssyncadd.remote.s32 @!p0 $0x1  }
0xb4: {  	s26 =	simm.s32 $execute0_lowered;
	[smem:$0x3FD2] =	sst s25  }
0xb5: {  	s6 =	sshll.u32 s26, $0x1;
	_ =	strace $0x8000004F;
	[dreg:$0x1] =	wrdreg $0xFFFFFFFF  }
0xb6: {  	s28 =	simm.s32 $_size_execute0_lowered;
	s4 =	sadd.s32 s4, s6;
	[dreg:$0x0] =	wrdreg $0x0  }
0xb7: {  	s6 =	sshll.u32 s28, $0x1;
	[dreg:$0x2] =	wrdreg s4  }
0xb8: {  	[dreg:$0x3] =	wrdreg s6  }
0xb9: {  	[dreg:$0x4] =	wrdreg $0xC0  }
0xba: {  	_ =	task [dreg:s22], $0x5FFFF  }
0xbb: {  	[dreg:$0x1] =	wrdreg $0xFFFFFFFF  }
0xbc: {  	[dreg:$0x0] =	wrdreg $0x60  }
0xbd: {  	[dreg:$0x2] =	wrdreg s24  }
0xbe: {  	[dreg:$0x3] =	wrdreg s18  }
0xbf: {  	[dreg:$0x4] =	wrdreg $0xA  }
0xc0: {  	_ =	task.clear_ibuf [dreg:s22], $0x5FFFF;
	_ =	strace $0x9000004F  }
0xc1: {  	s29 =	simm.s32 $0xA;
	_ =	strace $0x80000051  }
0xc2: {  	_ =	swait.ge [sflag:s29], $0x1  }
0xc3: {  	[sflag:s29] =	ssyncadd.s32 $0xFFFFFFFF  }
0xc4: {  	_ =	strace $0x90000051  }
0xc5: {  	_ =	sfence  }
0xc6: {  	s30 =	sld [smem:$0x0];
	_ =	sdelay $0x2  }
0xc7: {  	s31 =	sshll.u32 s1, $0xD;
	s1 =	sshrl.u32 s1, $0x2  }
0xc8: {  	s4 =	sand.u32 $0x4000, s31;
	s1 =	sadd.s32 s1, s30  }
0xc9: {  	s0 =	sor.u32 s4, s0;
	s1 =	sshll.u32 s1, $0x11  }
0xca: {  	s0 =	sor.u32 s1, s0  }
0xcb: {  	s0 =	sadd.s32 $0x8F2B, s0  }
0xcc: {  	[sflag:s0] =	ssyncadd.remote.s32 $0x1  }
0xcd: {  	_ =	sfence.sel $0xFFFF  }
0xce: {  	[dreg:$0x0] =	wrdreg $0xFFFFFFFF;
	(pc) =	sbr.abs _section_cstart, $3  }
0xcf: {  	[dreg:$0x1] =	wrdreg $0xFFFFFFFF  }
0xd0: {  	_ =	task.clear_ibuf [dreg:s22], $0x2FFFF;
	_ =	strace $0x9FFFFFFF  }
0xd1: {  	(tm) =	ssettm $0x7FFFFFFF  }
tec
execute0_lowered:
.L_overlay_start_1:
0x0: {  	(tag) =	ssettag $0x1  }
0x1: {  	s5 =	rddreg [dreg:$0x0]  }
0x2: {  	s1 =	srdreg.scid;
	s0 =	stileid.u32  }
0x3: {  	s2 =	rddreg [dreg:$0x1];
	s3 =	simm.s32 $0x0;
	s11 =	simm.s32 $0x1A000  }
0x4: {  	s4 =	sand.u32 $0x1, s1;
	s6 =	sshll.u32 s0, $0x1;
	s1 =	rddreg [dreg:$0x2]  }
0x5: {  	s12 =	simm.s32 $0x0;
	[smem:$0x7FF] =	sst s3;
	s6 =	sor.u32 s4, s6  }
0x6: {  	s8 =	ssub.s32 $0x2, s4;
	_ =	strace $0x80000050;
	s7 =	smul.u32 $0x30D8, s6  }
0x7: {  	s4 =	sadd.s32 $0xC68A00, s5;
	s9 =	sshrl.u32 s8, $0x1;
	s10 =	smul.u32 $0x61B, s6  }
0x8: {  	s30 =	ssub.s32 s8, s9;
	s8 =	simm.s32 $0x2;
	s9 =	simm.s32 $0x1  }
0x9: {  	v2 =	vlaneseq.u32;
	v3 =	vimm.f32 $-Inf;
	v4 =	vimm.s32 $0x0;
	s5 =	sadd.s32 s7, s5;
	s31 =	sadd.s32 $0x61B, s10;
	s6 =	smax.u32 s30, $0x1  }
0xa: {  	v5 =	vand.u32 $0x1, v2;
	v0 =	vmov s10;
	s7 =	simm.s32 $0x18700;
	s10 =	simm.s32 $0x40;
	s5 =	sadd.s32 $0x63800, s5;
	v1 =	vmov s31  }
.LBB2_1:
0xb: {  	s13 =	simm.s32 $0x40;
	s14 =	simm.s32 $0x0  }
.LBB2_2:
0xc: {  	p0 =	sne.s32 s13, $0x61AC0;
	[tilespmem:s14+$0x0] =	vst v3;
	s14 =	smov.u32 s13;
	s13 =	sadd.s32 $0x40, s13  }
.Ltmp0:
0xd: {  	(pc) =	sbr.rel @p0 .LBB2_2-.Ltmp0, $2  }
0xe: {  	_ =	sdelay $0x2  }
0xf: {  	s14 =	sshra.s32 s14, $0x2  }
.Ltmp1:
0x10: {  	(pc) =	sbr.rel .LBB2_4-.Ltmp1, $2  }
0x11: {  	_ =	sdelay $0x2  }
0x12: {  	[tilespmem:s14+$0x0] =	vst v3;
	s13 =	simm.s32 $0x0;
	s14 =	simm.s32 $0x0;
	s15 =	simm.s32 $0x0  }
.LBB2_13:
0x13: {  	s15 =	sadd.s32 $0x1, s15  }
0x14: {  	p0 =	sne.s32 s15, $0x190  }
.Ltmp2:
0x15: {  	_ = 	snop;
	(pc) =	sbr.rel @!p0 .LBB2_14-.Ltmp2, $2  }
0x16: {  	_ =	sdelay $0x2  }
0x17: {  	s14 =	sadd.s32 $0x7D0, s14  }
.LBB2_4:
0x18: {  	s16 =	smul.u32 $0x7D0, s15;
	_ =	sdelay $0x1  }
0x19: {  	s16 =	sshrl.u32 s16, $0x3  }
0x1a: {  	s16 =	sadd.s32 s2, s16  }
0x1b: {  	[tilespmem:s7], [sflag:$0x2] =	stream.linear.gather [hbm4b:s16+s13], $0x7D0, $0x38;
	[tilespmem:$0x1C080] =	vst v63  }
0x1c: {  	_ =	swait.ge [sflag:s8], $0x7D0  }
0x1d: {  	[sflag:s8] =	ssyncset.done $0x0  }
0x1e: {  	s31 =	simm.s32 $0x0;
	[sflag:s8] =	ssyncadd.s32 $0xFFFFF830  }
0x1f: {  	v6 =	vld [tilespmem:s31+$0x18700];
	_ =	sdelay $0x4  }
0x20: {  	vm0 =	vge.s32 v6, v0;
	vm1 =	vlt.s32 v6, v1  }
0x21: {  	vm0 =	vmand vm0, vm1  }
0x22: {  	v7 =	vsel vm0, $0x1, v4  }
0x23: {  	(xrf0) =	vadd.scan.msk.s32 $0xffff, v7;
	_ =	sdelay $0x4  }
0x24: {  	v6 =	vsub.s32 v6, v0;
	v7 =	vor.u32 s14, v2  }
0x25: {  	v6 =	vshll.u32 v6, $0x1;
	v7 =	vshrl.u32 v7, $0x1;
	v8, _, _ =	vpop (xrf0)  }
0x26: {  	s19 =	simm.s32 $0x10;
	v6 =	vor.u32 v5, v6;
	[tilespmem:s13+$0x18F00] =	vst.msk vm0, v7;
	(v2sf) =	vpush v8, $0xF  }
0x27: {  	s18 =	simm.s32 $0x80;
	s17 =	smov.u32 s14;
	s16 =	simm.s32 $0x0;
	[tilespmem:s13+$0x19780] =	vst.msk vm0, v6  }
.LBB2_5:
0x28: {  	p0 =	sne.s32 s18, $0x1F00;
	v6 =	vld [tilespmem:s19+$0x18700];
	_ =	sdelay $0x4  }
0x29: {  	vm0 =	vge.s32 v6, v0;
	vm1 =	vlt.s32 v6, v1;
	v6 =	vsub.s32 v6, v0  }
0x2a: {  	vm0 =	vmand vm0, vm1  }
0x2b: {  	v7 =	vsel vm0, $0x1, v4  }
0x2c: {  	(xrf0) =	vadd.scan.msk.s32 $0xffff, v7;
	_ =	sdelay $0x3  }
.Ltmp3:
0x2d: {  	s17 =	sadd.s32 $0x10, s17;
	(pc) =	sbr.rel @p0 .LBB2_5-.Ltmp3, $4  }
0x2e: {  	v7 =	vor.u32 s17, v2;
	s19 =	spop (v2sf)  }
0x2f: {  	v6 =	vshll.u32 v6, $0x1;
	v7 =	vshrl.u32 v7, $0x1;
	v8, _, _ =	vpop (xrf0);
	s16 =	sadd.s32 s16, s19  }
0x30: {  	v6 =	vor.u32 v5, v6;
	[tilespmem:s16+$0x18F00] =	vst.msk vm0, v7;
	(v2sf) =	vpush v8, $0xF  }
0x31: {  	s19 =	sshra.s32 s18, $0x2;
	s18 =	sadd.s32 $0x40, s18;
	[tilespmem:s16+$0x19780] =	vst.msk vm0, v6  }
0x32: {  	v6 =	vld [tilespmem:s19+$0x18700];
	_ =	sdelay $0x4  }
0x33: {  	vm0 =	vge.s32 v6, v0;
	vm1 =	vlt.s32 v6, v1  }
0x34: {  	vm0 =	vmand vm0, vm1  }
0x35: {  	v7 =	vsel vm0, $0x1, v4  }
0x36: {  	(xrf0) =	vadd.scan.msk.s32 $0xffff, v7;
	_ =	sdelay $0x5  }
0x37: {  	v7, _, _ =	vpop (xrf0)  }
0x38: {  	(v2sf) =	vpush v7, $0xF;
	_ =	sdelay $0xd  }
0x39: {  	s18 =	spop (v2sf)  }
0x3a: {  	s18 =	sadd.s32 s16, s18;
	s19 =	spop (v2sf)  }
0x3b: {  	s16 =	sadd.s32 s18, s19  }
0x3c: {  	s30 =	sadd.s32 $0x3F, s16  }
0x3d: {  	s17 =	sadd.s32 $0x10, s17;
	s21 =	sand.u32 $0x3F, s30  }
0x3e: {  	v6 =	vsub.s32 v6, v0;
	v7 =	vor.u32 s17, v2;
	s31 =	sshra.s32 s30, $0x1F;
	p1 =	slt.s32 s30, $0x1;
	p0 =	sne.s32 s21, $0x0  }
0x3f: {  	v6 =	vshll.u32 v6, $0x1;
	v7 =	vshrl.u32 v7, $0x1;
	s21 =	sshrl.u32 s31, $0x1A;
	p0 =	por !p1, !p0  }
0x40: {  	v6 =	vor.u32 v5, v6;
	[tilespmem:s18+$0x18F00] =	vst.msk vm0, v7;
	s17 =	sadd.s32 s21, s30;
	s21 =	simm.s32 $0x1;
	p0 =	por !p0, !p0  }
0x41: {  	[tilespmem:s18+$0x19780] =	vst.msk vm0, v6;
	s20 =	sand.u32 $0xFFFFFFF0, s16;
	s17 =	sshra.s32 s17, $0x6;
	s21 =	simm.s32 @!p0 $0x0  }
0x42: {  	v6 =	vld [tilespmem:s20+$0x18F00];
	s17 =	ssub.s32 s17, s21  }
0x43: {  	[tilespmem:s20+$0x18F10] =	vst v4;
	p0 =	slt.s32 s17, $0x1  }
.Ltmp4:
0x44: {  	s29 =	sand.u32 $0xF, s16;
	[tilespmem:s20+$0x18F20] =	vst v4;
	(pc) =	sbr.rel @p0 .LBB2_13-.Ltmp4, $4  }
0x45: {  	v7 =	vmov s29;
	[tilespmem:s20+$0x18F30] =	vst v4  }
0x46: {  	[tilespmem:s20+$0x18F40] =	vst v4;
	vm15 =	vgt.u32 v7, v2  }
0x47: {  	[tilespmem:s20+$0x18F50] =	vst v4;
	v6 =	vnsel vm15, $0x0, v6  }
0x48: {  	[tilespmem:s20+$0x18F00] =	vst v6  }
.Ltmp5:
0x49: {  	(pc) =	sbr.rel .LBB2_8-.Ltmp5, $3  }
0x4a: {  	_ =	sdelay $0x1  }
0x4b: {  	s18 =	sadd.s32 s18, s19;
	s19 =	simm.s32 $0x40  }
0x4c: {  	s20 =	simm.s32 $0x0;
	s21 =	simm.s32 $0x19780;
	s22 =	simm.s32 $0x0  }
.LBB2_11:
0x4d: {  	v6 =	vmax.f32 v6, v7  }
0x4e: {  	[tilespmem:s26+$0x0] =	vst v6  }
.LBB2_12:
0x4f: {  	s22 =	sadd.s32 $0x1, s22  }
0x50: {  	p0 =	sne.s32 s22, s17  }
.Ltmp6:
0x51: {  	_ = 	snop;
	(pc) =	sbr.rel @!p0 .LBB2_13-.Ltmp6, $2  }
0x52: {  	_ =	sdelay $0x2  }
0x53: {  	s19 =	sadd.s32 $0x40, s19;
	s20 =	sadd.s32 $0xFFFFFFC0, s20;
	s21 =	sadd.s32 $0x40, s21  }
.LBB2_8:
0x54: {  	s24 =	sshll.u32 s22, $0x6  }
0x55: {  	v6 =	vld [tilespmem:s24+$0x18F00];
	_ =	sdelay $0x4  }
0x56: {  	[tilespmem:$0x1A000] =	vst v6  }
0x57: {  	v6 =	vld [tilespmem:s24+$0x18F10];
	_ =	sdelay $0x4  }
0x58: {  	[tilespmem:$0x1A010] =	vst v6  }
0x59: {  	v6 =	vld [tilespmem:s24+$0x18F20];
	_ =	sdelay $0x4  }
0x5a: {  	[tilespmem:$0x1A020] =	vst v6  }
0x5b: {  	v6 =	vld [tilespmem:s24+$0x18F30];
	_ =	sdelay $0x3  }
0x5c: {  	p0 =	sle.s32 s16, s24  }
.Ltmp7:
0x5d: {  	s23 =	simm.s32 $0x1A080;
	[tilespmem:$0x1A030] =	vst v6;
	(pc) =	sbr.rel @p0 .LBB2_12-.Ltmp7, $4  }
0x5e: {  	[tilespmem:s23], [sflag:$0x1] =	stream.indirect.gather [hbm4b:s4+s10], $0x80, s11, s10, $0xb8;
	[tilespmem:$0x1C080] =	vst v63  }
0x5f: {  	_ =	swait.ge [sflag:s9], $0x2000  }
0x60: {  	[sflag:s9] =	ssyncset.done $0x0  }
0x61: {  	[sflag:s9] =	ssyncadd.s32 $0xFFFFE000  }
0x62: {  	v6 =	vld [tilespmem:s21+$0x0];
	_ =	sdelay $0x4  }
0x63: {  	(v2sf) =	vpush v6, $0x0;
	_ =	sdelay $0xe  }
0x64: {  	s24 =	spop (v2sf)  }
0x65: {  	s25 =	sshll.u32 s24, $0x5;
	s24 =	sand.u32 $0x1, s24  }
0x66: {  	s26 =	sand.u32 $0xFFFFFFC0, s25;
	s24 =	sshll.u32 s24, $0x6  }
0x67: {  	v6 =	vld [tilespmem:s26+$0x0];
	s28 =	sadd.s32 $0x1A080, s24  }
0x68: {  	v7 =	vld [tilespmem:s28+$0x0];
	_ =	sdelay $0x4  }
0x69: {  	v6 =	vmax.f32 v6, v7  }
0x6a: {  	[tilespmem:s26+$0x0] =	vst v6;
	v6 =	vld [tilespmem:s26+$0x10]  }
0x6b: {  	v7 =	vld [tilespmem:s28+$0x10];
	_ =	sdelay $0x4  }
0x6c: {  	v6 =	vmax.f32 v6, v7  }
0x6d: {  	s31 =	sor.u32 $0x20, s25;
	[tilespmem:s26+$0x10] =	vst v6  }
0x6e: {  	v6 =	vld [tilespmem:s31+$0x0]  }
0x6f: {  	v7 =	vld [tilespmem:s28+$0x20];
	_ =	sdelay $0x3  }
0x70: {  	p0 =	slt.s32 s19, s18;
	s26 =	smov.u32 s18  }
0x71: {  	s26 =	smov.u32 @p0 s19;
	v6 =	vmax.f32 v6, v7  }
0x72: {  	s29 =	sadd.s32 s20, s26;
	s26 =	sor.u32 $0x30, s25;
	[tilespmem:s31+$0x0] =	vst v6  }
0x73: {  	p0 =	sne.s32 s29, $0x1;
	v6 =	vld [tilespmem:s26+$0x0]  }
.Ltmp8:
0x74: {  	v7 =	vld [tilespmem:s28+$0x30];
	(pc) =	sbr.rel @!p0 .LBB2_11-.Ltmp8, $2  }
0x75: {  	_ =	sdelay $0x2  }
0x76: {  	s25 =	smov.u32 s21;
	s24 =	sadd.s32 $0xFFFFFFFF, s29  }
.LBB2_10:
0x77: {  	p0 =	sne.s32 s24, $0x1;
	s23 =	sadd.s32 $0x80, s23;
	s25 =	sadd.s32 $0x1, s25  }
0x78: {  	s24 =	sadd.s32 $0xFFFFFFFF, s24  }
0x79: {  	v6 =	vmax.f32 v6, v7  }
0x7a: {  	[tilespmem:s26+$0x0] =	vst v6  }
0x7b: {  	v6 =	vld [tilespmem:s25+$0x0];
	_ =	sdelay $0x4  }
0x7c: {  	(v2sf) =	vpush v6, $0x0;
	_ =	sdelay $0xe  }
0x7d: {  	s26 =	spop (v2sf)  }
0x7e: {  	s28 =	sshll.u32 s26, $0x5;
	s26 =	sand.u32 $0x1, s26  }
0x7f: {  	s29 =	sand.u32 $0xFFFFFFC0, s28;
	s26 =	sshll.u32 s26, $0x6  }
0x80: {  	v6 =	vld [tilespmem:s29+$0x0];
	s30 =	sadd.s32 s26, s23  }
0x81: {  	v7 =	vld [tilespmem:s30+$0x0];
	_ =	sdelay $0x4  }
0x82: {  	v6 =	vmax.f32 v6, v7  }
0x83: {  	[tilespmem:s29+$0x0] =	vst v6;
	v6 =	vld [tilespmem:s29+$0x10]  }
0x84: {  	v7 =	vld [tilespmem:s30+$0x10];
	_ =	sdelay $0x4  }
0x85: {  	v6 =	vmax.f32 v6, v7  }
0x86: {  	s26 =	sor.u32 $0x20, s28;
	[tilespmem:s29+$0x10] =	vst v6  }
0x87: {  	v6 =	vld [tilespmem:s26+$0x0]  }
0x88: {  	v7 =	vld [tilespmem:s30+$0x20];
	_ =	sdelay $0x3  }
.Ltmp9:
0x89: {  	(pc) =	sbr.rel @p0 .LBB2_10-.Ltmp9, $4  }
0x8a: {  	v6 =	vmax.f32 v6, v7  }
0x8b: {  	[tilespmem:s26+$0x0] =	vst v6;
	s26 =	sor.u32 $0x30, s28  }
0x8c: {  	v6 =	vld [tilespmem:s26+$0x0]  }
0x8d: {  	v7 =	vld [tilespmem:s30+$0x30]  }
.Ltmp10:
0x8e: {  	_ = 	snop;
	(pc) =	sbr.rel .LBB2_11-.Ltmp10, $1  }
0x8f: {  	_ =	sdelay $0x3  }
.LBB2_14:
0x90: {  	s13 =	simm.s32 $0x0;
	s14 =	simm.s32 $0x40  }
.LBB2_15:
0x91: {  	p0 =	sne.s32 s14, $0x61AC0;
	v6 =	vld [tilespmem:s13+$0x0];
	_ =	sdelay $0x2  }
.Ltmp11:
0x92: {  	(pc) =	sbr.rel @p0 .LBB2_15-.Ltmp11, $4  }
0x93: {  	_ = 	snop  }
0x94: {  	vm0 =	veq.f32 v6, $-Inf  }
0x95: {  	v6 =	vsel vm0, $0x0, v6  }
0x96: {  	[tilespmem:s13+$0x0] =	vst v6;
	s13 =	sshra.s32 s14, $0x2;
	s14 =	sadd.s32 $0x40, s14  }
0x97: {  	v6 =	vld [tilespmem:s13+$0x0];
	_ =	sdelay $0x4  }
0x98: {  	s12 =	sadd.s32 $0x1, s12;
	vm0 =	veq.f32 v6, $-Inf  }
0x99: {  	p0 =	sne.s32 s12, s6;
	v6 =	vsel vm0, $0x0, v6  }
.Ltmp12:
0x9a: {  	[tilespmem:s13+$0x0] =	vst v6;
	(pc) =	sbr.rel @p0 .LBB2_1-.Ltmp12, $4  }
0x9b: {  	[hbm4b:s5+s3] =	stream.linear.scatter [tilespmem:s3], [sflag:$0x2], $0x186C0, $0x38;
	[tilespmem:$0x1C080] =	vst v63  }
0x9c: {  	_ =	swait.ge [sflag:s8], $0x186C0  }
0x9d: {  	[sflag:s8] =	ssyncset.done $0x0  }
0x9e: {  	[sflag:s8] =	ssyncadd.s32 $0xFFFE7940  }
0x9f: {  	_ =	sfence.sel $0x180000  }
0xa0: {  	[bflag:$0x0] =	sbarrier.arrive $0xFFFF  }
0xa1: {  	p0 =	sne.s32 s0, $0x0;
	_ =	strace $0x90000050  }
0xa2: {  	s0 =	sadd.s32 @!p0 $0x100000, s1;
	[bflag:$0x2] =	sbarrier.arrive $0xFFFF  }
0xa3: {  	[sflag:s0] =	ssyncadd.tile.s32 @!p0 $0x1;
	_ =	shalt  }
.Lfunc_end2:
_tile_overlayer_lowered:
.L_overlay_start_2:
0xa4: {  	(tag) =	ssettag $0x2  }
0xa5: {  	s0 =	rddreg [dreg:$0x0];
	s2 =	stileid.u32  }
0xa6: {  	s1 =	rddreg [dreg:$0x1];
	p0 =	sne.s32 s2, $0x0  }
0xa7: {  	s3 =	rddreg [dreg:$0x2];
	[bflag:$0x3] =	sbarrier.arrive $0xFFFF;
	s2 =	simm.s32 @!p0 $0x1C02  }
0xa8: {  	[timem:s3], [sflag:s2] =	dma.local @!p0 [hbm:s0], s1  }
0xa9: {  	s0 =	simm.s32 @!p0 $0x2  }
0xaa: {  	_ =	swait.ge @!p0 [sflag:s0], s1  }
0xab: {  	s1 =	ssub.s32 @!p0 $0x0, s1;
	[sflag:s0] =	ssyncset.done @!p0 $0x0  }
0xac: {  	[sflag:s0] =	ssyncadd.s32 @!p0 s1  }
0xad: {  	[bflag:$0x3] =	sbarrier.arrive $0xFFFF  }
0xae: {  	_ =	shalt  }

// kernel: _run.18.cloned.1.call-start
scs
__scs_entry_jumppad:
0x0: {  	(pc) =	sbr.rel $0x88, $3  }
0x1: {  	(tag) =	ssettag $0x0;
	lr =	simm.s32 $0x1  }
0x2: {  	[smem:$0x3F97] =	sst lr;
	_ =	strace $0xD0000000  }
0x3: {  	_ = 	snop  }
0x4: {  	_ = 	snop  }
0x5: {  	_ = 	snop  }
0x6: {  	_ = 	snop  }
0x7: {  	_ = 	snop  }
__scs_overlays_trampoline_lowered:
0x8: {  	[smem:$0x3FA6] =	sst s0  }
0x9: {  	[smem:$0x3FA7] =	sst s1  }
0xa: {  	[smem:$0x3FA8] =	sst s2  }
0xb: {  	[smem:$0x3FA9] =	sst s3  }
0xc: {  	[smem:$0x3FAA] =	sst s4  }
0xd: {  	[smem:$0x3FAB] =	sst s5  }
0xe: {  	[smem:$0x3FAC] =	sst s6  }
0xf: {  	[smem:$0x3FAD] =	sst s7  }
0x10: {  	[smem:$0x3FAE] =	sst s8  }
0x11: {  	[smem:$0x3FAF] =	sst s9;
	s0 =	simm.s32 @!p0 $0x0  }
0x12: {  	s1 =	sld [smem:$0x3F95];
	s0 =	simm.s32 @p0 $0x1  }
0x13: {  	[smem:$0x3FB0] =	sst s0;
	s0 =	simm.s32 @!p1 $0x0  }
0x14: {  	s2 =	sld [smem:$0x3F94];
	s0 =	simm.s32 @p1 $0x1  }
0x15: {  	[smem:$0x3FB1] =	sst s0;
	s0 =	simm.s32 @!p2 $0x0  }
0x16: {  	s3 =	sld [smem:$0x3FDB];
	s0 =	simm.s32 @p2 $0x1  }
0x17: {  	s4 =	simm.s32 $0x1BF5;
	[smem:$0x3FB3] =	sst s0  }
0x18: {  	s0 =	sld [smem:$0x3F96];
	_ =	swait.ge [sflag:s4], $0x0  }
0x19: {  	s7 =	sld [smem:$0x3F97]  }
0x1a: {  	s8 =	sadd.s32 $0xFFFFE003, lr  }
0x1b: {  	s9 =	sadd.s32 $0xFFFFFEF7, lr;
	s5 =	simm.s32 $0xFFFFFFFF;
	p2 =	slt.u32 s8, $0xFFFFF086  }
0x1c: {  	p1 =	slt.u32 s9, $0xF7A;
	s5 =	simm.s32 @!p2 $0x0  }
0x1d: {  	s5 =	simm.s32 @p1 $0x1;
	p0 =	seq.s32 s7, s2  }
0x1e: {  	s7 =	smul.u32 @!p0 $0xF7A, s2;
	p2 =	seq.s32 @!p0 s5, $0x0  }
0x1f: {  	s9 =	smul.u32 $0xF7A, s1;
	s8 =	simm.s32 @!p0 $0x1BF5;
	p2 =	por !p2, p0  }
0x20: {  	[sflag:s8] =	ssyncset.s32 @!p0 $0xFFFFF086;
	s6 =	sadd.s32 @!p0 s3, s7;
	s7 =	simm.s32 @!p0 $0x108  }
0x21: {  	s3 =	sadd.s32 s3, s9;
	s6 =	sadd.s32 @!p0 $0x88, s6;
	s7 =	simm.s32 @p2 $0x1082  }
0x22: {  	[simem:s7], [sflag:s8] =	dma.local @!p0 [hbm:s6], $0xF7A  }
0x23: {  	s9 =	sor.u32 $0xD0000000, s2;
	s6 =	simm.s32 $0x108;
	_ =	swait.ge @!p0 [sflag:s8], $0x0  }
0x24: {  	s3 =	sadd.s32 $0x88, s3;
	s6 =	simm.s32 @!p1 $0x1082;
	[sflag:s4] =	ssyncset.s32 $0xFFFFF086  }
0x25: {  	[simem:s6], [sflag:s4] =	dma.local [hbm:s3], $0xF7A  }
0x26: {  	[smem:$0x3F97] =	sst s1;
	(tag) =	ssettag s2;
	_ =	strace s9  }
0x27: {  	s1 =	sld [smem:$0x3FA7]  }
0x28: {  	s2 =	sld [smem:$0x3FA8]  }
0x29: {  	s4 =	sld [smem:$0x3FAA]  }
0x2a: {  	p0 =	seq.s32 s5, $0x0;
	s5 =	sld [smem:$0x3FAB]  }
0x2b: {  	s6 =	sld [smem:$0x3FAC]  }
0x2c: {  	s7 =	sld [smem:$0x3FAD]  }
0x2d: {  	s3 =	simm.s32 $0x108;
	s8 =	sld [smem:$0x3FAE]  }
0x2e: {  	s3 =	simm.s32 @!p0 $0x1082;
	s9 =	sld [smem:$0x3FAF]  }
0x2f: {  	lr =	sadd.s32 s0, s3;
	s0 =	sld [smem:$0x3FA6]  }
0x30: {  	s3 =	sld [smem:$0x3FA9]  }
0x31: {  	[smem:$0x3FB2] =	sst s10  }
0x32: {  	s10 =	sld [smem:$0x3FB0];
	_ =	sdelay $0x3  }
0x33: {  	p0 =	seq.s32 s10, $0x1;
	s10 =	sld [smem:$0x3FB2];
	_ =	sdelay $0x3  }
0x34: {  	[smem:$0x3FB2] =	sst s10  }
0x35: {  	s10 =	sld [smem:$0x3FB1];
	_ =	sdelay $0x3  }
0x36: {  	p1 =	seq.s32 s10, $0x1;
	s10 =	sld [smem:$0x3FB2];
	_ =	sdelay $0x3  }
0x37: {  	[smem:$0x3FB2] =	sst s10  }
0x38: {  	s10 =	sld [smem:$0x3FB3]  }
0x39: {  	_ = 	snop;
	(pc) =	sbr.ind lr, $3  }
0x3a: {  	_ = 	snop  }
0x3b: {  	_ = 	snop  }
0x3c: {  	p2 =	seq.s32 s10, $0x1;
	s10 =	sld [smem:$0x3FB2]  }
0x3d: {  	_ =	shalt  }
0x3e: {  	_ =	shalt  }
0x3f: {  	_ =	shalt  }
0x40: {  	_ =	shalt  }
0x41: {  	_ =	shalt  }
0x42: {  	_ =	shalt  }
0x43: {  	_ =	shalt  }
0x44: {  	_ =	shalt  }
0x45: {  	_ =	shalt  }
0x46: {  	_ =	shalt  }
0x47: {  	_ =	shalt  }
0x48: {  	_ =	shalt  }
0x49: {  	_ =	shalt  }
0x4a: {  	_ =	shalt  }
0x4b: {  	_ =	shalt  }
0x4c: {  	_ =	shalt  }
0x4d: {  	_ =	shalt  }
0x4e: {  	_ =	shalt  }
0x4f: {  	_ =	shalt  }
0x50: {  	_ =	shalt  }
0x51: {  	_ =	shalt  }
0x52: {  	_ =	shalt  }
0x53: {  	_ =	shalt  }
0x54: {  	_ =	shalt  }
0x55: {  	_ =	shalt  }
0x56: {  	_ =	shalt  }
0x57: {  	_ =	shalt  }
0x58: {  	_ =	shalt  }
0x59: {  	_ =	shalt  }
0x5a: {  	_ =	shalt  }
0x5b: {  	_ =	shalt  }
0x5c: {  	_ =	shalt  }
0x5d: {  	_ =	shalt  }
0x5e: {  	_ =	shalt  }
0x5f: {  	_ =	shalt  }
0x60: {  	_ =	shalt  }
0x61: {  	_ =	shalt  }
0x62: {  	_ =	shalt  }
0x63: {  	_ =	shalt  }
0x64: {  	_ =	shalt  }
0x65: {  	_ =	shalt  }
0x66: {  	_ =	shalt  }
0x67: {  	_ =	shalt  }
0x68: {  	_ =	shalt  }
0x69: {  	_ =	shalt  }
0x6a: {  	_ =	shalt  }
0x6b: {  	_ =	shalt  }
0x6c: {  	_ =	shalt  }
0x6d: {  	_ =	shalt  }
0x6e: {  	_ =	shalt  }
0x6f: {  	_ =	shalt  }
0x70: {  	_ =	shalt  }
0x71: {  	_ =	shalt  }
0x72: {  	_ =	shalt  }
0x73: {  	_ =	shalt  }
0x74: {  	_ =	shalt  }
0x75: {  	_ =	shalt  }
0x76: {  	_ =	shalt  }
0x77: {  	_ =	shalt  }
0x78: {  	_ =	shalt  }
0x79: {  	_ =	shalt  }
0x7a: {  	_ =	shalt  }
0x7b: {  	_ =	shalt  }
0x7c: {  	_ =	shalt  }
0x7d: {  	_ =	shalt  }
0x7e: {  	_ =	shalt  }
0x7f: {  	_ =	shalt  }
0x80: {  	_ =	shalt  }
0x81: {  	_ =	shalt  }
0x82: {  	_ =	shalt  }
0x83: {  	_ =	shalt  }
0x84: {  	_ =	shalt  }
0x85: {  	_ =	shalt  }
0x86: {  	_ =	shalt  }
0x87: {  	_ =	shalt  }
.Lfunc_end0:
.L_simem_size_0:
called_computation.3_lowered:
.L_overlay_start_0:
0x88: {  	s2 =	sld [smem:$0x3FD9]  }
0x89: {  	s3 =	sld [smem:$0x3FFE];
	_ =	sdelay $0x1  }
0x8a: {  	s1 =	srdreg.scid  }
0x8b: {  	s0 =	sand.u32 $0x1, s1  }
0x8c: {  	s17 =	sshll.u32 s0, $0xA;
	s2 =	sadd.s32 s3, s2  }
0x8d: {  	s2 =	sadd.s32 s2, s17  }
0x8e: {  	[smem:$0x3FBE] =	sst s2  }
0x8f: {  	_ = 	snop  }
0x90: {  	(tm) =	ssettm $0x1  }
0x91: {  	s18 =	sld [smem:$0x3FFB];
	_ =	sdelay $0x3  }
0x92: {  	_ =	strace s18  }
0x93: {  	s2 =	sld [smem:$0x3FFC];
	_ =	sdelay $0x3  }
0x94: {  	_ =	strace s2  }
0x95: {  	s2 =	sld [smem:$0x3FFD];
	_ =	sdelay $0x3  }
0x96: {  	_ =	strace s2  }
0x97: {  	_ =	strace $0x8FFFFFFF  }
0x98: {  	s19 =	sld [smem:$0x3FDB];
	_ =	sdelay $0x1  }
0x99: {  	s20 =	simm.s32 $_scs_section_size  }
0x9a: {  	s4 =	simm.s32 $_size__tile_overlayer_lowered;
	s5 =	simm.s32 $_tile_overlayer_lowered  }
0x9b: {  	s6 =	simm.s32 $0x1BFF;
	s21 =	sshll.u32 s5, $0x1;
	s3 =	sadd.s32 s20, s19  }
0x9c: {  	s22 =	simm.s32 $0x0;
	s4 =	sshll.u32 s4, $0x1;
	s5 =	sadd.s32 s21, s3  }
0x9d: {  	[timem:s22], [sflag:s6] =	dma.local [hbm:s5], s4  }
0x9e: {  	_ =	swait.ge [sflag:s6], s4  }
0x9f: {  	s4 =	ssub.s32 $0x0, s4;
	[sflag:s6] =	ssyncset.done $0x0  }
0xa0: {  	[sflag:s6] =	ssyncadd.s32 s4;
	_ =	sdelay $0x1  }
0xa1: {  	s23 =	simm.s32 $0x1B8B  }
0xa2: {  	_ =	swait.ge [sflag:s23], $0x1  }
0xa3: {  	[sflag:s23] =	ssyncset.done $0x0  }
0xa4: {  	[sflag:s23] =	ssyncadd.s32 $0xFFFFFFFF  }
0xa5: {  	s4 =	sld [smem:$0x0]  }
0xa6: {  	s5 =	sand.u32 $0xFFFFFFFE, s1  }
0xa7: {  	p0 =	sne.s32 s1, s5  }
0xa8: {  	s5 =	sshll.u32 @p0 s5, $0xE  }
0xa9: {  	s5 =	sadd.s32 @p0 $0x11B8D, s5;
	s6 =	sshll.u32 @p0 s4, $0x11  }
0xaa: {  	s5 =	sor.u32 @p0 s6, s5  }
0xab: {  	[sflag:s5] =	ssyncadd.remote.s32 @p0 $0x1;
	_ =	sdelay $0x1  }
0xac: {  	s5 =	simm.s32 @p0 $0x1B8D  }
0xad: {  	_ =	swait.eq @p0 [sflag:s5], $0x1  }
0xae: {  	[sflag:s5] =	ssyncadd.s32 @p0 $0xFFFFFFFF  }
0xaf: {  	s6 =	sshll.u32 @!p0 s1, $0xE  }
0xb0: {  	s6 =	sor.u32 @!p0 $0x4000, s6;
	s5 =	simm.s32 @!p0 $0x1B8D  }
0xb1: {  	s4 =	sshll.u32 @!p0 s4, $0x11;
	s6 =	sadd.s32 @!p0 $0x11B8D, s6;
	_ =	swait.eq @!p0 [sflag:s5], $0x1  }
0xb2: {  	s4 =	sor.u32 @!p0 s4, s6;
	[sflag:s5] =	ssyncadd.s32 @!p0 $0xFFFFFFFF  }
0xb3: {  	s25 =	simm.s32 $0x1B8E;
	s24 =	sld [smem:$0x3FFE];
	[sflag:s4] =	ssyncadd.remote.s32 @!p0 $0x1  }
0xb4: {  	s26 =	simm.s32 $execute0_lowered;
	[smem:$0x3FD2] =	sst s25  }
0xb5: {  	s5 =	sshll.u32 s26, $0x1;
	_ =	strace $0x8000004C;
	[dreg:$0x1] =	wrdreg $0xFFFFFFFF  }
0xb6: {  	s28 =	simm.s32 $_size_execute0_lowered;
	s3 =	sadd.s32 s3, s5;
	[dreg:$0x0] =	wrdreg $0x0  }
0xb7: {  	s5 =	sshll.u32 s28, $0x1;
	[dreg:$0x2] =	wrdreg s3  }
0xb8: {  	[dreg:$0x3] =	wrdreg s5  }
0xb9: {  	[dreg:$0x4] =	wrdreg $0xC0  }
0xba: {  	_ =	task [dreg:s22], $0x5FFFF  }
0xbb: {  	[dreg:$0x1] =	wrdreg $0xFFFFFFFF  }
0xbc: {  	[dreg:$0x0] =	wrdreg $0x60  }
0xbd: {  	[dreg:$0x2] =	wrdreg s24  }
0xbe: {  	[dreg:$0x3] =	wrdreg $0xB  }
0xbf: {  	_ =	task.clear_ibuf [dreg:s22], $0x4FFFF;
	_ =	strace $0x9000004C  }
0xc0: {  	s29 =	simm.s32 $0xB;
	_ =	strace $0x8000004E  }
0xc1: {  	_ =	swait.ge [sflag:s29], $0x1  }
0xc2: {  	[sflag:s29] =	ssyncadd.s32 $0xFFFFFFFF  }
0xc3: {  	_ =	strace $0x9000004E  }
0xc4: {  	_ =	sfence  }
0xc5: {  	s30 =	sld [smem:$0x0];
	_ =	sdelay $0x2  }
0xc6: {  	s31 =	sshll.u32 s1, $0xD;
	s1 =	sshrl.u32 s1, $0x2  }
0xc7: {  	s4 =	sand.u32 $0x4000, s31;
	s1 =	sadd.s32 s1, s30  }
0xc8: {  	s0 =	sor.u32 s4, s0;
	s1 =	sshll.u32 s1, $0x11  }
0xc9: {  	s0 =	sor.u32 s1, s0  }
0xca: {  	s0 =	sadd.s32 $0x8F2B, s0  }
0xcb: {  	[sflag:s0] =	ssyncadd.remote.s32 $0x1  }
0xcc: {  	_ =	sfence.sel $0xFFFF  }
0xcd: {  	[dreg:$0x0] =	wrdreg $0xFFFFFFFF;
	(pc) =	sbr.abs _section_cstart, $3  }
0xce: {  	[dreg:$0x1] =	wrdreg $0xFFFFFFFF  }
0xcf: {  	_ =	task.clear_ibuf [dreg:s22], $0x2FFFF;
	_ =	strace $0x9FFFFFFF  }
0xd0: {  	(tm) =	ssettm $0x7FFFFFFF  }
0xd1: {  	_ =	shalt  }
tec
execute0_lowered:
.L_overlay_start_1:
0x0: {  	(tag) =	ssettag $0x1  }
0x1: {  	s5 =	rddreg [dreg:$0x0]  }
0x2: {  	s0 =	rddreg [dreg:$0x1];
	s3 =	srdreg.scid  }
0x3: {  	s1 =	stileid.u32;
	s2 =	simm.s32 $0x0;
	s10 =	simm.s32 $0x40  }
0x4: {  	s11 =	simm.s32 $0x1A000;
	s3 =	sand.u32 $0x1, s3;
	s4 =	sshll.u32 s1, $0x1  }
0x5: {  	s12 =	simm.s32 $0x0;
	[smem:$0x7FF] =	sst s2;
	s4 =	sor.u32 s3, s4  }
0x6: {  	_ =	strace $0x8000004D;
	s7 =	ssub.s32 $0x2, s3;
	s6 =	smul.u32 $0x30D8, s4  }
0x7: {  	s3 =	sadd.s32 $0xC68A00, s5;
	s8 =	sshrl.u32 s7, $0x1;
	s9 =	smul.u32 $0x61B, s4  }
0x8: {  	s4 =	sadd.s32 $0x189E200, s5;
	s30 =	ssub.s32 s7, s8;
	s7 =	simm.s32 $0x18700  }
0x9: {  	v2 =	vlaneseq.u32;
	v3 =	vimm.f32 $-Inf;
	v4 =	vimm.s32 $0x0;
	s8 =	simm.s32 $0x2;
	s5 =	sadd.s32 s6, s5;
	s31 =	sadd.s32 $0x61B, s9  }
0xa: {  	v5 =	vand.u32 $0x1, v2;
	s6 =	smax.u32 s30, $0x1;
	v0 =	vmov s9;
	s9 =	simm.s32 $0x1;
	s5 =	sadd.s32 $0x1C00, s5;
	v1 =	vmov s31  }
.LBB2_1:
0xb: {  	s13 =	simm.s32 $0x40;
	s14 =	simm.s32 $0x0  }
.LBB2_2:
0xc: {  	p0 =	sne.s32 s13, $0x61AC0;
	[tilespmem:s14+$0x0] =	vst v3;
	s14 =	smov.u32 s13;
	s13 =	sadd.s32 $0x40, s13  }
.Ltmp0:
0xd: {  	(pc) =	sbr.rel @p0 .LBB2_2-.Ltmp0, $2  }
0xe: {  	_ =	sdelay $0x2  }
0xf: {  	s14 =	sshra.s32 s14, $0x2  }
.Ltmp1:
0x10: {  	(pc) =	sbr.rel .LBB2_4-.Ltmp1, $2  }
0x11: {  	_ =	sdelay $0x2  }
0x12: {  	[tilespmem:s14+$0x0] =	vst v3;
	s13 =	simm.s32 $0x0;
	s14 =	simm.s32 $0x0;
	s15 =	simm.s32 $0x0  }
.LBB2_13:
0x13: {  	s15 =	sadd.s32 $0x1, s15  }
0x14: {  	p0 =	sne.s32 s15, $0x190  }
.Ltmp2:
0x15: {  	_ = 	snop;
	(pc) =	sbr.rel @!p0 .LBB2_14-.Ltmp2, $2  }
0x16: {  	_ =	sdelay $0x2  }
0x17: {  	s14 =	sadd.s32 $0x7D0, s14  }
.LBB2_4:
0x18: {  	s16 =	smul.u32 $0x7D0, s15;
	_ =	sdelay $0x1  }
0x19: {  	s16 =	sshrl.u32 s16, $0x3  }
0x1a: {  	s16 =	sadd.s32 s4, s16  }
0x1b: {  	[tilespmem:s7], [sflag:$0x2] =	stream.linear.gather [hbm4b:s16+s13], $0x7D0, $0x38;
	[tilespmem:$0x1C080] =	vst v63  }
0x1c: {  	_ =	swait.ge [sflag:s8], $0x7D0  }
0x1d: {  	[sflag:s8] =	ssyncset.done $0x0  }
0x1e: {  	s31 =	simm.s32 $0x0;
	[sflag:s8] =	ssyncadd.s32 $0xFFFFF830  }
0x1f: {  	v6 =	vld [tilespmem:s31+$0x18700];
	_ =	sdelay $0x4  }
0x20: {  	vm0 =	vge.s32 v6, v0;
	vm1 =	vlt.s32 v6, v1  }
0x21: {  	vm0 =	vmand vm0, vm1  }
0x22: {  	v7 =	vsel vm0, $0x1, v4  }
0x23: {  	(xrf0) =	vadd.scan.msk.s32 $0xffff, v7;
	_ =	sdelay $0x4  }
0x24: {  	v6 =	vsub.s32 v6, v0;
	v7 =	vor.u32 s14, v2  }
0x25: {  	v6 =	vshll.u32 v6, $0x1;
	v7 =	vshrl.u32 v7, $0x1;
	v8, _, _ =	vpop (xrf0)  }
0x26: {  	s19 =	simm.s32 $0x10;
	v6 =	vor.u32 v5, v6;
	[tilespmem:s13+$0x18F00] =	vst.msk vm0, v7;
	(v2sf) =	vpush v8, $0xF  }
0x27: {  	s18 =	simm.s32 $0x80;
	s17 =	smov.u32 s14;
	s16 =	simm.s32 $0x0;
	[tilespmem:s13+$0x19780] =	vst.msk vm0, v6  }
.LBB2_5:
0x28: {  	p0 =	sne.s32 s18, $0x1F00;
	v6 =	vld [tilespmem:s19+$0x18700];
	_ =	sdelay $0x4  }
0x29: {  	vm0 =	vge.s32 v6, v0;
	vm1 =	vlt.s32 v6, v1;
	v6 =	vsub.s32 v6, v0  }
0x2a: {  	vm0 =	vmand vm0, vm1  }
0x2b: {  	v7 =	vsel vm0, $0x1, v4  }
0x2c: {  	(xrf0) =	vadd.scan.msk.s32 $0xffff, v7;
	_ =	sdelay $0x3  }
.Ltmp3:
0x2d: {  	s17 =	sadd.s32 $0x10, s17;
	(pc) =	sbr.rel @p0 .LBB2_5-.Ltmp3, $4  }
0x2e: {  	v7 =	vor.u32 s17, v2;
	s19 =	spop (v2sf)  }
0x2f: {  	v6 =	vshll.u32 v6, $0x1;
	v7 =	vshrl.u32 v7, $0x1;
	v8, _, _ =	vpop (xrf0);
	s16 =	sadd.s32 s16, s19  }
0x30: {  	v6 =	vor.u32 v5, v6;
	[tilespmem:s16+$0x18F00] =	vst.msk vm0, v7;
	(v2sf) =	vpush v8, $0xF  }
0x31: {  	s19 =	sshra.s32 s18, $0x2;
	s18 =	sadd.s32 $0x40, s18;
	[tilespmem:s16+$0x19780] =	vst.msk vm0, v6  }
0x32: {  	v6 =	vld [tilespmem:s19+$0x18700];
	_ =	sdelay $0x4  }
0x33: {  	vm0 =	vge.s32 v6, v0;
	vm1 =	vlt.s32 v6, v1  }
0x34: {  	vm0 =	vmand vm0, vm1  }
0x35: {  	v7 =	vsel vm0, $0x1, v4  }
0x36: {  	(xrf0) =	vadd.scan.msk.s32 $0xffff, v7;
	_ =	sdelay $0x5  }
0x37: {  	v7, _, _ =	vpop (xrf0)  }
0x38: {  	(v2sf) =	vpush v7, $0xF;
	_ =	sdelay $0xd  }
0x39: {  	s18 =	spop (v2sf)  }
0x3a: {  	s18 =	sadd.s32 s16, s18;
	s19 =	spop (v2sf)  }
0x3b: {  	s16 =	sadd.s32 s18, s19  }
0x3c: {  	s30 =	sadd.s32 $0x3F, s16  }
0x3d: {  	s17 =	sadd.s32 $0x10, s17;
	s21 =	sand.u32 $0x3F, s30  }
0x3e: {  	v6 =	vsub.s32 v6, v0;
	v7 =	vor.u32 s17, v2;
	s31 =	sshra.s32 s30, $0x1F;
	p1 =	slt.s32 s30, $0x1;
	p0 =	sne.s32 s21, $0x0  }
0x3f: {  	v6 =	vshll.u32 v6, $0x1;
	v7 =	vshrl.u32 v7, $0x1;
	s21 =	sshrl.u32 s31, $0x1A;
	p0 =	por !p1, !p0  }
0x40: {  	v6 =	vor.u32 v5, v6;
	[tilespmem:s18+$0x18F00] =	vst.msk vm0, v7;
	s17 =	sadd.s32 s21, s30;
	s21 =	simm.s32 $0x1;
	p0 =	por !p0, !p0  }
0x41: {  	[tilespmem:s18+$0x19780] =	vst.msk vm0, v6;
	s20 =	sand.u32 $0xFFFFFFF0, s16;
	s17 =	sshra.s32 s17, $0x6;
	s21 =	simm.s32 @!p0 $0x0  }
0x42: {  	v6 =	vld [tilespmem:s20+$0x18F00];
	s17 =	ssub.s32 s17, s21  }
0x43: {  	[tilespmem:s20+$0x18F10] =	vst v4;
	p0 =	slt.s32 s17, $0x1  }
.Ltmp4:
0x44: {  	s29 =	sand.u32 $0xF, s16;
	[tilespmem:s20+$0x18F20] =	vst v4;
	(pc) =	sbr.rel @p0 .LBB2_13-.Ltmp4, $4  }
0x45: {  	v7 =	vmov s29;
	[tilespmem:s20+$0x18F30] =	vst v4  }
0x46: {  	[tilespmem:s20+$0x18F40] =	vst v4;
	vm15 =	vgt.u32 v7, v2  }
0x47: {  	[tilespmem:s20+$0x18F50] =	vst v4;
	v6 =	vnsel vm15, $0x0, v6  }
0x48: {  	[tilespmem:s20+$0x18F00] =	vst v6  }
.Ltmp5:
0x49: {  	(pc) =	sbr.rel .LBB2_8-.Ltmp5, $3  }
0x4a: {  	_ =	sdelay $0x1  }
0x4b: {  	s18 =	sadd.s32 s18, s19;
	s19 =	simm.s32 $0x40  }
0x4c: {  	s20 =	simm.s32 $0x0;
	s21 =	simm.s32 $0x19780;
	s22 =	simm.s32 $0x0  }
.LBB2_11:
0x4d: {  	v6 =	vmax.f32 v6, v7  }
0x4e: {  	[tilespmem:s26+$0x0] =	vst v6  }
.LBB2_12:
0x4f: {  	s22 =	sadd.s32 $0x1, s22  }
0x50: {  	p0 =	sne.s32 s22, s17  }
.Ltmp6:
0x51: {  	_ = 	snop;
	(pc) =	sbr.rel @!p0 .LBB2_13-.Ltmp6, $2  }
0x52: {  	_ =	sdelay $0x2  }
0x53: {  	s19 =	sadd.s32 $0x40, s19;
	s20 =	sadd.s32 $0xFFFFFFC0, s20;
	s21 =	sadd.s32 $0x40, s21  }
.LBB2_8:
0x54: {  	s24 =	sshll.u32 s22, $0x6  }
0x55: {  	v6 =	vld [tilespmem:s24+$0x18F00];
	_ =	sdelay $0x4  }
0x56: {  	[tilespmem:$0x1A000] =	vst v6  }
0x57: {  	v6 =	vld [tilespmem:s24+$0x18F10];
	_ =	sdelay $0x4  }
0x58: {  	[tilespmem:$0x1A010] =	vst v6  }
0x59: {  	v6 =	vld [tilespmem:s24+$0x18F20];
	_ =	sdelay $0x4  }
0x5a: {  	[tilespmem:$0x1A020] =	vst v6  }
0x5b: {  	v6 =	vld [tilespmem:s24+$0x18F30];
	_ =	sdelay $0x3  }
0x5c: {  	p0 =	sle.s32 s16, s24  }
.Ltmp7:
0x5d: {  	s23 =	simm.s32 $0x1A080;
	[tilespmem:$0x1A030] =	vst v6;
	(pc) =	sbr.rel @p0 .LBB2_12-.Ltmp7, $4  }
0x5e: {  	[tilespmem:s23], [sflag:$0x1] =	stream.indirect.gather [hbm4b:s3+s10], $0x80, s11, s10, $0xb8;
	[tilespmem:$0x1C080] =	vst v63  }
0x5f: {  	_ =	swait.ge [sflag:s9], $0x2000  }
0x60: {  	[sflag:s9] =	ssyncset.done $0x0  }
0x61: {  	[sflag:s9] =	ssyncadd.s32 $0xFFFFE000  }
0x62: {  	v6 =	vld [tilespmem:s21+$0x0];
	_ =	sdelay $0x4  }
0x63: {  	(v2sf) =	vpush v6, $0x0;
	_ =	sdelay $0xe  }
0x64: {  	s24 =	spop (v2sf)  }
0x65: {  	s25 =	sshll.u32 s24, $0x5;
	s24 =	sand.u32 $0x1, s24  }
0x66: {  	s26 =	sand.u32 $0xFFFFFFC0, s25;
	s24 =	sshll.u32 s24, $0x6  }
0x67: {  	v6 =	vld [tilespmem:s26+$0x0];
	s28 =	sadd.s32 $0x1A080, s24  }
0x68: {  	v7 =	vld [tilespmem:s28+$0x0];
	_ =	sdelay $0x4  }
0x69: {  	v6 =	vmax.f32 v6, v7  }
0x6a: {  	[tilespmem:s26+$0x0] =	vst v6;
	v6 =	vld [tilespmem:s26+$0x10]  }
0x6b: {  	v7 =	vld [tilespmem:s28+$0x10];
	_ =	sdelay $0x4  }
0x6c: {  	v6 =	vmax.f32 v6, v7  }
0x6d: {  	s31 =	sor.u32 $0x20, s25;
	[tilespmem:s26+$0x10] =	vst v6  }
0x6e: {  	v6 =	vld [tilespmem:s31+$0x0]  }
0x6f: {  	v7 =	vld [tilespmem:s28+$0x20];
	_ =	sdelay $0x3  }
0x70: {  	p0 =	slt.s32 s19, s18;
	s26 =	smov.u32 s18  }
0x71: {  	s26 =	smov.u32 @p0 s19;
	v6 =	vmax.f32 v6, v7  }
0x72: {  	s29 =	sadd.s32 s20, s26;
	s26 =	sor.u32 $0x30, s25;
	[tilespmem:s31+$0x0] =	vst v6  }
0x73: {  	p0 =	sne.s32 s29, $0x1;
	v6 =	vld [tilespmem:s26+$0x0]  }
.Ltmp8:
0x74: {  	v7 =	vld [tilespmem:s28+$0x30];
	(pc) =	sbr.rel @!p0 .LBB2_11-.Ltmp8, $2  }
0x75: {  	_ =	sdelay $0x2  }
0x76: {  	s25 =	smov.u32 s21;
	s24 =	sadd.s32 $0xFFFFFFFF, s29  }
.LBB2_10:
0x77: {  	p0 =	sne.s32 s24, $0x1;
	s23 =	sadd.s32 $0x80, s23;
	s25 =	sadd.s32 $0x1, s25  }
0x78: {  	s24 =	sadd.s32 $0xFFFFFFFF, s24  }
0x79: {  	v6 =	vmax.f32 v6, v7  }
0x7a: {  	[tilespmem:s26+$0x0] =	vst v6  }
0x7b: {  	v6 =	vld [tilespmem:s25+$0x0];
	_ =	sdelay $0x4  }
0x7c: {  	(v2sf) =	vpush v6, $0x0;
	_ =	sdelay $0xe  }
0x7d: {  	s26 =	spop (v2sf)  }
0x7e: {  	s28 =	sshll.u32 s26, $0x5;
	s26 =	sand.u32 $0x1, s26  }
0x7f: {  	s29 =	sand.u32 $0xFFFFFFC0, s28;
	s26 =	sshll.u32 s26, $0x6  }
0x80: {  	v6 =	vld [tilespmem:s29+$0x0];
	s30 =	sadd.s32 s26, s23  }
0x81: {  	v7 =	vld [tilespmem:s30+$0x0];
	_ =	sdelay $0x4  }
0x82: {  	v6 =	vmax.f32 v6, v7  }
0x83: {  	[tilespmem:s29+$0x0] =	vst v6;
	v6 =	vld [tilespmem:s29+$0x10]  }
0x84: {  	v7 =	vld [tilespmem:s30+$0x10];
	_ =	sdelay $0x4  }
0x85: {  	v6 =	vmax.f32 v6, v7  }
0x86: {  	s26 =	sor.u32 $0x20, s28;
	[tilespmem:s29+$0x10] =	vst v6  }
0x87: {  	v6 =	vld [tilespmem:s26+$0x0]  }
0x88: {  	v7 =	vld [tilespmem:s30+$0x20];
	_ =	sdelay $0x3  }
.Ltmp9:
0x89: {  	(pc) =	sbr.rel @p0 .LBB2_10-.Ltmp9, $4  }
0x8a: {  	v6 =	vmax.f32 v6, v7  }
0x8b: {  	[tilespmem:s26+$0x0] =	vst v6;
	s26 =	sor.u32 $0x30, s28  }
0x8c: {  	v6 =	vld [tilespmem:s26+$0x0]  }
0x8d: {  	v7 =	vld [tilespmem:s30+$0x30]  }
.Ltmp10:
0x8e: {  	_ = 	snop;
	(pc) =	sbr.rel .LBB2_11-.Ltmp10, $1  }
0x8f: {  	_ =	sdelay $0x3  }
.LBB2_14:
0x90: {  	s13 =	simm.s32 $0x0;
	s14 =	simm.s32 $0x40  }
.LBB2_15:
0x91: {  	p0 =	sne.s32 s14, $0x61AC0;
	v6 =	vld [tilespmem:s13+$0x0];
	_ =	sdelay $0x2  }
.Ltmp11:
0x92: {  	(pc) =	sbr.rel @p0 .LBB2_15-.Ltmp11, $4  }
0x93: {  	_ = 	snop  }
0x94: {  	vm0 =	veq.f32 v6, $-Inf  }
0x95: {  	v6 =	vsel vm0, $0x0, v6  }
0x96: {  	[tilespmem:s13+$0x0] =	vst v6;
	s13 =	sshra.s32 s14, $0x2;
	s14 =	sadd.s32 $0x40, s14  }
0x97: {  	v6 =	vld [tilespmem:s13+$0x0];
	_ =	sdelay $0x4  }
0x98: {  	s12 =	sadd.s32 $0x1, s12;
	vm0 =	veq.f32 v6, $-Inf  }
0x99: {  	p0 =	sne.s32 s12, s6;
	v6 =	vsel vm0, $0x0, v6  }
.Ltmp12:
0x9a: {  	[tilespmem:s13+$0x0] =	vst v6;
	(pc) =	sbr.rel @p0 .LBB2_1-.Ltmp12, $4  }
0x9b: {  	[hbm4b:s5+s2] =	stream.linear.scatter [tilespmem:s2], [sflag:$0x2], $0x186C0, $0x38;
	[tilespmem:$0x1C080] =	vst v63  }
0x9c: {  	_ =	swait.ge [sflag:s8], $0x186C0  }
0x9d: {  	[sflag:s8] =	ssyncset.done $0x0  }
0x9e: {  	[sflag:s8] =	ssyncadd.s32 $0xFFFE7940  }
0x9f: {  	_ =	sfence.sel $0x180000  }
0xa0: {  	[bflag:$0x0] =	sbarrier.arrive $0xFFFF  }
0xa1: {  	p0 =	sne.s32 s1, $0x0;
	_ =	strace $0x9000004D  }
0xa2: {  	s0 =	sadd.s32 @!p0 $0x100000, s0;
	[bflag:$0x2] =	sbarrier.arrive $0xFFFF  }
0xa3: {  	[sflag:s0] =	ssyncadd.tile.s32 @!p0 $0x1;
	_ =	shalt  }
.Lfunc_end2:
_tile_overlayer_lowered:
.L_overlay_start_2:
0xa4: {  	(tag) =	ssettag $0x2  }
0xa5: {  	s0 =	rddreg [dreg:$0x0];
	s2 =	stileid.u32  }
0xa6: {  	s1 =	rddreg [dreg:$0x1];
	p0 =	sne.s32 s2, $0x0  }
0xa7: {  	s3 =	rddreg [dreg:$0x2];
	[bflag:$0x3] =	sbarrier.arrive $0xFFFF;
	s2 =	simm.s32 @!p0 $0x1C02  }
0xa8: {  	[timem:s3], [sflag:s2] =	dma.local @!p0 [hbm:s0], s1  }
0xa9: {  	s0 =	simm.s32 @!p0 $0x2  }
0xaa: {  	_ =	swait.ge @!p0 [sflag:s0], s1  }
0xab: {  	s1 =	ssub.s32 @!p0 $0x0, s1;
	[sflag:s0] =	ssyncset.done @!p0 $0x0  }
0xac: {  	[sflag:s0] =	ssyncadd.s32 @!p0 s1  }
0xad: {  	[bflag:$0x3] =	sbarrier.arrive $0xFFFF  }
0xae: {  	_ =	shalt  }

// kernel: _run.9.cloned.1.call-start
scs
__scs_entry_jumppad:
0x0: {  	(pc) =	sbr.rel $0x88, $3  }
0x1: {  	(tag) =	ssettag $0x0;
	lr =	simm.s32 $0x1  }
0x2: {  	[smem:$0x3F97] =	sst lr;
	_ =	strace $0xD0000000  }
0x3: {  	_ = 	snop  }
0x4: {  	_ = 	snop  }
0x5: {  	_ = 	snop  }
0x6: {  	_ = 	snop  }
0x7: {  	_ = 	snop  }
__scs_overlays_trampoline_lowered:
0x8: {  	[smem:$0x3FA6] =	sst s0  }
0x9: {  	[smem:$0x3FA7] =	sst s1  }
0xa: {  	[smem:$0x3FA8] =	sst s2  }
0xb: {  	[smem:$0x3FA9] =	sst s3  }
0xc: {  	[smem:$0x3FAA] =	sst s4  }
0xd: {  	[smem:$0x3FAB] =	sst s5  }
0xe: {  	[smem:$0x3FAC] =	sst s6  }
0xf: {  	[smem:$0x3FAD] =	sst s7  }
0x10: {  	[smem:$0x3FAE] =	sst s8  }
0x11: {  	[smem:$0x3FAF] =	sst s9;
	s0 =	simm.s32 @!p0 $0x0  }
0x12: {  	s1 =	sld [smem:$0x3F95];
	s0 =	simm.s32 @p0 $0x1  }
0x13: {  	[smem:$0x3FB0] =	sst s0;
	s0 =	simm.s32 @!p1 $0x0  }
0x14: {  	s2 =	sld [smem:$0x3F94];
	s0 =	simm.s32 @p1 $0x1  }
0x15: {  	[smem:$0x3FB1] =	sst s0;
	s0 =	simm.s32 @!p2 $0x0  }
0x16: {  	s3 =	sld [smem:$0x3FDB];
	s0 =	simm.s32 @p2 $0x1  }
0x17: {  	s4 =	simm.s32 $0x1BF5;
	[smem:$0x3FB3] =	sst s0  }
0x18: {  	s0 =	sld [smem:$0x3F96];
	_ =	swait.ge [sflag:s4], $0x0  }
0x19: {  	s7 =	sld [smem:$0x3F97]  }
0x1a: {  	s8 =	sadd.s32 $0xFFFFE003, lr  }
0x1b: {  	s9 =	sadd.s32 $0xFFFFFEF7, lr;
	s5 =	simm.s32 $0xFFFFFFFF;
	p2 =	slt.u32 s8, $0xFFFFF086  }
0x1c: {  	p1 =	slt.u32 s9, $0xF7A;
	s5 =	simm.s32 @!p2 $0x0  }
0x1d: {  	s5 =	simm.s32 @p1 $0x1;
	p0 =	seq.s32 s7, s2  }
0x1e: {  	s7 =	smul.u32 @!p0 $0xF7A, s2;
	p2 =	seq.s32 @!p0 s5, $0x0  }
0x1f: {  	s9 =	smul.u32 $0xF7A, s1;
	s8 =	simm.s32 @!p0 $0x1BF5;
	p2 =	por !p2, p0  }
0x20: {  	[sflag:s8] =	ssyncset.s32 @!p0 $0xFFFFF086;
	s6 =	sadd.s32 @!p0 s3, s7;
	s7 =	simm.s32 @!p0 $0x108  }
0x21: {  	s3 =	sadd.s32 s3, s9;
	s6 =	sadd.s32 @!p0 $0x88, s6;
	s7 =	simm.s32 @p2 $0x1082  }
0x22: {  	[simem:s7], [sflag:s8] =	dma.local @!p0 [hbm:s6], $0xF7A  }
0x23: {  	s9 =	sor.u32 $0xD0000000, s2;
	s6 =	simm.s32 $0x108;
	_ =	swait.ge @!p0 [sflag:s8], $0x0  }
0x24: {  	s3 =	sadd.s32 $0x88, s3;
	s6 =	simm.s32 @!p1 $0x1082;
	[sflag:s4] =	ssyncset.s32 $0xFFFFF086  }
0x25: {  	[simem:s6], [sflag:s4] =	dma.local [hbm:s3], $0xF7A  }
0x26: {  	[smem:$0x3F97] =	sst s1;
	(tag) =	ssettag s2;
	_ =	strace s9  }
0x27: {  	s1 =	sld [smem:$0x3FA7]  }
0x28: {  	s2 =	sld [smem:$0x3FA8]  }
0x29: {  	s4 =	sld [smem:$0x3FAA]  }
0x2a: {  	p0 =	seq.s32 s5, $0x0;
	s5 =	sld [smem:$0x3FAB]  }
0x2b: {  	s6 =	sld [smem:$0x3FAC]  }
0x2c: {  	s7 =	sld [smem:$0x3FAD]  }
0x2d: {  	s3 =	simm.s32 $0x108;
	s8 =	sld [smem:$0x3FAE]  }
0x2e: {  	s3 =	simm.s32 @!p0 $0x1082;
	s9 =	sld [smem:$0x3FAF]  }
0x2f: {  	lr =	sadd.s32 s0, s3;
	s0 =	sld [smem:$0x3FA6]  }
0x30: {  	s3 =	sld [smem:$0x3FA9]  }
0x31: {  	[smem:$0x3FB2] =	sst s10  }
0x32: {  	s10 =	sld [smem:$0x3FB0];
	_ =	sdelay $0x3  }
0x33: {  	p0 =	seq.s32 s10, $0x1;
	s10 =	sld [smem:$0x3FB2];
	_ =	sdelay $0x3  }
0x34: {  	[smem:$0x3FB2] =	sst s10  }
0x35: {  	s10 =	sld [smem:$0x3FB1];
	_ =	sdelay $0x3  }
0x36: {  	p1 =	seq.s32 s10, $0x1;
	s10 =	sld [smem:$0x3FB2];
	_ =	sdelay $0x3  }
0x37: {  	[smem:$0x3FB2] =	sst s10  }
0x38: {  	s10 =	sld [smem:$0x3FB3]  }
0x39: {  	_ = 	snop;
	(pc) =	sbr.ind lr, $3  }
0x3a: {  	_ = 	snop  }
0x3b: {  	_ = 	snop  }
0x3c: {  	p2 =	seq.s32 s10, $0x1;
	s10 =	sld [smem:$0x3FB2]  }
0x3d: {  	_ =	shalt  }
0x3e: {  	_ =	shalt  }
0x3f: {  	_ =	shalt  }
0x40: {  	_ =	shalt  }
0x41: {  	_ =	shalt  }
0x42: {  	_ =	shalt  }
0x43: {  	_ =	shalt  }
0x44: {  	_ =	shalt  }
0x45: {  	_ =	shalt  }
0x46: {  	_ =	shalt  }
0x47: {  	_ =	shalt  }
0x48: {  	_ =	shalt  }
0x49: {  	_ =	shalt  }
0x4a: {  	_ =	shalt  }
0x4b: {  	_ =	shalt  }
0x4c: {  	_ =	shalt  }
0x4d: {  	_ =	shalt  }
0x4e: {  	_ =	shalt  }
0x4f: {  	_ =	shalt  }
0x50: {  	_ =	shalt  }
0x51: {  	_ =	shalt  }
0x52: {  	_ =	shalt  }
0x53: {  	_ =	shalt  }
0x54: {  	_ =	shalt  }
0x55: {  	_ =	shalt  }
0x56: {  	_ =	shalt  }
0x57: {  	_ =	shalt  }
0x58: {  	_ =	shalt  }
0x59: {  	_ =	shalt  }
0x5a: {  	_ =	shalt  }
0x5b: {  	_ =	shalt  }
0x5c: {  	_ =	shalt  }
0x5d: {  	_ =	shalt  }
0x5e: {  	_ =	shalt  }
0x5f: {  	_ =	shalt  }
0x60: {  	_ =	shalt  }
0x61: {  	_ =	shalt  }
0x62: {  	_ =	shalt  }
0x63: {  	_ =	shalt  }
0x64: {  	_ =	shalt  }
0x65: {  	_ =	shalt  }
0x66: {  	_ =	shalt  }
0x67: {  	_ =	shalt  }
0x68: {  	_ =	shalt  }
0x69: {  	_ =	shalt  }
0x6a: {  	_ =	shalt  }
0x6b: {  	_ =	shalt  }
0x6c: {  	_ =	shalt  }
0x6d: {  	_ =	shalt  }
0x6e: {  	_ =	shalt  }
0x6f: {  	_ =	shalt  }
0x70: {  	_ =	shalt  }
0x71: {  	_ =	shalt  }
0x72: {  	_ =	shalt  }
0x73: {  	_ =	shalt  }
0x74: {  	_ =	shalt  }
0x75: {  	_ =	shalt  }
0x76: {  	_ =	shalt  }
0x77: {  	_ =	shalt  }
0x78: {  	_ =	shalt  }
0x79: {  	_ =	shalt  }
0x7a: {  	_ =	shalt  }
0x7b: {  	_ =	shalt  }
0x7c: {  	_ =	shalt  }
0x7d: {  	_ =	shalt  }
0x7e: {  	_ =	shalt  }
0x7f: {  	_ =	shalt  }
0x80: {  	_ =	shalt  }
0x81: {  	_ =	shalt  }
0x82: {  	_ =	shalt  }
0x83: {  	_ =	shalt  }
0x84: {  	_ =	shalt  }
0x85: {  	_ =	shalt  }
0x86: {  	_ =	shalt  }
0x87: {  	_ =	shalt  }
.Lfunc_end0:
.L_simem_size_0:
called_computation_lowered:
.L_overlay_start_0:
0x88: {  	s2 =	sld [smem:$0x3FD9]  }
0x89: {  	s3 =	sld [smem:$0x3FFE];
	_ =	sdelay $0x1  }
0x8a: {  	s1 =	srdreg.scid  }
0x8b: {  	s0 =	sand.u32 $0x1, s1  }
0x8c: {  	s16 =	sshll.u32 s0, $0xA;
	s2 =	sadd.s32 s3, s2  }
0x8d: {  	s2 =	sadd.s32 s2, s16  }
0x8e: {  	[smem:$0x3FBE] =	sst s2  }
0x8f: {  	_ = 	snop  }
0x90: {  	(tm) =	ssettm $0x1  }
0x91: {  	s17 =	sld [smem:$0x3FFB];
	_ =	sdelay $0x3  }
0x92: {  	_ =	strace s17  }
0x93: {  	s2 =	sld [smem:$0x3FFC];
	_ =	sdelay $0x3  }
0x94: {  	_ =	strace s2  }
0x95: {  	s2 =	sld [smem:$0x3FFD];
	_ =	sdelay $0x3  }
0x96: {  	_ =	strace s2  }
0x97: {  	_ =	strace $0x8FFFFFFF  }
0x98: {  	s18 =	sld [smem:$0x3FDB];
	_ =	sdelay $0x1  }
0x99: {  	s19 =	simm.s32 $_scs_section_size  }
0x9a: {  	s4 =	simm.s32 $_size__tile_overlayer_lowered;
	s5 =	simm.s32 $_tile_overlayer_lowered  }
0x9b: {  	s22 =	simm.s32 $0x1BFF;
	s21 =	sshll.u32 s5, $0x1;
	s2 =	sadd.s32 s19, s18  }
0x9c: {  	s6 =	simm.s32 $0x0;
	s20 =	sshll.u32 s4, $0x1;
	s4 =	sadd.s32 s21, s2  }
0x9d: {  	[timem:s6], [sflag:s22] =	dma.local [hbm:s4], s20  }
0x9e: {  	_ =	swait.ge [sflag:s22], s20  }
0x9f: {  	s3 =	ssub.s32 $0x0, s20;
	[sflag:s22] =	ssyncset.done $0x0  }
0xa0: {  	[sflag:s22] =	ssyncadd.s32 s3;
	_ =	sdelay $0x1  }
0xa1: {  	s23 =	simm.s32 $0x1B8B  }
0xa2: {  	_ =	swait.ge [sflag:s23], $0x1  }
0xa3: {  	[sflag:s23] =	ssyncset.done $0x0  }
0xa4: {  	s25 =	simm.s32 $0x1B8E;
	s24 =	sld [smem:$0x3FFE];
	[sflag:s23] =	ssyncadd.s32 $0xFFFFFFFF  }
0xa5: {  	s26 =	simm.s32 $execute0_lowered;
	[smem:$0x3FD2] =	sst s25  }
0xa6: {  	s4 =	sshll.u32 s26, $0x1;
	_ =	strace $0x80000046;
	[dreg:$0x1] =	wrdreg $0xFFFFFFFF  }
0xa7: {  	s28 =	simm.s32 $_size_execute0_lowered;
	s2 =	sadd.s32 s2, s4;
	[dreg:$0x0] =	wrdreg $0x0  }
0xa8: {  	s4 =	sshll.u32 s28, $0x1;
	[dreg:$0x2] =	wrdreg s2  }
0xa9: {  	[dreg:$0x3] =	wrdreg s4  }
0xaa: {  	[dreg:$0x4] =	wrdreg $0xC0  }
0xab: {  	_ =	task [dreg:s6], $0x5FFFF  }
0xac: {  	[dreg:$0x1] =	wrdreg $0xFFFFFFFF  }
0xad: {  	[dreg:$0x0] =	wrdreg $0x60  }
0xae: {  	[dreg:$0x2] =	wrdreg s24  }
0xaf: {  	[dreg:$0x3] =	wrdreg $0xA  }
0xb0: {  	_ =	task.clear_ibuf [dreg:s6], $0x4FFFF;
	_ =	strace $0x90000046  }
0xb1: {  	s29 =	simm.s32 $0xA;
	_ =	strace $0x80000048  }
0xb2: {  	_ =	swait.ge [sflag:s29], $0x1  }
0xb3: {  	[sflag:s29] =	ssyncadd.s32 $0xFFFFFFFF  }
0xb4: {  	_ =	strace $0x90000048  }
0xb5: {  	_ =	sfence  }
0xb6: {  	s30 =	sld [smem:$0x0];
	_ =	sdelay $0x2  }
0xb7: {  	s31 =	sshll.u32 s1, $0xD;
	s1 =	sshrl.u32 s1, $0x2  }
0xb8: {  	s3 =	sand.u32 $0x4000, s31;
	s1 =	sadd.s32 s1, s30  }
0xb9: {  	s0 =	sor.u32 s3, s0;
	s1 =	sshll.u32 s1, $0x11  }
0xba: {  	s0 =	sor.u32 s1, s0  }
0xbb: {  	s0 =	sadd.s32 $0x8F2B, s0  }
0xbc: {  	[sflag:s0] =	ssyncadd.remote.s32 $0x1  }
0xbd: {  	_ =	sfence.sel $0xFFFF  }
0xbe: {  	[dreg:$0x0] =	wrdreg $0xFFFFFFFF;
	(pc) =	sbr.abs _section_cstart, $3  }
0xbf: {  	[dreg:$0x1] =	wrdreg $0xFFFFFFFF  }
0xc0: {  	_ =	task.clear_ibuf [dreg:s6], $0x2FFFF;
	_ =	strace $0x9FFFFFFF  }
0xc1: {  	(tm) =	ssettm $0x7FFFFFFF  }
tec
execute0_lowered:
.L_overlay_start_1:
0x0: {  	(tag) =	ssettag $0x1  }
0x1: {  	s6 =	rddreg [dreg:$0x0]  }
0x2: {  	s0 =	rddreg [dreg:$0x1]  }
0x3: {  	s3 =	srdreg.scid;
	s1 =	stileid.u32  }
0x4: {  	s2 =	simm.s32 $0x0;
	s9 =	simm.s32 $0x1;
	s10 =	simm.s32 $0xFF80  }
0x5: {  	s11 =	simm.s32 $0x7D00;
	s12 =	simm.s32 $0xFD00;
	s13 =	simm.s32 $0x0  }
.Ltmp0:
0x6: {  	s3 =	sand.u32 $0x1, s3;
	s4 =	sshll.u32 s1, $0x1;
	(pc) =	sbr.rel .LBB2_1-.Ltmp0, $4  }
0x7: {  	[smem:$0x7FF] =	sst s2;
	s4 =	sor.u32 s3, s4;
	s7 =	ssub.s32 $0x2, s3  }
0x8: {  	s5 =	sadd.s32 $0xC37C00, s6;
	s3 =	smul.u32 $0x61A8, s4;
	s8 =	sshrl.u32 s7, $0x1  }
0x9: {  	_ =	strace $0x80000047;
	s4 =	sadd.s32 $0x1C00, s6;
	s8 =	ssub.s32 s7, s8  }
0xa: {  	v0 =	vimm.f32 $-Inf;
	v1 =	vlaneseq.u32;
	s6 =	sadd.s32 $0xC68A00, s6;
	s7 =	sadd.s32 $0x61A8, s3;
	s8 =	smax.u32 s8, $0x1  }
.LBB2_17:
0xb: {  	s13 =	sadd.s32 $0x1, s13  }
0xc: {  	p0 =	sne.s32 s13, s8  }
.Ltmp1:
0xd: {  	_ = 	snop;
	(pc) =	sbr.rel @!p0 .LBB2_18-.Ltmp1, $1  }
0xe: {  	_ =	sdelay $0x3  }
.LBB2_1:
0xf: {  	s14 =	simm.s32 $0x40;
	s15 =	simm.s32 $0x0;
	s16 =	simm.s32 $0x186A00  }
.LBB2_2:
0x10: {  	p0 =	sne.s32 s14, $0x1F3C0;
	[tilespmem:s15+$0x0] =	vst v0;
	s15 =	smov.u32 s14;
	s14 =	sadd.s32 $0x40, s14  }
.Ltmp2:
0x11: {  	(pc) =	sbr.rel @p0 .LBB2_2-.Ltmp2, $2  }
0x12: {  	_ =	sdelay $0x2  }
0x13: {  	s15 =	sshra.s32 s15, $0x2  }
0x14: {  	[tilespmem:s15+$0x0] =	vst v0;
	s14 =	simm.s32 $0x0;
	s17 =	simm.s32 $0x186A00;
	s15 =	simm.s32 $0x0  }
.LBB2_4:
0x15: {  	s28 =	sadd.s32 s15, s17  }
0x16: {  	s19 =	sand.u32 $0x1, s28  }
0x17: {  	p0 =	slt.s32 s28, $0x1;
	p1 =	seq.s32 s19, $0x1  }
0x18: {  	s18 =	smov.u32 s17;
	s29 =	sshrl.u32 s28, $0x1F;
	p0 =	por !p0, !p1  }
0x19: {  	s17 =	sadd.s32 s29, s28;
	s19 =	simm.s32 $0x1;
	p0 =	por !p0, !p0  }
0x1a: {  	s17 =	sshra.s32 s17, $0x1;
	s19 =	simm.s32 @!p0 $0x0  }
0x1b: {  	s17 =	ssub.s32 s17, s19  }
0x1c: {  	s19 =	sshrl.u32 s17, $0x3  }
0x1d: {  	s19 =	sadd.s32 s5, s19  }
0x1e: {  	[tilespmem:s10], [sflag:$0x1] =	stream.linear.gather [hbm4b:s19+s14], $0x10, $0x38;
	[tilespmem:$0x10000] =	vst v63  }
0x1f: {  	_ =	swait.ge [sflag:s9], $0x10  }
0x20: {  	[sflag:s9] =	ssyncset.done $0x0  }
0x21: {  	[sflag:s9] =	ssyncadd.s32 $0xFFFFFFF0  }
0x22: {  	v2 =	vld [tilespmem:$0xFF80];
	_ =	sdelay $0x2  }
0x23: {  	s30 =	sand.u32 $0x7, s17  }
0x24: {  	v3 =	vmov s30  }
0x25: {  	vm0 =	veq.s32 v3, v1;
	v2 =	vxor.u32 $0x80000000, v2  }
0x26: {  	v2 =	vnsel vm0, $0x1, v2  }
0x27: {  	(xrf0) =	vmax.scan.msk.u32 $0xffff, v2;
	_ =	sdelay $0x5  }
0x28: {  	v2, _, _ =	vpop (xrf0)  }
0x29: {  	(v2sf) =	vpush v2, $0xF;
	_ =	sdelay $0xe  }
0x2a: {  	s31 =	spop (v2sf)  }
0x2b: {  	s19 =	sxor.u32 $0x80000000, s31  }
0x2c: {  	p0 =	slt.s32 s19, s3;
	s19 =	sadd.s32 $0x1, s17  }
0x2d: {  	s15 =	smov.u32 @p0 s19;
	s17 =	smov.u32 @p0 s18  }
0x2e: {  	p0 =	slt.s32 s15, s17  }
.Ltmp3:
0x2f: {  	_ = 	snop;
	(pc) =	sbr.rel @p0 .LBB2_4-.Ltmp3, $1  }
0x30: {  	_ =	sdelay $0x3  }
.LBB2_5:
0x31: {  	s28 =	sadd.s32 s14, s16  }
0x32: {  	s18 =	sand.u32 $0x1, s28  }
0x33: {  	p0 =	slt.s32 s28, $0x1;
	p1 =	seq.s32 s18, $0x1  }
0x34: {  	s17 =	smov.u32 s16;
	s29 =	sshrl.u32 s28, $0x1F;
	p0 =	por !p0, !p1  }
0x35: {  	s16 =	sadd.s32 s29, s28;
	s18 =	simm.s32 $0x1;
	p0 =	por !p0, !p0  }
0x36: {  	s16 =	sshra.s32 s16, $0x1;
	s18 =	simm.s32 @!p0 $0x0  }
0x37: {  	s16 =	ssub.s32 s16, s18  }
0x38: {  	s18 =	sshrl.u32 s16, $0x3  }
0x39: {  	s18 =	sadd.s32 s5, s18  }
0x3a: {  	[tilespmem:s10], [sflag:$0x1] =	stream.linear.gather [hbm4b:s18+s2], $0x10, $0x38;
	[tilespmem:$0x10000] =	vst v63  }
0x3b: {  	_ =	swait.ge [sflag:s9], $0x10  }
0x3c: {  	[sflag:s9] =	ssyncset.done $0x0  }
0x3d: {  	[sflag:s9] =	ssyncadd.s32 $0xFFFFFFF0  }
0x3e: {  	v2 =	vld [tilespmem:$0xFF80];
	_ =	sdelay $0x2  }
0x3f: {  	s30 =	sand.u32 $0x7, s16  }
0x40: {  	v3 =	vmov s30  }
0x41: {  	vm0 =	veq.s32 v3, v1;
	v2 =	vxor.u32 $0x80000000, v2  }
0x42: {  	v2 =	vnsel vm0, $0x1, v2  }
0x43: {  	(xrf0) =	vmax.scan.msk.u32 $0xffff, v2;
	_ =	sdelay $0x5  }
0x44: {  	v2, _, _ =	vpop (xrf0)  }
0x45: {  	(v2sf) =	vpush v2, $0xF;
	_ =	sdelay $0xe  }
0x46: {  	s31 =	spop (v2sf)  }
0x47: {  	s18 =	sxor.u32 $0x80000000, s31  }
0x48: {  	p0 =	slt.s32 s18, s7;
	s18 =	sadd.s32 $0x1, s16  }
0x49: {  	s14 =	smov.u32 @p0 s18;
	s16 =	smov.u32 @p0 s17  }
0x4a: {  	p0 =	slt.s32 s14, s16  }
.Ltmp4:
0x4b: {  	_ = 	snop;
	(pc) =	sbr.rel @p0 .LBB2_5-.Ltmp4, $1  }
0x4c: {  	_ =	sdelay $0x3  }
0x4d: {  	s17 =	sand.u32 $0xFFFFFFF8, s15  }
0x4e: {  	s16 =	ssub.s32 s14, s17  }
0x4f: {  	s16 =	sadd.s32 $0x1FF, s16  }
0x50: {  	s18 =	sand.u32 $0x1FF, s16  }
0x51: {  	s19 =	sshra.s32 s16, $0x1F;
	p0 =	slt.s32 s16, $0x1;
	p1 =	sne.s32 s18, $0x0  }
0x52: {  	s31 =	sshrl.u32 s19, $0x17;
	p0 =	por !p0, !p1  }
0x53: {  	s18 =	simm.s32 $0x1;
	s16 =	sadd.s32 s31, s16;
	p0 =	por !p0, !p0  }
0x54: {  	s16 =	sshra.s32 s16, $0x9;
	s18 =	simm.s32 @!p0 $0x0  }
0x55: {  	s18 =	ssub.s32 s16, s18  }
0x56: {  	p0 =	sgt.s32 s18, $0x0  }
.Ltmp5:
0x57: {  	_ = 	snop;
	(pc) =	sbr.rel @p0 .LBB2_7-.Ltmp5, $4  }
.Ltmp6:
0x58: {  	_ = 	snop;
	(pc) =	sbr.rel @!p0 .LBB2_12-.Ltmp6, $4  }
0x59: {  	_ = 	snop  }
0x5a: {  	_ = 	snop  }
0x5b: {  	s19 =	simm.s32 $0x0;
	s16 =	simm.s32 $0x0  }
0x5c: {  	_ = 	snop  }
.LBB2_10:
0x5d: {  	s19 =	sadd.s32 $0x1, s19  }
0x5e: {  	p0 =	seq.s32 s19, s18  }
.Ltmp7:
0x5f: {  	_ = 	snop;
	(pc) =	sbr.rel @p0 .LBB2_11-.Ltmp7, $1  }
0x60: {  	_ =	sdelay $0x3  }
.LBB2_7:
0x61: {  	s20 =	sshll.u32 s19, $0x9  }
0x62: {  	s21 =	sadd.s32 s17, s20  }
0x63: {  	s20 =	sshll.u32 s21, $0x3  }
0x64: {  	s20 =	sand.u32 $0x1FFFFFC0, s20  }
0x65: {  	s20 =	sadd.s32 s4, s20  }
0x66: {  	[tilespmem:s11], [sflag:$0x1] =	stream.linear.gather [hbm4b:s20+s2], $0x8000, $0x38;
	[tilespmem:$0x10000] =	vst v63  }
0x67: {  	_ =	swait.ge [sflag:s9], $0x8000  }
0x68: {  	s31 =	sshrl.u32 s21, $0x3;
	[sflag:s9] =	ssyncset.done $0x0  }
0x69: {  	s20 =	sadd.s32 s5, s31;
	[sflag:s9] =	ssyncadd.s32 $0xFFFF8000  }
0x6a: {  	[tilespmem:s12], [sflag:$0x1] =	stream.linear.gather [hbm4b:s20+s2], $0x200, $0x38;
	[tilespmem:$0x10000] =	vst v63  }
0x6b: {  	s20 =	ssub.s32 s15, s21;
	s21 =	ssub.s32 s14, s21  }
0x6c: {  	p0 =	sgt.s32 s20, $0x0;
	p1 =	slt.s32 s21, $0x200  }
0x6d: {  	s20 =	simm.s32 @!p0 $0x0;
	s21 =	simm.s32 @!p1 $0x200  }
0x6e: {  	p0 =	sge.s32 s20, s21  }
.Ltmp8:
0x6f: {  	_ = 	snop;
	(pc) =	sbr.rel @p0 .LBB2_10-.Ltmp8, $4  }
.Ltmp9:
0x70: {  	_ = 	snop;
	(pc) =	sbr.rel @!p0 .LBB2_8-.Ltmp9, $4  }
0x71: {  	_ =	swait.ge [sflag:s9], $0x200  }
0x72: {  	[sflag:s9] =	ssyncset.done $0x0  }
0x73: {  	[sflag:s9] =	ssyncadd.s32 $0xFFFFFE00  }
0x74: {  	_ = 	snop  }
.LBB2_9:
0x75: {  	s23 =	smul.u32 $0xFFFE0C, s16  }
0x76: {  	s22 =	ssub.s32 s22, s3  }
0x77: {  	s31 =	sshll.u32 s20, $0x6;
	s22 =	sadd.s32 s23, s22  }
0x78: {  	s23 =	sand.u32 $0x3FFFFFC0, s31;
	s22 =	sshll.u32 s22, $0x8  }
0x79: {  	v3 =	vld [tilespmem:s23+$0x7D00];
	s22 =	sshra.s32 s22, $0x2  }
0x7a: {  	v2 =	vld [tilespmem:s22+$0x0];
	_ =	sdelay $0x4  }
0x7b: {  	v2 =	vmax.f32 v2, v3  }
0x7c: {  	[tilespmem:s22+$0x0] =	vst v2;
	v2 =	vld [tilespmem:s22+$0x10]  }
0x7d: {  	v3 =	vld [tilespmem:s23+$0x7D10];
	_ =	sdelay $0x4  }
0x7e: {  	v2 =	vmax.f32 v2, v3  }
0x7f: {  	[tilespmem:s22+$0x10] =	vst v2;
	v2 =	vld [tilespmem:s22+$0x20]  }
0x80: {  	v3 =	vld [tilespmem:s23+$0x7D20];
	_ =	sdelay $0x4  }
0x81: {  	v2 =	vmax.f32 v2, v3  }
0x82: {  	[tilespmem:s22+$0x20] =	vst v2;
	v2 =	vld [tilespmem:s22+$0x30]  }
0x83: {  	s20 =	sadd.s32 $0x1, s20;
	v3 =	vld [tilespmem:s23+$0x7D30]  }
0x84: {  	p0 =	slt.s32 s20, s21  }
.Ltmp10:
0x85: {  	_ = 	snop;
	(pc) =	sbr.rel @!p0 .LBB2_10-.Ltmp10, $3  }
0x86: {  	_ =	sdelay $0x1  }
0x87: {  	v2 =	vmax.f32 v2, v3  }
0x88: {  	[tilespmem:s22+$0x30] =	vst v2  }
.LBB2_8:
0x89: {  	v2 =	vld [tilespmem:s20+$0xFD00];
	_ =	sdelay $0x4  }
0x8a: {  	(v2sf) =	vpush v2, $0x0;
	_ =	sdelay $0xb  }
0x8b: {  	s23 =	sadd.s32 $0x1, s16  }
0x8c: {  	s24 =	smul.u32 $0x1F4, s23;
	_ =	sdelay $0x1  }
0x8d: {  	s24 =	sadd.s32 s3, s24;
	s22 =	spop (v2sf)  }
0x8e: {  	p0 =	slt.s32 s22, s24  }
.Ltmp11:
0x8f: {  	_ = 	snop;
	(pc) =	sbr.rel @p0 .LBB2_9-.Ltmp11, $1  }
0x90: {  	_ =	sdelay $0x3  }
.LBB2_20:
0x91: {  	s24 =	smov.u32 s16  }
0x92: {  	s16 =	smov.u32 s23;
	s23 =	simm.s32 $0x0;
	s25 =	simm.s32 $0x40  }
.LBB2_21:
0x93: {  	p0 =	sne.s32 s25, $0x1F3C0;
	v2 =	vld [tilespmem:s23+$0x0];
	_ =	sdelay $0x2  }
.Ltmp12:
0x94: {  	(pc) =	sbr.rel @p0 .LBB2_21-.Ltmp12, $4  }
0x95: {  	_ = 	snop  }
0x96: {  	vm0 =	veq.f32 v2, $-Inf  }
0x97: {  	v2 =	vsel vm0, $0x0, v2  }
0x98: {  	[tilespmem:s23+$0x0] =	vst v2;
	s23 =	sshra.s32 s25, $0x2;
	s25 =	sadd.s32 $0x40, s25  }
0x99: {  	v2 =	vld [tilespmem:s23+$0x0];
	_ =	sdelay $0x1  }
0x9a: {  	s24 =	smul.u32 $0x1F4, s24;
	_ =	sdelay $0x1  }
0x9b: {  	s24 =	sadd.s32 s3, s24  }
0x9c: {  	s24 =	sshll.u32 s24, $0x3;
	vm0 =	veq.f32 v2, $-Inf  }
0x9d: {  	s24 =	sand.u32 $0x1FFFFFE0, s24;
	v2 =	vsel vm0, $0x0, v2  }
0x9e: {  	s31 =	simm.s32 $0x0;
	s30 =	sadd.s32 s6, s24;
	[tilespmem:s23+$0x0] =	vst v2  }
0x9f: {  	[hbm4b:s30+s31] =	stream.linear.scatter [tilespmem:s31], [sflag:$0x1], $0x7D00, $0x38;
	[tilespmem:$0x10000] =	vst v63  }
0xa0: {  	_ =	swait.ge [sflag:s9], $0x7D00  }
0xa1: {  	[sflag:s9] =	ssyncset.done $0x0  }
0xa2: {  	s24 =	simm.s32 $0x0;
	s23 =	simm.s32 $0x40;
	[sflag:s9] =	ssyncadd.s32 $0xFFFF8300  }
.LBB2_23:
0xa3: {  	p0 =	seq.s32 s23, $0x1F3C0;
	[tilespmem:s24+$0x0] =	vst v0;
	s24 =	smov.u32 s23;
	s23 =	sadd.s32 $0x40, s23  }
.Ltmp13:
0xa4: {  	(pc) =	sbr.rel @!p0 .LBB2_23-.Ltmp13, $2  }
0xa5: {  	_ =	sdelay $0x2  }
0xa6: {  	s24 =	sshra.s32 s24, $0x2  }
0xa7: {  	[tilespmem:s24+$0x0] =	vst v0  }
0xa8: {  	s23 =	sadd.s32 $0x1, s16  }
0xa9: {  	s24 =	smul.u32 $0x1F4, s23;
	_ =	sdelay $0x1  }
0xaa: {  	s24 =	sadd.s32 s3, s24  }
0xab: {  	p0 =	slt.s32 s22, s24  }
.Ltmp14:
0xac: {  	_ = 	snop;
	(pc) =	sbr.rel @!p0 .LBB2_20-.Ltmp14, $4  }
.Ltmp15:
0xad: {  	_ = 	snop;
	(pc) =	sbr.rel @p0 .LBB2_9-.Ltmp15, $4  }
0xae: {  	_ = 	snop  }
0xaf: {  	_ = 	snop  }
0xb0: {  	_ = 	snop  }
0xb1: {  	_ = 	snop  }
.LBB2_11:
0xb2: {  	p0 =	sgt.s32 s16, $0x31  }
.Ltmp16:
0xb3: {  	_ = 	snop;
	(pc) =	sbr.rel @p0 .LBB2_17-.Ltmp16, $1  }
0xb4: {  	_ =	sdelay $0x3  }
.LBB2_12:
0xb5: {  	s14 =	simm.s32 $0x0;
	s15 =	simm.s32 $0x40  }
.LBB2_13:
0xb6: {  	p0 =	sne.s32 s15, $0x1F3C0;
	v2 =	vld [tilespmem:s14+$0x0];
	_ =	sdelay $0x2  }
.Ltmp17:
0xb7: {  	(pc) =	sbr.rel @p0 .LBB2_13-.Ltmp17, $4  }
0xb8: {  	_ = 	snop  }
0xb9: {  	vm0 =	veq.f32 v2, $-Inf  }
0xba: {  	v2 =	vsel vm0, $0x0, v2  }
0xbb: {  	[tilespmem:s14+$0x0] =	vst v2;
	s14 =	sshra.s32 s15, $0x2;
	s15 =	sadd.s32 $0x40, s15  }
0xbc: {  	v2 =	vld [tilespmem:s14+$0x0];
	_ =	sdelay $0x1  }
0xbd: {  	s15 =	smul.u32 $0x1F4, s16;
	_ =	sdelay $0x1  }
0xbe: {  	s15 =	sadd.s32 s3, s15  }
0xbf: {  	s15 =	sshll.u32 s15, $0x3;
	vm0 =	veq.f32 v2, $-Inf  }
0xc0: {  	s15 =	sand.u32 $0x1FFFFFE0, s15;
	v2 =	vsel vm0, $0x0, v2  }
0xc1: {  	s31 =	simm.s32 $0x0;
	s30 =	sadd.s32 s6, s15;
	[tilespmem:s14+$0x0] =	vst v2  }
0xc2: {  	[hbm4b:s30+s31] =	stream.linear.scatter [tilespmem:s31], [sflag:$0x1], $0x7D00, $0x38;
	[tilespmem:$0x10000] =	vst v63  }
0xc3: {  	_ =	swait.ge [sflag:s9], $0x7D00  }
0xc4: {  	[sflag:s9] =	ssyncset.done $0x0  }
0xc5: {  	s15 =	simm.s32 $0x0;
	s14 =	simm.s32 $0x40;
	[sflag:s9] =	ssyncadd.s32 $0xFFFF8300  }
.LBB2_15:
0xc6: {  	p0 =	sne.s32 s14, $0x1F3C0;
	[tilespmem:s15+$0x0] =	vst v0;
	s15 =	smov.u32 s14;
	s14 =	sadd.s32 $0x40, s14  }
.Ltmp18:
0xc7: {  	(pc) =	sbr.rel @p0 .LBB2_15-.Ltmp18, $2  }
0xc8: {  	_ =	sdelay $0x2  }
0xc9: {  	s15 =	sshra.s32 s15, $0x2  }
0xca: {  	s16 =	sadd.s32 $0x1, s16  }
0xcb: {  	p0 =	sne.s32 s16, $0x32  }
.Ltmp19:
0xcc: {  	_ = 	snop;
	(pc) =	sbr.rel @p0 .LBB2_12-.Ltmp19, $4  }
.Ltmp20:
0xcd: {  	_ = 	snop;
	(pc) =	sbr.rel @!p0 .LBB2_17-.Ltmp20, $4  }
0xce: {  	_ = 	snop  }
0xcf: {  	_ = 	snop  }
0xd0: {  	[tilespmem:s15+$0x0] =	vst v0  }
0xd1: {  	_ = 	snop  }
.LBB2_18:
0xd2: {  	_ =	sfence.sel $0x180000  }
0xd3: {  	[bflag:$0x0] =	sbarrier.arrive $0xFFFF  }
0xd4: {  	p0 =	sne.s32 s1, $0x0;
	_ =	strace $0x90000047  }
0xd5: {  	s0 =	sadd.s32 @!p0 $0x100000, s0;
	[bflag:$0x2] =	sbarrier.arrive $0xFFFF  }
0xd6: {  	[sflag:s0] =	ssyncadd.tile.s32 @!p0 $0x1;
	_ =	shalt  }
.Lfunc_end2:
_tile_overlayer_lowered:
.L_overlay_start_2:
0xd7: {  	(tag) =	ssettag $0x2  }
0xd8: {  	s0 =	rddreg [dreg:$0x0];
	s2 =	stileid.u32  }
0xd9: {  	s1 =	rddreg [dreg:$0x1];
	p0 =	sne.s32 s2, $0x0  }
0xda: {  	s3 =	rddreg [dreg:$0x2];
	[bflag:$0x3] =	sbarrier.arrive $0xFFFF;
	s2 =	simm.s32 @!p0 $0x1C01  }
0xdb: {  	[timem:s3], [sflag:s2] =	dma.local @!p0 [hbm:s0], s1  }
0xdc: {  	s0 =	simm.s32 @!p0 $0x1  }
0xdd: {  	_ =	swait.ge @!p0 [sflag:s0], s1  }
0xde: {  	s1 =	ssub.s32 @!p0 $0x0, s1;
	[sflag:s0] =	ssyncset.done @!p0 $0x0  }
0xdf: {  	[sflag:s0] =	ssyncadd.s32 @!p0 s1  }
0xe0: {  	[bflag:$0x3] =	sbarrier.arrive $0xFFFF  }
0xe1: {  	_ =	shalt  }

</sc_bundles>
